<compile_context>
chip_gen: v7x
topology: tpu7x:2x2x1
jax: 0.10.2.dev20260603
libtpu: 0.0.44.dev20260713+nightly
codegen_flags: <defaults>
</compile_context>

<pallas_src>
import functools

import jax
import jax.numpy as jnp
from jax import lax
from jax.experimental import pallas as pl
from jax.experimental.pallas import tpu as pltpu
from jax.experimental.pallas import tpu_sc as plsc

_PERIOD = 168
_BATCH = 65536
_NC = 2
_NS = 16
_NW = _NC * _NS
_COLS_PER_W = _BATCH // _NW
_SUB = _PERIOD // 8
_LT = _BATCH // 128
_CT = 2
_NCHUNK = _COLS_PER_W // (_CT * 128)
_EXT = 352


def _rotations(ts, params):

    @functools.partial(
        pl.kernel,
        out_type=jax.ShapeDtypeStruct((_SUB, _LT, 8, 128), jnp.float32),
        mesh=plsc.VectorSubcoreMesh(core_axis_name="c", subcore_axis_name="s"),
        compiler_params=pltpu.CompilerParams(
            needs_layout_passes=False, use_tc_tiling_on_sc=False
        ),
        scratch_types=[
            pltpu.VMEM((_COLS_PER_W,), jnp.int32),
            pltpu.VMEM((176,), jnp.float32),
            pltpu.VMEM((_EXT,), jnp.float32),
            pltpu.VMEM((_SUB, _CT, 8, 128), jnp.float32),
            pltpu.VMEM((_SUB, _CT, 8, 128), jnp.float32),
            pltpu.SemaphoreType.DMA,
            pltpu.SemaphoreType.DMA,
        ],
    )
    def rot_kernel(ts_hbm, params_hbm, out_hbm, ts_v, params_v, ext_v,
                   vb0, vb1, sem0, sem1):
        wid = lax.axis_index("s") * _NC + lax.axis_index("c")
        col0 = wid * _COLS_PER_W
        pltpu.sync_copy(ts_hbm.at[pl.ds(col0, _COLS_PER_W)], ts_v)

        zeros = jnp.zeros((16,), jnp.float32)
        for c in range(176 // 16):
            params_v[pl.ds(c * 16, 16)] = zeros
        pltpu.sync_copy(params_hbm, params_v.at[pl.ds(0, _PERIOD - 1)])
        acc = zeros
        for c in range(176 // 16):
            acc = acc + params_v[pl.ds(c * 16, 16)]
        lanes = lax.iota(jnp.int32, 16)
        for st in (8, 4, 2, 1):
            ext_v[pl.ds(0, 16)] = acc
            acc = acc + plsc.load_gather(ext_v, [jnp.bitwise_xor(lanes, st)])
        first = -acc
        for c in range(_EXT // 16):
            j = lax.rem(c * 16 + lanes, _PERIOD)
            pidx = jnp.maximum(j - 1, 0)
            vals = plsc.load_gather(params_v, [pidx])
            ext_v[pl.ds(c * 16, 16)] = jnp.where(j == 0, first, vals)

        bufs = (vb0, vb1)
        sems = (sem0, sem1)
        pending = [(), ()]
        for chunk in range(_NCHUNK):
            b = chunk % 2
            for h in pending[b]:
                h.wait()
            vb = bufs[b]
            ccol0 = chunk * _CT * 128

            @plsc.parallel_loop(0, _CT * 8)
            def _sub_body(t, vb=vb, ccol0=ccol0):
                m_vec = lax.rem(ts_v[pl.ds(ccol0 + t * 16, 16)], _PERIOD)
                ct = t // 8
                lane0 = (t % 8) * 16

                @plsc.parallel_loop(0, _PERIOD, unroll=24)
                def _jloop(j):
                    vb[j // 8, ct, j % 8, pl.ds(lane0, 16)] = plsc.load_gather(
                        ext_v, [m_vec + j]
                    )

            ct0 = wid * (_COLS_PER_W // 128) + chunk * _CT
            pending[b] = (
                pltpu.async_copy(vb, out_hbm.at[:, pl.ds(ct0, _CT)], sems[b]),
            )
        for b in range(2):
            for h in pending[b]:
                h.wait()

    return rot_kernel(ts, params)


def kernel(time_start, initial_state_params):
    ts = time_start.astype(jnp.int32).reshape(_BATCH)
    p = _rotations(ts, initial_state_params)
    return p.transpose(0, 2, 1, 3).reshape(_PERIOD, _BATCH).T

# --- scband reference (transcript-rebuilt; emitter-appended) ---
"""Pipeline reference for scband-initial-season-state-nn-60327110639682 (READ-ONLY COPY).

The authoritative reference and input builder live on the scoring server;
editing this copy changes nothing except your own understanding.
"""

import jax, jax.numpy as jnp
import numpy as np

PERIOD = 168
DURATION = 1
BATCH = 65536


def setup_inputs(seed: int = 0) -> dict:
    key = jax.random.key(seed)
    k1, k2 = jax.random.split(key)
    time_start = jax.random.randint(k1, (BATCH,), 0, 1000000)
    # learned parameter of InitialSeasonStateNN: Param0(period - 1)
    initial_state_params = jax.random.normal(k2, (PERIOD - 1,), dtype=jnp.float32)
    return {"time_start": time_start, "initial_state_params": initial_state_params}


def reference(time_start, initial_state_params):
    # initial_states[0] = -sum(params); initial_states[1:] = params
    first = -jnp.sum(initial_state_params, keepdims=True)
    initial_states = jnp.concatenate([first, initial_state_params], axis=0)  # [period]
    # init_season = floor(time_start / duration)
    init_season = jnp.floor_divide(time_start, DURATION)  # [bs]
    # idx[i, j] = (init_season[i] + j) % period  -- vectorized form of the python loop
    idx = (init_season[:, None] + jnp.arange(PERIOD)[None, :]) % PERIOD  # [bs, period]
    out = jnp.take(initial_states, idx, axis=0)  # gather -> [bs, period]
    return out

if __name__ == "__main__":
    import jax
    _d = setup_inputs()
    print(jax.jit(kernel)(*tuple(_d.values())))

</pallas_src>

<mosaic_0001>
#map = affine_map<(d0, d1) -> (0)>
#map1 = affine_map<(d0, d1) -> (0, 0, 0, 0)>
module attributes {stable_mosaic.version = 14 : i64} {
  func.func @rot_kernel(%arg0: i32, %arg1: i32, %arg2: memref<65536xi32, #tpu.memory_space<hbm>>, %arg3: memref<167xf32, #tpu.memory_space<hbm>>, %arg4: memref<21x512x8x128xf32, #tpu.memory_space<hbm>>, %arg5: memref<2048xi32, #tpu.memory_space<vmem>>, %arg6: memref<176xf32, #tpu.memory_space<vmem>>, %arg7: memref<352xf32, #tpu.memory_space<vmem>>, %arg8: memref<21x2x8x128xf32, #tpu.memory_space<vmem>>, %arg9: memref<21x2x8x128xf32, #tpu.memory_space<vmem>>, %arg10: memref<!tpu.dma_semaphore, #tpu.memory_space<semaphore_mem>>, %arg11: memref<!tpu.dma_semaphore, #tpu.memory_space<semaphore_mem>>) attributes {dimension_semantics = [#tpu.dimension_semantics<core_parallel>, #tpu.dimension_semantics<subcore_parallel>], iteration_bounds = array<i64: 2, 16>, scalar_prefetch = 0 : i64, scratch_operands = 7 : i64, tpu.core_type = #tpu.core_type<sc_vector_subcore>, window_params = [{transform_indices = #map}, {transform_indices = #map}, {transform_indices = #map1}]} {
    %mul3A = arith.constant 2 : i32
    %mul3A_0 = arith.muli %arg1, %mul3A : i32
    %add3A = arith.addi %mul3A_0, %arg0 : i32
    %mul3A_1 = arith.constant 2048 : i32
    %mul3A_2 = arith.muli %add3A, %mul3A_1 : i32
    "tpu.region"() ({
      %run_scoped3A = tpu.sem_alloc : memref<!tpu.dma_semaphore, #tpu.memory_space<semaphore_mem>>
      %dma_start3A_679 = tpu.memref_slice %arg2[%mul3A_2] : memref<65536xi32, #tpu.memory_space<hbm>> -> memref<2048xi32, #tpu.memory_space<hbm>>
      %dma_start3A_680 = tpu.memref_slice %arg2[%mul3A_2] : memref<65536xi32, #tpu.memory_space<hbm>> -> memref<2048xi32, #tpu.memory_space<hbm>>
      tpu.enqueue_dma source(%dma_start3A_680 : memref<2048xi32, #tpu.memory_space<hbm>>) target(%arg5 : memref<2048xi32, #tpu.memory_space<vmem>>) target_semaphore(%run_scoped3A : memref<!tpu.dma_semaphore, #tpu.memory_space<semaphore_mem>>)
      %dma_wait3A_681 = tpu.memref_slice %arg2[%mul3A_2] : memref<65536xi32, #tpu.memory_space<hbm>> -> memref<2048xi32, #tpu.memory_space<hbm>>
      %dma_wait3A_682 = tpu.memref_slice %arg2[%mul3A_2] : memref<65536xi32, #tpu.memory_space<hbm>> -> memref<2048xi32, #tpu.memory_space<hbm>>
      tpu.wait_dma2 semaphore(%run_scoped3A : memref<!tpu.dma_semaphore, #tpu.memory_space<semaphore_mem>>) src(%dma_wait3A_682 : memref<2048xi32, #tpu.memory_space<hbm>>) dst(%arg5 : memref<2048xi32, #tpu.memory_space<vmem>>)
      tpu.yield
    }) : () -> ()
    %broadcast_in_dim3A = arith.constant 0.000000e+00 : f32
    %broadcast_in_dim3A_3 = vector.broadcast %broadcast_in_dim3A : f32 to vector<16xf32>
    %swap3A = arith.constant 0 : index
    %swap3A_4 = tpu.vector_load %arg6[%swap3A] {strides = array<i32>} : memref<176xf32, #tpu.memory_space<vmem>>, vector<16xf32>,
    tpu.vector_store %arg6[%swap3A], %broadcast_in_dim3A_3 {strides = array<i32>} : memref<176xf32, #tpu.memory_space<vmem>>, vector<16xf32>,
    %swap3A_5 = arith.constant 16 : index
    %swap3A_6 = tpu.vector_load %arg6[%swap3A_5] {strides = array<i32>} : memref<176xf32, #tpu.memory_space<vmem>>, vector<16xf32>,
    tpu.vector_store %arg6[%swap3A_5], %broadcast_in_dim3A_3 {strides = array<i32>} : memref<176xf32, #tpu.memory_space<vmem>>, vector<16xf32>,
    %swap3A_7 = arith.constant 32 : index
    %swap3A_8 = tpu.vector_load %arg6[%swap3A_7] {strides = array<i32>} : memref<176xf32, #tpu.memory_space<vmem>>, vector<16xf32>,
    tpu.vector_store %arg6[%swap3A_7], %broadcast_in_dim3A_3 {strides = array<i32>} : memref<176xf32, #tpu.memory_space<vmem>>, vector<16xf32>,
    %swap3A_9 = arith.constant 48 : index
    %swap3A_10 = tpu.vector_load %arg6[%swap3A_9] {strides = array<i32>} : memref<176xf32, #tpu.memory_space<vmem>>, vector<16xf32>,
    tpu.vector_store %arg6[%swap3A_9], %broadcast_in_dim3A_3 {strides = array<i32>} : memref<176xf32, #tpu.memory_space<vmem>>, vector<16xf32>,
    %swap3A_11 = arith.constant 64 : index
    %swap3A_12 = tpu.vector_load %arg6[%swap3A_11] {strides = array<i32>} : memref<176xf32, #tpu.memory_space<vmem>>, vector<16xf32>,
    tpu.vector_store %arg6[%swap3A_11], %broadcast_in_dim3A_3 {strides = array<i32>} : memref<176xf32, #tpu.memory_space<vmem>>, vector<16xf32>,
    %swap3A_13 = arith.constant 80 : index
    %swap3A_14 = tpu.vector_load %arg6[%swap3A_13] {strides = array<i32>} : memref<176xf32, #tpu.memory_space<vmem>>, vector<16xf32>,
    tpu.vector_store %arg6[%swap3A_13], %broadcast_in_dim3A_3 {strides = array<i32>} : memref<176xf32, #tpu.memory_space<vmem>>, vector<16xf32>,
    %swap3A_15 = arith.constant 96 : index
    %swap3A_16 = tpu.vector_load %arg6[%swap3A_15] {strides = array<i32>} : memref<176xf32, #tpu.memory_space<vmem>>, vector<16xf32>,
    tpu.vector_store %arg6[%swap3A_15], %broadcast_in_dim3A_3 {strides = array<i32>} : memref<176xf32, #tpu.memory_space<vmem>>, vector<16xf32>,
    %swap3A_17 = arith.constant 112 : index
    %swap3A_18 = tpu.vector_load %arg6[%swap3A_17] {strides = array<i32>} : memref<176xf32, #tpu.memory_space<vmem>>, vector<16xf32>,
    tpu.vector_store %arg6[%swap3A_17], %broadcast_in_dim3A_3 {strides = array<i32>} : memref<176xf32, #tpu.memory_space<vmem>>, vector<16xf32>,
    %swap3A_19 = arith.constant 128 : index
    %swap3A_20 = tpu.vector_load %arg6[%swap3A_19] {strides = array<i32>} : memref<176xf32, #tpu.memory_space<vmem>>, vector<16xf32>,
    tpu.vector_store %arg6[%swap3A_19], %broadcast_in_dim3A_3 {strides = array<i32>} : memref<176xf32, #tpu.memory_space<vmem>>, vector<16xf32>,
    %swap3A_21 = arith.constant 144 : index
    %swap3A_22 = tpu.vector_load %arg6[%swap3A_21] {strides = array<i32>} : memref<176xf32, #tpu.memory_space<vmem>>, vector<16xf32>,
    tpu.vector_store %arg6[%swap3A_21], %broadcast_in_dim3A_3 {strides = array<i32>} : memref<176xf32, #tpu.memory_space<vmem>>, vector<16xf32>,
    %swap3A_23 = arith.constant 160 : index
    %swap3A_24 = tpu.vector_load %arg6[%swap3A_23] {strides = array<i32>} : memref<176xf32, #tpu.memory_space<vmem>>, vector<16xf32>,
    tpu.vector_store %arg6[%swap3A_23], %broadcast_in_dim3A_3 {strides = array<i32>} : memref<176xf32, #tpu.memory_space<vmem>>, vector<16xf32>,
    "tpu.region"() ({
      %run_scoped3A = tpu.sem_alloc : memref<!tpu.dma_semaphore, #tpu.memory_space<semaphore_mem>>
      %dma_start3A_679 = arith.constant 0 : i32
      %dma_start3A_680 = tpu.memref_slice %arg6[%dma_start3A_679] : memref<176xf32, #tpu.memory_space<vmem>> -> memref<167xf32, #tpu.memory_space<vmem>>
      %dma_start3A_681 = arith.constant 0 : i32
      %dma_start3A_682 = tpu.memref_slice %arg6[%dma_start3A_681] : memref<176xf32, #tpu.memory_space<vmem>> -> memref<167xf32, #tpu.memory_space<vmem>>
      tpu.enqueue_dma source(%arg3 : memref<167xf32, #tpu.memory_space<hbm>>) target(%dma_start3A_682 : memref<167xf32, #tpu.memory_space<vmem>>) target_semaphore(%run_scoped3A : memref<!tpu.dma_semaphore, #tpu.memory_space<semaphore_mem>>)
      %dma_wait3A_683 = arith.constant 0 : i32
      %dma_wait3A_684 = tpu.memref_slice %arg6[%dma_wait3A_683] : memref<176xf32, #tpu.memory_space<vmem>> -> memref<167xf32, #tpu.memory_space<vmem>>
      %dma_wait3A_685 = arith.constant 0 : i32
      %dma_wait3A_686 = tpu.memref_slice %arg6[%dma_wait3A_685] : memref<176xf32, #tpu.memory_space<vmem>> -> memref<167xf32, #tpu.memory_space<vmem>>
      tpu.wait_dma2 semaphore(%run_scoped3A : memref<!tpu.dma_semaphore, #tpu.memory_space<semaphore_mem>>) src(%arg3 : memref<167xf32, #tpu.memory_space<hbm>>) dst(%dma_wait3A_686 : memref<167xf32, #tpu.memory_space<vmem>>)
      tpu.yield
    }) : () -> ()
    %get3A = arith.constant 0 : index
    %get3A_25 = tpu.vector_load %arg6[%get3A] {strides = array<i32>} : memref<176xf32, #tpu.memory_space<vmem>>, vector<16xf32>,
    %add3A_26 = arith.addf %broadcast_in_dim3A_3, %get3A_25 : vector<16xf32>
    %get3A_27 = arith.constant 16 : index
    %get3A_28 = tpu.vector_load %arg6[%get3A_27] {strides = array<i32>} : memref<176xf32, #tpu.memory_space<vmem>>, vector<16xf32>,
    %add3A_29 = arith.addf %add3A_26, %get3A_28 : vector<16xf32>
    %get3A_30 = arith.constant 32 : index
    %get3A_31 = tpu.vector_load %arg6[%get3A_30] {strides = array<i32>} : memref<176xf32, #tpu.memory_space<vmem>>, vector<16xf32>,
    %add3A_32 = arith.addf %add3A_29, %get3A_31 : vector<16xf32>
    %get3A_33 = arith.constant 48 : index
    %get3A_34 = tpu.vector_load %arg6[%get3A_33] {strides = array<i32>} : memref<176xf32, #tpu.memory_space<vmem>>, vector<16xf32>,
    %add3A_35 = arith.addf %add3A_32, %get3A_34 : vector<16xf32>
    %get3A_36 = arith.constant 64 : index
    %get3A_37 = tpu.vector_load %arg6[%get3A_36] {strides = array<i32>} : memref<176xf32, #tpu.memory_space<vmem>>, vector<16xf32>,
    %add3A_38 = arith.addf %add3A_35, %get3A_37 : vector<16xf32>
    %get3A_39 = arith.constant 80 : index
    %get3A_40 = tpu.vector_load %arg6[%get3A_39] {strides = array<i32>} : memref<176xf32, #tpu.memory_space<vmem>>, vector<16xf32>,
    %add3A_41 = arith.addf %add3A_38, %get3A_40 : vector<16xf32>
    %get3A_42 = arith.constant 96 : index
    %get3A_43 = tpu.vector_load %arg6[%get3A_42] {strides = array<i32>} : memref<176xf32, #tpu.memory_space<vmem>>, vector<16xf32>,
    %add3A_44 = arith.addf %add3A_41, %get3A_43 : vector<16xf32>
    %get3A_45 = arith.constant 112 : index
    %get3A_46 = tpu.vector_load %arg6[%get3A_45] {strides = array<i32>} : memref<176xf32, #tpu.memory_space<vmem>>, vector<16xf32>,
    %add3A_47 = arith.addf %add3A_44, %get3A_46 : vector<16xf32>
    %get3A_48 = arith.constant 128 : index
    %get3A_49 = tpu.vector_load %arg6[%get3A_48] {strides = array<i32>} : memref<176xf32, #tpu.memory_space<vmem>>, vector<16xf32>,
    %add3A_50 = arith.addf %add3A_47, %get3A_49 : vector<16xf32>
    %get3A_51 = arith.constant 144 : index
    %get3A_52 = tpu.vector_load %arg6[%get3A_51] {strides = array<i32>} : memref<176xf32, #tpu.memory_space<vmem>>, vector<16xf32>,
    %add3A_53 = arith.addf %add3A_50, %get3A_52 : vector<16xf32>
    %get3A_54 = arith.constant 160 : index
    %get3A_55 = tpu.vector_load %arg6[%get3A_54] {strides = array<i32>} : memref<176xf32, #tpu.memory_space<vmem>>, vector<16xf32>,
    %add3A_56 = arith.addf %add3A_53, %get3A_55 : vector<16xf32>
    %iota3A = tpu.iota {dimensions = array<i32: 0>} : vector<16xi32>
    %swap3A_57 = arith.constant 0 : index
    %swap3A_58 = tpu.vector_load %arg7[%swap3A_57] {strides = array<i32>} : memref<352xf32, #tpu.memory_space<vmem>>, vector<16xf32>,
    tpu.vector_store %arg7[%swap3A_57], %add3A_56 {strides = array<i32>} : memref<352xf32, #tpu.memory_space<vmem>>, vector<16xf32>,
    %xor3A = arith.constant 8 : i32
    %xor3A_59 = vector.broadcast %xor3A : i32 to vector<16xi32>
    %xor3A_60 = arith.xori %iota3A, %xor3A_59 : vector<16xi32>
    %gather3A = tpu.vector_load_idx %arg7[%xor3A_60] : memref<352xf32, #tpu.memory_space<vmem>>[vector<16xi32>], vector<16xf32>,
    %add3A_61 = arith.addf %add3A_56, %gather3A : vector<16xf32>
    %swap3A_62 = arith.constant 0 : index
    %swap3A_63 = tpu.vector_load %arg7[%swap3A_62] {strides = array<i32>} : memref<352xf32, #tpu.memory_space<vmem>>, vector<16xf32>,
    tpu.vector_store %arg7[%swap3A_62], %add3A_61 {strides = array<i32>} : memref<352xf32, #tpu.memory_space<vmem>>, vector<16xf32>,
    %xor3A_64 = arith.constant 4 : i32
    %xor3A_65 = vector.broadcast %xor3A_64 : i32 to vector<16xi32>
    %xor3A_66 = arith.xori %iota3A, %xor3A_65 : vector<16xi32>
    %gather3A_67 = tpu.vector_load_idx %arg7[%xor3A_66] : memref<352xf32, #tpu.memory_space<vmem>>[vector<16xi32>], vector<16xf32>,
    %add3A_68 = arith.addf %add3A_61, %gather3A_67 : vector<16xf32>
    %swap3A_69 = arith.constant 0 : index
    %swap3A_70 = tpu.vector_load %arg7[%swap3A_69] {strides = array<i32>} : memref<352xf32, #tpu.memory_space<vmem>>, vector<16xf32>,
    tpu.vector_store %arg7[%swap3A_69], %add3A_68 {strides = array<i32>} : memref<352xf32, #tpu.memory_space<vmem>>, vector<16xf32>,
    %xor3A_71 = arith.constant 2 : i32
    %xor3A_72 = vector.broadcast %xor3A_71 : i32 to vector<16xi32>
    %xor3A_73 = arith.xori %iota3A, %xor3A_72 : vector<16xi32>
    %gather3A_74 = tpu.vector_load_idx %arg7[%xor3A_73] : memref<352xf32, #tpu.memory_space<vmem>>[vector<16xi32>], vector<16xf32>,
    %add3A_75 = arith.addf %add3A_68, %gather3A_74 : vector<16xf32>
    %swap3A_76 = arith.constant 0 : index
    %swap3A_77 = tpu.vector_load %arg7[%swap3A_76] {strides = array<i32>} : memref<352xf32, #tpu.memory_space<vmem>>, vector<16xf32>,
    tpu.vector_store %arg7[%swap3A_76], %add3A_75 {strides = array<i32>} : memref<352xf32, #tpu.memory_space<vmem>>, vector<16xf32>,
    %xor3A_78 = arith.constant 1 : i32
    %xor3A_79 = vector.broadcast %xor3A_78 : i32 to vector<16xi32>
    %xor3A_80 = arith.xori %iota3A, %xor3A_79 : vector<16xi32>
    %gather3A_81 = tpu.vector_load_idx %arg7[%xor3A_80] : memref<352xf32, #tpu.memory_space<vmem>>[vector<16xi32>], vector<16xf32>,
    %add3A_82 = arith.addf %add3A_75, %gather3A_81 : vector<16xf32>
    %neg3A = arith.constant 0.000000e+00 : f32
    %neg3A_83 = vector.broadcast %neg3A : f32 to vector<16xf32>
    %neg3A_84 = arith.subf %neg3A_83, %add3A_82 : vector<16xf32>
    %add3A_85 = arith.constant 0 : i32
    %add3A_86 = vector.broadcast %add3A_85 : i32 to vector<16xi32>
    %add3A_87 = arith.addi %add3A_86, %iota3A : vector<16xi32>
    %rem3A = arith.constant 168 : i32
    %rem3A_88 = vector.broadcast %rem3A : i32 to vector<16xi32>
    %rem3A_89 = arith.remsi %add3A_87, %rem3A_88 : vector<16xi32>
    %sub3A = arith.constant 1 : i32
    %sub3A_90 = vector.broadcast %sub3A : i32 to vector<16xi32>
    %sub3A_91 = arith.subi %rem3A_89, %sub3A_90 : vector<16xi32>
    %max3A = arith.constant 0 : i32
    %max3A_92 = vector.broadcast %max3A : i32 to vector<16xi32>
    %max3A_93 = arith.maxsi %sub3A_91, %max3A_92 : vector<16xi32>
    %gather3A_94 = tpu.vector_load_idx %arg6[%max3A_93] : memref<176xf32, #tpu.memory_space<vmem>>[vector<16xi32>], vector<16xf32>,
    %eq3A = arith.constant 0 : i32
    %eq3A_95 = vector.broadcast %eq3A : i32 to vector<16xi32>
    %eq3A_96 = arith.cmpi eq, %rem3A_89, %eq3A_95 : vector<16xi32>
    %select_n3A = arith.select %eq3A_96, %neg3A_84, %gather3A_94 : vector<16xi1>, vector<16xf32>
    %swap3A_97 = arith.constant 0 : index
    %swap3A_98 = tpu.vector_load %arg7[%swap3A_97] {strides = array<i32>} : memref<352xf32, #tpu.memory_space<vmem>>, vector<16xf32>,
    tpu.vector_store %arg7[%swap3A_97], %select_n3A {strides = array<i32>} : memref<352xf32, #tpu.memory_space<vmem>>, vector<16xf32>,
    %add3A_99 = arith.constant 16 : i32
    %add3A_100 = vector.broadcast %add3A_99 : i32 to vector<16xi32>
    %add3A_101 = arith.addi %add3A_100, %iota3A : vector<16xi32>
    %rem3A_102 = arith.constant 168 : i32
    %rem3A_103 = vector.broadcast %rem3A_102 : i32 to vector<16xi32>
    %rem3A_104 = arith.remsi %add3A_101, %rem3A_103 : vector<16xi32>
    %sub3A_105 = arith.constant 1 : i32
    %sub3A_106 = vector.broadcast %sub3A_105 : i32 to vector<16xi32>
    %sub3A_107 = arith.subi %rem3A_104, %sub3A_106 : vector<16xi32>
    %max3A_108 = arith.constant 0 : i32
    %max3A_109 = vector.broadcast %max3A_108 : i32 to vector<16xi32>
    %max3A_110 = arith.maxsi %sub3A_107, %max3A_109 : vector<16xi32>
    %gather3A_111 = tpu.vector_load_idx %arg6[%max3A_110] : memref<176xf32, #tpu.memory_space<vmem>>[vector<16xi32>], vector<16xf32>,
    %eq3A_112 = arith.constant 0 : i32
    %eq3A_113 = vector.broadcast %eq3A_112 : i32 to vector<16xi32>
    %eq3A_114 = arith.cmpi eq, %rem3A_104, %eq3A_113 : vector<16xi32>
    %select_n3A_115 = arith.select %eq3A_114, %neg3A_84, %gather3A_111 : vector<16xi1>, vector<16xf32>
    %swap3A_116 = arith.constant 16 : index
    %swap3A_117 = tpu.vector_load %arg7[%swap3A_116] {strides = array<i32>} : memref<352xf32, #tpu.memory_space<vmem>>, vector<16xf32>,
    tpu.vector_store %arg7[%swap3A_116], %select_n3A_115 {strides = array<i32>} : memref<352xf32, #tpu.memory_space<vmem>>, vector<16xf32>,
    %add3A_118 = arith.constant 32 : i32
    %add3A_119 = vector.broadcast %add3A_118 : i32 to vector<16xi32>
    %add3A_120 = arith.addi %add3A_119, %iota3A : vector<16xi32>
    %rem3A_121 = arith.constant 168 : i32
    %rem3A_122 = vector.broadcast %rem3A_121 : i32 to vector<16xi32>
    %rem3A_123 = arith.remsi %add3A_120, %rem3A_122 : vector<16xi32>
    %sub3A_124 = arith.constant 1 : i32
    %sub3A_125 = vector.broadcast %sub3A_124 : i32 to vector<16xi32>
    %sub3A_126 = arith.subi %rem3A_123, %sub3A_125 : vector<16xi32>
    %max3A_127 = arith.constant 0 : i32
    %max3A_128 = vector.broadcast %max3A_127 : i32 to vector<16xi32>
    %max3A_129 = arith.maxsi %sub3A_126, %max3A_128 : vector<16xi32>
    %gather3A_130 = tpu.vector_load_idx %arg6[%max3A_129] : memref<176xf32, #tpu.memory_space<vmem>>[vector<16xi32>], vector<16xf32>,
    %eq3A_131 = arith.constant 0 : i32
    %eq3A_132 = vector.broadcast %eq3A_131 : i32 to vector<16xi32>
    %eq3A_133 = arith.cmpi eq, %rem3A_123, %eq3A_132 : vector<16xi32>
    %select_n3A_134 = arith.select %eq3A_133, %neg3A_84, %gather3A_130 : vector<16xi1>, vector<16xf32>
    %swap3A_135 = arith.constant 32 : index
    %swap3A_136 = tpu.vector_load %arg7[%swap3A_135] {strides = array<i32>} : memref<352xf32, #tpu.memory_space<vmem>>, vector<16xf32>,
    tpu.vector_store %arg7[%swap3A_135], %select_n3A_134 {strides = array<i32>} : memref<352xf32, #tpu.memory_space<vmem>>, vector<16xf32>,
    %add3A_137 = arith.constant 48 : i32
    %add3A_138 = vector.broadcast %add3A_137 : i32 to vector<16xi32>
    %add3A_139 = arith.addi %add3A_138, %iota3A : vector<16xi32>
    %rem3A_140 = arith.constant 168 : i32
    %rem3A_141 = vector.broadcast %rem3A_140 : i32 to vector<16xi32>
    %rem3A_142 = arith.remsi %add3A_139, %rem3A_141 : vector<16xi32>
    %sub3A_143 = arith.constant 1 : i32
    %sub3A_144 = vector.broadcast %sub3A_143 : i32 to vector<16xi32>
    %sub3A_145 = arith.subi %rem3A_142, %sub3A_144 : vector<16xi32>
    %max3A_146 = arith.constant 0 : i32
    %max3A_147 = vector.broadcast %max3A_146 : i32 to vector<16xi32>
    %max3A_148 = arith.maxsi %sub3A_145, %max3A_147 : vector<16xi32>
    %gather3A_149 = tpu.vector_load_idx %arg6[%max3A_148] : memref<176xf32, #tpu.memory_space<vmem>>[vector<16xi32>], vector<16xf32>,
    %eq3A_150 = arith.constant 0 : i32
    %eq3A_151 = vector.broadcast %eq3A_150 : i32 to vector<16xi32>
    %eq3A_152 = arith.cmpi eq, %rem3A_142, %eq3A_151 : vector<16xi32>
    %select_n3A_153 = arith.select %eq3A_152, %neg3A_84, %gather3A_149 : vector<16xi1>, vector<16xf32>
    %swap3A_154 = arith.constant 48 : index
    %swap3A_155 = tpu.vector_load %arg7[%swap3A_154] {strides = array<i32>} : memref<352xf32, #tpu.memory_space<vmem>>, vector<16xf32>,
    tpu.vector_store %arg7[%swap3A_154], %select_n3A_153 {strides = array<i32>} : memref<352xf32, #tpu.memory_space<vmem>>, vector<16xf32>,
    %add3A_156 = arith.constant 64 : i32
    %add3A_157 = vector.broadcast %add3A_156 : i32 to vector<16xi32>
    %add3A_158 = arith.addi %add3A_157, %iota3A : vector<16xi32>
    %rem3A_159 = arith.constant 168 : i32
    %rem3A_160 = vector.broadcast %rem3A_159 : i32 to vector<16xi32>
    %rem3A_161 = arith.remsi %add3A_158, %rem3A_160 : vector<16xi32>
    %sub3A_162 = arith.constant 1 : i32
    %sub3A_163 = vector.broadcast %sub3A_162 : i32 to vector<16xi32>
    %sub3A_164 = arith.subi %rem3A_161, %sub3A_163 : vector<16xi32>
    %max3A_165 = arith.constant 0 : i32
    %max3A_166 = vector.broadcast %max3A_165 : i32 to vector<16xi32>
    %max3A_167 = arith.maxsi %sub3A_164, %max3A_166 : vector<16xi32>
    %gather3A_168 = tpu.vector_load_idx %arg6[%max3A_167] : memref<176xf32, #tpu.memory_space<vmem>>[vector<16xi32>], vector<16xf32>,
    %eq3A_169 = arith.constant 0 : i32
    %eq3A_170 = vector.broadcast %eq3A_169 : i32 to vector<16xi32>
    %eq3A_171 = arith.cmpi eq, %rem3A_161, %eq3A_170 : vector<16xi32>
    %select_n3A_172 = arith.select %eq3A_171, %neg3A_84, %gather3A_168 : vector<16xi1>, vector<16xf32>
    %swap3A_173 = arith.constant 64 : index
    %swap3A_174 = tpu.vector_load %arg7[%swap3A_173] {strides = array<i32>} : memref<352xf32, #tpu.memory_space<vmem>>, vector<16xf32>,
    tpu.vector_store %arg7[%swap3A_173], %select_n3A_172 {strides = array<i32>} : memref<352xf32, #tpu.memory_space<vmem>>, vector<16xf32>,
    %add3A_175 = arith.constant 80 : i32
    %add3A_176 = vector.broadcast %add3A_175 : i32 to vector<16xi32>
    %add3A_177 = arith.addi %add3A_176, %iota3A : vector<16xi32>
    %rem3A_178 = arith.constant 168 : i32
    %rem3A_179 = vector.broadcast %rem3A_178 : i32 to vector<16xi32>
    %rem3A_180 = arith.remsi %add3A_177, %rem3A_179 : vector<16xi32>
    %sub3A_181 = arith.constant 1 : i32
    %sub3A_182 = vector.broadcast %sub3A_181 : i32 to vector<16xi32>
    %sub3A_183 = arith.subi %rem3A_180, %sub3A_182 : vector<16xi32>
    %max3A_184 = arith.constant 0 : i32
    %max3A_185 = vector.broadcast %max3A_184 : i32 to vector<16xi32>
    %max3A_186 = arith.maxsi %sub3A_183, %max3A_185 : vector<16xi32>
    %gather3A_187 = tpu.vector_load_idx %arg6[%max3A_186] : memref<176xf32, #tpu.memory_space<vmem>>[vector<16xi32>], vector<16xf32>,
    %eq3A_188 = arith.constant 0 : i32
    %eq3A_189 = vector.broadcast %eq3A_188 : i32 to vector<16xi32>
    %eq3A_190 = arith.cmpi eq, %rem3A_180, %eq3A_189 : vector<16xi32>
    %select_n3A_191 = arith.select %eq3A_190, %neg3A_84, %gather3A_187 : vector<16xi1>, vector<16xf32>
    %swap3A_192 = arith.constant 80 : index
    %swap3A_193 = tpu.vector_load %arg7[%swap3A_192] {strides = array<i32>} : memref<352xf32, #tpu.memory_space<vmem>>, vector<16xf32>,
    tpu.vector_store %arg7[%swap3A_192], %select_n3A_191 {strides = array<i32>} : memref<352xf32, #tpu.memory_space<vmem>>, vector<16xf32>,
    %add3A_194 = arith.constant 96 : i32
    %add3A_195 = vector.broadcast %add3A_194 : i32 to vector<16xi32>
    %add3A_196 = arith.addi %add3A_195, %iota3A : vector<16xi32>
    %rem3A_197 = arith.constant 168 : i32
    %rem3A_198 = vector.broadcast %rem3A_197 : i32 to vector<16xi32>
    %rem3A_199 = arith.remsi %add3A_196, %rem3A_198 : vector<16xi32>
    %sub3A_200 = arith.constant 1 : i32
    %sub3A_201 = vector.broadcast %sub3A_200 : i32 to vector<16xi32>
    %sub3A_202 = arith.subi %rem3A_199, %sub3A_201 : vector<16xi32>
    %max3A_203 = arith.constant 0 : i32
    %max3A_204 = vector.broadcast %max3A_203 : i32 to vector<16xi32>
    %max3A_205 = arith.maxsi %sub3A_202, %max3A_204 : vector<16xi32>
    %gather3A_206 = tpu.vector_load_idx %arg6[%max3A_205] : memref<176xf32, #tpu.memory_space<vmem>>[vector<16xi32>], vector<16xf32>,
    %eq3A_207 = arith.constant 0 : i32
    %eq3A_208 = vector.broadcast %eq3A_207 : i32 to vector<16xi32>
    %eq3A_209 = arith.cmpi eq, %rem3A_199, %eq3A_208 : vector<16xi32>
    %select_n3A_210 = arith.select %eq3A_209, %neg3A_84, %gather3A_206 : vector<16xi1>, vector<16xf32>
    %swap3A_211 = arith.constant 96 : index
    %swap3A_212 = tpu.vector_load %arg7[%swap3A_211] {strides = array<i32>} : memref<352xf32, #tpu.memory_space<vmem>>, vector<16xf32>,
    tpu.vector_store %arg7[%swap3A_211], %select_n3A_210 {strides = array<i32>} : memref<352xf32, #tpu.memory_space<vmem>>, vector<16xf32>,
    %add3A_213 = arith.constant 112 : i32
    %add3A_214 = vector.broadcast %add3A_213 : i32 to vector<16xi32>
    %add3A_215 = arith.addi %add3A_214, %iota3A : vector<16xi32>
    %rem3A_216 = arith.constant 168 : i32
    %rem3A_217 = vector.broadcast %rem3A_216 : i32 to vector<16xi32>
    %rem3A_218 = arith.remsi %add3A_215, %rem3A_217 : vector<16xi32>
    %sub3A_219 = arith.constant 1 : i32
    %sub3A_220 = vector.broadcast %sub3A_219 : i32 to vector<16xi32>
    %sub3A_221 = arith.subi %rem3A_218, %sub3A_220 : vector<16xi32>
    %max3A_222 = arith.constant 0 : i32
    %max3A_223 = vector.broadcast %max3A_222 : i32 to vector<16xi32>
    %max3A_224 = arith.maxsi %sub3A_221, %max3A_223 : vector<16xi32>
    %gather3A_225 = tpu.vector_load_idx %arg6[%max3A_224] : memref<176xf32, #tpu.memory_space<vmem>>[vector<16xi32>], vector<16xf32>,
    %eq3A_226 = arith.constant 0 : i32
    %eq3A_227 = vector.broadcast %eq3A_226 : i32 to vector<16xi32>
    %eq3A_228 = arith.cmpi eq, %rem3A_218, %eq3A_227 : vector<16xi32>
    %select_n3A_229 = arith.select %eq3A_228, %neg3A_84, %gather3A_225 : vector<16xi1>, vector<16xf32>
    %swap3A_230 = arith.constant 112 : index
    %swap3A_231 = tpu.vector_load %arg7[%swap3A_230] {strides = array<i32>} : memref<352xf32, #tpu.memory_space<vmem>>, vector<16xf32>,
    tpu.vector_store %arg7[%swap3A_230], %select_n3A_229 {strides = array<i32>} : memref<352xf32, #tpu.memory_space<vmem>>, vector<16xf32>,
    %add3A_232 = arith.constant 128 : i32
    %add3A_233 = vector.broadcast %add3A_232 : i32 to vector<16xi32>
    %add3A_234 = arith.addi %add3A_233, %iota3A : vector<16xi32>
    %rem3A_235 = arith.constant 168 : i32
    %rem3A_236 = vector.broadcast %rem3A_235 : i32 to vector<16xi32>
    %rem3A_237 = arith.remsi %add3A_234, %rem3A_236 : vector<16xi32>
    %sub3A_238 = arith.constant 1 : i32
    %sub3A_239 = vector.broadcast %sub3A_238 : i32 to vector<16xi32>
    %sub3A_240 = arith.subi %rem3A_237, %sub3A_239 : vector<16xi32>
    %max3A_241 = arith.constant 0 : i32
    %max3A_242 = vector.broadcast %max3A_241 : i32 to vector<16xi32>
    %max3A_243 = arith.maxsi %sub3A_240, %max3A_242 : vector<16xi32>
    %gather3A_244 = tpu.vector_load_idx %arg6[%max3A_243] : memref<176xf32, #tpu.memory_space<vmem>>[vector<16xi32>], vector<16xf32>,
    %eq3A_245 = arith.constant 0 : i32
    %eq3A_246 = vector.broadcast %eq3A_245 : i32 to vector<16xi32>
    %eq3A_247 = arith.cmpi eq, %rem3A_237, %eq3A_246 : vector<16xi32>
    %select_n3A_248 = arith.select %eq3A_247, %neg3A_84, %gather3A_244 : vector<16xi1>, vector<16xf32>
    %swap3A_249 = arith.constant 128 : index
    %swap3A_250 = tpu.vector_load %arg7[%swap3A_249] {strides = array<i32>} : memref<352xf32, #tpu.memory_space<vmem>>, vector<16xf32>,
    tpu.vector_store %arg7[%swap3A_249], %select_n3A_248 {strides = array<i32>} : memref<352xf32, #tpu.memory_space<vmem>>, vector<16xf32>,
    %add3A_251 = arith.constant 144 : i32
    %add3A_252 = vector.broadcast %add3A_251 : i32 to vector<16xi32>
    %add3A_253 = arith.addi %add3A_252, %iota3A : vector<16xi32>
    %rem3A_254 = arith.constant 168 : i32
    %rem3A_255 = vector.broadcast %rem3A_254 : i32 to vector<16xi32>
    %rem3A_256 = arith.remsi %add3A_253, %rem3A_255 : vector<16xi32>
    %sub3A_257 = arith.constant 1 : i32
    %sub3A_258 = vector.broadcast %sub3A_257 : i32 to vector<16xi32>
    %sub3A_259 = arith.subi %rem3A_256, %sub3A_258 : vector<16xi32>
    %max3A_260 = arith.constant 0 : i32
    %max3A_261 = vector.broadcast %max3A_260 : i32 to vector<16xi32>
    %max3A_262 = arith.maxsi %sub3A_259, %max3A_261 : vector<16xi32>
    %gather3A_263 = tpu.vector_load_idx %arg6[%max3A_262] : memref<176xf32, #tpu.memory_space<vmem>>[vector<16xi32>], vector<16xf32>,
    %eq3A_264 = arith.constant 0 : i32
    %eq3A_265 = vector.broadcast %eq3A_264 : i32 to vector<16xi32>
    %eq3A_266 = arith.cmpi eq, %rem3A_256, %eq3A_265 : vector<16xi32>
    %select_n3A_267 = arith.select %eq3A_266, %neg3A_84, %gather3A_263 : vector<16xi1>, vector<16xf32>
    %swap3A_268 = arith.constant 144 : index
    %swap3A_269 = tpu.vector_load %arg7[%swap3A_268] {strides = array<i32>} : memref<352xf32, #tpu.memory_space<vmem>>, vector<16xf32>,
    tpu.vector_store %arg7[%swap3A_268], %select_n3A_267 {strides = array<i32>} : memref<352xf32, #tpu.memory_space<vmem>>, vector<16xf32>,
    %add3A_270 = arith.constant 160 : i32
    %add3A_271 = vector.broadcast %add3A_270 : i32 to vector<16xi32>
    %add3A_272 = arith.addi %add3A_271, %iota3A : vector<16xi32>
    %rem3A_273 = arith.constant 168 : i32
    %rem3A_274 = vector.broadcast %rem3A_273 : i32 to vector<16xi32>
    %rem3A_275 = arith.remsi %add3A_272, %rem3A_274 : vector<16xi32>
    %sub3A_276 = arith.constant 1 : i32
    %sub3A_277 = vector.broadcast %sub3A_276 : i32 to vector<16xi32>
    %sub3A_278 = arith.subi %rem3A_275, %sub3A_277 : vector<16xi32>
    %max3A_279 = arith.constant 0 : i32
    %max3A_280 = vector.broadcast %max3A_279 : i32 to vector<16xi32>
    %max3A_281 = arith.maxsi %sub3A_278, %max3A_280 : vector<16xi32>
    %gather3A_282 = tpu.vector_load_idx %arg6[%max3A_281] : memref<176xf32, #tpu.memory_space<vmem>>[vector<16xi32>], vector<16xf32>,
    %eq3A_283 = arith.constant 0 : i32
    %eq3A_284 = vector.broadcast %eq3A_283 : i32 to vector<16xi32>
    %eq3A_285 = arith.cmpi eq, %rem3A_275, %eq3A_284 : vector<16xi32>
    %select_n3A_286 = arith.select %eq3A_285, %neg3A_84, %gather3A_282 : vector<16xi1>, vector<16xf32>
    %swap3A_287 = arith.constant 160 : index
    %swap3A_288 = tpu.vector_load %arg7[%swap3A_287] {strides = array<i32>} : memref<352xf32, #tpu.memory_space<vmem>>, vector<16xf32>,
    tpu.vector_store %arg7[%swap3A_287], %select_n3A_286 {strides = array<i32>} : memref<352xf32, #tpu.memory_space<vmem>>, vector<16xf32>,
    %add3A_289 = arith.constant 176 : i32
    %add3A_290 = vector.broadcast %add3A_289 : i32 to vector<16xi32>
    %add3A_291 = arith.addi %add3A_290, %iota3A : vector<16xi32>
    %rem3A_292 = arith.constant 168 : i32
    %rem3A_293 = vector.broadcast %rem3A_292 : i32 to vector<16xi32>
    %rem3A_294 = arith.remsi %add3A_291, %rem3A_293 : vector<16xi32>
    %sub3A_295 = arith.constant 1 : i32
    %sub3A_296 = vector.broadcast %sub3A_295 : i32 to vector<16xi32>
    %sub3A_297 = arith.subi %rem3A_294, %sub3A_296 : vector<16xi32>
    %max3A_298 = arith.constant 0 : i32
    %max3A_299 = vector.broadcast %max3A_298 : i32 to vector<16xi32>
    %max3A_300 = arith.maxsi %sub3A_297, %max3A_299 : vector<16xi32>
    %gather3A_301 = tpu.vector_load_idx %arg6[%max3A_300] : memref<176xf32, #tpu.memory_space<vmem>>[vector<16xi32>], vector<16xf32>,
    %eq3A_302 = arith.constant 0 : i32
    %eq3A_303 = vector.broadcast %eq3A_302 : i32 to vector<16xi32>
    %eq3A_304 = arith.cmpi eq, %rem3A_294, %eq3A_303 : vector<16xi32>
    %select_n3A_305 = arith.select %eq3A_304, %neg3A_84, %gather3A_301 : vector<16xi1>, vector<16xf32>
    %swap3A_306 = arith.constant 176 : index
    %swap3A_307 = tpu.vector_load %arg7[%swap3A_306] {strides = array<i32>} : memref<352xf32, #tpu.memory_space<vmem>>, vector<16xf32>,
    tpu.vector_store %arg7[%swap3A_306], %select_n3A_305 {strides = array<i32>} : memref<352xf32, #tpu.memory_space<vmem>>, vector<16xf32>,
    %add3A_308 = arith.constant 192 : i32
    %add3A_309 = vector.broadcast %add3A_308 : i32 to vector<16xi32>
    %add3A_310 = arith.addi %add3A_309, %iota3A : vector<16xi32>
    %rem3A_311 = arith.constant 168 : i32
    %rem3A_312 = vector.broadcast %rem3A_311 : i32 to vector<16xi32>
    %rem3A_313 = arith.remsi %add3A_310, %rem3A_312 : vector<16xi32>
    %sub3A_314 = arith.constant 1 : i32
    %sub3A_315 = vector.broadcast %sub3A_314 : i32 to vector<16xi32>
    %sub3A_316 = arith.subi %rem3A_313, %sub3A_315 : vector<16xi32>
    %max3A_317 = arith.constant 0 : i32
    %max3A_318 = vector.broadcast %max3A_317 : i32 to vector<16xi32>
    %max3A_319 = arith.maxsi %sub3A_316, %max3A_318 : vector<16xi32>
    %gather3A_320 = tpu.vector_load_idx %arg6[%max3A_319] : memref<176xf32, #tpu.memory_space<vmem>>[vector<16xi32>], vector<16xf32>,
    %eq3A_321 = arith.constant 0 : i32
    %eq3A_322 = vector.broadcast %eq3A_321 : i32 to vector<16xi32>
    %eq3A_323 = arith.cmpi eq, %rem3A_313, %eq3A_322 : vector<16xi32>
    %select_n3A_324 = arith.select %eq3A_323, %neg3A_84, %gather3A_320 : vector<16xi1>, vector<16xf32>
    %swap3A_325 = arith.constant 192 : index
    %swap3A_326 = tpu.vector_load %arg7[%swap3A_325] {strides = array<i32>} : memref<352xf32, #tpu.memory_space<vmem>>, vector<16xf32>,
    tpu.vector_store %arg7[%swap3A_325], %select_n3A_324 {strides = array<i32>} : memref<352xf32, #tpu.memory_space<vmem>>, vector<16xf32>,
    %add3A_327 = arith.constant 208 : i32
    %add3A_328 = vector.broadcast %add3A_327 : i32 to vector<16xi32>
    %add3A_329 = arith.addi %add3A_328, %iota3A : vector<16xi32>
    %rem3A_330 = arith.constant 168 : i32
    %rem3A_331 = vector.broadcast %rem3A_330 : i32 to vector<16xi32>
    %rem3A_332 = arith.remsi %add3A_329, %rem3A_331 : vector<16xi32>
    %sub3A_333 = arith.constant 1 : i32
    %sub3A_334 = vector.broadcast %sub3A_333 : i32 to vector<16xi32>
    %sub3A_335 = arith.subi %rem3A_332, %sub3A_334 : vector<16xi32>
    %max3A_336 = arith.constant 0 : i32
    %max3A_337 = vector.broadcast %max3A_336 : i32 to vector<16xi32>
    %max3A_338 = arith.maxsi %sub3A_335, %max3A_337 : vector<16xi32>
    %gather3A_339 = tpu.vector_load_idx %arg6[%max3A_338] : memref<176xf32, #tpu.memory_space<vmem>>[vector<16xi32>], vector<16xf32>,
    %eq3A_340 = arith.constant 0 : i32
    %eq3A_341 = vector.broadcast %eq3A_340 : i32 to vector<16xi32>
    %eq3A_342 = arith.cmpi eq, %rem3A_332, %eq3A_341 : vector<16xi32>
    %select_n3A_343 = arith.select %eq3A_342, %neg3A_84, %gather3A_339 : vector<16xi1>, vector<16xf32>
    %swap3A_344 = arith.constant 208 : index
    %swap3A_345 = tpu.vector_load %arg7[%swap3A_344] {strides = array<i32>} : memref<352xf32, #tpu.memory_space<vmem>>, vector<16xf32>,
    tpu.vector_store %arg7[%swap3A_344], %select_n3A_343 {strides = array<i32>} : memref<352xf32, #tpu.memory_space<vmem>>, vector<16xf32>,
    %add3A_346 = arith.constant 224 : i32
    %add3A_347 = vector.broadcast %add3A_346 : i32 to vector<16xi32>
    %add3A_348 = arith.addi %add3A_347, %iota3A : vector<16xi32>
    %rem3A_349 = arith.constant 168 : i32
    %rem3A_350 = vector.broadcast %rem3A_349 : i32 to vector<16xi32>
    %rem3A_351 = arith.remsi %add3A_348, %rem3A_350 : vector<16xi32>
    %sub3A_352 = arith.constant 1 : i32
    %sub3A_353 = vector.broadcast %sub3A_352 : i32 to vector<16xi32>
    %sub3A_354 = arith.subi %rem3A_351, %sub3A_353 : vector<16xi32>
    %max3A_355 = arith.constant 0 : i32
    %max3A_356 = vector.broadcast %max3A_355 : i32 to vector<16xi32>
    %max3A_357 = arith.maxsi %sub3A_354, %max3A_356 : vector<16xi32>
    %gather3A_358 = tpu.vector_load_idx %arg6[%max3A_357] : memref<176xf32, #tpu.memory_space<vmem>>[vector<16xi32>], vector<16xf32>,
    %eq3A_359 = arith.constant 0 : i32
    %eq3A_360 = vector.broadcast %eq3A_359 : i32 to vector<16xi32>
    %eq3A_361 = arith.cmpi eq, %rem3A_351, %eq3A_360 : vector<16xi32>
    %select_n3A_362 = arith.select %eq3A_361, %neg3A_84, %gather3A_358 : vector<16xi1>, vector<16xf32>
    %swap3A_363 = arith.constant 224 : index
    %swap3A_364 = tpu.vector_load %arg7[%swap3A_363] {strides = array<i32>} : memref<352xf32, #tpu.memory_space<vmem>>, vector<16xf32>,
    tpu.vector_store %arg7[%swap3A_363], %select_n3A_362 {strides = array<i32>} : memref<352xf32, #tpu.memory_space<vmem>>, vector<16xf32>,
    %add3A_365 = arith.constant 240 : i32
    %add3A_366 = vector.broadcast %add3A_365 : i32 to vector<16xi32>
    %add3A_367 = arith.addi %add3A_366, %iota3A : vector<16xi32>
    %rem3A_368 = arith.constant 168 : i32
    %rem3A_369 = vector.broadcast %rem3A_368 : i32 to vector<16xi32>
    %rem3A_370 = arith.remsi %add3A_367, %rem3A_369 : vector<16xi32>
    %sub3A_371 = arith.constant 1 : i32
    %sub3A_372 = vector.broadcast %sub3A_371 : i32 to vector<16xi32>
    %sub3A_373 = arith.subi %rem3A_370, %sub3A_372 : vector<16xi32>
    %max3A_374 = arith.constant 0 : i32
    %max3A_375 = vector.broadcast %max3A_374 : i32 to vector<16xi32>
    %max3A_376 = arith.maxsi %sub3A_373, %max3A_375 : vector<16xi32>
    %gather3A_377 = tpu.vector_load_idx %arg6[%max3A_376] : memref<176xf32, #tpu.memory_space<vmem>>[vector<16xi32>], vector<16xf32>,
    %eq3A_378 = arith.constant 0 : i32
    %eq3A_379 = vector.broadcast %eq3A_378 : i32 to vector<16xi32>
    %eq3A_380 = arith.cmpi eq, %rem3A_370, %eq3A_379 : vector<16xi32>
    %select_n3A_381 = arith.select %eq3A_380, %neg3A_84, %gather3A_377 : vector<16xi1>, vector<16xf32>
    %swap3A_382 = arith.constant 240 : index
    %swap3A_383 = tpu.vector_load %arg7[%swap3A_382] {strides = array<i32>} : memref<352xf32, #tpu.memory_space<vmem>>, vector<16xf32>,
    tpu.vector_store %arg7[%swap3A_382], %select_n3A_381 {strides = array<i32>} : memref<352xf32, #tpu.memory_space<vmem>>, vector<16xf32>,
    %add3A_384 = arith.constant 256 : i32
    %add3A_385 = vector.broadcast %add3A_384 : i32 to vector<16xi32>
    %add3A_386 = arith.addi %add3A_385, %iota3A : vector<16xi32>
    %rem3A_387 = arith.constant 168 : i32
    %rem3A_388 = vector.broadcast %rem3A_387 : i32 to vector<16xi32>
    %rem3A_389 = arith.remsi %add3A_386, %rem3A_388 : vector<16xi32>
    %sub3A_390 = arith.constant 1 : i32
    %sub3A_391 = vector.broadcast %sub3A_390 : i32 to vector<16xi32>
    %sub3A_392 = arith.subi %rem3A_389, %sub3A_391 : vector<16xi32>
    %max3A_393 = arith.constant 0 : i32
    %max3A_394 = vector.broadcast %max3A_393 : i32 to vector<16xi32>
    %max3A_395 = arith.maxsi %sub3A_392, %max3A_394 : vector<16xi32>
    %gather3A_396 = tpu.vector_load_idx %arg6[%max3A_395] : memref<176xf32, #tpu.memory_space<vmem>>[vector<16xi32>], vector<16xf32>,
    %eq3A_397 = arith.constant 0 : i32
    %eq3A_398 = vector.broadcast %eq3A_397 : i32 to vector<16xi32>
    %eq3A_399 = arith.cmpi eq, %rem3A_389, %eq3A_398 : vector<16xi32>
    %select_n3A_400 = arith.select %eq3A_399, %neg3A_84, %gather3A_396 : vector<16xi1>, vector<16xf32>
    %swap3A_401 = arith.constant 256 : index
    %swap3A_402 = tpu.vector_load %arg7[%swap3A_401] {strides = array<i32>} : memref<352xf32, #tpu.memory_space<vmem>>, vector<16xf32>,
    tpu.vector_store %arg7[%swap3A_401], %select_n3A_400 {strides = array<i32>} : memref<352xf32, #tpu.memory_space<vmem>>, vector<16xf32>,
    %add3A_403 = arith.constant 272 : i32
    %add3A_404 = vector.broadcast %add3A_403 : i32 to vector<16xi32>
    %add3A_405 = arith.addi %add3A_404, %iota3A : vector<16xi32>
    %rem3A_406 = arith.constant 168 : i32
    %rem3A_407 = vector.broadcast %rem3A_406 : i32 to vector<16xi32>
    %rem3A_408 = arith.remsi %add3A_405, %rem3A_407 : vector<16xi32>
    %sub3A_409 = arith.constant 1 : i32
    %sub3A_410 = vector.broadcast %sub3A_409 : i32 to vector<16xi32>
    %sub3A_411 = arith.subi %rem3A_408, %sub3A_410 : vector<16xi32>
    %max3A_412 = arith.constant 0 : i32
    %max3A_413 = vector.broadcast %max3A_412 : i32 to vector<16xi32>
    %max3A_414 = arith.maxsi %sub3A_411, %max3A_413 : vector<16xi32>
    %gather3A_415 = tpu.vector_load_idx %arg6[%max3A_414] : memref<176xf32, #tpu.memory_space<vmem>>[vector<16xi32>], vector<16xf32>,
    %eq3A_416 = arith.constant 0 : i32
    %eq3A_417 = vector.broadcast %eq3A_416 : i32 to vector<16xi32>
    %eq3A_418 = arith.cmpi eq, %rem3A_408, %eq3A_417 : vector<16xi32>
    %select_n3A_419 = arith.select %eq3A_418, %neg3A_84, %gather3A_415 : vector<16xi1>, vector<16xf32>
    %swap3A_420 = arith.constant 272 : index
    %swap3A_421 = tpu.vector_load %arg7[%swap3A_420] {strides = array<i32>} : memref<352xf32, #tpu.memory_space<vmem>>, vector<16xf32>,
    tpu.vector_store %arg7[%swap3A_420], %select_n3A_419 {strides = array<i32>} : memref<352xf32, #tpu.memory_space<vmem>>, vector<16xf32>,
    %add3A_422 = arith.constant 288 : i32
    %add3A_423 = vector.broadcast %add3A_422 : i32 to vector<16xi32>
    %add3A_424 = arith.addi %add3A_423, %iota3A : vector<16xi32>
    %rem3A_425 = arith.constant 168 : i32
    %rem3A_426 = vector.broadcast %rem3A_425 : i32 to vector<16xi32>
    %rem3A_427 = arith.remsi %add3A_424, %rem3A_426 : vector<16xi32>
    %sub3A_428 = arith.constant 1 : i32
    %sub3A_429 = vector.broadcast %sub3A_428 : i32 to vector<16xi32>
    %sub3A_430 = arith.subi %rem3A_427, %sub3A_429 : vector<16xi32>
    %max3A_431 = arith.constant 0 : i32
    %max3A_432 = vector.broadcast %max3A_431 : i32 to vector<16xi32>
    %max3A_433 = arith.maxsi %sub3A_430, %max3A_432 : vector<16xi32>
    %gather3A_434 = tpu.vector_load_idx %arg6[%max3A_433] : memref<176xf32, #tpu.memory_space<vmem>>[vector<16xi32>], vector<16xf32>,
    %eq3A_435 = arith.constant 0 : i32
    %eq3A_436 = vector.broadcast %eq3A_435 : i32 to vector<16xi32>
    %eq3A_437 = arith.cmpi eq, %rem3A_427, %eq3A_436 : vector<16xi32>
    %select_n3A_438 = arith.select %eq3A_437, %neg3A_84, %gather3A_434 : vector<16xi1>, vector<16xf32>
    %swap3A_439 = arith.constant 288 : index
    %swap3A_440 = tpu.vector_load %arg7[%swap3A_439] {strides = array<i32>} : memref<352xf32, #tpu.memory_space<vmem>>, vector<16xf32>,
    tpu.vector_store %arg7[%swap3A_439], %select_n3A_438 {strides = array<i32>} : memref<352xf32, #tpu.memory_space<vmem>>, vector<16xf32>,
    %add3A_441 = arith.constant 304 : i32
    %add3A_442 = vector.broadcast %add3A_441 : i32 to vector<16xi32>
    %add3A_443 = arith.addi %add3A_442, %iota3A : vector<16xi32>
    %rem3A_444 = arith.constant 168 : i32
    %rem3A_445 = vector.broadcast %rem3A_444 : i32 to vector<16xi32>
    %rem3A_446 = arith.remsi %add3A_443, %rem3A_445 : vector<16xi32>
    %sub3A_447 = arith.constant 1 : i32
    %sub3A_448 = vector.broadcast %sub3A_447 : i32 to vector<16xi32>
    %sub3A_449 = arith.subi %rem3A_446, %sub3A_448 : vector<16xi32>
    %max3A_450 = arith.constant 0 : i32
    %max3A_451 = vector.broadcast %max3A_450 : i32 to vector<16xi32>
    %max3A_452 = arith.maxsi %sub3A_449, %max3A_451 : vector<16xi32>
    %gather3A_453 = tpu.vector_load_idx %arg6[%max3A_452] : memref<176xf32, #tpu.memory_space<vmem>>[vector<16xi32>], vector<16xf32>,
    %eq3A_454 = arith.constant 0 : i32
    %eq3A_455 = vector.broadcast %eq3A_454 : i32 to vector<16xi32>
    %eq3A_456 = arith.cmpi eq, %rem3A_446, %eq3A_455 : vector<16xi32>
    %select_n3A_457 = arith.select %eq3A_456, %neg3A_84, %gather3A_453 : vector<16xi1>, vector<16xf32>
    %swap3A_458 = arith.constant 304 : index
    %swap3A_459 = tpu.vector_load %arg7[%swap3A_458] {strides = array<i32>} : memref<352xf32, #tpu.memory_space<vmem>>, vector<16xf32>,
    tpu.vector_store %arg7[%swap3A_458], %select_n3A_457 {strides = array<i32>} : memref<352xf32, #tpu.memory_space<vmem>>, vector<16xf32>,
    %add3A_460 = arith.constant 320 : i32
    %add3A_461 = vector.broadcast %add3A_460 : i32 to vector<16xi32>
    %add3A_462 = arith.addi %add3A_461, %iota3A : vector<16xi32>
    %rem3A_463 = arith.constant 168 : i32
    %rem3A_464 = vector.broadcast %rem3A_463 : i32 to vector<16xi32>
    %rem3A_465 = arith.remsi %add3A_462, %rem3A_464 : vector<16xi32>
    %sub3A_466 = arith.constant 1 : i32
    %sub3A_467 = vector.broadcast %sub3A_466 : i32 to vector<16xi32>
    %sub3A_468 = arith.subi %rem3A_465, %sub3A_467 : vector<16xi32>
    %max3A_469 = arith.constant 0 : i32
    %max3A_470 = vector.broadcast %max3A_469 : i32 to vector<16xi32>
    %max3A_471 = arith.maxsi %sub3A_468, %max3A_470 : vector<16xi32>
    %gather3A_472 = tpu.vector_load_idx %arg6[%max3A_471] : memref<176xf32, #tpu.memory_space<vmem>>[vector<16xi32>], vector<16xf32>,
    %eq3A_473 = arith.constant 0 : i32
    %eq3A_474 = vector.broadcast %eq3A_473 : i32 to vector<16xi32>
    %eq3A_475 = arith.cmpi eq, %rem3A_465, %eq3A_474 : vector<16xi32>
    %select_n3A_476 = arith.select %eq3A_475, %neg3A_84, %gather3A_472 : vector<16xi1>, vector<16xf32>
    %swap3A_477 = arith.constant 320 : index
    %swap3A_478 = tpu.vector_load %arg7[%swap3A_477] {strides = array<i32>} : memref<352xf32, #tpu.memory_space<vmem>>, vector<16xf32>,
    tpu.vector_store %arg7[%swap3A_477], %select_n3A_476 {strides = array<i32>} : memref<352xf32, #tpu.memory_space<vmem>>, vector<16xf32>,
    %add3A_479 = arith.constant 336 : i32
    %add3A_480 = vector.broadcast %add3A_479 : i32 to vector<16xi32>
    %add3A_481 = arith.addi %add3A_480, %iota3A : vector<16xi32>
    %rem3A_482 = arith.constant 168 : i32
    %rem3A_483 = vector.broadcast %rem3A_482 : i32 to vector<16xi32>
    %rem3A_484 = arith.remsi %add3A_481, %rem3A_483 : vector<16xi32>
    %sub3A_485 = arith.constant 1 : i32
    %sub3A_486 = vector.broadcast %sub3A_485 : i32 to vector<16xi32>
    %sub3A_487 = arith.subi %rem3A_484, %sub3A_486 : vector<16xi32>
    %max3A_488 = arith.constant 0 : i32
    %max3A_489 = vector.broadcast %max3A_488 : i32 to vector<16xi32>
    %max3A_490 = arith.maxsi %sub3A_487, %max3A_489 : vector<16xi32>
    %gather3A_491 = tpu.vector_load_idx %arg6[%max3A_490] : memref<176xf32, #tpu.memory_space<vmem>>[vector<16xi32>], vector<16xf32>,
    %eq3A_492 = arith.constant 0 : i32
    %eq3A_493 = vector.broadcast %eq3A_492 : i32 to vector<16xi32>
    %eq3A_494 = arith.cmpi eq, %rem3A_484, %eq3A_493 : vector<16xi32>
    %select_n3A_495 = arith.select %eq3A_494, %neg3A_84, %gather3A_491 : vector<16xi1>, vector<16xf32>
    %swap3A_496 = arith.constant 336 : index
    %swap3A_497 = tpu.vector_load %arg7[%swap3A_496] {strides = array<i32>} : memref<352xf32, #tpu.memory_space<vmem>>, vector<16xf32>,
    tpu.vector_store %arg7[%swap3A_496], %select_n3A_495 {strides = array<i32>} : memref<352xf32, #tpu.memory_space<vmem>>, vector<16xf32>,
    %parallel_loop3A = arith.constant 0 : i32
    %parallel_loop3A_498 = arith.constant 16 : i32
    %parallel_loop3A_499 = arith.constant 1 : i32
    scf.for %parallel_loop3A_679 = %parallel_loop3A to %parallel_loop3A_498 step %parallel_loop3A_499  : i32 {
      %parallel_loop3A_680 = arith.constant 16 : i32
      %parallel_loop3A_681 = arith.muli %parallel_loop3A_679, %parallel_loop3A_680 : i32
      %parallel_loop3A_682 = arith.constant 0 : i32
      %parallel_loop3A_683 = arith.addi %parallel_loop3A_682, %parallel_loop3A_681 : i32
      %parallel_loop3A_684 = arith.index_cast %parallel_loop3A_683 : i32 to index
      %parallel_loop3A_685 = tpu.vector_load %arg5[%parallel_loop3A_684] {strides = array<i32>} : memref<2048xi32, #tpu.memory_space<vmem>>, vector<16xi32>,
      %parallel_loop3A_686 = arith.constant 168 : i32
      %parallel_loop3A_687 = vector.broadcast %parallel_loop3A_686 : i32 to vector<16xi32>
      %parallel_loop3A_688 = arith.remsi %parallel_loop3A_685, %parallel_loop3A_687 : vector<16xi32>
      %parallel_loop3A_689 = arith.constant 8 : i32
      %parallel_loop3A_690 = arith.divsi %parallel_loop3A_679, %parallel_loop3A_689 : i32
      %parallel_loop3A_691 = arith.constant 0 : i32
      %parallel_loop3A_692 = arith.cmpi sgt, %parallel_loop3A_679, %parallel_loop3A_691 : i32
      %parallel_loop3A_693 = arith.extui %parallel_loop3A_692 : i1 to i32
      %parallel_loop3A_694 = arith.constant 0 : i32
      %parallel_loop3A_695 = arith.cmpi slt, %parallel_loop3A_679, %parallel_loop3A_694 : i32
      %parallel_loop3A_696 = arith.extui %parallel_loop3A_695 : i1 to i32
      %parallel_loop3A_697 = arith.subi %parallel_loop3A_693, %parallel_loop3A_696 : i32
      %parallel_loop3A_698 = arith.constant 0 : i32
      %parallel_loop3A_699 = arith.cmpi sgt, %parallel_loop3A_689, %parallel_loop3A_698 : i32
      %parallel_loop3A_700 = arith.extui %parallel_loop3A_699 : i1 to i32
      %parallel_loop3A_701 = arith.constant 0 : i32
      %parallel_loop3A_702 = arith.cmpi slt, %parallel_loop3A_689, %parallel_loop3A_701 : i32
      %parallel_loop3A_703 = arith.extui %parallel_loop3A_702 : i1 to i32
      %parallel_loop3A_704 = arith.subi %parallel_loop3A_700, %parallel_loop3A_703 : i32
      %parallel_loop3A_705 = arith.cmpi ne, %parallel_loop3A_697, %parallel_loop3A_704 : i32
      %parallel_loop3A_706 = arith.remsi %parallel_loop3A_679, %parallel_loop3A_689 : i32
      %parallel_loop3A_707 = arith.constant 0 : i32
      %parallel_loop3A_708 = arith.cmpi ne, %parallel_loop3A_706, %parallel_loop3A_707 : i32
      %parallel_loop3A_709 = arith.andi %parallel_loop3A_705, %parallel_loop3A_708 : i1
      %parallel_loop3A_710 = arith.constant 1 : i32
      %parallel_loop3A_711 = arith.subi %parallel_loop3A_690, %parallel_loop3A_710 : i32
      %parallel_loop3A_712 = arith.select %parallel_loop3A_709, %parallel_loop3A_711, %parallel_loop3A_690 : i32
      %parallel_loop3A_713 = arith.constant 8 : i32
      %parallel_loop3A_714 = arith.constant 0 : i32
      %parallel_loop3A_715 = arith.cmpi eq, %parallel_loop3A_713, %parallel_loop3A_714 : i32
      %parallel_loop3A_716 = arith.constant 1 : i32
      %parallel_loop3A_717 = arith.select %parallel_loop3A_715, %parallel_loop3A_716, %parallel_loop3A_713 : i32
      %parallel_loop3A_718 = arith.remsi %parallel_loop3A_679, %parallel_loop3A_717 : i32
      %parallel_loop3A_719 = arith.constant 0 : i32
      %parallel_loop3A_720 = arith.cmpi ne, %parallel_loop3A_718, %parallel_loop3A_719 : i32
      %parallel_loop3A_721 = arith.constant 0 : i32
      %parallel_loop3A_722 = arith.cmpi slt, %parallel_loop3A_718, %parallel_loop3A_721 : i32
      %parallel_loop3A_723 = arith.constant 0 : i32
      %parallel_loop3A_724 = arith.cmpi slt, %parallel_loop3A_717, %parallel_loop3A_723 : i32
      %parallel_loop3A_725 = arith.xori %parallel_loop3A_722, %parallel_loop3A_724 : i1
      %parallel_loop3A_726 = arith.andi %parallel_loop3A_725, %parallel_loop3A_720 : i1
      %parallel_loop3A_727 = arith.addi %parallel_loop3A_718, %parallel_loop3A_717 : i32
      %parallel_loop3A_728 = arith.select %parallel_loop3A_726, %parallel_loop3A_727, %parallel_loop3A_718 : i32
      %parallel_loop3A_729 = arith.constant 16 : i32
      %parallel_loop3A_730 = arith.muli %parallel_loop3A_728, %parallel_loop3A_729 : i32
      %parallel_loop3A_731 = arith.constant 0 : i32
      %parallel_loop3A_732 = arith.constant 168 : i32
      %parallel_loop3A_733 = arith.constant 1 : i32
      scf.for %parallel_loop3A_734 = %parallel_loop3A_731 to %parallel_loop3A_732 step %parallel_loop3A_733  : i32 {
        %parallel_loop3A_735 = vector.broadcast %parallel_loop3A_734 : i32 to vector<16xi32>
        %parallel_loop3A_736 = arith.addi %parallel_loop3A_688, %parallel_loop3A_735 : vector<16xi32>
        %parallel_loop3A_737 = tpu.vector_load_idx %arg7[%parallel_loop3A_736] : memref<352xf32, #tpu.memory_space<vmem>>[vector<16xi32>], vector<16xf32>,
        %parallel_loop3A_738 = arith.constant 8 : i32
        %parallel_loop3A_739 = arith.divsi %parallel_loop3A_734, %parallel_loop3A_738 : i32
        %parallel_loop3A_740 = arith.constant 0 : i32
        %parallel_loop3A_741 = arith.cmpi sgt, %parallel_loop3A_734, %parallel_loop3A_740 : i32
        %parallel_loop3A_742 = arith.extui %parallel_loop3A_741 : i1 to i32
        %parallel_loop3A_743 = arith.constant 0 : i32
        %parallel_loop3A_744 = arith.cmpi slt, %parallel_loop3A_734, %parallel_loop3A_743 : i32
        %parallel_loop3A_745 = arith.extui %parallel_loop3A_744 : i1 to i32
        %parallel_loop3A_746 = arith.subi %parallel_loop3A_742, %parallel_loop3A_745 : i32
        %parallel_loop3A_747 = arith.constant 0 : i32
        %parallel_loop3A_748 = arith.cmpi sgt, %parallel_loop3A_738, %parallel_loop3A_747 : i32
        %parallel_loop3A_749 = arith.extui %parallel_loop3A_748 : i1 to i32
        %parallel_loop3A_750 = arith.constant 0 : i32
        %parallel_loop3A_751 = arith.cmpi slt, %parallel_loop3A_738, %parallel_loop3A_750 : i32
        %parallel_loop3A_752 = arith.extui %parallel_loop3A_751 : i1 to i32
        %parallel_loop3A_753 = arith.subi %parallel_loop3A_749, %parallel_loop3A_752 : i32
        %parallel_loop3A_754 = arith.cmpi ne, %parallel_loop3A_746, %parallel_loop3A_753 : i32
        %parallel_loop3A_755 = arith.remsi %parallel_loop3A_734, %parallel_loop3A_738 : i32
        %parallel_loop3A_756 = arith.constant 0 : i32
        %parallel_loop3A_757 = arith.cmpi ne, %parallel_loop3A_755, %parallel_loop3A_756 : i32
        %parallel_loop3A_758 = arith.andi %parallel_loop3A_754, %parallel_loop3A_757 : i1
        %parallel_loop3A_759 = arith.constant 1 : i32
        %parallel_loop3A_760 = arith.subi %parallel_loop3A_739, %parallel_loop3A_759 : i32
        %parallel_loop3A_761 = arith.select %parallel_loop3A_758, %parallel_loop3A_760, %parallel_loop3A_739 : i32
        %parallel_loop3A_762 = arith.constant 8 : i32
        %parallel_loop3A_763 = arith.constant 0 : i32
        %parallel_loop3A_764 = arith.cmpi eq, %parallel_loop3A_762, %parallel_loop3A_763 : i32
        %parallel_loop3A_765 = arith.constant 1 : i32
        %parallel_loop3A_766 = arith.select %parallel_loop3A_764, %parallel_loop3A_765, %parallel_loop3A_762 : i32
        %parallel_loop3A_767 = arith.remsi %parallel_loop3A_734, %parallel_loop3A_766 : i32
        %parallel_loop3A_768 = arith.constant 0 : i32
        %parallel_loop3A_769 = arith.cmpi ne, %parallel_loop3A_767, %parallel_loop3A_768 : i32
        %parallel_loop3A_770 = arith.constant 0 : i32
        %parallel_loop3A_771 = arith.cmpi slt, %parallel_loop3A_767, %parallel_loop3A_770 : i32
        %parallel_loop3A_772 = arith.constant 0 : i32
        %parallel_loop3A_773 = arith.cmpi slt, %parallel_loop3A_766, %parallel_loop3A_772 : i32
        %parallel_loop3A_774 = arith.xori %parallel_loop3A_771, %parallel_loop3A_773 : i1
        %parallel_loop3A_775 = arith.andi %parallel_loop3A_774, %parallel_loop3A_769 : i1
        %parallel_loop3A_776 = arith.addi %parallel_loop3A_767, %parallel_loop3A_766 : i32
        %parallel_loop3A_777 = arith.select %parallel_loop3A_775, %parallel_loop3A_776, %parallel_loop3A_767 : i32
        %parallel_loop3A_778 = arith.index_cast %parallel_loop3A_761 : i32 to index
        %parallel_loop3A_779 = arith.index_cast %parallel_loop3A_712 : i32 to index
        %parallel_loop3A_780 = arith.index_cast %parallel_loop3A_777 : i32 to index
        %parallel_loop3A_781 = arith.index_cast %parallel_loop3A_730 : i32 to index
        %parallel_loop3A_782 = tpu.vector_load %arg8[%parallel_loop3A_778, %parallel_loop3A_779, %parallel_loop3A_780, %parallel_loop3A_781] {strides = array<i32>} : memref<21x2x8x128xf32, #tpu.memory_space<vmem>>, vector<16xf32>,
        tpu.vector_store %arg8[%parallel_loop3A_778, %parallel_loop3A_779, %parallel_loop3A_780, %parallel_loop3A_781], %parallel_loop3A_737 {strides = array<i32>} : memref<21x2x8x128xf32, #tpu.memory_space<vmem>>, vector<16xf32>,
      } {sc.loop_unroll_factor = 24 : i64, sc.parallel_access}
    } {sc.loop_unroll_factor = 1 : i64, sc.parallel_access}
    %mul3A_500 = arith.constant 16 : i32
    %mul3A_501 = arith.muli %add3A, %mul3A_500 : i32
    %add3A_502 = arith.constant 0 : i32
    %add3A_503 = arith.addi %mul3A_501, %add3A_502 : i32
    %dma_start3A = arith.constant 0 : i32
    %dma_start3A_504 = arith.constant 0 : i32
    %dma_start3A_505 = arith.constant 0 : i32
    %dma_start3A_506 = tpu.memref_slice %arg4[%dma_start3A, %add3A_503, %dma_start3A_504, %dma_start3A_505] : memref<21x512x8x128xf32, #tpu.memory_space<hbm>> -> memref<21x2x8x128xf32, #tpu.memory_space<hbm>>
    %dma_start3A_507 = arith.constant 0 : i32
    %dma_start3A_508 = arith.constant 0 : i32
    %dma_start3A_509 = arith.constant 0 : i32
    %dma_start3A_510 = tpu.memref_slice %arg4[%dma_start3A_507, %add3A_503, %dma_start3A_508, %dma_start3A_509] : memref<21x512x8x128xf32, #tpu.memory_space<hbm>> -> memref<21x2x8x128xf32, #tpu.memory_space<hbm>>
    tpu.enqueue_dma source(%arg8 : memref<21x2x8x128xf32, #tpu.memory_space<vmem>>) target(%dma_start3A_510 : memref<21x2x8x128xf32, #tpu.memory_space<hbm>>) target_semaphore(%arg10 : memref<!tpu.dma_semaphore, #tpu.memory_space<semaphore_mem>>)
    %parallel_loop3A_511 = arith.constant 0 : i32
    %parallel_loop3A_512 = arith.constant 16 : i32
    %parallel_loop3A_513 = arith.constant 1 : i32
    scf.for %parallel_loop3A_679 = %parallel_loop3A_511 to %parallel_loop3A_512 step %parallel_loop3A_513  : i32 {
      %parallel_loop3A_680 = arith.constant 16 : i32
      %parallel_loop3A_681 = arith.muli %parallel_loop3A_679, %parallel_loop3A_680 : i32
      %parallel_loop3A_682 = arith.constant 256 : i32
      %parallel_loop3A_683 = arith.addi %parallel_loop3A_682, %parallel_loop3A_681 : i32
      %parallel_loop3A_684 = arith.index_cast %parallel_loop3A_683 : i32 to index
      %parallel_loop3A_685 = tpu.vector_load %arg5[%parallel_loop3A_684] {strides = array<i32>} : memref<2048xi32, #tpu.memory_space<vmem>>, vector<16xi32>,
      %parallel_loop3A_686 = arith.constant 168 : i32
      %parallel_loop3A_687 = vector.broadcast %parallel_loop3A_686 : i32 to vector<16xi32>
      %parallel_loop3A_688 = arith.remsi %parallel_loop3A_685, %parallel_loop3A_687 : vector<16xi32>
      %parallel_loop3A_689 = arith.constant 8 : i32
      %parallel_loop3A_690 = arith.divsi %parallel_loop3A_679, %parallel_loop3A_689 : i32
      %parallel_loop3A_691 = arith.constant 0 : i32
      %parallel_loop3A_692 = arith.cmpi sgt, %parallel_loop3A_679, %parallel_loop3A_691 : i32
      %parallel_loop3A_693 = arith.extui %parallel_loop3A_692 : i1 to i32
      %parallel_loop3A_694 = arith.constant 0 : i32
      %parallel_loop3A_695 = arith.cmpi slt, %parallel_loop3A_679, %parallel_loop3A_694 : i32
      %parallel_loop3A_696 = arith.extui %parallel_loop3A_695 : i1 to i32
      %parallel_loop3A_697 = arith.subi %parallel_loop3A_693, %parallel_loop3A_696 : i32
      %parallel_loop3A_698 = arith.constant 0 : i32
      %parallel_loop3A_699 = arith.cmpi sgt, %parallel_loop3A_689, %parallel_loop3A_698 : i32
      %parallel_loop3A_700 = arith.extui %parallel_loop3A_699 : i1 to i32
      %parallel_loop3A_701 = arith.constant 0 : i32
      %parallel_loop3A_702 = arith.cmpi slt, %parallel_loop3A_689, %parallel_loop3A_701 : i32
      %parallel_loop3A_703 = arith.extui %parallel_loop3A_702 : i1 to i32
      %parallel_loop3A_704 = arith.subi %parallel_loop3A_700, %parallel_loop3A_703 : i32
      %parallel_loop3A_705 = arith.cmpi ne, %parallel_loop3A_697, %parallel_loop3A_704 : i32
      %parallel_loop3A_706 = arith.remsi %parallel_loop3A_679, %parallel_loop3A_689 : i32
      %parallel_loop3A_707 = arith.constant 0 : i32
      %parallel_loop3A_708 = arith.cmpi ne, %parallel_loop3A_706, %parallel_loop3A_707 : i32
      %parallel_loop3A_709 = arith.andi %parallel_loop3A_705, %parallel_loop3A_708 : i1
      %parallel_loop3A_710 = arith.constant 1 : i32
      %parallel_loop3A_711 = arith.subi %parallel_loop3A_690, %parallel_loop3A_710 : i32
      %parallel_loop3A_712 = arith.select %parallel_loop3A_709, %parallel_loop3A_711, %parallel_loop3A_690 : i32
      %parallel_loop3A_713 = arith.constant 8 : i32
      %parallel_loop3A_714 = arith.constant 0 : i32
      %parallel_loop3A_715 = arith.cmpi eq, %parallel_loop3A_713, %parallel_loop3A_714 : i32
      %parallel_loop3A_716 = arith.constant 1 : i32
      %parallel_loop3A_717 = arith.select %parallel_loop3A_715, %parallel_loop3A_716, %parallel_loop3A_713 : i32
      %parallel_loop3A_718 = arith.remsi %parallel_loop3A_679, %parallel_loop3A_717 : i32
      %parallel_loop3A_719 = arith.constant 0 : i32
      %parallel_loop3A_720 = arith.cmpi ne, %parallel_loop3A_718, %parallel_loop3A_719 : i32
      %parallel_loop3A_721 = arith.constant 0 : i32
      %parallel_loop3A_722 = arith.cmpi slt, %parallel_loop3A_718, %parallel_loop3A_721 : i32
      %parallel_loop3A_723 = arith.constant 0 : i32
      %parallel_loop3A_724 = arith.cmpi slt, %parallel_loop3A_717, %parallel_loop3A_723 : i32
      %parallel_loop3A_725 = arith.xori %parallel_loop3A_722, %parallel_loop3A_724 : i1
      %parallel_loop3A_726 = arith.andi %parallel_loop3A_725, %parallel_loop3A_720 : i1
      %parallel_loop3A_727 = arith.addi %parallel_loop3A_718, %parallel_loop3A_717 : i32
      %parallel_loop3A_728 = arith.select %parallel_loop3A_726, %parallel_loop3A_727, %parallel_loop3A_718 : i32
      %parallel_loop3A_729 = arith.constant 16 : i32
      %parallel_loop3A_730 = arith.muli %parallel_loop3A_728, %parallel_loop3A_729 : i32
      %parallel_loop3A_731 = arith.constant 0 : i32
      %parallel_loop3A_732 = arith.constant 168 : i32
      %parallel_loop3A_733 = arith.constant 1 : i32
      scf.for %parallel_loop3A_734 = %parallel_loop3A_731 to %parallel_loop3A_732 step %parallel_loop3A_733  : i32 {
        %parallel_loop3A_735 = vector.broadcast %parallel_loop3A_734 : i32 to vector<16xi32>
        %parallel_loop3A_736 = arith.addi %parallel_loop3A_688, %parallel_loop3A_735 : vector<16xi32>
        %parallel_loop3A_737 = tpu.vector_load_idx %arg7[%parallel_loop3A_736] : memref<352xf32, #tpu.memory_space<vmem>>[vector<16xi32>], vector<16xf32>,
        %parallel_loop3A_738 = arith.constant 8 : i32
        %parallel_loop3A_739 = arith.divsi %parallel_loop3A_734, %parallel_loop3A_738 : i32
        %parallel_loop3A_740 = arith.constant 0 : i32
        %parallel_loop3A_741 = arith.cmpi sgt, %parallel_loop3A_734, %parallel_loop3A_740 : i32
        %parallel_loop3A_742 = arith.extui %parallel_loop3A_741 : i1 to i32
        %parallel_loop3A_743 = arith.constant 0 : i32
        %parallel_loop3A_744 = arith.cmpi slt, %parallel_loop3A_734, %parallel_loop3A_743 : i32
        %parallel_loop3A_745 = arith.extui %parallel_loop3A_744 : i1 to i32
        %parallel_loop3A_746 = arith.subi %parallel_loop3A_742, %parallel_loop3A_745 : i32
        %parallel_loop3A_747 = arith.constant 0 : i32
        %parallel_loop3A_748 = arith.cmpi sgt, %parallel_loop3A_738, %parallel_loop3A_747 : i32
        %parallel_loop3A_749 = arith.extui %parallel_loop3A_748 : i1 to i32
        %parallel_loop3A_750 = arith.constant 0 : i32
        %parallel_loop3A_751 = arith.cmpi slt, %parallel_loop3A_738, %parallel_loop3A_750 : i32
        %parallel_loop3A_752 = arith.extui %parallel_loop3A_751 : i1 to i32
        %parallel_loop3A_753 = arith.subi %parallel_loop3A_749, %parallel_loop3A_752 : i32
        %parallel_loop3A_754 = arith.cmpi ne, %parallel_loop3A_746, %parallel_loop3A_753 : i32
        %parallel_loop3A_755 = arith.remsi %parallel_loop3A_734, %parallel_loop3A_738 : i32
        %parallel_loop3A_756 = arith.constant 0 : i32
        %parallel_loop3A_757 = arith.cmpi ne, %parallel_loop3A_755, %parallel_loop3A_756 : i32
        %parallel_loop3A_758 = arith.andi %parallel_loop3A_754, %parallel_loop3A_757 : i1
        %parallel_loop3A_759 = arith.constant 1 : i32
        %parallel_loop3A_760 = arith.subi %parallel_loop3A_739, %parallel_loop3A_759 : i32
        %parallel_loop3A_761 = arith.select %parallel_loop3A_758, %parallel_loop3A_760, %parallel_loop3A_739 : i32
        %parallel_loop3A_762 = arith.constant 8 : i32
        %parallel_loop3A_763 = arith.constant 0 : i32
        %parallel_loop3A_764 = arith.cmpi eq, %parallel_loop3A_762, %parallel_loop3A_763 : i32
        %parallel_loop3A_765 = arith.constant 1 : i32
        %parallel_loop3A_766 = arith.select %parallel_loop3A_764, %parallel_loop3A_765, %parallel_loop3A_762 : i32
        %parallel_loop3A_767 = arith.remsi %parallel_loop3A_734, %parallel_loop3A_766 : i32
        %parallel_loop3A_768 = arith.constant 0 : i32
        %parallel_loop3A_769 = arith.cmpi ne, %parallel_loop3A_767, %parallel_loop3A_768 : i32
        %parallel_loop3A_770 = arith.constant 0 : i32
        %parallel_loop3A_771 = arith.cmpi slt, %parallel_loop3A_767, %parallel_loop3A_770 : i32
        %parallel_loop3A_772 = arith.constant 0 : i32
        %parallel_loop3A_773 = arith.cmpi slt, %parallel_loop3A_766, %parallel_loop3A_772 : i32
        %parallel_loop3A_774 = arith.xori %parallel_loop3A_771, %parallel_loop3A_773 : i1
        %parallel_loop3A_775 = arith.andi %parallel_loop3A_774, %parallel_loop3A_769 : i1
        %parallel_loop3A_776 = arith.addi %parallel_loop3A_767, %parallel_loop3A_766 : i32
        %parallel_loop3A_777 = arith.select %parallel_loop3A_775, %parallel_loop3A_776, %parallel_loop3A_767 : i32
        %parallel_loop3A_778 = arith.index_cast %parallel_loop3A_761 : i32 to index
        %parallel_loop3A_779 = arith.index_cast %parallel_loop3A_712 : i32 to index
        %parallel_loop3A_780 = arith.index_cast %parallel_loop3A_777 : i32 to index
        %parallel_loop3A_781 = arith.index_cast %parallel_loop3A_730 : i32 to index
        %parallel_loop3A_782 = tpu.vector_load %arg9[%parallel_loop3A_778, %parallel_loop3A_779, %parallel_loop3A_780, %parallel_loop3A_781] {strides = array<i32>} : memref<21x2x8x128xf32, #tpu.memory_space<vmem>>, vector<16xf32>,
        tpu.vector_store %arg9[%parallel_loop3A_778, %parallel_loop3A_779, %parallel_loop3A_780, %parallel_loop3A_781], %parallel_loop3A_737 {strides = array<i32>} : memref<21x2x8x128xf32, #tpu.memory_space<vmem>>, vector<16xf32>,
      } {sc.loop_unroll_factor = 24 : i64, sc.parallel_access}
    } {sc.loop_unroll_factor = 1 : i64, sc.parallel_access}
    %mul3A_514 = arith.constant 16 : i32
    %mul3A_515 = arith.muli %add3A, %mul3A_514 : i32
    %add3A_516 = arith.constant 2 : i32
    %add3A_517 = arith.addi %mul3A_515, %add3A_516 : i32
    %dma_start3A_518 = arith.constant 0 : i32
    %dma_start3A_519 = arith.constant 0 : i32
    %dma_start3A_520 = arith.constant 0 : i32
    %dma_start3A_521 = tpu.memref_slice %arg4[%dma_start3A_518, %add3A_517, %dma_start3A_519, %dma_start3A_520] : memref<21x512x8x128xf32, #tpu.memory_space<hbm>> -> memref<21x2x8x128xf32, #tpu.memory_space<hbm>>
    %dma_start3A_522 = arith.constant 0 : i32
    %dma_start3A_523 = arith.constant 0 : i32
    %dma_start3A_524 = arith.constant 0 : i32
    %dma_start3A_525 = tpu.memref_slice %arg4[%dma_start3A_522, %add3A_517, %dma_start3A_523, %dma_start3A_524] : memref<21x512x8x128xf32, #tpu.memory_space<hbm>> -> memref<21x2x8x128xf32, #tpu.memory_space<hbm>>
    tpu.enqueue_dma source(%arg9 : memref<21x2x8x128xf32, #tpu.memory_space<vmem>>) target(%dma_start3A_525 : memref<21x2x8x128xf32, #tpu.memory_space<hbm>>) target_semaphore(%arg11 : memref<!tpu.dma_semaphore, #tpu.memory_space<semaphore_mem>>)
    %dma_wait3A = arith.constant 0 : i32
    %dma_wait3A_526 = arith.constant 0 : i32
    %dma_wait3A_527 = arith.constant 0 : i32
    %dma_wait3A_528 = tpu.memref_slice %arg4[%dma_wait3A, %add3A_503, %dma_wait3A_526, %dma_wait3A_527] : memref<21x512x8x128xf32, #tpu.memory_space<hbm>> -> memref<21x2x8x128xf32, #tpu.memory_space<hbm>>
    %dma_wait3A_529 = arith.constant 0 : i32
    %dma_wait3A_530 = arith.constant 0 : i32
    %dma_wait3A_531 = arith.constant 0 : i32
    %dma_wait3A_532 = tpu.memref_slice %arg4[%dma_wait3A_529, %add3A_503, %dma_wait3A_530, %dma_wait3A_531] : memref<21x512x8x128xf32, #tpu.memory_space<hbm>> -> memref<21x2x8x128xf32, #tpu.memory_space<hbm>>
    tpu.wait_dma2 semaphore(%arg10 : memref<!tpu.dma_semaphore, #tpu.memory_space<semaphore_mem>>) src(%arg8 : memref<21x2x8x128xf32, #tpu.memory_space<vmem>>) dst(%dma_wait3A_532 : memref<21x2x8x128xf32, #tpu.memory_space<hbm>>)
    %parallel_loop3A_533 = arith.constant 0 : i32
    %parallel_loop3A_534 = arith.constant 16 : i32
    %parallel_loop3A_535 = arith.constant 1 : i32
    scf.for %parallel_loop3A_679 = %parallel_loop3A_533 to %parallel_loop3A_534 step %parallel_loop3A_535  : i32 {
      %parallel_loop3A_680 = arith.constant 16 : i32
      %parallel_loop3A_681 = arith.muli %parallel_loop3A_679, %parallel_loop3A_680 : i32
      %parallel_loop3A_682 = arith.constant 512 : i32
      %parallel_loop3A_683 = arith.addi %parallel_loop3A_682, %parallel_loop3A_681 : i32
      %parallel_loop3A_684 = arith.index_cast %parallel_loop3A_683 : i32 to index
      %parallel_loop3A_685 = tpu.vector_load %arg5[%parallel_loop3A_684] {strides = array<i32>} : memref<2048xi32, #tpu.memory_space<vmem>>, vector<16xi32>,
      %parallel_loop3A_686 = arith.constant 168 : i32
      %parallel_loop3A_687 = vector.broadcast %parallel_loop3A_686 : i32 to vector<16xi32>
      %parallel_loop3A_688 = arith.remsi %parallel_loop3A_685, %parallel_loop3A_687 : vector<16xi32>
      %parallel_loop3A_689 = arith.constant 8 : i32
      %parallel_loop3A_690 = arith.divsi %parallel_loop3A_679, %parallel_loop3A_689 : i32
      %parallel_loop3A_691 = arith.constant 0 : i32
      %parallel_loop3A_692 = arith.cmpi sgt, %parallel_loop3A_679, %parallel_loop3A_691 : i32
      %parallel_loop3A_693 = arith.extui %parallel_loop3A_692 : i1 to i32
      %parallel_loop3A_694 = arith.constant 0 : i32
      %parallel_loop3A_695 = arith.cmpi slt, %parallel_loop3A_679, %parallel_loop3A_694 : i32
      %parallel_loop3A_696 = arith.extui %parallel_loop3A_695 : i1 to i32
      %parallel_loop3A_697 = arith.subi %parallel_loop3A_693, %parallel_loop3A_696 : i32
      %parallel_loop3A_698 = arith.constant 0 : i32
      %parallel_loop3A_699 = arith.cmpi sgt, %parallel_loop3A_689, %parallel_loop3A_698 : i32
      %parallel_loop3A_700 = arith.extui %parallel_loop3A_699 : i1 to i32
      %parallel_loop3A_701 = arith.constant 0 : i32
      %parallel_loop3A_702 = arith.cmpi slt, %parallel_loop3A_689, %parallel_loop3A_701 : i32
      %parallel_loop3A_703 = arith.extui %parallel_loop3A_702 : i1 to i32
      %parallel_loop3A_704 = arith.subi %parallel_loop3A_700, %parallel_loop3A_703 : i32
      %parallel_loop3A_705 = arith.cmpi ne, %parallel_loop3A_697, %parallel_loop3A_704 : i32
      %parallel_loop3A_706 = arith.remsi %parallel_loop3A_679, %parallel_loop3A_689 : i32
      %parallel_loop3A_707 = arith.constant 0 : i32
      %parallel_loop3A_708 = arith.cmpi ne, %parallel_loop3A_706, %parallel_loop3A_707 : i32
      %parallel_loop3A_709 = arith.andi %parallel_loop3A_705, %parallel_loop3A_708 : i1
      %parallel_loop3A_710 = arith.constant 1 : i32
      %parallel_loop3A_711 = arith.subi %parallel_loop3A_690, %parallel_loop3A_710 : i32
      %parallel_loop3A_712 = arith.select %parallel_loop3A_709, %parallel_loop3A_711, %parallel_loop3A_690 : i32
      %parallel_loop3A_713 = arith.constant 8 : i32
      %parallel_loop3A_714 = arith.constant 0 : i32
      %parallel_loop3A_715 = arith.cmpi eq, %parallel_loop3A_713, %parallel_loop3A_714 : i32
      %parallel_loop3A_716 = arith.constant 1 : i32
      %parallel_loop3A_717 = arith.select %parallel_loop3A_715, %parallel_loop3A_716, %parallel_loop3A_713 : i32
      %parallel_loop3A_718 = arith.remsi %parallel_loop3A_679, %parallel_loop3A_717 : i32
      %parallel_loop3A_719 = arith.constant 0 : i32
      %parallel_loop3A_720 = arith.cmpi ne, %parallel_loop3A_718, %parallel_loop3A_719 : i32
      %parallel_loop3A_721 = arith.constant 0 : i32
      %parallel_loop3A_722 = arith.cmpi slt, %parallel_loop3A_718, %parallel_loop3A_721 : i32
      %parallel_loop3A_723 = arith.constant 0 : i32
      %parallel_loop3A_724 = arith.cmpi slt, %parallel_loop3A_717, %parallel_loop3A_723 : i32
      %parallel_loop3A_725 = arith.xori %parallel_loop3A_722, %parallel_loop3A_724 : i1
      %parallel_loop3A_726 = arith.andi %parallel_loop3A_725, %parallel_loop3A_720 : i1
      %parallel_loop3A_727 = arith.addi %parallel_loop3A_718, %parallel_loop3A_717 : i32
      %parallel_loop3A_728 = arith.select %parallel_loop3A_726, %parallel_loop3A_727, %parallel_loop3A_718 : i32
      %parallel_loop3A_729 = arith.constant 16 : i32
      %parallel_loop3A_730 = arith.muli %parallel_loop3A_728, %parallel_loop3A_729 : i32
      %parallel_loop3A_731 = arith.constant 0 : i32
      %parallel_loop3A_732 = arith.constant 168 : i32
      %parallel_loop3A_733 = arith.constant 1 : i32
      scf.for %parallel_loop3A_734 = %parallel_loop3A_731 to %parallel_loop3A_732 step %parallel_loop3A_733  : i32 {
        %parallel_loop3A_735 = vector.broadcast %parallel_loop3A_734 : i32 to vector<16xi32>
        %parallel_loop3A_736 = arith.addi %parallel_loop3A_688, %parallel_loop3A_735 : vector<16xi32>
        %parallel_loop3A_737 = tpu.vector_load_idx %arg7[%parallel_loop3A_736] : memref<352xf32, #tpu.memory_space<vmem>>[vector<16xi32>], vector<16xf32>,
        %parallel_loop3A_738 = arith.constant 8 : i32
        %parallel_loop3A_739 = arith.divsi %parallel_loop3A_734, %parallel_loop3A_738 : i32
        %parallel_loop3A_740 = arith.constant 0 : i32
        %parallel_loop3A_741 = arith.cmpi sgt, %parallel_loop3A_734, %parallel_loop3A_740 : i32
        %parallel_loop3A_742 = arith.extui %parallel_loop3A_741 : i1 to i32
        %parallel_loop3A_743 = arith.constant 0 : i32
        %parallel_loop3A_744 = arith.cmpi slt, %parallel_loop3A_734, %parallel_loop3A_743 : i32
        %parallel_loop3A_745 = arith.extui %parallel_loop3A_744 : i1 to i32
        %parallel_loop3A_746 = arith.subi %parallel_loop3A_742, %parallel_loop3A_745 : i32
        %parallel_loop3A_747 = arith.constant 0 : i32
        %parallel_loop3A_748 = arith.cmpi sgt, %parallel_loop3A_738, %parallel_loop3A_747 : i32
        %parallel_loop3A_749 = arith.extui %parallel_loop3A_748 : i1 to i32
        %parallel_loop3A_750 = arith.constant 0 : i32
        %parallel_loop3A_751 = arith.cmpi slt, %parallel_loop3A_738, %parallel_loop3A_750 : i32
        %parallel_loop3A_752 = arith.extui %parallel_loop3A_751 : i1 to i32
        %parallel_loop3A_753 = arith.subi %parallel_loop3A_749, %parallel_loop3A_752 : i32
        %parallel_loop3A_754 = arith.cmpi ne, %parallel_loop3A_746, %parallel_loop3A_753 : i32
        %parallel_loop3A_755 = arith.remsi %parallel_loop3A_734, %parallel_loop3A_738 : i32
        %parallel_loop3A_756 = arith.constant 0 : i32
        %parallel_loop3A_757 = arith.cmpi ne, %parallel_loop3A_755, %parallel_loop3A_756 : i32
        %parallel_loop3A_758 = arith.andi %parallel_loop3A_754, %parallel_loop3A_757 : i1
        %parallel_loop3A_759 = arith.constant 1 : i32
        %parallel_loop3A_760 = arith.subi %parallel_loop3A_739, %parallel_loop3A_759 : i32
        %parallel_loop3A_761 = arith.select %parallel_loop3A_758, %parallel_loop3A_760, %parallel_loop3A_739 : i32
        %parallel_loop3A_762 = arith.constant 8 : i32
        %parallel_loop3A_763 = arith.constant 0 : i32
        %parallel_loop3A_764 = arith.cmpi eq, %parallel_loop3A_762, %parallel_loop3A_763 : i32
        %parallel_loop3A_765 = arith.constant 1 : i32
        %parallel_loop3A_766 = arith.select %parallel_loop3A_764, %parallel_loop3A_765, %parallel_loop3A_762 : i32
        %parallel_loop3A_767 = arith.remsi %parallel_loop3A_734, %parallel_loop3A_766 : i32
        %parallel_loop3A_768 = arith.constant 0 : i32
        %parallel_loop3A_769 = arith.cmpi ne, %parallel_loop3A_767, %parallel_loop3A_768 : i32
        %parallel_loop3A_770 = arith.constant 0 : i32
        %parallel_loop3A_771 = arith.cmpi slt, %parallel_loop3A_767, %parallel_loop3A_770 : i32
        %parallel_loop3A_772 = arith.constant 0 : i32
        %parallel_loop3A_773 = arith.cmpi slt, %parallel_loop3A_766, %parallel_loop3A_772 : i32
        %parallel_loop3A_774 = arith.xori %parallel_loop3A_771, %parallel_loop3A_773 : i1
        %parallel_loop3A_775 = arith.andi %parallel_loop3A_774, %parallel_loop3A_769 : i1
        %parallel_loop3A_776 = arith.addi %parallel_loop3A_767, %parallel_loop3A_766 : i32
        %parallel_loop3A_777 = arith.select %parallel_loop3A_775, %parallel_loop3A_776, %parallel_loop3A_767 : i32
        %parallel_loop3A_778 = arith.index_cast %parallel_loop3A_761 : i32 to index
        %parallel_loop3A_779 = arith.index_cast %parallel_loop3A_712 : i32 to index
        %parallel_loop3A_780 = arith.index_cast %parallel_loop3A_777 : i32 to index
        %parallel_loop3A_781 = arith.index_cast %parallel_loop3A_730 : i32 to index
        %parallel_loop3A_782 = tpu.vector_load %arg8[%parallel_loop3A_778, %parallel_loop3A_779, %parallel_loop3A_780, %parallel_loop3A_781] {strides = array<i32>} : memref<21x2x8x128xf32, #tpu.memory_space<vmem>>, vector<16xf32>,
        tpu.vector_store %arg8[%parallel_loop3A_778, %parallel_loop3A_779, %parallel_loop3A_780, %parallel_loop3A_781], %parallel_loop3A_737 {strides = array<i32>} : memref<21x2x8x128xf32, #tpu.memory_space<vmem>>, vector<16xf32>,
      } {sc.loop_unroll_factor = 24 : i64, sc.parallel_access}
    } {sc.loop_unroll_factor = 1 : i64, sc.parallel_access}
    %mul3A_536 = arith.constant 16 : i32
    %mul3A_537 = arith.muli %add3A, %mul3A_536 : i32
    %add3A_538 = arith.constant 4 : i32
    %add3A_539 = arith.addi %mul3A_537, %add3A_538 : i32
    %dma_start3A_540 = arith.constant 0 : i32
    %dma_start3A_541 = arith.constant 0 : i32
    %dma_start3A_542 = arith.constant 0 : i32
    %dma_start3A_543 = tpu.memref_slice %arg4[%dma_start3A_540, %add3A_539, %dma_start3A_541, %dma_start3A_542] : memref<21x512x8x128xf32, #tpu.memory_space<hbm>> -> memref<21x2x8x128xf32, #tpu.memory_space<hbm>>
    %dma_start3A_544 = arith.constant 0 : i32
    %dma_start3A_545 = arith.constant 0 : i32
    %dma_start3A_546 = arith.constant 0 : i32
    %dma_start3A_547 = tpu.memref_slice %arg4[%dma_start3A_544, %add3A_539, %dma_start3A_545, %dma_start3A_546] : memref<21x512x8x128xf32, #tpu.memory_space<hbm>> -> memref<21x2x8x128xf32, #tpu.memory_space<hbm>>
    tpu.enqueue_dma source(%arg8 : memref<21x2x8x128xf32, #tpu.memory_space<vmem>>) target(%dma_start3A_547 : memref<21x2x8x128xf32, #tpu.memory_space<hbm>>) target_semaphore(%arg10 : memref<!tpu.dma_semaphore, #tpu.memory_space<semaphore_mem>>)
    %dma_wait3A_548 = arith.constant 0 : i32
    %dma_wait3A_549 = arith.constant 0 : i32
    %dma_wait3A_550 = arith.constant 0 : i32
    %dma_wait3A_551 = tpu.memref_slice %arg4[%dma_wait3A_548, %add3A_517, %dma_wait3A_549, %dma_wait3A_550] : memref<21x512x8x128xf32, #tpu.memory_space<hbm>> -> memref<21x2x8x128xf32, #tpu.memory_space<hbm>>
    %dma_wait3A_552 = arith.constant 0 : i32
    %dma_wait3A_553 = arith.constant 0 : i32
    %dma_wait3A_554 = arith.constant 0 : i32
    %dma_wait3A_555 = tpu.memref_slice %arg4[%dma_wait3A_552, %add3A_517, %dma_wait3A_553, %dma_wait3A_554] : memref<21x512x8x128xf32, #tpu.memory_space<hbm>> -> memref<21x2x8x128xf32, #tpu.memory_space<hbm>>
    tpu.wait_dma2 semaphore(%arg11 : memref<!tpu.dma_semaphore, #tpu.memory_space<semaphore_mem>>) src(%arg9 : memref<21x2x8x128xf32, #tpu.memory_space<vmem>>) dst(%dma_wait3A_555 : memref<21x2x8x128xf32, #tpu.memory_space<hbm>>)
    %parallel_loop3A_556 = arith.constant 0 : i32
    %parallel_loop3A_557 = arith.constant 16 : i32
    %parallel_loop3A_558 = arith.constant 1 : i32
    scf.for %parallel_loop3A_679 = %parallel_loop3A_556 to %parallel_loop3A_557 step %parallel_loop3A_558  : i32 {
      %parallel_loop3A_680 = arith.constant 16 : i32
      %parallel_loop3A_681 = arith.muli %parallel_loop3A_679, %parallel_loop3A_680 : i32
      %parallel_loop3A_682 = arith.constant 768 : i32
      %parallel_loop3A_683 = arith.addi %parallel_loop3A_682, %parallel_loop3A_681 : i32
      %parallel_loop3A_684 = arith.index_cast %parallel_loop3A_683 : i32 to index
      %parallel_loop3A_685 = tpu.vector_load %arg5[%parallel_loop3A_684] {strides = array<i32>} : memref<2048xi32, #tpu.memory_space<vmem>>, vector<16xi32>,
      %parallel_loop3A_686 = arith.constant 168 : i32
      %parallel_loop3A_687 = vector.broadcast %parallel_loop3A_686 : i32 to vector<16xi32>
      %parallel_loop3A_688 = arith.remsi %parallel_loop3A_685, %parallel_loop3A_687 : vector<16xi32>
      %parallel_loop3A_689 = arith.constant 8 : i32
      %parallel_loop3A_690 = arith.divsi %parallel_loop3A_679, %parallel_loop3A_689 : i32
      %parallel_loop3A_691 = arith.constant 0 : i32
      %parallel_loop3A_692 = arith.cmpi sgt, %parallel_loop3A_679, %parallel_loop3A_691 : i32
      %parallel_loop3A_693 = arith.extui %parallel_loop3A_692 : i1 to i32
      %parallel_loop3A_694 = arith.constant 0 : i32
      %parallel_loop3A_695 = arith.cmpi slt, %parallel_loop3A_679, %parallel_loop3A_694 : i32
      %parallel_loop3A_696 = arith.extui %parallel_loop3A_695 : i1 to i32
      %parallel_loop3A_697 = arith.subi %parallel_loop3A_693, %parallel_loop3A_696 : i32
      %parallel_loop3A_698 = arith.constant 0 : i32
      %parallel_loop3A_699 = arith.cmpi sgt, %parallel_loop3A_689, %parallel_loop3A_698 : i32
      %parallel_loop3A_700 = arith.extui %parallel_loop3A_699 : i1 to i32
      %parallel_loop3A_701 = arith.constant 0 : i32
      %parallel_loop3A_702 = arith.cmpi slt, %parallel_loop3A_689, %parallel_loop3A_701 : i32
      %parallel_loop3A_703 = arith.extui %parallel_loop3A_702 : i1 to i32
      %parallel_loop3A_704 = arith.subi %parallel_loop3A_700, %parallel_loop3A_703 : i32
      %parallel_loop3A_705 = arith.cmpi ne, %parallel_loop3A_697, %parallel_loop3A_704 : i32
      %parallel_loop3A_706 = arith.remsi %parallel_loop3A_679, %parallel_loop3A_689 : i32
      %parallel_loop3A_707 = arith.constant 0 : i32
      %parallel_loop3A_708 = arith.cmpi ne, %parallel_loop3A_706, %parallel_loop3A_707 : i32
      %parallel_loop3A_709 = arith.andi %parallel_loop3A_705, %parallel_loop3A_708 : i1
      %parallel_loop3A_710 = arith.constant 1 : i32
      %parallel_loop3A_711 = arith.subi %parallel_loop3A_690, %parallel_loop3A_710 : i32
      %parallel_loop3A_712 = arith.select %parallel_loop3A_709, %parallel_loop3A_711, %parallel_loop3A_690 : i32
      %parallel_loop3A_713 = arith.constant 8 : i32
      %parallel_loop3A_714 = arith.constant 0 : i32
      %parallel_loop3A_715 = arith.cmpi eq, %parallel_loop3A_713, %parallel_loop3A_714 : i32
      %parallel_loop3A_716 = arith.constant 1 : i32
      %parallel_loop3A_717 = arith.select %parallel_loop3A_715, %parallel_loop3A_716, %parallel_loop3A_713 : i32
      %parallel_loop3A_718 = arith.remsi %parallel_loop3A_679, %parallel_loop3A_717 : i32
      %parallel_loop3A_719 = arith.constant 0 : i32
      %parallel_loop3A_720 = arith.cmpi ne, %parallel_loop3A_718, %parallel_loop3A_719 : i32
      %parallel_loop3A_721 = arith.constant 0 : i32
      %parallel_loop3A_722 = arith.cmpi slt, %parallel_loop3A_718, %parallel_loop3A_721 : i32
      %parallel_loop3A_723 = arith.constant 0 : i32
      %parallel_loop3A_724 = arith.cmpi slt, %parallel_loop3A_717, %parallel_loop3A_723 : i32
      %parallel_loop3A_725 = arith.xori %parallel_loop3A_722, %parallel_loop3A_724 : i1
      %parallel_loop3A_726 = arith.andi %parallel_loop3A_725, %parallel_loop3A_720 : i1
      %parallel_loop3A_727 = arith.addi %parallel_loop3A_718, %parallel_loop3A_717 : i32
      %parallel_loop3A_728 = arith.select %parallel_loop3A_726, %parallel_loop3A_727, %parallel_loop3A_718 : i32
      %parallel_loop3A_729 = arith.constant 16 : i32
      %parallel_loop3A_730 = arith.muli %parallel_loop3A_728, %parallel_loop3A_729 : i32
      %parallel_loop3A_731 = arith.constant 0 : i32
      %parallel_loop3A_732 = arith.constant 168 : i32
      %parallel_loop3A_733 = arith.constant 1 : i32
      scf.for %parallel_loop3A_734 = %parallel_loop3A_731 to %parallel_loop3A_732 step %parallel_loop3A_733  : i32 {
        %parallel_loop3A_735 = vector.broadcast %parallel_loop3A_734 : i32 to vector<16xi32>
        %parallel_loop3A_736 = arith.addi %parallel_loop3A_688, %parallel_loop3A_735 : vector<16xi32>
        %parallel_loop3A_737 = tpu.vector_load_idx %arg7[%parallel_loop3A_736] : memref<352xf32, #tpu.memory_space<vmem>>[vector<16xi32>], vector<16xf32>,
        %parallel_loop3A_738 = arith.constant 8 : i32
        %parallel_loop3A_739 = arith.divsi %parallel_loop3A_734, %parallel_loop3A_738 : i32
        %parallel_loop3A_740 = arith.constant 0 : i32
        %parallel_loop3A_741 = arith.cmpi sgt, %parallel_loop3A_734, %parallel_loop3A_740 : i32
        %parallel_loop3A_742 = arith.extui %parallel_loop3A_741 : i1 to i32
        %parallel_loop3A_743 = arith.constant 0 : i32
        %parallel_loop3A_744 = arith.cmpi slt, %parallel_loop3A_734, %parallel_loop3A_743 : i32
        %parallel_loop3A_745 = arith.extui %parallel_loop3A_744 : i1 to i32
        %parallel_loop3A_746 = arith.subi %parallel_loop3A_742, %parallel_loop3A_745 : i32
        %parallel_loop3A_747 = arith.constant 0 : i32
        %parallel_loop3A_748 = arith.cmpi sgt, %parallel_loop3A_738, %parallel_loop3A_747 : i32
        %parallel_loop3A_749 = arith.extui %parallel_loop3A_748 : i1 to i32
        %parallel_loop3A_750 = arith.constant 0 : i32
        %parallel_loop3A_751 = arith.cmpi slt, %parallel_loop3A_738, %parallel_loop3A_750 : i32
        %parallel_loop3A_752 = arith.extui %parallel_loop3A_751 : i1 to i32
        %parallel_loop3A_753 = arith.subi %parallel_loop3A_749, %parallel_loop3A_752 : i32
        %parallel_loop3A_754 = arith.cmpi ne, %parallel_loop3A_746, %parallel_loop3A_753 : i32
        %parallel_loop3A_755 = arith.remsi %parallel_loop3A_734, %parallel_loop3A_738 : i32
        %parallel_loop3A_756 = arith.constant 0 : i32
        %parallel_loop3A_757 = arith.cmpi ne, %parallel_loop3A_755, %parallel_loop3A_756 : i32
        %parallel_loop3A_758 = arith.andi %parallel_loop3A_754, %parallel_loop3A_757 : i1
        %parallel_loop3A_759 = arith.constant 1 : i32
        %parallel_loop3A_760 = arith.subi %parallel_loop3A_739, %parallel_loop3A_759 : i32
        %parallel_loop3A_761 = arith.select %parallel_loop3A_758, %parallel_loop3A_760, %parallel_loop3A_739 : i32
        %parallel_loop3A_762 = arith.constant 8 : i32
        %parallel_loop3A_763 = arith.constant 0 : i32
        %parallel_loop3A_764 = arith.cmpi eq, %parallel_loop3A_762, %parallel_loop3A_763 : i32
        %parallel_loop3A_765 = arith.constant 1 : i32
        %parallel_loop3A_766 = arith.select %parallel_loop3A_764, %parallel_loop3A_765, %parallel_loop3A_762 : i32
        %parallel_loop3A_767 = arith.remsi %parallel_loop3A_734, %parallel_loop3A_766 : i32
        %parallel_loop3A_768 = arith.constant 0 : i32
        %parallel_loop3A_769 = arith.cmpi ne, %parallel_loop3A_767, %parallel_loop3A_768 : i32
        %parallel_loop3A_770 = arith.constant 0 : i32
        %parallel_loop3A_771 = arith.cmpi slt, %parallel_loop3A_767, %parallel_loop3A_770 : i32
        %parallel_loop3A_772 = arith.constant 0 : i32
        %parallel_loop3A_773 = arith.cmpi slt, %parallel_loop3A_766, %parallel_loop3A_772 : i32
        %parallel_loop3A_774 = arith.xori %parallel_loop3A_771, %parallel_loop3A_773 : i1
        %parallel_loop3A_775 = arith.andi %parallel_loop3A_774, %parallel_loop3A_769 : i1
        %parallel_loop3A_776 = arith.addi %parallel_loop3A_767, %parallel_loop3A_766 : i32
        %parallel_loop3A_777 = arith.select %parallel_loop3A_775, %parallel_loop3A_776, %parallel_loop3A_767 : i32
        %parallel_loop3A_778 = arith.index_cast %parallel_loop3A_761 : i32 to index
        %parallel_loop3A_779 = arith.index_cast %parallel_loop3A_712 : i32 to index
        %parallel_loop3A_780 = arith.index_cast %parallel_loop3A_777 : i32 to index
        %parallel_loop3A_781 = arith.index_cast %parallel_loop3A_730 : i32 to index
        %parallel_loop3A_782 = tpu.vector_load %arg9[%parallel_loop3A_778, %parallel_loop3A_779, %parallel_loop3A_780, %parallel_loop3A_781] {strides = array<i32>} : memref<21x2x8x128xf32, #tpu.memory_space<vmem>>, vector<16xf32>,
        tpu.vector_store %arg9[%parallel_loop3A_778, %parallel_loop3A_779, %parallel_loop3A_780, %parallel_loop3A_781], %parallel_loop3A_737 {strides = array<i32>} : memref<21x2x8x128xf32, #tpu.memory_space<vmem>>, vector<16xf32>,
      } {sc.loop_unroll_factor = 24 : i64, sc.parallel_access}
    } {sc.loop_unroll_factor = 1 : i64, sc.parallel_access}
    %mul3A_559 = arith.constant 16 : i32
    %mul3A_560 = arith.muli %add3A, %mul3A_559 : i32
    %add3A_561 = arith.constant 6 : i32
    %add3A_562 = arith.addi %mul3A_560, %add3A_561 : i32
    %dma_start3A_563 = arith.constant 0 : i32
    %dma_start3A_564 = arith.constant 0 : i32
    %dma_start3A_565 = arith.constant 0 : i32
    %dma_start3A_566 = tpu.memref_slice %arg4[%dma_start3A_563, %add3A_562, %dma_start3A_564, %dma_start3A_565] : memref<21x512x8x128xf32, #tpu.memory_space<hbm>> -> memref<21x2x8x128xf32, #tpu.memory_space<hbm>>
    %dma_start3A_567 = arith.constant 0 : i32
    %dma_start3A_568 = arith.constant 0 : i32
    %dma_start3A_569 = arith.constant 0 : i32
    %dma_start3A_570 = tpu.memref_slice %arg4[%dma_start3A_567, %add3A_562, %dma_start3A_568, %dma_start3A_569] : memref<21x512x8x128xf32, #tpu.memory_space<hbm>> -> memref<21x2x8x128xf32, #tpu.memory_space<hbm>>
    tpu.enqueue_dma source(%arg9 : memref<21x2x8x128xf32, #tpu.memory_space<vmem>>) target(%dma_start3A_570 : memref<21x2x8x128xf32, #tpu.memory_space<hbm>>) target_semaphore(%arg11 : memref<!tpu.dma_semaphore, #tpu.memory_space<semaphore_mem>>)
    %dma_wait3A_571 = arith.constant 0 : i32
    %dma_wait3A_572 = arith.constant 0 : i32
    %dma_wait3A_573 = arith.constant 0 : i32
    %dma_wait3A_574 = tpu.memref_slice %arg4[%dma_wait3A_571, %add3A_539, %dma_wait3A_572, %dma_wait3A_573] : memref<21x512x8x128xf32, #tpu.memory_space<hbm>> -> memref<21x2x8x128xf32, #tpu.memory_space<hbm>>
    %dma_wait3A_575 = arith.constant 0 : i32
    %dma_wait3A_576 = arith.constant 0 : i32
    %dma_wait3A_577 = arith.constant 0 : i32
    %dma_wait3A_578 = tpu.memref_slice %arg4[%dma_wait3A_575, %add3A_539, %dma_wait3A_576, %dma_wait3A_577] : memref<21x512x8x128xf32, #tpu.memory_space<hbm>> -> memref<21x2x8x128xf32, #tpu.memory_space<hbm>>
    tpu.wait_dma2 semaphore(%arg10 : memref<!tpu.dma_semaphore, #tpu.memory_space<semaphore_mem>>) src(%arg8 : memref<21x2x8x128xf32, #tpu.memory_space<vmem>>) dst(%dma_wait3A_578 : memref<21x2x8x128xf32, #tpu.memory_space<hbm>>)
    %parallel_loop3A_579 = arith.constant 0 : i32
    %parallel_loop3A_580 = arith.constant 16 : i32
    %parallel_loop3A_581 = arith.constant 1 : i32
    scf.for %parallel_loop3A_679 = %parallel_loop3A_579 to %parallel_loop3A_580 step %parallel_loop3A_581  : i32 {
      %parallel_loop3A_680 = arith.constant 16 : i32
      %parallel_loop3A_681 = arith.muli %parallel_loop3A_679, %parallel_loop3A_680 : i32
      %parallel_loop3A_682 = arith.constant 1024 : i32
      %parallel_loop3A_683 = arith.addi %parallel_loop3A_682, %parallel_loop3A_681 : i32
      %parallel_loop3A_684 = arith.index_cast %parallel_loop3A_683 : i32 to index
      %parallel_loop3A_685 = tpu.vector_load %arg5[%parallel_loop3A_684] {strides = array<i32>} : memref<2048xi32, #tpu.memory_space<vmem>>, vector<16xi32>,
      %parallel_loop3A_686 = arith.constant 168 : i32
      %parallel_loop3A_687 = vector.broadcast %parallel_loop3A_686 : i32 to vector<16xi32>
      %parallel_loop3A_688 = arith.remsi %parallel_loop3A_685, %parallel_loop3A_687 : vector<16xi32>
      %parallel_loop3A_689 = arith.constant 8 : i32
      %parallel_loop3A_690 = arith.divsi %parallel_loop3A_679, %parallel_loop3A_689 : i32
      %parallel_loop3A_691 = arith.constant 0 : i32
      %parallel_loop3A_692 = arith.cmpi sgt, %parallel_loop3A_679, %parallel_loop3A_691 : i32
      %parallel_loop3A_693 = arith.extui %parallel_loop3A_692 : i1 to i32
      %parallel_loop3A_694 = arith.constant 0 : i32
      %parallel_loop3A_695 = arith.cmpi slt, %parallel_loop3A_679, %parallel_loop3A_694 : i32
      %parallel_loop3A_696 = arith.extui %parallel_loop3A_695 : i1 to i32
      %parallel_loop3A_697 = arith.subi %parallel_loop3A_693, %parallel_loop3A_696 : i32
      %parallel_loop3A_698 = arith.constant 0 : i32
      %parallel_loop3A_699 = arith.cmpi sgt, %parallel_loop3A_689, %parallel_loop3A_698 : i32
      %parallel_loop3A_700 = arith.extui %parallel_loop3A_699 : i1 to i32
      %parallel_loop3A_701 = arith.constant 0 : i32
      %parallel_loop3A_702 = arith.cmpi slt, %parallel_loop3A_689, %parallel_loop3A_701 : i32
      %parallel_loop3A_703 = arith.extui %parallel_loop3A_702 : i1 to i32
      %parallel_loop3A_704 = arith.subi %parallel_loop3A_700, %parallel_loop3A_703 : i32
      %parallel_loop3A_705 = arith.cmpi ne, %parallel_loop3A_697, %parallel_loop3A_704 : i32
      %parallel_loop3A_706 = arith.remsi %parallel_loop3A_679, %parallel_loop3A_689 : i32
      %parallel_loop3A_707 = arith.constant 0 : i32
      %parallel_loop3A_708 = arith.cmpi ne, %parallel_loop3A_706, %parallel_loop3A_707 : i32
      %parallel_loop3A_709 = arith.andi %parallel_loop3A_705, %parallel_loop3A_708 : i1
      %parallel_loop3A_710 = arith.constant 1 : i32
      %parallel_loop3A_711 = arith.subi %parallel_loop3A_690, %parallel_loop3A_710 : i32
      %parallel_loop3A_712 = arith.select %parallel_loop3A_709, %parallel_loop3A_711, %parallel_loop3A_690 : i32
      %parallel_loop3A_713 = arith.constant 8 : i32
      %parallel_loop3A_714 = arith.constant 0 : i32
      %parallel_loop3A_715 = arith.cmpi eq, %parallel_loop3A_713, %parallel_loop3A_714 : i32
      %parallel_loop3A_716 = arith.constant 1 : i32
      %parallel_loop3A_717 = arith.select %parallel_loop3A_715, %parallel_loop3A_716, %parallel_loop3A_713 : i32
      %parallel_loop3A_718 = arith.remsi %parallel_loop3A_679, %parallel_loop3A_717 : i32
      %parallel_loop3A_719 = arith.constant 0 : i32
      %parallel_loop3A_720 = arith.cmpi ne, %parallel_loop3A_718, %parallel_loop3A_719 : i32
      %parallel_loop3A_721 = arith.constant 0 : i32
      %parallel_loop3A_722 = arith.cmpi slt, %parallel_loop3A_718, %parallel_loop3A_721 : i32
      %parallel_loop3A_723 = arith.constant 0 : i32
      %parallel_loop3A_724 = arith.cmpi slt, %parallel_loop3A_717, %parallel_loop3A_723 : i32
      %parallel_loop3A_725 = arith.xori %parallel_loop3A_722, %parallel_loop3A_724 : i1
      %parallel_loop3A_726 = arith.andi %parallel_loop3A_725, %parallel_loop3A_720 : i1
      %parallel_loop3A_727 = arith.addi %parallel_loop3A_718, %parallel_loop3A_717 : i32
      %parallel_loop3A_728 = arith.select %parallel_loop3A_726, %parallel_loop3A_727, %parallel_loop3A_718 : i32
      %parallel_loop3A_729 = arith.constant 16 : i32
      %parallel_loop3A_730 = arith.muli %parallel_loop3A_728, %parallel_loop3A_729 : i32
      %parallel_loop3A_731 = arith.constant 0 : i32
      %parallel_loop3A_732 = arith.constant 168 : i32
      %parallel_loop3A_733 = arith.constant 1 : i32
      scf.for %parallel_loop3A_734 = %parallel_loop3A_731 to %parallel_loop3A_732 step %parallel_loop3A_733  : i32 {
        %parallel_loop3A_735 = vector.broadcast %parallel_loop3A_734 : i32 to vector<16xi32>
        %parallel_loop3A_736 = arith.addi %parallel_loop3A_688, %parallel_loop3A_735 : vector<16xi32>
        %parallel_loop3A_737 = tpu.vector_load_idx %arg7[%parallel_loop3A_736] : memref<352xf32, #tpu.memory_space<vmem>>[vector<16xi32>], vector<16xf32>,
        %parallel_loop3A_738 = arith.constant 8 : i32
        %parallel_loop3A_739 = arith.divsi %parallel_loop3A_734, %parallel_loop3A_738 : i32
        %parallel_loop3A_740 = arith.constant 0 : i32
        %parallel_loop3A_741 = arith.cmpi sgt, %parallel_loop3A_734, %parallel_loop3A_740 : i32
        %parallel_loop3A_742 = arith.extui %parallel_loop3A_741 : i1 to i32
        %parallel_loop3A_743 = arith.constant 0 : i32
        %parallel_loop3A_744 = arith.cmpi slt, %parallel_loop3A_734, %parallel_loop3A_743 : i32
        %parallel_loop3A_745 = arith.extui %parallel_loop3A_744 : i1 to i32
        %parallel_loop3A_746 = arith.subi %parallel_loop3A_742, %parallel_loop3A_745 : i32
        %parallel_loop3A_747 = arith.constant 0 : i32
        %parallel_loop3A_748 = arith.cmpi sgt, %parallel_loop3A_738, %parallel_loop3A_747 : i32
        %parallel_loop3A_749 = arith.extui %parallel_loop3A_748 : i1 to i32
        %parallel_loop3A_750 = arith.constant 0 : i32
        %parallel_loop3A_751 = arith.cmpi slt, %parallel_loop3A_738, %parallel_loop3A_750 : i32
        %parallel_loop3A_752 = arith.extui %parallel_loop3A_751 : i1 to i32
        %parallel_loop3A_753 = arith.subi %parallel_loop3A_749, %parallel_loop3A_752 : i32
        %parallel_loop3A_754 = arith.cmpi ne, %parallel_loop3A_746, %parallel_loop3A_753 : i32
        %parallel_loop3A_755 = arith.remsi %parallel_loop3A_734, %parallel_loop3A_738 : i32
        %parallel_loop3A_756 = arith.constant 0 : i32
        %parallel_loop3A_757 = arith.cmpi ne, %parallel_loop3A_755, %parallel_loop3A_756 : i32
        %parallel_loop3A_758 = arith.andi %parallel_loop3A_754, %parallel_loop3A_757 : i1
        %parallel_loop3A_759 = arith.constant 1 : i32
        %parallel_loop3A_760 = arith.subi %parallel_loop3A_739, %parallel_loop3A_759 : i32
        %parallel_loop3A_761 = arith.select %parallel_loop3A_758, %parallel_loop3A_760, %parallel_loop3A_739 : i32
        %parallel_loop3A_762 = arith.constant 8 : i32
        %parallel_loop3A_763 = arith.constant 0 : i32
        %parallel_loop3A_764 = arith.cmpi eq, %parallel_loop3A_762, %parallel_loop3A_763 : i32
        %parallel_loop3A_765 = arith.constant 1 : i32
        %parallel_loop3A_766 = arith.select %parallel_loop3A_764, %parallel_loop3A_765, %parallel_loop3A_762 : i32
        %parallel_loop3A_767 = arith.remsi %parallel_loop3A_734, %parallel_loop3A_766 : i32
        %parallel_loop3A_768 = arith.constant 0 : i32
        %parallel_loop3A_769 = arith.cmpi ne, %parallel_loop3A_767, %parallel_loop3A_768 : i32
        %parallel_loop3A_770 = arith.constant 0 : i32
        %parallel_loop3A_771 = arith.cmpi slt, %parallel_loop3A_767, %parallel_loop3A_770 : i32
        %parallel_loop3A_772 = arith.constant 0 : i32
        %parallel_loop3A_773 = arith.cmpi slt, %parallel_loop3A_766, %parallel_loop3A_772 : i32
        %parallel_loop3A_774 = arith.xori %parallel_loop3A_771, %parallel_loop3A_773 : i1
        %parallel_loop3A_775 = arith.andi %parallel_loop3A_774, %parallel_loop3A_769 : i1
        %parallel_loop3A_776 = arith.addi %parallel_loop3A_767, %parallel_loop3A_766 : i32
        %parallel_loop3A_777 = arith.select %parallel_loop3A_775, %parallel_loop3A_776, %parallel_loop3A_767 : i32
        %parallel_loop3A_778 = arith.index_cast %parallel_loop3A_761 : i32 to index
        %parallel_loop3A_779 = arith.index_cast %parallel_loop3A_712 : i32 to index
        %parallel_loop3A_780 = arith.index_cast %parallel_loop3A_777 : i32 to index
        %parallel_loop3A_781 = arith.index_cast %parallel_loop3A_730 : i32 to index
        %parallel_loop3A_782 = tpu.vector_load %arg8[%parallel_loop3A_778, %parallel_loop3A_779, %parallel_loop3A_780, %parallel_loop3A_781] {strides = array<i32>} : memref<21x2x8x128xf32, #tpu.memory_space<vmem>>, vector<16xf32>,
        tpu.vector_store %arg8[%parallel_loop3A_778, %parallel_loop3A_779, %parallel_loop3A_780, %parallel_loop3A_781], %parallel_loop3A_737 {strides = array<i32>} : memref<21x2x8x128xf32, #tpu.memory_space<vmem>>, vector<16xf32>,
      } {sc.loop_unroll_factor = 24 : i64, sc.parallel_access}
    } {sc.loop_unroll_factor = 1 : i64, sc.parallel_access}
    %mul3A_582 = arith.constant 16 : i32
    %mul3A_583 = arith.muli %add3A, %mul3A_582 : i32
    %add3A_584 = arith.constant 8 : i32
    %add3A_585 = arith.addi %mul3A_583, %add3A_584 : i32
    %dma_start3A_586 = arith.constant 0 : i32
    %dma_start3A_587 = arith.constant 0 : i32
    %dma_start3A_588 = arith.constant 0 : i32
    %dma_start3A_589 = tpu.memref_slice %arg4[%dma_start3A_586, %add3A_585, %dma_start3A_587, %dma_start3A_588] : memref<21x512x8x128xf32, #tpu.memory_space<hbm>> -> memref<21x2x8x128xf32, #tpu.memory_space<hbm>>
    %dma_start3A_590 = arith.constant 0 : i32
    %dma_start3A_591 = arith.constant 0 : i32
    %dma_start3A_592 = arith.constant 0 : i32
    %dma_start3A_593 = tpu.memref_slice %arg4[%dma_start3A_590, %add3A_585, %dma_start3A_591, %dma_start3A_592] : memref<21x512x8x128xf32, #tpu.memory_space<hbm>> -> memref<21x2x8x128xf32, #tpu.memory_space<hbm>>
    tpu.enqueue_dma source(%arg8 : memref<21x2x8x128xf32, #tpu.memory_space<vmem>>) target(%dma_start3A_593 : memref<21x2x8x128xf32, #tpu.memory_space<hbm>>) target_semaphore(%arg10 : memref<!tpu.dma_semaphore, #tpu.memory_space<semaphore_mem>>)
    %dma_wait3A_594 = arith.constant 0 : i32
    %dma_wait3A_595 = arith.constant 0 : i32
    %dma_wait3A_596 = arith.constant 0 : i32
    %dma_wait3A_597 = tpu.memref_slice %arg4[%dma_wait3A_594, %add3A_562, %dma_wait3A_595, %dma_wait3A_596] : memref<21x512x8x128xf32, #tpu.memory_space<hbm>> -> memref<21x2x8x128xf32, #tpu.memory_space<hbm>>
    %dma_wait3A_598 = arith.constant 0 : i32
    %dma_wait3A_599 = arith.constant 0 : i32
    %dma_wait3A_600 = arith.constant 0 : i32
    %dma_wait3A_601 = tpu.memref_slice %arg4[%dma_wait3A_598, %add3A_562, %dma_wait3A_599, %dma_wait3A_600] : memref<21x512x8x128xf32, #tpu.memory_space<hbm>> -> memref<21x2x8x128xf32, #tpu.memory_space<hbm>>
    tpu.wait_dma2 semaphore(%arg11 : memref<!tpu.dma_semaphore, #tpu.memory_space<semaphore_mem>>) src(%arg9 : memref<21x2x8x128xf32, #tpu.memory_space<vmem>>) dst(%dma_wait3A_601 : memref<21x2x8x128xf32, #tpu.memory_space<hbm>>)
    %parallel_loop3A_602 = arith.constant 0 : i32
    %parallel_loop3A_603 = arith.constant 16 : i32
    %parallel_loop3A_604 = arith.constant 1 : i32
    scf.for %parallel_loop3A_679 = %parallel_loop3A_602 to %parallel_loop3A_603 step %parallel_loop3A_604  : i32 {
      %parallel_loop3A_680 = arith.constant 16 : i32
      %parallel_loop3A_681 = arith.muli %parallel_loop3A_679, %parallel_loop3A_680 : i32
      %parallel_loop3A_682 = arith.constant 1280 : i32
      %parallel_loop3A_683 = arith.addi %parallel_loop3A_682, %parallel_loop3A_681 : i32
      %parallel_loop3A_684 = arith.index_cast %parallel_loop3A_683 : i32 to index
      %parallel_loop3A_685 = tpu.vector_load %arg5[%parallel_loop3A_684] {strides = array<i32>} : memref<2048xi32, #tpu.memory_space<vmem>>, vector<16xi32>,
      %parallel_loop3A_686 = arith.constant 168 : i32
      %parallel_loop3A_687 = vector.broadcast %parallel_loop3A_686 : i32 to vector<16xi32>
      %parallel_loop3A_688 = arith.remsi %parallel_loop3A_685, %parallel_loop3A_687 : vector<16xi32>
      %parallel_loop3A_689 = arith.constant 8 : i32
      %parallel_loop3A_690 = arith.divsi %parallel_loop3A_679, %parallel_loop3A_689 : i32
      %parallel_loop3A_691 = arith.constant 0 : i32
      %parallel_loop3A_692 = arith.cmpi sgt, %parallel_loop3A_679, %parallel_loop3A_691 : i32
      %parallel_loop3A_693 = arith.extui %parallel_loop3A_692 : i1 to i32
      %parallel_loop3A_694 = arith.constant 0 : i32
      %parallel_loop3A_695 = arith.cmpi slt, %parallel_loop3A_679, %parallel_loop3A_694 : i32
      %parallel_loop3A_696 = arith.extui %parallel_loop3A_695 : i1 to i32
      %parallel_loop3A_697 = arith.subi %parallel_loop3A_693, %parallel_loop3A_696 : i32
      %parallel_loop3A_698 = arith.constant 0 : i32
      %parallel_loop3A_699 = arith.cmpi sgt, %parallel_loop3A_689, %parallel_loop3A_698 : i32
      %parallel_loop3A_700 = arith.extui %parallel_loop3A_699 : i1 to i32
      %parallel_loop3A_701 = arith.constant 0 : i32
      %parallel_loop3A_702 = arith.cmpi slt, %parallel_loop3A_689, %parallel_loop3A_701 : i32
      %parallel_loop3A_703 = arith.extui %parallel_loop3A_702 : i1 to i32
      %parallel_loop3A_704 = arith.subi %parallel_loop3A_700, %parallel_loop3A_703 : i32
      %parallel_loop3A_705 = arith.cmpi ne, %parallel_loop3A_697, %parallel_loop3A_704 : i32
      %parallel_loop3A_706 = arith.remsi %parallel_loop3A_679, %parallel_loop3A_689 : i32
      %parallel_loop3A_707 = arith.constant 0 : i32
      %parallel_loop3A_708 = arith.cmpi ne, %parallel_loop3A_706, %parallel_loop3A_707 : i32
      %parallel_loop3A_709 = arith.andi %parallel_loop3A_705, %parallel_loop3A_708 : i1
      %parallel_loop3A_710 = arith.constant 1 : i32
      %parallel_loop3A_711 = arith.subi %parallel_loop3A_690, %parallel_loop3A_710 : i32
      %parallel_loop3A_712 = arith.select %parallel_loop3A_709, %parallel_loop3A_711, %parallel_loop3A_690 : i32
      %parallel_loop3A_713 = arith.constant 8 : i32
      %parallel_loop3A_714 = arith.constant 0 : i32
      %parallel_loop3A_715 = arith.cmpi eq, %parallel_loop3A_713, %parallel_loop3A_714 : i32
      %parallel_loop3A_716 = arith.constant 1 : i32
      %parallel_loop3A_717 = arith.select %parallel_loop3A_715, %parallel_loop3A_716, %parallel_loop3A_713 : i32
      %parallel_loop3A_718 = arith.remsi %parallel_loop3A_679, %parallel_loop3A_717 : i32
      %parallel_loop3A_719 = arith.constant 0 : i32
      %parallel_loop3A_720 = arith.cmpi ne, %parallel_loop3A_718, %parallel_loop3A_719 : i32
      %parallel_loop3A_721 = arith.constant 0 : i32
      %parallel_loop3A_722 = arith.cmpi slt, %parallel_loop3A_718, %parallel_loop3A_721 : i32
      %parallel_loop3A_723 = arith.constant 0 : i32
      %parallel_loop3A_724 = arith.cmpi slt, %parallel_loop3A_717, %parallel_loop3A_723 : i32
      %parallel_loop3A_725 = arith.xori %parallel_loop3A_722, %parallel_loop3A_724 : i1
      %parallel_loop3A_726 = arith.andi %parallel_loop3A_725, %parallel_loop3A_720 : i1
      %parallel_loop3A_727 = arith.addi %parallel_loop3A_718, %parallel_loop3A_717 : i32
      %parallel_loop3A_728 = arith.select %parallel_loop3A_726, %parallel_loop3A_727, %parallel_loop3A_718 : i32
      %parallel_loop3A_729 = arith.constant 16 : i32
      %parallel_loop3A_730 = arith.muli %parallel_loop3A_728, %parallel_loop3A_729 : i32
      %parallel_loop3A_731 = arith.constant 0 : i32
      %parallel_loop3A_732 = arith.constant 168 : i32
      %parallel_loop3A_733 = arith.constant 1 : i32
      scf.for %parallel_loop3A_734 = %parallel_loop3A_731 to %parallel_loop3A_732 step %parallel_loop3A_733  : i32 {
        %parallel_loop3A_735 = vector.broadcast %parallel_loop3A_734 : i32 to vector<16xi32>
        %parallel_loop3A_736 = arith.addi %parallel_loop3A_688, %parallel_loop3A_735 : vector<16xi32>
        %parallel_loop3A_737 = tpu.vector_load_idx %arg7[%parallel_loop3A_736] : memref<352xf32, #tpu.memory_space<vmem>>[vector<16xi32>], vector<16xf32>,
        %parallel_loop3A_738 = arith.constant 8 : i32
        %parallel_loop3A_739 = arith.divsi %parallel_loop3A_734, %parallel_loop3A_738 : i32
        %parallel_loop3A_740 = arith.constant 0 : i32
        %parallel_loop3A_741 = arith.cmpi sgt, %parallel_loop3A_734, %parallel_loop3A_740 : i32
        %parallel_loop3A_742 = arith.extui %parallel_loop3A_741 : i1 to i32
        %parallel_loop3A_743 = arith.constant 0 : i32
        %parallel_loop3A_744 = arith.cmpi slt, %parallel_loop3A_734, %parallel_loop3A_743 : i32
        %parallel_loop3A_745 = arith.extui %parallel_loop3A_744 : i1 to i32
        %parallel_loop3A_746 = arith.subi %parallel_loop3A_742, %parallel_loop3A_745 : i32
        %parallel_loop3A_747 = arith.constant 0 : i32
        %parallel_loop3A_748 = arith.cmpi sgt, %parallel_loop3A_738, %parallel_loop3A_747 : i32
        %parallel_loop3A_749 = arith.extui %parallel_loop3A_748 : i1 to i32
        %parallel_loop3A_750 = arith.constant 0 : i32
        %parallel_loop3A_751 = arith.cmpi slt, %parallel_loop3A_738, %parallel_loop3A_750 : i32
        %parallel_loop3A_752 = arith.extui %parallel_loop3A_751 : i1 to i32
        %parallel_loop3A_753 = arith.subi %parallel_loop3A_749, %parallel_loop3A_752 : i32
        %parallel_loop3A_754 = arith.cmpi ne, %parallel_loop3A_746, %parallel_loop3A_753 : i32
        %parallel_loop3A_755 = arith.remsi %parallel_loop3A_734, %parallel_loop3A_738 : i32
        %parallel_loop3A_756 = arith.constant 0 : i32
        %parallel_loop3A_757 = arith.cmpi ne, %parallel_loop3A_755, %parallel_loop3A_756 : i32
        %parallel_loop3A_758 = arith.andi %parallel_loop3A_754, %parallel_loop3A_757 : i1
        %parallel_loop3A_759 = arith.constant 1 : i32
        %parallel_loop3A_760 = arith.subi %parallel_loop3A_739, %parallel_loop3A_759 : i32
        %parallel_loop3A_761 = arith.select %parallel_loop3A_758, %parallel_loop3A_760, %parallel_loop3A_739 : i32
        %parallel_loop3A_762 = arith.constant 8 : i32
        %parallel_loop3A_763 = arith.constant 0 : i32
        %parallel_loop3A_764 = arith.cmpi eq, %parallel_loop3A_762, %parallel_loop3A_763 : i32
        %parallel_loop3A_765 = arith.constant 1 : i32
        %parallel_loop3A_766 = arith.select %parallel_loop3A_764, %parallel_loop3A_765, %parallel_loop3A_762 : i32
        %parallel_loop3A_767 = arith.remsi %parallel_loop3A_734, %parallel_loop3A_766 : i32
        %parallel_loop3A_768 = arith.constant 0 : i32
        %parallel_loop3A_769 = arith.cmpi ne, %parallel_loop3A_767, %parallel_loop3A_768 : i32
        %parallel_loop3A_770 = arith.constant 0 : i32
        %parallel_loop3A_771 = arith.cmpi slt, %parallel_loop3A_767, %parallel_loop3A_770 : i32
        %parallel_loop3A_772 = arith.constant 0 : i32
        %parallel_loop3A_773 = arith.cmpi slt, %parallel_loop3A_766, %parallel_loop3A_772 : i32
        %parallel_loop3A_774 = arith.xori %parallel_loop3A_771, %parallel_loop3A_773 : i1
        %parallel_loop3A_775 = arith.andi %parallel_loop3A_774, %parallel_loop3A_769 : i1
        %parallel_loop3A_776 = arith.addi %parallel_loop3A_767, %parallel_loop3A_766 : i32
        %parallel_loop3A_777 = arith.select %parallel_loop3A_775, %parallel_loop3A_776, %parallel_loop3A_767 : i32
        %parallel_loop3A_778 = arith.index_cast %parallel_loop3A_761 : i32 to index
        %parallel_loop3A_779 = arith.index_cast %parallel_loop3A_712 : i32 to index
        %parallel_loop3A_780 = arith.index_cast %parallel_loop3A_777 : i32 to index
        %parallel_loop3A_781 = arith.index_cast %parallel_loop3A_730 : i32 to index
        %parallel_loop3A_782 = tpu.vector_load %arg9[%parallel_loop3A_778, %parallel_loop3A_779, %parallel_loop3A_780, %parallel_loop3A_781] {strides = array<i32>} : memref<21x2x8x128xf32, #tpu.memory_space<vmem>>, vector<16xf32>,
        tpu.vector_store %arg9[%parallel_loop3A_778, %parallel_loop3A_779, %parallel_loop3A_780, %parallel_loop3A_781], %parallel_loop3A_737 {strides = array<i32>} : memref<21x2x8x128xf32, #tpu.memory_space<vmem>>, vector<16xf32>,
      } {sc.loop_unroll_factor = 24 : i64, sc.parallel_access}
    } {sc.loop_unroll_factor = 1 : i64, sc.parallel_access}
    %mul3A_605 = arith.constant 16 : i32
    %mul3A_606 = arith.muli %add3A, %mul3A_605 : i32
    %add3A_607 = arith.constant 10 : i32
    %add3A_608 = arith.addi %mul3A_606, %add3A_607 : i32
    %dma_start3A_609 = arith.constant 0 : i32
    %dma_start3A_610 = arith.constant 0 : i32
    %dma_start3A_611 = arith.constant 0 : i32
    %dma_start3A_612 = tpu.memref_slice %arg4[%dma_start3A_609, %add3A_608, %dma_start3A_610, %dma_start3A_611] : memref<21x512x8x128xf32, #tpu.memory_space<hbm>> -> memref<21x2x8x128xf32, #tpu.memory_space<hbm>>
    %dma_start3A_613 = arith.constant 0 : i32
    %dma_start3A_614 = arith.constant 0 : i32
    %dma_start3A_615 = arith.constant 0 : i32
    %dma_start3A_616 = tpu.memref_slice %arg4[%dma_start3A_613, %add3A_608, %dma_start3A_614, %dma_start3A_615] : memref<21x512x8x128xf32, #tpu.memory_space<hbm>> -> memref<21x2x8x128xf32, #tpu.memory_space<hbm>>
    tpu.enqueue_dma source(%arg9 : memref<21x2x8x128xf32, #tpu.memory_space<vmem>>) target(%dma_start3A_616 : memref<21x2x8x128xf32, #tpu.memory_space<hbm>>) target_semaphore(%arg11 : memref<!tpu.dma_semaphore, #tpu.memory_space<semaphore_mem>>)
    %dma_wait3A_617 = arith.constant 0 : i32
    %dma_wait3A_618 = arith.constant 0 : i32
    %dma_wait3A_619 = arith.constant 0 : i32
    %dma_wait3A_620 = tpu.memref_slice %arg4[%dma_wait3A_617, %add3A_585, %dma_wait3A_618, %dma_wait3A_619] : memref<21x512x8x128xf32, #tpu.memory_space<hbm>> -> memref<21x2x8x128xf32, #tpu.memory_space<hbm>>
    %dma_wait3A_621 = arith.constant 0 : i32
    %dma_wait3A_622 = arith.constant 0 : i32
    %dma_wait3A_623 = arith.constant 0 : i32
    %dma_wait3A_624 = tpu.memref_slice %arg4[%dma_wait3A_621, %add3A_585, %dma_wait3A_622, %dma_wait3A_623] : memref<21x512x8x128xf32, #tpu.memory_space<hbm>> -> memref<21x2x8x128xf32, #tpu.memory_space<hbm>>
    tpu.wait_dma2 semaphore(%arg10 : memref<!tpu.dma_semaphore, #tpu.memory_space<semaphore_mem>>) src(%arg8 : memref<21x2x8x128xf32, #tpu.memory_space<vmem>>) dst(%dma_wait3A_624 : memref<21x2x8x128xf32, #tpu.memory_space<hbm>>)
    %parallel_loop3A_625 = arith.constant 0 : i32
    %parallel_loop3A_626 = arith.constant 16 : i32
    %parallel_loop3A_627 = arith.constant 1 : i32
    scf.for %parallel_loop3A_679 = %parallel_loop3A_625 to %parallel_loop3A_626 step %parallel_loop3A_627  : i32 {
      %parallel_loop3A_680 = arith.constant 16 : i32
      %parallel_loop3A_681 = arith.muli %parallel_loop3A_679, %parallel_loop3A_680 : i32
      %parallel_loop3A_682 = arith.constant 1536 : i32
      %parallel_loop3A_683 = arith.addi %parallel_loop3A_682, %parallel_loop3A_681 : i32
      %parallel_loop3A_684 = arith.index_cast %parallel_loop3A_683 : i32 to index
      %parallel_loop3A_685 = tpu.vector_load %arg5[%parallel_loop3A_684] {strides = array<i32>} : memref<2048xi32, #tpu.memory_space<vmem>>, vector<16xi32>,
      %parallel_loop3A_686 = arith.constant 168 : i32
      %parallel_loop3A_687 = vector.broadcast %parallel_loop3A_686 : i32 to vector<16xi32>
      %parallel_loop3A_688 = arith.remsi %parallel_loop3A_685, %parallel_loop3A_687 : vector<16xi32>
      %parallel_loop3A_689 = arith.constant 8 : i32
      %parallel_loop3A_690 = arith.divsi %parallel_loop3A_679, %parallel_loop3A_689 : i32
      %parallel_loop3A_691 = arith.constant 0 : i32
      %parallel_loop3A_692 = arith.cmpi sgt, %parallel_loop3A_679, %parallel_loop3A_691 : i32
      %parallel_loop3A_693 = arith.extui %parallel_loop3A_692 : i1 to i32
      %parallel_loop3A_694 = arith.constant 0 : i32
      %parallel_loop3A_695 = arith.cmpi slt, %parallel_loop3A_679, %parallel_loop3A_694 : i32
      %parallel_loop3A_696 = arith.extui %parallel_loop3A_695 : i1 to i32
      %parallel_loop3A_697 = arith.subi %parallel_loop3A_693, %parallel_loop3A_696 : i32
      %parallel_loop3A_698 = arith.constant 0 : i32
      %parallel_loop3A_699 = arith.cmpi sgt, %parallel_loop3A_689, %parallel_loop3A_698 : i32
      %parallel_loop3A_700 = arith.extui %parallel_loop3A_699 : i1 to i32
      %parallel_loop3A_701 = arith.constant 0 : i32
      %parallel_loop3A_702 = arith.cmpi slt, %parallel_loop3A_689, %parallel_loop3A_701 : i32
      %parallel_loop3A_703 = arith.extui %parallel_loop3A_702 : i1 to i32
      %parallel_loop3A_704 = arith.subi %parallel_loop3A_700, %parallel_loop3A_703 : i32
      %parallel_loop3A_705 = arith.cmpi ne, %parallel_loop3A_697, %parallel_loop3A_704 : i32
      %parallel_loop3A_706 = arith.remsi %parallel_loop3A_679, %parallel_loop3A_689 : i32
      %parallel_loop3A_707 = arith.constant 0 : i32
      %parallel_loop3A_708 = arith.cmpi ne, %parallel_loop3A_706, %parallel_loop3A_707 : i32
      %parallel_loop3A_709 = arith.andi %parallel_loop3A_705, %parallel_loop3A_708 : i1
      %parallel_loop3A_710 = arith.constant 1 : i32
      %parallel_loop3A_711 = arith.subi %parallel_loop3A_690, %parallel_loop3A_710 : i32
      %parallel_loop3A_712 = arith.select %parallel_loop3A_709, %parallel_loop3A_711, %parallel_loop3A_690 : i32
      %parallel_loop3A_713 = arith.constant 8 : i32
      %parallel_loop3A_714 = arith.constant 0 : i32
      %parallel_loop3A_715 = arith.cmpi eq, %parallel_loop3A_713, %parallel_loop3A_714 : i32
      %parallel_loop3A_716 = arith.constant 1 : i32
      %parallel_loop3A_717 = arith.select %parallel_loop3A_715, %parallel_loop3A_716, %parallel_loop3A_713 : i32
      %parallel_loop3A_718 = arith.remsi %parallel_loop3A_679, %parallel_loop3A_717 : i32
      %parallel_loop3A_719 = arith.constant 0 : i32
      %parallel_loop3A_720 = arith.cmpi ne, %parallel_loop3A_718, %parallel_loop3A_719 : i32
      %parallel_loop3A_721 = arith.constant 0 : i32
      %parallel_loop3A_722 = arith.cmpi slt, %parallel_loop3A_718, %parallel_loop3A_721 : i32
      %parallel_loop3A_723 = arith.constant 0 : i32
      %parallel_loop3A_724 = arith.cmpi slt, %parallel_loop3A_717, %parallel_loop3A_723 : i32
      %parallel_loop3A_725 = arith.xori %parallel_loop3A_722, %parallel_loop3A_724 : i1
      %parallel_loop3A_726 = arith.andi %parallel_loop3A_725, %parallel_loop3A_720 : i1
      %parallel_loop3A_727 = arith.addi %parallel_loop3A_718, %parallel_loop3A_717 : i32
      %parallel_loop3A_728 = arith.select %parallel_loop3A_726, %parallel_loop3A_727, %parallel_loop3A_718 : i32
      %parallel_loop3A_729 = arith.constant 16 : i32
      %parallel_loop3A_730 = arith.muli %parallel_loop3A_728, %parallel_loop3A_729 : i32
      %parallel_loop3A_731 = arith.constant 0 : i32
      %parallel_loop3A_732 = arith.constant 168 : i32
      %parallel_loop3A_733 = arith.constant 1 : i32
      scf.for %parallel_loop3A_734 = %parallel_loop3A_731 to %parallel_loop3A_732 step %parallel_loop3A_733  : i32 {
        %parallel_loop3A_735 = vector.broadcast %parallel_loop3A_734 : i32 to vector<16xi32>
        %parallel_loop3A_736 = arith.addi %parallel_loop3A_688, %parallel_loop3A_735 : vector<16xi32>
        %parallel_loop3A_737 = tpu.vector_load_idx %arg7[%parallel_loop3A_736] : memref<352xf32, #tpu.memory_space<vmem>>[vector<16xi32>], vector<16xf32>,
        %parallel_loop3A_738 = arith.constant 8 : i32
        %parallel_loop3A_739 = arith.divsi %parallel_loop3A_734, %parallel_loop3A_738 : i32
        %parallel_loop3A_740 = arith.constant 0 : i32
        %parallel_loop3A_741 = arith.cmpi sgt, %parallel_loop3A_734, %parallel_loop3A_740 : i32
        %parallel_loop3A_742 = arith.extui %parallel_loop3A_741 : i1 to i32
        %parallel_loop3A_743 = arith.constant 0 : i32
        %parallel_loop3A_744 = arith.cmpi slt, %parallel_loop3A_734, %parallel_loop3A_743 : i32
        %parallel_loop3A_745 = arith.extui %parallel_loop3A_744 : i1 to i32
        %parallel_loop3A_746 = arith.subi %parallel_loop3A_742, %parallel_loop3A_745 : i32
        %parallel_loop3A_747 = arith.constant 0 : i32
        %parallel_loop3A_748 = arith.cmpi sgt, %parallel_loop3A_738, %parallel_loop3A_747 : i32
        %parallel_loop3A_749 = arith.extui %parallel_loop3A_748 : i1 to i32
        %parallel_loop3A_750 = arith.constant 0 : i32
        %parallel_loop3A_751 = arith.cmpi slt, %parallel_loop3A_738, %parallel_loop3A_750 : i32
        %parallel_loop3A_752 = arith.extui %parallel_loop3A_751 : i1 to i32
        %parallel_loop3A_753 = arith.subi %parallel_loop3A_749, %parallel_loop3A_752 : i32
        %parallel_loop3A_754 = arith.cmpi ne, %parallel_loop3A_746, %parallel_loop3A_753 : i32
        %parallel_loop3A_755 = arith.remsi %parallel_loop3A_734, %parallel_loop3A_738 : i32
        %parallel_loop3A_756 = arith.constant 0 : i32
        %parallel_loop3A_757 = arith.cmpi ne, %parallel_loop3A_755, %parallel_loop3A_756 : i32
        %parallel_loop3A_758 = arith.andi %parallel_loop3A_754, %parallel_loop3A_757 : i1
        %parallel_loop3A_759 = arith.constant 1 : i32
        %parallel_loop3A_760 = arith.subi %parallel_loop3A_739, %parallel_loop3A_759 : i32
        %parallel_loop3A_761 = arith.select %parallel_loop3A_758, %parallel_loop3A_760, %parallel_loop3A_739 : i32
        %parallel_loop3A_762 = arith.constant 8 : i32
        %parallel_loop3A_763 = arith.constant 0 : i32
        %parallel_loop3A_764 = arith.cmpi eq, %parallel_loop3A_762, %parallel_loop3A_763 : i32
        %parallel_loop3A_765 = arith.constant 1 : i32
        %parallel_loop3A_766 = arith.select %parallel_loop3A_764, %parallel_loop3A_765, %parallel_loop3A_762 : i32
        %parallel_loop3A_767 = arith.remsi %parallel_loop3A_734, %parallel_loop3A_766 : i32
        %parallel_loop3A_768 = arith.constant 0 : i32
        %parallel_loop3A_769 = arith.cmpi ne, %parallel_loop3A_767, %parallel_loop3A_768 : i32
        %parallel_loop3A_770 = arith.constant 0 : i32
        %parallel_loop3A_771 = arith.cmpi slt, %parallel_loop3A_767, %parallel_loop3A_770 : i32
        %parallel_loop3A_772 = arith.constant 0 : i32
        %parallel_loop3A_773 = arith.cmpi slt, %parallel_loop3A_766, %parallel_loop3A_772 : i32
        %parallel_loop3A_774 = arith.xori %parallel_loop3A_771, %parallel_loop3A_773 : i1
        %parallel_loop3A_775 = arith.andi %parallel_loop3A_774, %parallel_loop3A_769 : i1
        %parallel_loop3A_776 = arith.addi %parallel_loop3A_767, %parallel_loop3A_766 : i32
        %parallel_loop3A_777 = arith.select %parallel_loop3A_775, %parallel_loop3A_776, %parallel_loop3A_767 : i32
        %parallel_loop3A_778 = arith.index_cast %parallel_loop3A_761 : i32 to index
        %parallel_loop3A_779 = arith.index_cast %parallel_loop3A_712 : i32 to index
        %parallel_loop3A_780 = arith.index_cast %parallel_loop3A_777 : i32 to index
        %parallel_loop3A_781 = arith.index_cast %parallel_loop3A_730 : i32 to index
        %parallel_loop3A_782 = tpu.vector_load %arg8[%parallel_loop3A_778, %parallel_loop3A_779, %parallel_loop3A_780, %parallel_loop3A_781] {strides = array<i32>} : memref<21x2x8x128xf32, #tpu.memory_space<vmem>>, vector<16xf32>,
        tpu.vector_store %arg8[%parallel_loop3A_778, %parallel_loop3A_779, %parallel_loop3A_780, %parallel_loop3A_781], %parallel_loop3A_737 {strides = array<i32>} : memref<21x2x8x128xf32, #tpu.memory_space<vmem>>, vector<16xf32>,
      } {sc.loop_unroll_factor = 24 : i64, sc.parallel_access}
    } {sc.loop_unroll_factor = 1 : i64, sc.parallel_access}
    %mul3A_628 = arith.constant 16 : i32
    %mul3A_629 = arith.muli %add3A, %mul3A_628 : i32
    %add3A_630 = arith.constant 12 : i32
    %add3A_631 = arith.addi %mul3A_629, %add3A_630 : i32
    %dma_start3A_632 = arith.constant 0 : i32
    %dma_start3A_633 = arith.constant 0 : i32
    %dma_start3A_634 = arith.constant 0 : i32
    %dma_start3A_635 = tpu.memref_slice %arg4[%dma_start3A_632, %add3A_631, %dma_start3A_633, %dma_start3A_634] : memref<21x512x8x128xf32, #tpu.memory_space<hbm>> -> memref<21x2x8x128xf32, #tpu.memory_space<hbm>>
    %dma_start3A_636 = arith.constant 0 : i32
    %dma_start3A_637 = arith.constant 0 : i32
    %dma_start3A_638 = arith.constant 0 : i32
    %dma_start3A_639 = tpu.memref_slice %arg4[%dma_start3A_636, %add3A_631, %dma_start3A_637, %dma_start3A_638] : memref<21x512x8x128xf32, #tpu.memory_space<hbm>> -> memref<21x2x8x128xf32, #tpu.memory_space<hbm>>
    tpu.enqueue_dma source(%arg8 : memref<21x2x8x128xf32, #tpu.memory_space<vmem>>) target(%dma_start3A_639 : memref<21x2x8x128xf32, #tpu.memory_space<hbm>>) target_semaphore(%arg10 : memref<!tpu.dma_semaphore, #tpu.memory_space<semaphore_mem>>)
    %dma_wait3A_640 = arith.constant 0 : i32
    %dma_wait3A_641 = arith.constant 0 : i32
    %dma_wait3A_642 = arith.constant 0 : i32
    %dma_wait3A_643 = tpu.memref_slice %arg4[%dma_wait3A_640, %add3A_608, %dma_wait3A_641, %dma_wait3A_642] : memref<21x512x8x128xf32, #tpu.memory_space<hbm>> -> memref<21x2x8x128xf32, #tpu.memory_space<hbm>>
    %dma_wait3A_644 = arith.constant 0 : i32
    %dma_wait3A_645 = arith.constant 0 : i32
    %dma_wait3A_646 = arith.constant 0 : i32
    %dma_wait3A_647 = tpu.memref_slice %arg4[%dma_wait3A_644, %add3A_608, %dma_wait3A_645, %dma_wait3A_646] : memref<21x512x8x128xf32, #tpu.memory_space<hbm>> -> memref<21x2x8x128xf32, #tpu.memory_space<hbm>>
    tpu.wait_dma2 semaphore(%arg11 : memref<!tpu.dma_semaphore, #tpu.memory_space<semaphore_mem>>) src(%arg9 : memref<21x2x8x128xf32, #tpu.memory_space<vmem>>) dst(%dma_wait3A_647 : memref<21x2x8x128xf32, #tpu.memory_space<hbm>>)
    %parallel_loop3A_648 = arith.constant 0 : i32
    %parallel_loop3A_649 = arith.constant 16 : i32
    %parallel_loop3A_650 = arith.constant 1 : i32
    scf.for %parallel_loop3A_679 = %parallel_loop3A_648 to %parallel_loop3A_649 step %parallel_loop3A_650  : i32 {
      %parallel_loop3A_680 = arith.constant 16 : i32
      %parallel_loop3A_681 = arith.muli %parallel_loop3A_679, %parallel_loop3A_680 : i32
      %parallel_loop3A_682 = arith.constant 1792 : i32
      %parallel_loop3A_683 = arith.addi %parallel_loop3A_682, %parallel_loop3A_681 : i32
      %parallel_loop3A_684 = arith.index_cast %parallel_loop3A_683 : i32 to index
      %parallel_loop3A_685 = tpu.vector_load %arg5[%parallel_loop3A_684] {strides = array<i32>} : memref<2048xi32, #tpu.memory_space<vmem>>, vector<16xi32>,
      %parallel_loop3A_686 = arith.constant 168 : i32
      %parallel_loop3A_687 = vector.broadcast %parallel_loop3A_686 : i32 to vector<16xi32>
      %parallel_loop3A_688 = arith.remsi %parallel_loop3A_685, %parallel_loop3A_687 : vector<16xi32>
      %parallel_loop3A_689 = arith.constant 8 : i32
      %parallel_loop3A_690 = arith.divsi %parallel_loop3A_679, %parallel_loop3A_689 : i32
      %parallel_loop3A_691 = arith.constant 0 : i32
      %parallel_loop3A_692 = arith.cmpi sgt, %parallel_loop3A_679, %parallel_loop3A_691 : i32
      %parallel_loop3A_693 = arith.extui %parallel_loop3A_692 : i1 to i32
      %parallel_loop3A_694 = arith.constant 0 : i32
      %parallel_loop3A_695 = arith.cmpi slt, %parallel_loop3A_679, %parallel_loop3A_694 : i32
      %parallel_loop3A_696 = arith.extui %parallel_loop3A_695 : i1 to i32
      %parallel_loop3A_697 = arith.subi %parallel_loop3A_693, %parallel_loop3A_696 : i32
      %parallel_loop3A_698 = arith.constant 0 : i32
      %parallel_loop3A_699 = arith.cmpi sgt, %parallel_loop3A_689, %parallel_loop3A_698 : i32
      %parallel_loop3A_700 = arith.extui %parallel_loop3A_699 : i1 to i32
      %parallel_loop3A_701 = arith.constant 0 : i32
      %parallel_loop3A_702 = arith.cmpi slt, %parallel_loop3A_689, %parallel_loop3A_701 : i32
      %parallel_loop3A_703 = arith.extui %parallel_loop3A_702 : i1 to i32
      %parallel_loop3A_704 = arith.subi %parallel_loop3A_700, %parallel_loop3A_703 : i32
      %parallel_loop3A_705 = arith.cmpi ne, %parallel_loop3A_697, %parallel_loop3A_704 : i32
      %parallel_loop3A_706 = arith.remsi %parallel_loop3A_679, %parallel_loop3A_689 : i32
      %parallel_loop3A_707 = arith.constant 0 : i32
      %parallel_loop3A_708 = arith.cmpi ne, %parallel_loop3A_706, %parallel_loop3A_707 : i32
      %parallel_loop3A_709 = arith.andi %parallel_loop3A_705, %parallel_loop3A_708 : i1
      %parallel_loop3A_710 = arith.constant 1 : i32
      %parallel_loop3A_711 = arith.subi %parallel_loop3A_690, %parallel_loop3A_710 : i32
      %parallel_loop3A_712 = arith.select %parallel_loop3A_709, %parallel_loop3A_711, %parallel_loop3A_690 : i32
      %parallel_loop3A_713 = arith.constant 8 : i32
      %parallel_loop3A_714 = arith.constant 0 : i32
      %parallel_loop3A_715 = arith.cmpi eq, %parallel_loop3A_713, %parallel_loop3A_714 : i32
      %parallel_loop3A_716 = arith.constant 1 : i32
      %parallel_loop3A_717 = arith.select %parallel_loop3A_715, %parallel_loop3A_716, %parallel_loop3A_713 : i32
      %parallel_loop3A_718 = arith.remsi %parallel_loop3A_679, %parallel_loop3A_717 : i32
      %parallel_loop3A_719 = arith.constant 0 : i32
      %parallel_loop3A_720 = arith.cmpi ne, %parallel_loop3A_718, %parallel_loop3A_719 : i32
      %parallel_loop3A_721 = arith.constant 0 : i32
      %parallel_loop3A_722 = arith.cmpi slt, %parallel_loop3A_718, %parallel_loop3A_721 : i32
      %parallel_loop3A_723 = arith.constant 0 : i32
      %parallel_loop3A_724 = arith.cmpi slt, %parallel_loop3A_717, %parallel_loop3A_723 : i32
      %parallel_loop3A_725 = arith.xori %parallel_loop3A_722, %parallel_loop3A_724 : i1
      %parallel_loop3A_726 = arith.andi %parallel_loop3A_725, %parallel_loop3A_720 : i1
      %parallel_loop3A_727 = arith.addi %parallel_loop3A_718, %parallel_loop3A_717 : i32
      %parallel_loop3A_728 = arith.select %parallel_loop3A_726, %parallel_loop3A_727, %parallel_loop3A_718 : i32
      %parallel_loop3A_729 = arith.constant 16 : i32
      %parallel_loop3A_730 = arith.muli %parallel_loop3A_728, %parallel_loop3A_729 : i32
      %parallel_loop3A_731 = arith.constant 0 : i32
      %parallel_loop3A_732 = arith.constant 168 : i32
      %parallel_loop3A_733 = arith.constant 1 : i32
      scf.for %parallel_loop3A_734 = %parallel_loop3A_731 to %parallel_loop3A_732 step %parallel_loop3A_733  : i32 {
        %parallel_loop3A_735 = vector.broadcast %parallel_loop3A_734 : i32 to vector<16xi32>
        %parallel_loop3A_736 = arith.addi %parallel_loop3A_688, %parallel_loop3A_735 : vector<16xi32>
        %parallel_loop3A_737 = tpu.vector_load_idx %arg7[%parallel_loop3A_736] : memref<352xf32, #tpu.memory_space<vmem>>[vector<16xi32>], vector<16xf32>,
        %parallel_loop3A_738 = arith.constant 8 : i32
        %parallel_loop3A_739 = arith.divsi %parallel_loop3A_734, %parallel_loop3A_738 : i32
        %parallel_loop3A_740 = arith.constant 0 : i32
        %parallel_loop3A_741 = arith.cmpi sgt, %parallel_loop3A_734, %parallel_loop3A_740 : i32
        %parallel_loop3A_742 = arith.extui %parallel_loop3A_741 : i1 to i32
        %parallel_loop3A_743 = arith.constant 0 : i32
        %parallel_loop3A_744 = arith.cmpi slt, %parallel_loop3A_734, %parallel_loop3A_743 : i32
        %parallel_loop3A_745 = arith.extui %parallel_loop3A_744 : i1 to i32
        %parallel_loop3A_746 = arith.subi %parallel_loop3A_742, %parallel_loop3A_745 : i32
        %parallel_loop3A_747 = arith.constant 0 : i32
        %parallel_loop3A_748 = arith.cmpi sgt, %parallel_loop3A_738, %parallel_loop3A_747 : i32
        %parallel_loop3A_749 = arith.extui %parallel_loop3A_748 : i1 to i32
        %parallel_loop3A_750 = arith.constant 0 : i32
        %parallel_loop3A_751 = arith.cmpi slt, %parallel_loop3A_738, %parallel_loop3A_750 : i32
        %parallel_loop3A_752 = arith.extui %parallel_loop3A_751 : i1 to i32
        %parallel_loop3A_753 = arith.subi %parallel_loop3A_749, %parallel_loop3A_752 : i32
        %parallel_loop3A_754 = arith.cmpi ne, %parallel_loop3A_746, %parallel_loop3A_753 : i32
        %parallel_loop3A_755 = arith.remsi %parallel_loop3A_734, %parallel_loop3A_738 : i32
        %parallel_loop3A_756 = arith.constant 0 : i32
        %parallel_loop3A_757 = arith.cmpi ne, %parallel_loop3A_755, %parallel_loop3A_756 : i32
        %parallel_loop3A_758 = arith.andi %parallel_loop3A_754, %parallel_loop3A_757 : i1
        %parallel_loop3A_759 = arith.constant 1 : i32
        %parallel_loop3A_760 = arith.subi %parallel_loop3A_739, %parallel_loop3A_759 : i32
        %parallel_loop3A_761 = arith.select %parallel_loop3A_758, %parallel_loop3A_760, %parallel_loop3A_739 : i32
        %parallel_loop3A_762 = arith.constant 8 : i32
        %parallel_loop3A_763 = arith.constant 0 : i32
        %parallel_loop3A_764 = arith.cmpi eq, %parallel_loop3A_762, %parallel_loop3A_763 : i32
        %parallel_loop3A_765 = arith.constant 1 : i32
        %parallel_loop3A_766 = arith.select %parallel_loop3A_764, %parallel_loop3A_765, %parallel_loop3A_762 : i32
        %parallel_loop3A_767 = arith.remsi %parallel_loop3A_734, %parallel_loop3A_766 : i32
        %parallel_loop3A_768 = arith.constant 0 : i32
        %parallel_loop3A_769 = arith.cmpi ne, %parallel_loop3A_767, %parallel_loop3A_768 : i32
        %parallel_loop3A_770 = arith.constant 0 : i32
        %parallel_loop3A_771 = arith.cmpi slt, %parallel_loop3A_767, %parallel_loop3A_770 : i32
        %parallel_loop3A_772 = arith.constant 0 : i32
        %parallel_loop3A_773 = arith.cmpi slt, %parallel_loop3A_766, %parallel_loop3A_772 : i32
        %parallel_loop3A_774 = arith.xori %parallel_loop3A_771, %parallel_loop3A_773 : i1
        %parallel_loop3A_775 = arith.andi %parallel_loop3A_774, %parallel_loop3A_769 : i1
        %parallel_loop3A_776 = arith.addi %parallel_loop3A_767, %parallel_loop3A_766 : i32
        %parallel_loop3A_777 = arith.select %parallel_loop3A_775, %parallel_loop3A_776, %parallel_loop3A_767 : i32
        %parallel_loop3A_778 = arith.index_cast %parallel_loop3A_761 : i32 to index
        %parallel_loop3A_779 = arith.index_cast %parallel_loop3A_712 : i32 to index
        %parallel_loop3A_780 = arith.index_cast %parallel_loop3A_777 : i32 to index
        %parallel_loop3A_781 = arith.index_cast %parallel_loop3A_730 : i32 to index
        %parallel_loop3A_782 = tpu.vector_load %arg9[%parallel_loop3A_778, %parallel_loop3A_779, %parallel_loop3A_780, %parallel_loop3A_781] {strides = array<i32>} : memref<21x2x8x128xf32, #tpu.memory_space<vmem>>, vector<16xf32>,
        tpu.vector_store %arg9[%parallel_loop3A_778, %parallel_loop3A_779, %parallel_loop3A_780, %parallel_loop3A_781], %parallel_loop3A_737 {strides = array<i32>} : memref<21x2x8x128xf32, #tpu.memory_space<vmem>>, vector<16xf32>,
      } {sc.loop_unroll_factor = 24 : i64, sc.parallel_access}
    } {sc.loop_unroll_factor = 1 : i64, sc.parallel_access}
    %mul3A_651 = arith.constant 16 : i32
    %mul3A_652 = arith.muli %add3A, %mul3A_651 : i32
    %add3A_653 = arith.constant 14 : i32
    %add3A_654 = arith.addi %mul3A_652, %add3A_653 : i32
    %dma_start3A_655 = arith.constant 0 : i32
    %dma_start3A_656 = arith.constant 0 : i32
    %dma_start3A_657 = arith.constant 0 : i32
    %dma_start3A_658 = tpu.memref_slice %arg4[%dma_start3A_655, %add3A_654, %dma_start3A_656, %dma_start3A_657] : memref<21x512x8x128xf32, #tpu.memory_space<hbm>> -> memref<21x2x8x128xf32, #tpu.memory_space<hbm>>
    %dma_start3A_659 = arith.constant 0 : i32
    %dma_start3A_660 = arith.constant 0 : i32
    %dma_start3A_661 = arith.constant 0 : i32
    %dma_start3A_662 = tpu.memref_slice %arg4[%dma_start3A_659, %add3A_654, %dma_start3A_660, %dma_start3A_661] : memref<21x512x8x128xf32, #tpu.memory_space<hbm>> -> memref<21x2x8x128xf32, #tpu.memory_space<hbm>>
    tpu.enqueue_dma source(%arg9 : memref<21x2x8x128xf32, #tpu.memory_space<vmem>>) target(%dma_start3A_662 : memref<21x2x8x128xf32, #tpu.memory_space<hbm>>) target_semaphore(%arg11 : memref<!tpu.dma_semaphore, #tpu.memory_space<semaphore_mem>>)
    %dma_wait3A_663 = arith.constant 0 : i32
    %dma_wait3A_664 = arith.constant 0 : i32
    %dma_wait3A_665 = arith.constant 0 : i32
    %dma_wait3A_666 = tpu.memref_slice %arg4[%dma_wait3A_663, %add3A_631, %dma_wait3A_664, %dma_wait3A_665] : memref<21x512x8x128xf32, #tpu.memory_space<hbm>> -> memref<21x2x8x128xf32, #tpu.memory_space<hbm>>
    %dma_wait3A_667 = arith.constant 0 : i32
    %dma_wait3A_668 = arith.constant 0 : i32
    %dma_wait3A_669 = arith.constant 0 : i32
    %dma_wait3A_670 = tpu.memref_slice %arg4[%dma_wait3A_667, %add3A_631, %dma_wait3A_668, %dma_wait3A_669] : memref<21x512x8x128xf32, #tpu.memory_space<hbm>> -> memref<21x2x8x128xf32, #tpu.memory_space<hbm>>
    tpu.wait_dma2 semaphore(%arg10 : memref<!tpu.dma_semaphore, #tpu.memory_space<semaphore_mem>>) src(%arg8 : memref<21x2x8x128xf32, #tpu.memory_space<vmem>>) dst(%dma_wait3A_670 : memref<21x2x8x128xf32, #tpu.memory_space<hbm>>)
    %dma_wait3A_671 = arith.constant 0 : i32
    %dma_wait3A_672 = arith.constant 0 : i32
    %dma_wait3A_673 = arith.constant 0 : i32
    %dma_wait3A_674 = tpu.memref_slice %arg4[%dma_wait3A_671, %add3A_654, %dma_wait3A_672, %dma_wait3A_673] : memref<21x512x8x128xf32, #tpu.memory_space<hbm>> -> memref<21x2x8x128xf32, #tpu.memory_space<hbm>>
    %dma_wait3A_675 = arith.constant 0 : i32
    %dma_wait3A_676 = arith.constant 0 : i32
    %dma_wait3A_677 = arith.constant 0 : i32
    %dma_wait3A_678 = tpu.memref_slice %arg4[%dma_wait3A_675, %add3A_654, %dma_wait3A_676, %dma_wait3A_677] : memref<21x512x8x128xf32, #tpu.memory_space<hbm>> -> memref<21x2x8x128xf32, #tpu.memory_space<hbm>>
    tpu.wait_dma2 semaphore(%arg11 : memref<!tpu.dma_semaphore, #tpu.memory_space<semaphore_mem>>) src(%arg9 : memref<21x2x8x128xf32, #tpu.memory_space<vmem>>) dst(%dma_wait3A_678 : memref<21x2x8x128xf32, #tpu.memory_space<hbm>>)
    return
  }
}

</mosaic_0001>

<sc_bundles>
// kernel: kernel.3.cloned.1.call-start
scs
__scs_entry_jumppad:
0x0: {  	(pc) =	sbr.rel $0x88, $3  }
0x1: {  	(tag) =	ssettag $0x0;
	lr =	simm.s32 $0x1  }
0x2: {  	[smem:$0x3F9F] =	sst lr;
	_ =	strace $0xD0000000  }
0x3: {  	_ = 	snop  }
0x4: {  	_ = 	snop  }
0x5: {  	_ = 	snop  }
0x6: {  	_ = 	snop  }
0x7: {  	_ = 	snop  }
__scs_overlays_trampoline_lowered:
0x8: {  	[smem:$0x3FAE] =	sst s0  }
0x9: {  	[smem:$0x3FAF] =	sst s1  }
0xa: {  	[smem:$0x3FB0] =	sst s2  }
0xb: {  	[smem:$0x3FB1] =	sst s3  }
0xc: {  	[smem:$0x3FB2] =	sst s4  }
0xd: {  	[smem:$0x3FB3] =	sst s5  }
0xe: {  	[smem:$0x3FB4] =	sst s6  }
0xf: {  	[smem:$0x3FB5] =	sst s7  }
0x10: {  	[smem:$0x3FB6] =	sst s8  }
0x11: {  	[smem:$0x3FB7] =	sst s9;
	s0 =	simm.s32 @!p0 $0x0  }
0x12: {  	s1 =	sld [smem:$0x3F9D];
	s0 =	simm.s32 @p0 $0x1  }
0x13: {  	[smem:$0x3FB8] =	sst s0;
	s0 =	simm.s32 @!p1 $0x0  }
0x14: {  	s2 =	sld [smem:$0x3F9C];
	s0 =	simm.s32 @p1 $0x1  }
0x15: {  	[smem:$0x3FB9] =	sst s0;
	s0 =	simm.s32 @!p2 $0x0  }
0x16: {  	s3 =	sld [smem:$0x3FDB];
	s0 =	simm.s32 @p2 $0x1  }
0x17: {  	s4 =	simm.s32 $0x1BF5;
	[smem:$0x3FBB] =	sst s0  }
0x18: {  	s0 =	sld [smem:$0x3F9E];
	_ =	swait.ge [sflag:s4], $0x0  }
0x19: {  	s7 =	sld [smem:$0x3F9F]  }
0x1a: {  	s8 =	sadd.s32 $0xFFFFE003, lr  }
0x1b: {  	s9 =	sadd.s32 $0xFFFFFEF7, lr;
	s5 =	simm.s32 $0xFFFFFFFF;
	p2 =	slt.u32 s8, $0xFFFFF086  }
0x1c: {  	p1 =	slt.u32 s9, $0xF7A;
	s5 =	simm.s32 @!p2 $0x0  }
0x1d: {  	s5 =	simm.s32 @p1 $0x1;
	p0 =	seq.s32 s7, s2  }
0x1e: {  	s7 =	smul.u32 @!p0 $0xF7A, s2;
	p2 =	seq.s32 @!p0 s5, $0x0  }
0x1f: {  	s9 =	smul.u32 $0xF7A, s1;
	s8 =	simm.s32 @!p0 $0x1BF5;
	p2 =	por !p2, p0  }
0x20: {  	[sflag:s8] =	ssyncset.s32 @!p0 $0xFFFFF086;
	s6 =	sadd.s32 @!p0 s3, s7;
	s7 =	simm.s32 @!p0 $0x108  }
0x21: {  	s3 =	sadd.s32 s3, s9;
	s6 =	sadd.s32 @!p0 $0x88, s6;
	s7 =	simm.s32 @p2 $0x1082  }
0x22: {  	[simem:s7], [sflag:s8] =	dma.local @!p0 [hbm:s6], $0xF7A  }
0x23: {  	s9 =	sor.u32 $0xD0000000, s2;
	s6 =	simm.s32 $0x108;
	_ =	swait.ge @!p0 [sflag:s8], $0x0  }
0x24: {  	s3 =	sadd.s32 $0x88, s3;
	s6 =	simm.s32 @!p1 $0x1082;
	[sflag:s4] =	ssyncset.s32 $0xFFFFF086  }
0x25: {  	[simem:s6], [sflag:s4] =	dma.local [hbm:s3], $0xF7A  }
0x26: {  	[smem:$0x3F9F] =	sst s1;
	(tag) =	ssettag s2;
	_ =	strace s9  }
0x27: {  	s1 =	sld [smem:$0x3FAF]  }
0x28: {  	s2 =	sld [smem:$0x3FB0]  }
0x29: {  	s4 =	sld [smem:$0x3FB2]  }
0x2a: {  	p0 =	seq.s32 s5, $0x0;
	s5 =	sld [smem:$0x3FB3]  }
0x2b: {  	s6 =	sld [smem:$0x3FB4]  }
0x2c: {  	s7 =	sld [smem:$0x3FB5]  }
0x2d: {  	s3 =	simm.s32 $0x108;
	s8 =	sld [smem:$0x3FB6]  }
0x2e: {  	s3 =	simm.s32 @!p0 $0x1082;
	s9 =	sld [smem:$0x3FB7]  }
0x2f: {  	lr =	sadd.s32 s0, s3;
	s0 =	sld [smem:$0x3FAE]  }
0x30: {  	s3 =	sld [smem:$0x3FB1]  }
0x31: {  	[smem:$0x3FBA] =	sst s10  }
0x32: {  	s10 =	sld [smem:$0x3FB8];
	_ =	sdelay $0x3  }
0x33: {  	p0 =	seq.s32 s10, $0x1;
	s10 =	sld [smem:$0x3FBA];
	_ =	sdelay $0x3  }
0x34: {  	[smem:$0x3FBA] =	sst s10  }
0x35: {  	s10 =	sld [smem:$0x3FB9];
	_ =	sdelay $0x3  }
0x36: {  	p1 =	seq.s32 s10, $0x1;
	s10 =	sld [smem:$0x3FBA];
	_ =	sdelay $0x3  }
0x37: {  	[smem:$0x3FBA] =	sst s10  }
0x38: {  	s10 =	sld [smem:$0x3FBB]  }
0x39: {  	_ = 	snop;
	(pc) =	sbr.ind lr, $3  }
0x3a: {  	_ = 	snop  }
0x3b: {  	_ = 	snop  }
0x3c: {  	p2 =	seq.s32 s10, $0x1;
	s10 =	sld [smem:$0x3FBA]  }
0x3d: {  	_ =	shalt  }
0x3e: {  	_ =	shalt  }
0x3f: {  	_ =	shalt  }
0x40: {  	_ =	shalt  }
0x41: {  	_ =	shalt  }
0x42: {  	_ =	shalt  }
0x43: {  	_ =	shalt  }
0x44: {  	_ =	shalt  }
0x45: {  	_ =	shalt  }
0x46: {  	_ =	shalt  }
0x47: {  	_ =	shalt  }
0x48: {  	_ =	shalt  }
0x49: {  	_ =	shalt  }
0x4a: {  	_ =	shalt  }
0x4b: {  	_ =	shalt  }
0x4c: {  	_ =	shalt  }
0x4d: {  	_ =	shalt  }
0x4e: {  	_ =	shalt  }
0x4f: {  	_ =	shalt  }
0x50: {  	_ =	shalt  }
0x51: {  	_ =	shalt  }
0x52: {  	_ =	shalt  }
0x53: {  	_ =	shalt  }
0x54: {  	_ =	shalt  }
0x55: {  	_ =	shalt  }
0x56: {  	_ =	shalt  }
0x57: {  	_ =	shalt  }
0x58: {  	_ =	shalt  }
0x59: {  	_ =	shalt  }
0x5a: {  	_ =	shalt  }
0x5b: {  	_ =	shalt  }
0x5c: {  	_ =	shalt  }
0x5d: {  	_ =	shalt  }
0x5e: {  	_ =	shalt  }
0x5f: {  	_ =	shalt  }
0x60: {  	_ =	shalt  }
0x61: {  	_ =	shalt  }
0x62: {  	_ =	shalt  }
0x63: {  	_ =	shalt  }
0x64: {  	_ =	shalt  }
0x65: {  	_ =	shalt  }
0x66: {  	_ =	shalt  }
0x67: {  	_ =	shalt  }
0x68: {  	_ =	shalt  }
0x69: {  	_ =	shalt  }
0x6a: {  	_ =	shalt  }
0x6b: {  	_ =	shalt  }
0x6c: {  	_ =	shalt  }
0x6d: {  	_ =	shalt  }
0x6e: {  	_ =	shalt  }
0x6f: {  	_ =	shalt  }
0x70: {  	_ =	shalt  }
0x71: {  	_ =	shalt  }
0x72: {  	_ =	shalt  }
0x73: {  	_ =	shalt  }
0x74: {  	_ =	shalt  }
0x75: {  	_ =	shalt  }
0x76: {  	_ =	shalt  }
0x77: {  	_ =	shalt  }
0x78: {  	_ =	shalt  }
0x79: {  	_ =	shalt  }
0x7a: {  	_ =	shalt  }
0x7b: {  	_ =	shalt  }
0x7c: {  	_ =	shalt  }
0x7d: {  	_ =	shalt  }
0x7e: {  	_ =	shalt  }
0x7f: {  	_ =	shalt  }
0x80: {  	_ =	shalt  }
0x81: {  	_ =	shalt  }
0x82: {  	_ =	shalt  }
0x83: {  	_ =	shalt  }
0x84: {  	_ =	shalt  }
0x85: {  	_ =	shalt  }
0x86: {  	_ =	shalt  }
0x87: {  	_ =	shalt  }
.Lfunc_end0:
.L_simem_size_0:
called_computation_lowered:
.L_overlay_start_0:
0x88: {  	s2 =	sld [smem:$0x3FD9]  }
0x89: {  	s3 =	sld [smem:$0x3FFE];
	_ =	sdelay $0x1  }
0x8a: {  	s1 =	srdreg.scid  }
0x8b: {  	s0 =	sand.u32 $0x1, s1  }
0x8c: {  	s18 =	sshll.u32 s0, $0xA;
	s2 =	sadd.s32 s3, s2  }
0x8d: {  	s2 =	sadd.s32 s2, s18  }
0x8e: {  	[smem:$0x3FC6] =	sst s2  }
0x8f: {  	_ = 	snop  }
0x90: {  	s2 =	sld [smem:$0x3FC9]  }
0x91: {  	s19 =	sld [smem:$0x3FC8]  }
0x92: {  	s4 =	sld [smem:$0x3FD0];
	(tm) =	ssettm $0x1  }
0x93: {  	s5 =	sld [smem:$0x3FFB];
	_ =	sdelay $0x3  }
0x94: {  	_ =	strace s5  }
0x95: {  	s5 =	sld [smem:$0x3FFC];
	_ =	sdelay $0x3  }
0x96: {  	_ =	strace s5  }
0x97: {  	s5 =	sld [smem:$0x3FFD];
	_ =	sdelay $0x3  }
0x98: {  	_ =	strace s5  }
0x99: {  	_ =	strace $0x8FFFFFFF  }
0x9a: {  	s20 =	sld [smem:$0x3FDB];
	_ =	sdelay $0x1  }
0x9b: {  	s6 =	simm.s32 $_scs_section_size  }
0x9c: {  	s7 =	simm.s32 $_size__tile_overlayer_lowered;
	s8 =	simm.s32 $_tile_overlayer_lowered  }
0x9d: {  	s23 =	simm.s32 $0x1BFF;
	s22 =	sshll.u32 s8, $0x1;
	s5 =	sadd.s32 s6, s20  }
0x9e: {  	s9 =	simm.s32 $0x0;
	s21 =	sshll.u32 s7, $0x1;
	s7 =	sadd.s32 s22, s5  }
0x9f: {  	[timem:s9], [sflag:s23] =	dma.local [hbm:s7], s21  }
0xa0: {  	_ =	swait.ge [sflag:s23], s21  }
0xa1: {  	s6 =	ssub.s32 $0x0, s21;
	[sflag:s23] =	ssyncset.done $0x0  }
0xa2: {  	[sflag:s23] =	ssyncadd.s32 s6;
	_ =	sdelay $0x1  }
0xa3: {  	s24 =	simm.s32 $0x1B8B  }
0xa4: {  	_ =	swait.ge [sflag:s24], $0x1  }
0xa5: {  	[sflag:s24] =	ssyncset.done $0x0  }
0xa6: {  	s25 =	simm.s32 $0x1B8E;
	[sflag:s24] =	ssyncadd.s32 $0xFFFFFFFF  }
0xa7: {  	s26 =	simm.s32 $execute0_lowered;
	[smem:$0x3FD2] =	sst s25  }
0xa8: {  	s6 =	sshll.u32 s26, $0x1;
	_ =	strace $0x80000046;
	[dreg:$0x1] =	wrdreg $0xFFFFFFFF  }
0xa9: {  	s28 =	simm.s32 $_size_execute0_lowered;
	s5 =	sadd.s32 s5, s6;
	[dreg:$0x0] =	wrdreg $0x0  }
0xaa: {  	s6 =	sshll.u32 s28, $0x1;
	[dreg:$0x2] =	wrdreg s5  }
0xab: {  	[dreg:$0x3] =	wrdreg s6  }
0xac: {  	[dreg:$0x4] =	wrdreg $0xC0  }
0xad: {  	_ =	task [dreg:s9], $0x5FFFF  }
0xae: {  	[dreg:$0x1] =	wrdreg $0xFFFFFFFF  }
0xaf: {  	[dreg:$0x0] =	wrdreg $0x60  }
0xb0: {  	[dreg:$0x2] =	wrdreg s2  }
0xb1: {  	[dreg:$0x3] =	wrdreg s19  }
0xb2: {  	[dreg:$0x4] =	wrdreg s4  }
0xb3: {  	[dreg:$0x5] =	wrdreg $0x9  }
0xb4: {  	_ =	task.clear_ibuf [dreg:s9], $0x6FFFF;
	_ =	strace $0x90000046  }
0xb5: {  	s29 =	simm.s32 $0x9;
	_ =	strace $0x80000048  }
0xb6: {  	_ =	swait.ge [sflag:s29], $0x1  }
0xb7: {  	[sflag:s29] =	ssyncadd.s32 $0xFFFFFFFF  }
0xb8: {  	_ =	strace $0x90000048  }
0xb9: {  	_ =	sfence  }
0xba: {  	s30 =	sld [smem:$0x0];
	_ =	sdelay $0x2  }
0xbb: {  	s31 =	sshll.u32 s1, $0xD;
	s1 =	sshrl.u32 s1, $0x2  }
0xbc: {  	s3 =	sand.u32 $0x4000, s31;
	s1 =	sadd.s32 s1, s30  }
0xbd: {  	s0 =	sor.u32 s3, s0;
	s1 =	sshll.u32 s1, $0x11  }
0xbe: {  	s0 =	sor.u32 s1, s0  }
0xbf: {  	s0 =	sadd.s32 $0x8F2B, s0  }
0xc0: {  	[sflag:s0] =	ssyncadd.remote.s32 $0x1  }
0xc1: {  	_ =	sfence.sel $0xFFFF  }
0xc2: {  	[dreg:$0x0] =	wrdreg $0xFFFFFFFF;
	(pc) =	sbr.abs _section_cstart, $3  }
0xc3: {  	[dreg:$0x1] =	wrdreg $0xFFFFFFFF  }
0xc4: {  	_ =	task.clear_ibuf [dreg:s9], $0x2FFFF;
	_ =	strace $0x9FFFFFFF  }
0xc5: {  	(tm) =	ssettm $0x7FFFFFFF  }
tec
execute0_lowered:
.L_overlay_start_1:
0x0: {  	(tag) =	ssettag $0x1  }
0x1: {  	v0 =	vimm.s32 $0x76543210  }
0x2: {  	v1 =	vimm.s32 $0xFEDCBA98;
	v3 =	vimm.s32 $0xBA98FEDC;
	v4 =	vimm.s32 $0x32107654  }
0x3: {  	v5 =	vimm.s32 $0xDCFE98BA;
	v6 =	vimm.s32 $0x54761032;
	v7 =	vimm.s32 $0xEFCDAB89  }
0x4: {  	v8 =	vimm.s32 $0x67452301;
	v9 =	vimm.s32 $0xEDCBA987;
	v10 =	vimm.s32 $0x65432100  }
0x5: {  	v27 =	vlaneseq.u32;
	vm0 =	vmmov $0x1;
	v26 =	vimm.s32 $0xECA86420  }
0x6: {  	vm2 =	vcmask $0xB08;
	vm3 =	vcmask $0x1310;
	vm4 =	vcmask $0x1B18  }
0x7: {  	vm5 =	vcmask $0x300;
	vm6 =	vcmask $0x2320;
	vm7 =	vcmask $0x2B28  }
0x8: {  	vm8 =	vcmask $0x3330;
	vm9 =	vcmask $0x3B38;
	vm10 =	vmmov $0xff  }
0x9: {  	vm12 =	vcmask $0xF0C;
	vm13 =	vcmask $0x1714;
	vm14 =	vcmask $0x1F1C  }
0xa: {  	vm15 =	vcmask $0x2724;
	vm1 =	vcmask $0x2F2C;
	v2 =	vunpack.c.l.s4.s8 v0  }
0xb: {  	v3 =	vunpack.c.l.s4.s8 v3;
	v4 =	vunpack.c.l.s4.s8 v4;
	v5 =	vunpack.c.l.s4.s8 v5  }
0xc: {  	v6 =	vunpack.c.l.s4.s8 v6;
	v7 =	vunpack.c.l.s4.s8 v7;
	v8 =	vunpack.c.l.s4.s8 v8  }
0xd: {  	v3 =	vunpack.c.0.s8.s32 v3;
	v4 =	vunpack.c.0.s8.s32 v4;
	v5 =	vunpack.c.0.s8.s32 v5  }
0xe: {  	v6 =	vunpack.c.0.s8.s32 v6;
	v7 =	vunpack.c.0.s8.s32 v7;
	v8 =	vunpack.c.0.s8.s32 v8  }
0xf: {  	v1 =	vunpack.c.l.s4.s8 v1;
	v0 =	vimm.f32 $0.0e+00;
	v3 =	vcombine.low v4, v3  }
0x10: {  	v4 =	vunpack.c.l.s4.s8 v10;
	v5 =	vcombine.low v6, v5;
	v6 =	vcombine.low v8, v7  }
0x11: {  	s2 =	srdreg.scid;
	s3 =	stileid.u32;
	v9 =	vunpack.c.l.s4.s8 v9;
	v13 =	vadd.s32 $0x7F, v27;
	v14 =	vadd.s32 $0x8F, v27  }
0x12: {  	s0 =	rddreg [dreg:$0x0];
	s2 =	sand.u32 $0x1, s2;
	s3 =	sshll.u32 s3, $0x1;
	v11 =	vunpack.c.0.s8.s32 v4;
	v4 =	vand.u32 $0xF, v6;
	v6 =	vimm.s32 $0xA2A1A09F  }
0x13: {  	s1 =	rddreg [dreg:$0x2];
	s21 =	ssub.s32 $0x2, s2;
	s2 =	sor.u32 s2, s3;
	v7 =	vunpack.c.0.s8.s32 v9;
	v9 =	vunpack.c.0.s8.s32 v6;
	v6 =	vimm.s32 $0x0  }
0x14: {  	s4 =	simm.s32 $0x0;
	v16 =	vadd.s32 $0x7, v27;
	v17 =	vadd.s32 $0x17, v27;
	s5 =	sshll.u32 s2, $0xB;
	s2 =	sshll.u32 s2, $0x8;
	v6 =	vsel vm0, $0xFFFFFFFF, v6  }
0x15: {  	[smem:$0x7FF] =	sst s4;
	v18 =	vadd.s32 $0x27, v27;
	v19 =	vadd.s32 $0x37, v27;
	v1 =	vunpack.c.0.s8.s32 v1;
	s1 =	sadd.s32 s1, s5;
	s0 =	sadd.s32 s0, s2;
	[tilespmem:$0x1FFF0] =	vst v6  }
0x16: {  	v20 =	vadd.s32 $0x47, v27;
	v21 =	vadd.s32 $0x57, v27;
	v2 =	vunpack.c.0.s8.s32 v2;
	s23 =	sadd.s32 $0x100, s1;
	_ =	strace $0x80000047;
	[dreg:$0x5] =	wrdreg s0  }
0x17: {  	v22 =	vadd.s32 $0x67, v27;
	v23 =	vadd.s32 $0x77, v27;
	v1 =	vand.u32 $0xF, v1;
	s24 =	sadd.s32 $0x200, s1;
	[dreg:$0x6] =	wrdreg s23  }
0x18: {  	v26 =	vunpack.c.l.s4.s8 v26;
	s25 =	sadd.s32 $0x300, s1;
	v1 =	vcombine.low v1, v2;
	v2 =	vand.u32 $0xF, v3;
	[dreg:$0x7] =	wrdreg s24  }
0x19: {  	s26 =	sadd.s32 $0x400, s1;
	v3 =	vand.u32 $0xF, v5;
	v5 =	vand.u32 $0xF, v7;
	v7 =	vimm.s32 $0xA6A5A4A3;
	[dreg:$0x8] =	wrdreg s25  }
0x1a: {  	v24 =	vadd.s32 $0x87, v27;
	v25 =	vadd.s32 $0x97, v27;
	s28 =	sadd.s32 $0x500, s1;
	v10 =	vunpack.c.0.s8.s32 v7;
	[dreg:$0x9] =	wrdreg s26  }
0x1b: {  	v26 =	vunpack.c.0.s8.s32 v26;
	v8 =	vadd.s32 $0x2F, v27;
	s29 =	sadd.s32 $0x600, s1;
	vm0 =	vcmask $0x1F10;
	[dreg:$0xa] =	wrdreg s28  }
0x1c: {  	s22 =	sshrl.u32 s21, $0x1;
	v7 =	vadd.s32 $0x1F, v27;
	v5 =	vcombine.low v11, v5;
	v12 =	vsel vm0, v10, v9;
	[dreg:$0xb] =	wrdreg s29  }
0x1d: {  	s3 =	ssub.s32 s21, s22;
	s30 =	sadd.s32 $0x700, s1;
	v6 =	vadd.s32 $0xF, v27;
	v9 =	vadd.s32 $0x3F, v27;
	v15 =	vcombine.low v12, v11;
	[dreg:$0x4] =	wrdreg s1  }
0x1e: {  	s16 =	simm.s32 $0x8B0;
	s31 =	smax.u32 s3, $0x1;
	v10 =	vadd.s32 $0x4F, v27;
	vm0 =	vcmask $0x3734;
	v11 =	vadd.s32 $0x5F, v27;
	[dreg:$0xc] =	wrdreg s30  }
0x1f: {  	s2 =	simm.s32 $0x0;
	s3 =	simm.s32 $0x800;
	v12 =	vadd.s32 $0x6F, v27;
	[dreg:$0xd] =	wrdreg s31;
	v27 =	vmul.u32 $0x2, v27;
	v15 =	vand.u32 $0xFF, v15  }
.LBB2_1:
0x20: {  	[dreg:$0xe] =	wrdreg s2  }
0x21: {  	s1 =	simm.s32 $0x0;
	s0 =	rddreg [dreg:$0x5];
	s30 =	simm.s32 $0x3  }
0x22: {  	[tilespmem:s1], [sflag:$0x3] =	stream.linear.gather [hbm4b:s0+s1], $0x800, $0x38;
	[tilespmem:$0x15A10] =	vst v63  }
0x23: {  	_ =	swait.ge [sflag:s30], $0x800  }
0x24: {  	[sflag:s30] =	ssyncset.done $0x0  }
0x25: {  	[sflag:s30] =	ssyncadd.s32 $0xFFFFF800  }
0x26: {  	[tilespmem:$0x800] =	vst v0  }
0x27: {  	[tilespmem:$0x810] =	vst v0  }
0x28: {  	[tilespmem:$0x820] =	vst v0  }
0x29: {  	[tilespmem:$0x830] =	vst v0  }
0x2a: {  	[tilespmem:$0x840] =	vst v0  }
0x2b: {  	[tilespmem:$0x850] =	vst v0  }
0x2c: {  	[tilespmem:$0x860] =	vst v0  }
0x2d: {  	[tilespmem:$0x870] =	vst v0  }
0x2e: {  	[tilespmem:$0x880] =	vst v0  }
0x2f: {  	[tilespmem:$0x890] =	vst v0  }
0x30: {  	[tilespmem:$0x8A0] =	vst v0;
	s31 =	rddreg [dreg:$0x1]  }
0x31: {  	[tilespmem:s3], [sflag:$0x3] =	stream.linear.gather [hbm4b:s31+s1], $0xA7, $0x38;
	[tilespmem:$0x15A10] =	vst v63  }
0x32: {  	_ =	swait.ge [sflag:s30], $0xA7  }
0x33: {  	[sflag:s30] =	ssyncset.done $0x0  }
0x34: {  	[sflag:s30] =	ssyncadd.s32 $0xFFFFFF59  }
0x35: {  	v28 =	vld [tilespmem:$0x800];
	_ =	sdelay $0x1  }
0x36: {  	v29 =	vld [tilespmem:$0x810];
	_ =	sdelay $0x1  }
0x37: {  	v30 =	vld [tilespmem:$0x820]  }
0x38: {  	v28 =	vadd.f32 $0.0e+00, v28  }
0x39: {  	v31 =	vld [tilespmem:$0x830]  }
0x3a: {  	v28 =	vadd.f32 v29, v28  }
0x3b: {  	v29 =	vld [tilespmem:$0x840]  }
0x3c: {  	v28 =	vadd.f32 v30, v28  }
0x3d: {  	v58 =	vld [tilespmem:$0x850]  }
0x3e: {  	v28 =	vadd.f32 v31, v28  }
0x3f: {  	v59 =	vld [tilespmem:$0x860]  }
0x40: {  	v28 =	vadd.f32 v29, v28  }
0x41: {  	v29 =	vld [tilespmem:$0x870]  }
0x42: {  	v28 =	vadd.f32 v58, v28  }
0x43: {  	v60 =	vld [tilespmem:$0x880]  }
0x44: {  	v28 =	vadd.f32 v59, v28  }
0x45: {  	v61 =	vld [tilespmem:$0x890]  }
0x46: {  	v28 =	vadd.f32 v29, v28  }
0x47: {  	v29 =	vld [tilespmem:$0x8A0]  }
0x48: {  	v28 =	vadd.f32 v60, v28;
	_ =	sdelay $0x1  }
0x49: {  	v28 =	vadd.f32 v61, v28;
	_ =	sdelay $0x1  }
0x4a: {  	v28 =	vadd.f32 v29, v28;
	_ =	sdelay $0x1  }
0x4b: {  	[tilespmem:$0x8B0] =	vst v28  }
0x4c: {  	v29 =	vld.idx.msk [tilespmem:v1+s16+$0x0], $0xffff;
	_ =	sdelay $0x4  }
0x4d: {  	v28 =	vadd.f32 v29, v28;
	_ =	sdelay $0x1  }
0x4e: {  	[tilespmem:$0x8B0] =	vst v28  }
0x4f: {  	v29 =	vld.idx.msk [tilespmem:v2+s16+$0x0], $0xffff;
	_ =	sdelay $0x4  }
0x50: {  	v28 =	vadd.f32 v29, v28;
	_ =	sdelay $0x1  }
0x51: {  	[tilespmem:$0x8B0] =	vst v28  }
0x52: {  	v29 =	vld.idx.msk [tilespmem:v3+s16+$0x0], $0xffff;
	_ =	sdelay $0x4  }
0x53: {  	v28 =	vadd.f32 v29, v28;
	_ =	sdelay $0x1  }
0x54: {  	[tilespmem:$0x8B0] =	vst v28  }
0x55: {  	v29 =	vld.idx.msk [tilespmem:v4+s16+$0x0], $0xffff;
	_ =	sdelay $0x4  }
0x56: {  	v28 =	vadd.f32 v29, v28;
	v29 =	vld [tilespmem:$0x1FFF0]  }
0x57: {  	v62 =	vld.idx.msk [tilespmem:v5+s3+$0x0], $0xffff;
	_ =	sdelay $0x2  }
0x58: {  	v28 =	vsub.f32 $0.0e+00, v28  }
0x59: {  	vm11 =	vnez.u8 v29  }
0x5a: {  	v29 =	vsel vm11, v28, v62  }
0x5b: {  	[tilespmem:$0x8B0] =	vst v29  }
0x5c: {  	v29 =	vld.idx.msk [tilespmem:v6+s3+$0x0], $0xffff;
	_ =	sdelay $0x4  }
0x5d: {  	[tilespmem:$0x8C0] =	vst v29  }
0x5e: {  	v29 =	vld.idx.msk [tilespmem:v7+s3+$0x0], $0xffff;
	_ =	sdelay $0x4  }
0x5f: {  	[tilespmem:$0x8D0] =	vst v29  }
0x60: {  	v29 =	vld.idx.msk [tilespmem:v8+s3+$0x0], $0xffff;
	_ =	sdelay $0x4  }
0x61: {  	[tilespmem:$0x8E0] =	vst v29  }
0x62: {  	v29 =	vld.idx.msk [tilespmem:v9+s3+$0x0], $0xffff;
	_ =	sdelay $0x4  }
0x63: {  	[tilespmem:$0x8F0] =	vst v29  }
0x64: {  	v29 =	vld.idx.msk [tilespmem:v10+s3+$0x0], $0xffff;
	_ =	sdelay $0x4  }
0x65: {  	[tilespmem:$0x900] =	vst v29  }
0x66: {  	v29 =	vld.idx.msk [tilespmem:v11+s3+$0x0], $0xffff;
	_ =	sdelay $0x4  }
0x67: {  	[tilespmem:$0x910] =	vst v29  }
0x68: {  	v29 =	vld.idx.msk [tilespmem:v12+s3+$0x0], $0xffff;
	_ =	sdelay $0x4  }
0x69: {  	[tilespmem:$0x920] =	vst v29  }
0x6a: {  	v29 =	vld.idx.msk [tilespmem:v13+s3+$0x0], $0xffff;
	_ =	sdelay $0x4  }
0x6b: {  	[tilespmem:$0x930] =	vst v29  }
0x6c: {  	v29 =	vld.idx.msk [tilespmem:v14+s3+$0x0], $0xffff;
	_ =	sdelay $0x4  }
0x6d: {  	[tilespmem:$0x940] =	vst v29  }
0x6e: {  	v29 =	vld.idx.msk [tilespmem:v15+s3+$0x0], $0xffff  }
0x6f: {  	vm11 =	vmmov vm8;
	vm8 =	vmmov vm7  }
0x70: {  	vm7 =	vmmov vm6;
	vm6 =	vmmov vm5;
	vm5 =	vmmov vm0  }
0x71: {  	vm0 =	vmmov vm1;
	vm1 =	vmmov vm15;
	vm15 =	vmmov vm14  }
0x72: {  	vm14 =	vmmov vm13;
	vm13 =	vmmov vm12;
	vm12 =	vcmask $0x1F24  }
0x73: {  	v29 =	vsel vm12, v29, v28  }
0x74: {  	[tilespmem:$0x950] =	vst v29  }
0x75: {  	v29 =	vld.idx.msk [tilespmem:v16+s3+$0x0], $0xffff;
	_ =	sdelay $0x4  }
0x76: {  	[tilespmem:$0x960] =	vst v29  }
0x77: {  	v29 =	vld.idx.msk [tilespmem:v17+s3+$0x0], $0xffff;
	_ =	sdelay $0x4  }
0x78: {  	[tilespmem:$0x970] =	vst v29  }
0x79: {  	v29 =	vld.idx.msk [tilespmem:v18+s3+$0x0], $0xffff;
	_ =	sdelay $0x4  }
0x7a: {  	[tilespmem:$0x980] =	vst v29  }
0x7b: {  	v29 =	vld.idx.msk [tilespmem:v19+s3+$0x0], $0xffff;
	_ =	sdelay $0x4  }
0x7c: {  	[tilespmem:$0x990] =	vst v29  }
0x7d: {  	v29 =	vld.idx.msk [tilespmem:v20+s3+$0x0], $0xffff;
	_ =	sdelay $0x4  }
0x7e: {  	[tilespmem:$0x9A0] =	vst v29  }
0x7f: {  	v29 =	vld.idx.msk [tilespmem:v21+s3+$0x0], $0xffff;
	_ =	sdelay $0x4  }
0x80: {  	[tilespmem:$0x9B0] =	vst v29  }
0x81: {  	v29 =	vld.idx.msk [tilespmem:v22+s3+$0x0], $0xffff;
	_ =	sdelay $0x4  }
0x82: {  	[tilespmem:$0x9C0] =	vst v29  }
0x83: {  	v29 =	vld.idx.msk [tilespmem:v23+s3+$0x0], $0xffff;
	_ =	sdelay $0x4  }
0x84: {  	[tilespmem:$0x9D0] =	vst v29  }
0x85: {  	v29 =	vld.idx.msk [tilespmem:v24+s3+$0x0], $0xffff;
	_ =	sdelay $0x4  }
0x86: {  	[tilespmem:$0x9E0] =	vst v29  }
0x87: {  	v29 =	vld.idx.msk [tilespmem:v25+s3+$0x0], $0xffff;
	_ =	sdelay $0x4  }
0x88: {  	v63 =	vld [tilespmem:$0x1FFF0];
	[tilespmem:$0x9F0] =	vst v29  }
0x89: {  	v29 =	vld.idx.msk [tilespmem:v5+s3+$0x0], $0xffff  }
0x8a: {  	vm12 =	vmmov vm13;
	vm13 =	vmmov vm14  }
0x8b: {  	vm14 =	vmmov vm15;
	vm15 =	vmmov vm1;
	vm1 =	vmmov vm0  }
0x8c: {  	vm0 =	vmmov vm5;
	vm5 =	vmmov vm6;
	vm6 =	vmmov vm7  }
0x8d: {  	vm7 =	vmmov vm8;
	vm8 =	vmmov vm11;
	vm11 =	vnez.u8 v63  }
0x8e: {  	v28 =	vsel vm11, v28, v29  }
0x8f: {  	s24 =	simm.s32 $0x0;
	s25 =	simm.s32 $0x0;
	s3 =	simm.s32 $0x0;
	vm11 =	vcmask $0x704;
	[tilespmem:$0xA00] =	vst v28  }
.LBB2_2:
0x90: {  	s0 =	sshll.u32 s25, $0x4  }
0x91: {  	s0 =	sand.u32 $0x3FFFFFF0, s0  }
0x92: {  	v28 =	vld [tilespmem:s0+$0x0];
	_ =	sdelay $0x4  }
0x93: {  	(v2sf) =	vpush v28, $0xD;
	_ =	sdelay $0x1  }
0x94: {  	(v2sf) =	vpush v28, $0xC;
	_ =	sdelay $0x1  }
0x95: {  	(v2sf) =	vpush v28, $0xE;
	_ =	sdelay $0x1  }
0x96: {  	(v2sf) =	vpush v28, $0xF;
	_ =	sdelay $0x1  }
0x97: {  	(v2sf) =	vpush v28, $0x9;
	_ =	sdelay $0x1  }
0x98: {  	(v2sf) =	vpush v28, $0x8;
	_ =	sdelay $0x1  }
0x99: {  	(v2sf) =	vpush v28, $0xA;
	_ =	sdelay $0x1  }
0x9a: {  	(v2sf) =	vpush v28, $0xB  }
0x9b: {  	(v2sf) =	vpush v28, $0x0;
	s21 =	spop (v2sf)  }
0x9c: {  	s1 =	smulhi.u32 $0x30C30C31, s21;
	s0 =	sshra.s32 s21, $0x1F  }
0x9d: {  	(v2sf) =	vpush v28, $0x1;
	s2 =	spop (v2sf);
	s0 =	smul.u32 $0x30C30C31, s0  }
0x9e: {  	s22 =	smulhi.u32 $0x30C30C31, s2;
	s2 =	sshra.s32 s2, $0x1F  }
0x9f: {  	(v2sf) =	vpush v28, $0x2;
	s5 =	spop (v2sf);
	s2 =	smul.u32 $0x30C30C31, s2  }
0xa0: {  	s26 =	smulhi.u32 $0x30C30C31, s5;
	s5 =	sshra.s32 s5, $0x1F  }
0xa1: {  	(v2sf) =	vpush v28, $0x3;
	s6 =	spop (v2sf);
	s29 =	smul.u32 $0x30C30C31, s5  }
0xa2: {  	(v2sf) =	vpush v28, $0x4;
	s31 =	smulhi.u32 $0x30C30C31, s6;
	s6 =	sshra.s32 s6, $0x1F  }
0xa3: {  	(v2sf) =	vpush v28, $0x5;
	s28 =	spop (v2sf);
	s6 =	smul.u32 $0x30C30C31, s6  }
0xa4: {  	(v2sf) =	vpush v28, $0x6;
	s7 =	smulhi.u32 $0x30C30C31, s28;
	s28 =	sshra.s32 s28, $0x1F  }
0xa5: {  	(v2sf) =	vpush v28, $0x7;
	s23 =	spop (v2sf);
	s10 =	smul.u32 $0x30C30C31, s28  }
0xa6: {  	[dreg:$0xf] =	wrdreg s3;
	s12 =	smulhi.u32 $0x30C30C31, s23;
	s5 =	sshra.s32 s23, $0x1F  }
0xa7: {  	s30 =	spop (v2sf);
	s4 =	smul.u32 $0x30C30C31, s5  }
0xa8: {  	s28 =	sadd.s32 s0, s1;
	s19 =	smulhi.u32 $0x30C30C31, s30;
	s30 =	sshra.s32 s30, $0x1F  }
0xa9: {  	s29 =	sadd.s32 s29, s26;
	s8 =	spop (v2sf);
	s17 =	smul.u32 $0x30C30C31, s30  }
0xaa: {  	s26 =	sadd.s32 s6, s31;
	s9 =	spop (v2sf);
	s21 =	smulhi.u32 $0x30C30C31, s8  }
0xab: {  	s8 =	sshra.s32 s8, $0x1F;
	s30 =	sadd.s32 s2, s22;
	s0 =	sadd.s32 s10, s7  }
0xac: {  	s10 =	sshrl.u32 s26, $0x1F;
	s11 =	spop (v2sf);
	s8 =	smul.u32 $0x30C30C31, s8  }
0xad: {  	s2 =	smulhi.u32 $0x30C30C31, s9;
	s1 =	sshra.s32 s9, $0x1F;
	s9 =	sshrl.u32 s28, $0x1F  }
0xae: {  	s22 =	sshrl.u32 s30, $0x1F;
	s13 =	spop (v2sf);
	s15 =	smul.u32 $0x30C30C31, s1  }
0xaf: {  	s23 =	smulhi.u32 $0x30C30C31, s11;
	s3 =	sshra.s32 s11, $0x1F;
	s11 =	sshrl.u32 s29, $0x1F  }
0xb0: {  	s1 =	sadd.s32 s17, s19;
	s18 =	spop (v2sf);
	s6 =	smul.u32 $0x30C30C31, s3  }
0xb1: {  	s7 =	smulhi.u32 $0x30C30C31, s13;
	s13 =	sshra.s32 s13, $0x1F;
	s14 =	spop (v2sf)  }
0xb2: {  	s3 =	sadd.s32 s4, s12;
	s4 =	smul.u32 $0x30C30C31, s13;
	s20 =	spop (v2sf)  }
0xb3: {  	s12 =	smulhi.u32 $0x30C30C31, s18;
	s17 =	sshra.s32 s18, $0x1F;
	s5 =	spop (v2sf)  }
0xb4: {  	v30 =	vmov s22;
	s31 =	sadd.s32 s8, s21;
	s8 =	smul.u32 $0x30C30C31, s17;
	s18 =	spop (v2sf)  }
0xb5: {  	v30 =	vsel vm2, s9, v30;
	s15 =	sadd.s32 s15, s2;
	s19 =	smulhi.u32 $0x30C30C31, s18;
	s13 =	sshra.s32 s18, $0x1F  }
0xb6: {  	v30 =	vsel vm3, s11, v30;
	s17 =	sshrl.u32 s0, $0x1F;
	s6 =	sadd.s32 s6, s23;
	s13 =	smul.u32 $0x30C30C31, s13  }
0xb7: {  	s21 =	smulhi.u32 $0x30C30C31, s14;
	s14 =	sshra.s32 s14, $0x1F;
	v30 =	vsel vm4, s10, v30;
	s10 =	sshra.s32 s30, $0x5  }
0xb8: {  	s0 =	sshra.s32 s0, $0x5;
	s14 =	smul.u32 $0x30C30C31, s14;
	s2 =	sadd.s32 s13, s19  }
0xb9: {  	s4 =	sadd.s32 s4, s7;
	s8 =	sadd.s32 s8, s12;
	s23 =	sshra.s32 s2, $0x1F  }
0xba: {  	s7 =	sadd.s32 s14, s21;
	s21 =	sshrl.u32 s15, $0x1F;
	s19 =	sshra.s32 s15, $0x5;
	v29 =	vmov s23  }
0xbb: {  	s9 =	smulhi.u32 $0x30C30C31, s20;
	s22 =	sshra.s32 s20, $0x1F;
	s15 =	sshra.s32 s15, $0x1F;
	v29 =	vsel vm5, s19, v29  }
0xbc: {  	s12 =	sshrl.u32 s6, $0x1F;
	v31 =	vmov s21;
	s21 =	smul.u32 $0x30C30C31, s22;
	s23 =	sshra.s32 s6, $0x5;
	v29 =	vsel vm11, s15, v29  }
0xbd: {  	s14 =	sshrl.u32 s31, $0x1F;
	s22 =	smulhi.u32 $0x30C30C31, s5;
	s6 =	sshra.s32 s6, $0x1F;
	v29 =	vsel vm2, s23, v29  }
0xbe: {  	v53 =	vmov s10;
	s5 =	sshra.s32 s5, $0x1F;
	s18 =	sshrl.u32 s3, $0x1F;
	v31 =	vnsel vm5, $0x0, v31;
	s23 =	sshra.s32 s4, $0x5;
	v29 =	vsel vm12, s6, v29  }
0xbf: {  	s20 =	sshrl.u32 s4, $0x1F;
	s5 =	smul.u32 $0x30C30C31, s5;
	v31 =	vsel vm2, s12, v31;
	v32 =	vmov s18;
	s4 =	sshra.s32 s4, $0x1F;
	v29 =	vsel vm3, s23, v29  }
0xc0: {  	s3 =	sshra.s32 s3, $0x5;
	v31 =	vsel vm3, s20, v31;
	v32 =	vsel vm2, s17, v32;
	s20 =	sshra.s32 s8, $0x5;
	s13 =	sshrl.u32 s1, $0x1F;
	v29 =	vsel vm13, s4, v29  }
0xc1: {  	s11 =	sshra.s32 s7, $0x1F;
	v33 =	vmov s3;
	s5 =	sadd.s32 s5, s22;
	s22 =	sshra.s32 s8, $0x1F;
	v32 =	vsel vm3, s13, v32;
	v29 =	vsel vm4, s20, v29  }
0xc2: {  	s12 =	sshrl.u32 s8, $0x1F;
	s18 =	sadd.s32 s21, s9;
	s9 =	sshra.s32 s7, $0x5;
	v33 =	vsel vm2, s0, v33;
	v32 =	vsel vm4, s14, v32;
	v29 =	vsel vm14, s22, v29  }
0xc3: {  	s21 =	sshrl.u32 s18, $0x1F;
	v31 =	vsel vm4, s12, v31;
	s12 =	sshra.s32 s28, $0x5;
	s19 =	sshrl.u32 s7, $0x1F;
	v30 =	vcombine.low v32, v30;
	v29 =	vsel vm6, s9, v29  }
0xc4: {  	s13 =	sshra.s32 s18, $0x5;
	s14 =	sshra.s32 s29, $0x5;
	v32 =	vsel vm2, s12, v53;
	v31 =	vsel vm6, s19, v31;
	s15 =	sshra.s32 s1, $0x5;
	v29 =	vsel vm15, s11, v29  }
0xc5: {  	s17 =	sshra.s32 s18, $0x1F;
	s18 =	sshra.s32 s26, $0x5;
	v32 =	vsel vm3, s14, v32;
	s19 =	sshra.s32 s31, $0x5;
	v33 =	vsel vm3, s15, v33;
	v29 =	vsel vm7, s13, v29  }
0xc6: {  	v32 =	vsel vm4, s18, v32;
	v33 =	vsel vm4, s19, v33;
	s20 =	sshra.s32 s5, $0x5;
	v29 =	vsel vm1, s17, v29  }
0xc7: {  	v31 =	vsel vm7, s21, v31;
	s23 =	sshrl.u32 s5, $0x1F;
	v32 =	vcombine.low v33, v32;
	s22 =	sshra.s32 s5, $0x1F;
	v29 =	vsel vm8, s20, v29  }
0xc8: {  	s21 =	sshrl.u32 s2, $0x1F;
	v30 =	vperm.xlane v30, v26;
	v31 =	vsel vm8, s23, v31;
	s23 =	sshra.s32 s2, $0x5;
	v29 =	vsel vm0, s22, v29  }
0xc9: {  	v31 =	vsel vm9, s21, v31;
	v32 =	vperm.xlane v32, v26;
	v29 =	vsel vm9, s23, v29  }
0xca: {  	v31 =	vperm.xlane v31, v27;
	v29 =	vperm.xlane v29, v27;
	_ =	sdelay $0x1  }
0xcb: {  	v30 =	vsel vm10, v31, v30;
	v29 =	vsel vm10, v29, v32  }
0xcc: {  	v29 =	vadd.s32 v30, v29  }
0xcd: {  	v29 =	vmul.u32 $0xA8, v29;
	_ =	sdelay $0x1  }
0xce: {  	s26 =	simm.s32 $0x17;
	v28 =	vsub.s32 v28, v29  }
0xcf: {  	s30 =	simm.s32 $0x1;
	v29 =	vadd.s32 s26, v28  }
0xd0: {  	s31 =	simm.s32 $0x2;
	v30 =	vadd.s32 s30, v28  }
0xd1: {  	s1 =	simm.s32 $0x3;
	v31 =	vadd.s32 s31, v28  }
0xd2: {  	s2 =	simm.s32 $0x4;
	v54 =	vadd.s32 s1, v28  }
0xd3: {  	s4 =	simm.s32 $0x5;
	v55 =	vadd.s32 s2, v28  }
0xd4: {  	s3 =	rddreg [dreg:$0xf];
	s5 =	simm.s32 $0x6;
	v34 =	vadd.s32 s4, v28;
	v29 =	vld.idx.msk [tilespmem:v29+s16+$0x0], $0xffff  }
0xd5: {  	s10 =	simm.s32 $0x9;
	s7 =	sand.u32 $0x7, s3;
	s6 =	sshll.u32 s24, $0x2;
	v35 =	vadd.s32 s5, v28;
	v30 =	vld.idx.msk [tilespmem:v30+s16+$0x0], $0xffff  }
0xd6: {  	s11 =	simm.s32 $0xA;
	s1 =	sand.u32 $0xFFFFF000, s6;
	s2 =	sshll.u32 s7, $0x6;
	v38 =	vadd.s32 s10, v28;
	v31 =	vld.idx.msk [tilespmem:v31+s16+$0x0], $0xffff  }
0xd7: {  	s12 =	simm.s32 $0xB;
	v39 =	vadd.s32 s11, v28;
	s1 =	sor.u32 s2, s1;
	v32 =	vld.idx.msk [tilespmem:v54+s16+$0x0], $0xffff  }
0xd8: {  	s8 =	simm.s32 $0x7;
	v40 =	vadd.s32 s12, v28;
	s1 =	sshrl.u32 s1, $0x2;
	v33 =	vld.idx.msk [tilespmem:v55+s16+$0x0], $0xffff  }
0xd9: {  	s9 =	simm.s32 $0x8;
	v36 =	vadd.s32 s8, v28;
	s26 =	sadd.s32 $0x1410, s1;
	v34 =	vld.idx.msk [tilespmem:v34+s16+$0x0], $0xffff  }
0xda: {  	s14 =	simm.s32 $0xD;
	v37 =	vadd.s32 s9, v28;
	v35 =	vld.idx.msk [tilespmem:v35+s16+$0x0], $0xffff;
	[tilespmem:s26+$0x980] =	vst v29  }
0xdb: {  	s13 =	simm.s32 $0xC;
	v56 =	vadd.s32 s14, v28;
	v57 =	vld.idx.msk [tilespmem:v38+s16+$0x0], $0xffff;
	[tilespmem:s26+$0xFFFFF680] =	vst v30  }
0xdc: {  	s19 =	simm.s32 $0x11;
	v59 =	vld.idx.msk [tilespmem:v39+s16+$0x0], $0xffff;
	v30 =	vadd.s32 s13, v28;
	[tilespmem:s26+$0xFFFFF700] =	vst v31  }
0xdd: {  	s15 =	simm.s32 $0xE;
	v63 =	vadd.s32 s19, v28;
	v61 =	vld.idx.msk [tilespmem:v40+s16+$0x0], $0xffff;
	[tilespmem:s26+$0xFFFFF780] =	vst v32  }
0xde: {  	s17 =	simm.s32 $0xF;
	v58 =	vadd.s32 s15, v28;
	v29 =	vld.idx.msk [tilespmem:v36+s16+$0x0], $0xffff;
	[tilespmem:s26+$0xFFFFF800] =	vst v33  }
0xdf: {  	s18 =	simm.s32 $0x10;
	v60 =	vadd.s32 s17, v28;
	v31 =	vld.idx.msk [tilespmem:v37+s16+$0x0], $0xffff;
	[tilespmem:s26+$0xFFFFF880] =	vst v34  }
0xe0: {  	s20 =	simm.s32 $0x12;
	v62 =	vadd.s32 s18, v28;
	[tilespmem:s26+$0xFFFFF900] =	vst v35;
	v32 =	vld.idx.msk [tilespmem:v56+s16+$0x0], $0xffff  }
0xe1: {  	s21 =	simm.s32 $0x13;
	v42 =	vadd.s32 s20, v28;
	[tilespmem:s26+$0xFFFFFE80] =	vst v57;
	v41 =	vld.idx.msk [tilespmem:v30+s16+$0x0], $0xffff  }
0xe2: {  	s22 =	simm.s32 $0x14;
	v37 =	vadd.s32 s21, v28;
	[tilespmem:s26+$0xFFFFFF00] =	vst v59;
	v33 =	vld.idx.msk [tilespmem:v63+s16+$0x0], $0xffff  }
0xe3: {  	s23 =	simm.s32 $0x15;
	v39 =	vadd.s32 s22, v28;
	[tilespmem:s26+$0xFFFFFF80] =	vst v61;
	v30 =	vld.idx.msk [tilespmem:v58+s16+$0x0], $0xffff  }
0xe4: {  	s31 =	simm.s32 $0x16;
	v36 =	vadd.s32 s23, v28;
	[tilespmem:s26+$0xFFFFF980] =	vst v29;
	v29 =	vld.idx.msk [tilespmem:v60+s16+$0x0], $0xffff  }
0xe5: {  	s30 =	simm.s32 $0x0;
	v38 =	vadd.s32 s31, v28;
	[tilespmem:s26+$0xFFFFFE00] =	vst v31;
	v31 =	vld.idx.msk [tilespmem:v62+s16+$0x0], $0xffff  }
0xe6: {  	s0 =	simm.s32 $0x2F;
	s28 =	simm.s32 $0x18;
	s29 =	simm.s32 $0x30;
	v35 =	vadd.s32 s30, v28;
	v34 =	vld.idx.msk [tilespmem:v42+s16+$0x0], $0xffff;
	[tilespmem:s26+$0x0] =	vst v41  }
.LBB2_3:
0xe7: {  	p0 =	slt.u32 s29, $0x90;
	s1 =	sadd.s32 $0x1, s28;
	v40 =	vadd.s32 s0, v28;
	[tilespmem:s26+$0x80] =	vst v32;
	v32 =	vld.idx.msk [tilespmem:v37+s16+$0x0], $0xffff  }
0xe8: {  	s0 =	sadd.s32 $0x2, s28;
	v37 =	vadd.s32 s1, v28;
	[tilespmem:s26+$0x100] =	vst v30;
	v30 =	vld.idx.msk [tilespmem:v39+s16+$0x0], $0xffff  }
0xe9: {  	v39 =	vadd.s32 s0, v28;
	s0 =	sadd.s32 $0x3, s28;
	[tilespmem:s26+$0x180] =	vst v29;
	v29 =	vld.idx.msk [tilespmem:v36+s16+$0x0], $0xffff  }
0xea: {  	v36 =	vadd.s32 s0, v28;
	s0 =	sadd.s32 $0x4, s28;
	[tilespmem:s26+$0x600] =	vst v31;
	v31 =	vld.idx.msk [tilespmem:v38+s16+$0x0], $0xffff  }
0xeb: {  	v38 =	vadd.s32 s0, v28;
	s0 =	sadd.s32 $0x5, s28;
	v35 =	vld.idx.msk [tilespmem:v35+s16+$0x0], $0xffff;
	[tilespmem:s26+$0x680] =	vst v33  }
0xec: {  	v33 =	vadd.s32 s0, v28;
	s0 =	sadd.s32 $0x6, s28;
	v40 =	vld.idx.msk [tilespmem:v40+s16+$0x0], $0xffff;
	[tilespmem:s26+$0x700] =	vst v34  }
0xed: {  	v34 =	vld.idx.msk [tilespmem:v37+s16+$0x0], $0xffff;
	v37 =	vadd.s32 s0, v28;
	s0 =	sadd.s32 $0x7, s28;
	[tilespmem:s26+$0x780] =	vst v32  }
0xee: {  	v32 =	vld.idx.msk [tilespmem:v39+s16+$0x0], $0xffff;
	v39 =	vadd.s32 s0, v28;
	s0 =	sadd.s32 $0x8, s28;
	[tilespmem:s26+$0x800] =	vst v30  }
0xef: {  	v30 =	vld.idx.msk [tilespmem:v36+s16+$0x0], $0xffff;
	v36 =	vadd.s32 s0, v28;
	s0 =	sadd.s32 $0x9, s28;
	[tilespmem:s26+$0x880] =	vst v29  }
0xf0: {  	v29 =	vld.idx.msk [tilespmem:v38+s16+$0x0], $0xffff;
	v38 =	vadd.s32 s0, v28;
	s0 =	sadd.s32 $0xA, s28;
	[tilespmem:s26+$0x900] =	vst v31  }
0xf1: {  	v31 =	vld.idx.msk [tilespmem:v33+s16+$0x0], $0xffff;
	v33 =	vadd.s32 s0, v28;
	s0 =	sadd.s32 $0xB, s28;
	[tilespmem:s26+$0xFFFFF600] =	vst v35;
	s26 =	sadd.s32 $0x1800, s26  }
0xf2: {  	v35 =	vld.idx.msk [tilespmem:v37+s16+$0x0], $0xffff;
	v37 =	vadd.s32 s0, v28;
	s0 =	sadd.s32 $0xC, s28;
	[tilespmem:s26+$0x980] =	vst v40  }
0xf3: {  	[tilespmem:s26+$0xFFFFF680] =	vst v34;
	v34 =	vld.idx.msk [tilespmem:v39+s16+$0x0], $0xffff;
	v39 =	vadd.s32 s0, v28;
	s0 =	sadd.s32 $0xD, s28  }
0xf4: {  	[tilespmem:s26+$0xFFFFF700] =	vst v32;
	v36 =	vld.idx.msk [tilespmem:v36+s16+$0x0], $0xffff;
	v32 =	vadd.s32 s0, v28;
	s0 =	sadd.s32 $0xE, s28  }
0xf5: {  	[tilespmem:s26+$0xFFFFF780] =	vst v30;
	v38 =	vld.idx.msk [tilespmem:v38+s16+$0x0], $0xffff;
	v30 =	vadd.s32 s0, v28;
	s0 =	sadd.s32 $0xF, s28  }
0xf6: {  	[tilespmem:s26+$0xFFFFF800] =	vst v29;
	v33 =	vld.idx.msk [tilespmem:v33+s16+$0x0], $0xffff;
	v29 =	vadd.s32 s0, v28;
	s0 =	sadd.s32 $0x10, s28  }
0xf7: {  	[tilespmem:s26+$0xFFFFF880] =	vst v31;
	v40 =	vld.idx.msk [tilespmem:v37+s16+$0x0], $0xffff;
	v31 =	vadd.s32 s0, v28;
	s0 =	sadd.s32 $0x11, s28  }
0xf8: {  	[tilespmem:s26+$0xFFFFF900] =	vst v35;
	v41 =	vld.idx.msk [tilespmem:v39+s16+$0x0], $0xffff;
	v35 =	vadd.s32 s0, v28;
	s0 =	sadd.s32 $0x12, s28  }
0xf9: {  	[tilespmem:s26+$0xFFFFF980] =	vst v34;
	v32 =	vld.idx.msk [tilespmem:v32+s16+$0x0], $0xffff;
	v34 =	vadd.s32 s0, v28;
	s0 =	sadd.s32 $0x13, s28  }
.Ltmp0:
0xfa: {  	[tilespmem:s26+$0xFFFFFE00] =	vst v36;
	v30 =	vld.idx.msk [tilespmem:v30+s16+$0x0], $0xffff;
	v37 =	vadd.s32 s0, v28;
	s0 =	sadd.s32 $0x14, s28;
	(pc) =	sbr.rel @p0 .LBB2_3-.Ltmp0, $4  }
0xfb: {  	[tilespmem:s26+$0xFFFFFE80] =	vst v38;
	v29 =	vld.idx.msk [tilespmem:v29+s16+$0x0], $0xffff;
	v39 =	vadd.s32 s0, v28;
	s0 =	sadd.s32 $0x15, s28  }
0xfc: {  	[tilespmem:s26+$0xFFFFFF00] =	vst v33;
	v31 =	vld.idx.msk [tilespmem:v31+s16+$0x0], $0xffff;
	v36 =	vadd.s32 s0, v28;
	s0 =	sadd.s32 $0x16, s28  }
0xfd: {  	[tilespmem:s26+$0xFFFFFF80] =	vst v40;
	v33 =	vld.idx.msk [tilespmem:v35+s16+$0x0], $0xffff;
	v38 =	vadd.s32 s0, v28  }
0xfe: {  	s0 =	sadd.s32 $0x17, s29;
	v35 =	vadd.s32 s28, v28;
	s28 =	smov.u32 s29;
	s29 =	sadd.s32 $0x18, s29;
	[tilespmem:s26+$0x0] =	vst v41;
	v34 =	vld.idx.msk [tilespmem:v34+s16+$0x0], $0xffff  }
0xff: {  	_ =	sdelay $0x2  }
0x100: {  	[tilespmem:s26+$0x80] =	vst v32  }
0x101: {  	s1 =	sadd.s32 $0x1, s28;
	v50 =	vadd.s32 s0, v28;
	v37 =	vld.idx.msk [tilespmem:v37+s16+$0x0], $0xffff;
	[tilespmem:s26+$0x100] =	vst v30  }
0x102: {  	s5 =	sadd.s32 $0x2, s28;
	v39 =	vld.idx.msk [tilespmem:v39+s16+$0x0], $0xffff;
	v51 =	vadd.s32 s1, v28;
	[tilespmem:s26+$0x180] =	vst v29  }
0x103: {  	s6 =	sadd.s32 $0x3, s28;
	v36 =	vld.idx.msk [tilespmem:v36+s16+$0x0], $0xffff;
	v29 =	vadd.s32 s5, v28;
	[tilespmem:s26+$0x600] =	vst v31  }
0x104: {  	s7 =	sadd.s32 $0x4, s28;
	v38 =	vld.idx.msk [tilespmem:v38+s16+$0x0], $0xffff;
	v52 =	vadd.s32 s6, v28;
	[tilespmem:s26+$0x680] =	vst v33  }
0x105: {  	s8 =	sadd.s32 $0x5, s28;
	v35 =	vld.idx.msk [tilespmem:v35+s16+$0x0], $0xffff;
	v53 =	vadd.s32 s7, v28;
	[tilespmem:s26+$0x700] =	vst v34  }
0x106: {  	s9 =	sadd.s32 $0x6, s28;
	v54 =	vadd.s32 s8, v28;
	v32 =	vld.idx.msk [tilespmem:v50+s16+$0x0], $0xffff;
	[tilespmem:s26+$0x780] =	vst v37  }
0x107: {  	s10 =	sadd.s32 $0x7, s28;
	v55 =	vadd.s32 s9, v28;
	[tilespmem:s26+$0x800] =	vst v39;
	v30 =	vld.idx.msk [tilespmem:v51+s16+$0x0], $0xffff  }
0x108: {  	s12 =	sadd.s32 $0x9, s28;
	v56 =	vadd.s32 s10, v28;
	[tilespmem:s26+$0x880] =	vst v36;
	v29 =	vld.idx.msk [tilespmem:v29+s16+$0x0], $0xffff  }
0x109: {  	s13 =	sadd.s32 $0xA, s28;
	v58 =	vadd.s32 s12, v28;
	[tilespmem:s26+$0x900] =	vst v38;
	v31 =	vld.idx.msk [tilespmem:v52+s16+$0x0], $0xffff  }
0x10a: {  	s14 =	sadd.s32 $0x1800, s26;
	s15 =	sadd.s32 $0xB, s28;
	v59 =	vadd.s32 s13, v28;
	[tilespmem:s26+$0xFFFFF600] =	vst v35;
	v33 =	vld.idx.msk [tilespmem:v53+s16+$0x0], $0xffff  }
0x10b: {  	s17 =	sadd.s32 $0xC, s28;
	v61 =	vadd.s32 s15, v28;
	v34 =	vld.idx.msk [tilespmem:v54+s16+$0x0], $0xffff;
	[tilespmem:s14+$0x980] =	vst v32  }
0x10c: {  	s18 =	sadd.s32 $0xD, s28;
	v63 =	vadd.s32 s17, v28;
	v60 =	vld.idx.msk [tilespmem:v55+s16+$0x0], $0xffff;
	[tilespmem:s14+$0xFFFFF680] =	vst v30  }
0x10d: {  	s11 =	sadd.s32 $0x8, s28;
	v42 =	vadd.s32 s18, v28;
	v62 =	vld.idx.msk [tilespmem:v56+s16+$0x0], $0xffff;
	[tilespmem:s14+$0xFFFFF700] =	vst v29  }
0x10e: {  	s20 =	sadd.s32 $0xF, s28;
	v57 =	vadd.s32 s11, v28;
	v43 =	vld.idx.msk [tilespmem:v58+s16+$0x0], $0xffff;
	[tilespmem:s14+$0xFFFFF780] =	vst v31  }
0x10f: {  	s21 =	sadd.s32 $0x10, s28;
	v46 =	vadd.s32 s20, v28;
	v45 =	vld.idx.msk [tilespmem:v59+s16+$0x0], $0xffff;
	[tilespmem:s14+$0xFFFFF800] =	vst v33  }
0x110: {  	s22 =	sadd.s32 $0x11, s28;
	v48 =	vadd.s32 s21, v28;
	v47 =	vld.idx.msk [tilespmem:v61+s16+$0x0], $0xffff;
	[tilespmem:s14+$0xFFFFF880] =	vst v34  }
0x111: {  	s23 =	sadd.s32 $0x12, s28;
	v50 =	vadd.s32 s22, v28;
	v49 =	vld.idx.msk [tilespmem:v63+s16+$0x0], $0xffff;
	[tilespmem:s14+$0xFFFFF900] =	vst v60  }
0x112: {  	s19 =	sadd.s32 $0xE, s28;
	v51 =	vld.idx.msk [tilespmem:v42+s16+$0x0], $0xffff;
	v52 =	vadd.s32 s23, v28;
	[tilespmem:s14+$0xFFFFF980] =	vst v62  }
0x113: {  	v44 =	vadd.s32 s19, v28;
	s26 =	sadd.s32 $0x13, s28;
	v29 =	vld.idx.msk [tilespmem:v57+s16+$0x0], $0xffff;
	[tilespmem:s14+$0xFFFFFE80] =	vst v43  }
0x114: {  	s31 =	sadd.s32 $0x16, s28;
	v53 =	vadd.s32 s26, v28;
	v54 =	vld.idx.msk [tilespmem:v46+s16+$0x0], $0xffff;
	[tilespmem:s14+$0xFFFFFF00] =	vst v45  }
0x115: {  	s30 =	sadd.s32 $0x15, s28;
	v56 =	vld.idx.msk [tilespmem:v48+s16+$0x0], $0xffff;
	v59 =	vadd.s32 s31, v28;
	[tilespmem:s14+$0xFFFFFF80] =	vst v47  }
0x116: {  	s29 =	sadd.s32 $0x14, s28;
	v58 =	vld.idx.msk [tilespmem:v50+s16+$0x0], $0xffff;
	v57 =	vadd.s32 s30, v28;
	[tilespmem:s14+$0x0] =	vst v49  }
0x117: {  	v55 =	vadd.s32 s29, v28;
	v28 =	vadd.s32 s28, v28;
	v60 =	vld.idx.msk [tilespmem:v52+s16+$0x0], $0xffff;
	[tilespmem:s14+$0x80] =	vst v51  }
0x118: {  	[tilespmem:s14+$0xFFFFFE00] =	vst v29;
	v29 =	vld.idx.msk [tilespmem:v44+s16+$0x0], $0xffff  }
0x119: {  	v61 =	vld.idx.msk [tilespmem:v53+s16+$0x0], $0xffff;
	[tilespmem:s14+$0x180] =	vst v54  }
0x11a: {  	[tilespmem:s14+$0x600] =	vst v56;
	v63 =	vld.idx.msk [tilespmem:v59+s16+$0x0], $0xffff  }
0x11b: {  	[tilespmem:s14+$0x680] =	vst v58;
	v62 =	vld.idx.msk [tilespmem:v57+s16+$0x0], $0xffff  }
0x11c: {  	s25 =	sadd.s32 $0x1, s25;
	v28 =	vld.idx.msk [tilespmem:v28+s16+$0x0], $0xffff;
	[tilespmem:s14+$0x700] =	vst v60  }
0x11d: {  	p0 =	sne.s32 s25, $0x10;
	[tilespmem:s14+$0x100] =	vst v29;
	v29 =	vld.idx.msk [tilespmem:v55+s16+$0x0], $0xffff  }
.Ltmp1:
0x11e: {  	[tilespmem:s14+$0x780] =	vst v61;
	(pc) =	sbr.rel @p0 .LBB2_2-.Ltmp1, $4  }
0x11f: {  	[tilespmem:s14+$0x900] =	vst v63  }
0x120: {  	[tilespmem:s14+$0x880] =	vst v62  }
0x121: {  	[tilespmem:s14+$0xFFFFF600] =	vst v28  }
0x122: {  	s24 =	sadd.s32 $0x80, s24;
	s3 =	sadd.s32 $0x1, s3;
	[tilespmem:s14+$0x800] =	vst v29  }
0x123: {  	s0 =	rddreg [dreg:$0x4]  }
0x124: {  	s1 =	simm.s32 $0x800;
	s2 =	simm.s32 $0x80000;
	s3 =	simm.s32 $0xA10  }
0x125: {  	[hbm4b:s0+s1] =	stream.strided.scatter [tilespmem:s3], [sflag:$0x1], $0xA800, s2, s1, $0x38;
	[tilespmem:$0x15A10] =	vst v63  }
0x126: {  	s4 =	simm.s32 $0x0;
	s26 =	simm.s32 $0x0;
	s3 =	simm.s32 $0x0  }
.LBB2_6:
0x127: {  	s0 =	sshll.u32 s26, $0x4  }
0x128: {  	s0 =	sand.u32 $0x3FFFFFF0, s0  }
0x129: {  	v28 =	vld [tilespmem:s0+$0x100];
	_ =	sdelay $0x4  }
0x12a: {  	(v2sf) =	vpush v28, $0xD;
	_ =	sdelay $0x1  }
0x12b: {  	(v2sf) =	vpush v28, $0xC;
	_ =	sdelay $0x1  }
0x12c: {  	(v2sf) =	vpush v28, $0xE;
	_ =	sdelay $0x1  }
0x12d: {  	(v2sf) =	vpush v28, $0xF;
	_ =	sdelay $0x1  }
0x12e: {  	(v2sf) =	vpush v28, $0x9;
	_ =	sdelay $0x1  }
0x12f: {  	(v2sf) =	vpush v28, $0x8;
	_ =	sdelay $0x1  }
0x130: {  	(v2sf) =	vpush v28, $0xA  }
0x131: {  	(v2sf) =	vpush v28, $0xB;
	_ =	sdelay $0x1  }
0x132: {  	(v2sf) =	vpush v28, $0x0;
	s23 =	spop (v2sf)  }
0x133: {  	(v2sf) =	vpush v28, $0x1;
	s1 =	smulhi.u32 $0x30C30C31, s23;
	s0 =	sshra.s32 s23, $0x1F  }
0x134: {  	s2 =	spop (v2sf);
	s0 =	smul.u32 $0x30C30C31, s0  }
0x135: {  	[dreg:$0x10] =	wrdreg s3;
	s3 =	smulhi.u32 $0x30C30C31, s2;
	s2 =	sshra.s32 s2, $0x1F  }
0x136: {  	(v2sf) =	vpush v28, $0x2;
	s24 =	spop (v2sf);
	s2 =	smul.u32 $0x30C30C31, s2  }
0x137: {  	[dreg:$0x17] =	wrdreg s4;
	(v2sf) =	vpush v28, $0x3;
	s7 =	smulhi.u32 $0x30C30C31, s24;
	s4 =	sshra.s32 s24, $0x1F  }
0x138: {  	(v2sf) =	vpush v28, $0x4;
	s5 =	spop (v2sf);
	s4 =	smul.u32 $0x30C30C31, s4  }
0x139: {  	(v2sf) =	vpush v28, $0x5;
	s9 =	smulhi.u32 $0x30C30C31, s5;
	s5 =	sshra.s32 s5, $0x1F  }
0x13a: {  	(v2sf) =	vpush v28, $0x6;
	s6 =	spop (v2sf);
	s5 =	smul.u32 $0x30C30C31, s5  }
0x13b: {  	(v2sf) =	vpush v28, $0x7;
	s11 =	smulhi.u32 $0x30C30C31, s6;
	s6 =	sshra.s32 s6, $0x1F  }
0x13c: {  	s8 =	spop (v2sf);
	s14 =	smul.u32 $0x30C30C31, s6  }
0x13d: {  	s29 =	sadd.s32 s0, s1;
	s17 =	smulhi.u32 $0x30C30C31, s8;
	s25 =	sshra.s32 s8, $0x1F  }
0x13e: {  	s10 =	spop (v2sf);
	s30 =	sadd.s32 s4, s7;
	s18 =	smul.u32 $0x30C30C31, s25  }
0x13f: {  	s12 =	spop (v2sf);
	s20 =	smulhi.u32 $0x30C30C31, s10;
	s31 =	sshra.s32 s10, $0x1F  }
0x140: {  	s7 =	sshrl.u32 s30, $0x1F;
	s28 =	sadd.s32 s5, s9;
	s21 =	smul.u32 $0x30C30C31, s31  }
0x141: {  	s13 =	spop (v2sf);
	s23 =	smulhi.u32 $0x30C30C31, s12;
	s12 =	sshra.s32 s12, $0x1F  }
0x142: {  	s31 =	sadd.s32 s2, s3;
	s15 =	spop (v2sf);
	s0 =	smul.u32 $0x30C30C31, s12  }
0x143: {  	s12 =	smulhi.u32 $0x30C30C31, s13;
	s2 =	sshra.s32 s13, $0x1F;
	s13 =	sshrl.u32 s29, $0x1F  }
0x144: {  	s24 =	sshrl.u32 s31, $0x1F;
	s5 =	sadd.s32 s18, s17;
	s25 =	smul.u32 $0x30C30C31, s2  }
0x145: {  	s8 =	spop (v2sf);
	s4 =	smulhi.u32 $0x30C30C31, s15;
	s3 =	sshra.s32 s15, $0x1F  }
0x146: {  	s2 =	sadd.s32 s21, s20;
	s19 =	spop (v2sf);
	s9 =	smul.u32 $0x30C30C31, s3  }
0x147: {  	s3 =	sadd.s32 s14, s11;
	s14 =	smulhi.u32 $0x30C30C31, s8;
	s10 =	spop (v2sf)  }
0x148: {  	s15 =	sshra.s32 s8, $0x1F;
	s8 =	sshrl.u32 s28, $0x1F;
	s22 =	spop (v2sf)  }
0x149: {  	s1 =	sadd.s32 s0, s23;
	s18 =	smul.u32 $0x30C30C31, s15;
	s6 =	spop (v2sf)  }
0x14a: {  	s15 =	smulhi.u32 $0x30C30C31, s19;
	s21 =	sshra.s32 s19, $0x1F;
	s23 =	spop (v2sf)  }
0x14b: {  	s12 =	sadd.s32 s25, s12;
	s25 =	smulhi.u32 $0x30C30C31, s23;
	s0 =	sshra.s32 s23, $0x1F  }
0x14c: {  	s19 =	sshrl.u32 s3, $0x1F;
	s11 =	sshrl.u32 s1, $0x1F;
	s0 =	smul.u32 $0x30C30C31, s0  }
0x14d: {  	s3 =	sshra.s32 s3, $0x5;
	s1 =	sshra.s32 s1, $0x5;
	s17 =	smul.u32 $0x30C30C31, s21  }
0x14e: {  	s4 =	sadd.s32 s9, s4;
	s20 =	smulhi.u32 $0x30C30C31, s10;
	s0 =	sadd.s32 s0, s25  }
0x14f: {  	v30 =	vmov s24;
	s10 =	sshra.s32 s10, $0x1F;
	s24 =	sshrl.u32 s12, $0x1F;
	s21 =	sshra.s32 s0, $0x1F  }
0x150: {  	s9 =	sadd.s32 s18, s14;
	s14 =	sshrl.u32 s5, $0x1F;
	s23 =	sshra.s32 s12, $0x5;
	v29 =	vmov s21  }
0x151: {  	s10 =	smul.u32 $0x30C30C31, s10;
	s18 =	sshrl.u32 s2, $0x1F;
	s12 =	sshra.s32 s12, $0x1F;
	v29 =	vsel vm5, s23, v29  }
0x152: {  	v30 =	vsel vm2, s13, v30;
	v31 =	vmov s24;
	s13 =	smulhi.u32 $0x30C30C31, s22;
	s21 =	sshra.s32 s22, $0x1F;
	s22 =	sshra.s32 s4, $0x5;
	v29 =	vsel vm11, s12, v29  }
0x153: {  	v30 =	vsel vm3, s7, v30;
	s5 =	sshra.s32 s5, $0x5;
	v31 =	vnsel vm5, $0x0, v31;
	s25 =	sshrl.u32 s4, $0x1F;
	s4 =	sshra.s32 s4, $0x1F;
	v29 =	vsel vm2, s22, v29  }
0x154: {  	v30 =	vsel vm4, s8, v30;
	s2 =	sshra.s32 s2, $0x5;
	s15 =	sadd.s32 s17, s15;
	v31 =	vsel vm2, s25, v31;
	s25 =	sshra.s32 s9, $0x5;
	v29 =	vsel vm12, s4, v29  }
0x155: {  	v32 =	vmov s14;
	v33 =	vmov s5;
	s10 =	sadd.s32 s10, s20;
	s20 =	sshra.s32 s9, $0x1F;
	s23 =	sshrl.u32 s9, $0x1F;
	v29 =	vsel vm3, s25, v29  }
0x156: {  	s17 =	sshrl.u32 s15, $0x1F;
	v32 =	vsel vm2, s19, v32;
	s8 =	smulhi.u32 $0x30C30C31, s6;
	v31 =	vsel vm3, s23, v31;
	s23 =	sshra.s32 s15, $0x5;
	v29 =	vsel vm13, s20, v29  }
0x157: {  	v33 =	vsel vm2, s3, v33;
	s6 =	sshra.s32 s6, $0x1F;
	v32 =	vsel vm3, s18, v32;
	s24 =	smul.u32 $0x30C30C31, s21;
	s25 =	sshra.s32 s15, $0x1F;
	v29 =	vsel vm4, s23, v29  }
0x158: {  	s14 =	sshra.s32 s10, $0x1F;
	s18 =	sshra.s32 s30, $0x5;
	v33 =	vsel vm3, s2, v33;
	v32 =	vsel vm4, s11, v32;
	s12 =	sshra.s32 s10, $0x5;
	v29 =	vsel vm14, s25, v29  }
0x159: {  	s6 =	smul.u32 $0x30C30C31, s6;
	v33 =	vsel vm4, s1, v33;
	v30 =	vcombine.low v32, v30;
	s21 =	sadd.s32 s24, s13;
	s13 =	sshra.s32 s31, $0x5;
	v29 =	vsel vm6, s12, v29  }
0x15a: {  	v31 =	vsel vm4, s17, v31;
	s22 =	sshrl.u32 s10, $0x1F;
	v54 =	vmov s13;
	s17 =	sshra.s32 s21, $0x5;
	s15 =	sshra.s32 s29, $0x5;
	v29 =	vsel vm15, s14, v29  }
0x15b: {  	s6 =	sadd.s32 s6, s8;
	v31 =	vsel vm6, s22, v31;
	s24 =	sshrl.u32 s21, $0x1F;
	s19 =	sshra.s32 s21, $0x1F;
	v32 =	vsel vm2, s15, v54;
	v29 =	vsel vm7, s17, v29  }
0x15c: {  	s8 =	sshrl.u32 s6, $0x1F;
	s21 =	sshra.s32 s6, $0x5;
	v31 =	vsel vm7, s24, v31;
	s20 =	sshra.s32 s28, $0x5;
	v32 =	vsel vm3, s18, v32;
	v29 =	vsel vm1, s19, v29  }
0x15d: {  	s22 =	sshrl.u32 s0, $0x1F;
	v31 =	vsel vm8, s8, v31;
	s23 =	sshra.s32 s6, $0x1F;
	v32 =	vsel vm4, s20, v32;
	v29 =	vsel vm8, s21, v29  }
0x15e: {  	s0 =	sshra.s32 s0, $0x5;
	v31 =	vsel vm9, s22, v31;
	v32 =	vcombine.low v33, v32;
	v29 =	vsel vm0, s23, v29  }
0x15f: {  	v30 =	vperm.xlane v30, v26;
	v31 =	vperm.xlane v31, v27;
	v29 =	vsel vm9, s0, v29  }
0x160: {  	v32 =	vperm.xlane v32, v26;
	v29 =	vperm.xlane v29, v27;
	_ =	sdelay $0x1  }
0x161: {  	v30 =	vsel vm10, v31, v30;
	v29 =	vsel vm10, v29, v32  }
0x162: {  	v29 =	vadd.s32 v30, v29  }
0x163: {  	v29 =	vmul.u32 $0xA8, v29;
	_ =	sdelay $0x1  }
0x164: {  	s24 =	simm.s32 $0x17;
	v28 =	vsub.s32 v28, v29  }
0x165: {  	s25 =	simm.s32 $0x1;
	v29 =	vadd.s32 s24, v28  }
0x166: {  	s31 =	simm.s32 $0x2;
	v30 =	vadd.s32 s25, v28  }
0x167: {  	s1 =	simm.s32 $0x3;
	v31 =	vadd.s32 s31, v28  }
0x168: {  	s2 =	simm.s32 $0x4;
	v55 =	vadd.s32 s1, v28  }
0x169: {  	s5 =	simm.s32 $0x5;
	s3 =	rddreg [dreg:$0x10];
	v56 =	vadd.s32 s2, v28  }
0x16a: {  	s4 =	rddreg [dreg:$0x17];
	s6 =	simm.s32 $0x6;
	v34 =	vadd.s32 s5, v28;
	v29 =	vld.idx.msk [tilespmem:v29+s16+$0x0], $0xffff  }
0x16b: {  	s11 =	simm.s32 $0x9;
	s7 =	sshll.u32 s4, $0x2;
	s8 =	sand.u32 $0x7, s3;
	v35 =	vadd.s32 s6, v28;
	v30 =	vld.idx.msk [tilespmem:v30+s16+$0x0], $0xffff  }
0x16c: {  	s12 =	simm.s32 $0xA;
	s1 =	sand.u32 $0xFFFFF000, s7;
	s2 =	sshll.u32 s8, $0x6;
	v38 =	vadd.s32 s11, v28;
	v31 =	vld.idx.msk [tilespmem:v31+s16+$0x0], $0xffff  }
0x16d: {  	s13 =	simm.s32 $0xB;
	v39 =	vadd.s32 s12, v28;
	s1 =	sor.u32 s2, s1;
	v32 =	vld.idx.msk [tilespmem:v55+s16+$0x0], $0xffff  }
0x16e: {  	s9 =	simm.s32 $0x7;
	v40 =	vadd.s32 s13, v28;
	s1 =	sshrl.u32 s1, $0x2;
	v33 =	vld.idx.msk [tilespmem:v56+s16+$0x0], $0xffff  }
0x16f: {  	s10 =	simm.s32 $0x8;
	v36 =	vadd.s32 s9, v28;
	s28 =	sadd.s32 $0xBC10, s1;
	v34 =	vld.idx.msk [tilespmem:v34+s16+$0x0], $0xffff  }
0x170: {  	s15 =	simm.s32 $0xD;
	v37 =	vadd.s32 s10, v28;
	v35 =	vld.idx.msk [tilespmem:v35+s16+$0x0], $0xffff;
	[tilespmem:s28+$0x980] =	vst v29  }
0x171: {  	s14 =	simm.s32 $0xC;
	v57 =	vadd.s32 s15, v28;
	v58 =	vld.idx.msk [tilespmem:v38+s16+$0x0], $0xffff;
	[tilespmem:s28+$0xFFFFF680] =	vst v30  }
0x172: {  	s20 =	simm.s32 $0x11;
	v39 =	vld.idx.msk [tilespmem:v39+s16+$0x0], $0xffff;
	v30 =	vadd.s32 s14, v28;
	[tilespmem:s28+$0xFFFFF700] =	vst v31  }
0x173: {  	s17 =	simm.s32 $0xE;
	v63 =	vadd.s32 s20, v28;
	v61 =	vld.idx.msk [tilespmem:v40+s16+$0x0], $0xffff;
	[tilespmem:s28+$0xFFFFF780] =	vst v32  }
0x174: {  	s18 =	simm.s32 $0xF;
	v59 =	vadd.s32 s17, v28;
	v29 =	vld.idx.msk [tilespmem:v36+s16+$0x0], $0xffff;
	[tilespmem:s28+$0xFFFFF800] =	vst v33  }
0x175: {  	s19 =	simm.s32 $0x10;
	v60 =	vadd.s32 s18, v28;
	v31 =	vld.idx.msk [tilespmem:v37+s16+$0x0], $0xffff;
	[tilespmem:s28+$0xFFFFF880] =	vst v34  }
0x176: {  	s21 =	simm.s32 $0x12;
	v62 =	vadd.s32 s19, v28;
	[tilespmem:s28+$0xFFFFF900] =	vst v35;
	v33 =	vld.idx.msk [tilespmem:v57+s16+$0x0], $0xffff  }
0x177: {  	s22 =	simm.s32 $0x13;
	v42 =	vadd.s32 s21, v28;
	[tilespmem:s28+$0xFFFFFE80] =	vst v58;
	v41 =	vld.idx.msk [tilespmem:v30+s16+$0x0], $0xffff  }
0x178: {  	s23 =	simm.s32 $0x14;
	v38 =	vadd.s32 s22, v28;
	[tilespmem:s28+$0xFFFFFF00] =	vst v39;
	v32 =	vld.idx.msk [tilespmem:v63+s16+$0x0], $0xffff  }
0x179: {  	s24 =	simm.s32 $0x15;
	v39 =	vadd.s32 s23, v28;
	[tilespmem:s28+$0xFFFFFF80] =	vst v61;
	v30 =	vld.idx.msk [tilespmem:v59+s16+$0x0], $0xffff  }
0x17a: {  	s25 =	simm.s32 $0x16;
	v36 =	vadd.s32 s24, v28;
	[tilespmem:s28+$0xFFFFF980] =	vst v29;
	v29 =	vld.idx.msk [tilespmem:v60+s16+$0x0], $0xffff  }
0x17b: {  	s31 =	simm.s32 $0x0;
	v37 =	vadd.s32 s25, v28;
	[tilespmem:s28+$0xFFFFFE00] =	vst v31;
	v31 =	vld.idx.msk [tilespmem:v62+s16+$0x0], $0xffff  }
0x17c: {  	s30 =	simm.s32 $0x30;
	s29 =	simm.s32 $0x18;
	s0 =	simm.s32 $0x2F;
	v35 =	vadd.s32 s31, v28;
	v34 =	vld.idx.msk [tilespmem:v42+s16+$0x0], $0xffff;
	[tilespmem:s28+$0x0] =	vst v41  }
.LBB2_7:
0x17d: {  	p0 =	slt.u32 s30, $0x90;
	s1 =	sadd.s32 $0x1, s29;
	v40 =	vadd.s32 s0, v28;
	[tilespmem:s28+$0x80] =	vst v33;
	v33 =	vld.idx.msk [tilespmem:v38+s16+$0x0], $0xffff  }
0x17e: {  	s0 =	sadd.s32 $0x2, s29;
	v38 =	vadd.s32 s1, v28;
	[tilespmem:s28+$0x100] =	vst v30;
	v30 =	vld.idx.msk [tilespmem:v39+s16+$0x0], $0xffff  }
0x17f: {  	v39 =	vadd.s32 s0, v28;
	s0 =	sadd.s32 $0x3, s29;
	[tilespmem:s28+$0x180] =	vst v29;
	v29 =	vld.idx.msk [tilespmem:v36+s16+$0x0], $0xffff  }
0x180: {  	v36 =	vadd.s32 s0, v28;
	s0 =	sadd.s32 $0x4, s29;
	[tilespmem:s28+$0x600] =	vst v31;
	v31 =	vld.idx.msk [tilespmem:v37+s16+$0x0], $0xffff  }
0x181: {  	v37 =	vadd.s32 s0, v28;
	s0 =	sadd.s32 $0x5, s29;
	v35 =	vld.idx.msk [tilespmem:v35+s16+$0x0], $0xffff;
	[tilespmem:s28+$0x680] =	vst v32  }
0x182: {  	v32 =	vadd.s32 s0, v28;
	s0 =	sadd.s32 $0x6, s29;
	v40 =	vld.idx.msk [tilespmem:v40+s16+$0x0], $0xffff;
	[tilespmem:s28+$0x700] =	vst v34  }
0x183: {  	v34 =	vld.idx.msk [tilespmem:v38+s16+$0x0], $0xffff;
	v38 =	vadd.s32 s0, v28;
	s0 =	sadd.s32 $0x7, s29;
	[tilespmem:s28+$0x780] =	vst v33  }
0x184: {  	v33 =	vld.idx.msk [tilespmem:v39+s16+$0x0], $0xffff;
	v39 =	vadd.s32 s0, v28;
	s0 =	sadd.s32 $0x8, s29;
	[tilespmem:s28+$0x800] =	vst v30  }
0x185: {  	v30 =	vld.idx.msk [tilespmem:v36+s16+$0x0], $0xffff;
	v36 =	vadd.s32 s0, v28;
	s0 =	sadd.s32 $0x9, s29;
	[tilespmem:s28+$0x880] =	vst v29  }
0x186: {  	v29 =	vld.idx.msk [tilespmem:v37+s16+$0x0], $0xffff;
	v37 =	vadd.s32 s0, v28;
	s0 =	sadd.s32 $0xA, s29;
	[tilespmem:s28+$0x900] =	vst v31  }
0x187: {  	v31 =	vld.idx.msk [tilespmem:v32+s16+$0x0], $0xffff;
	v32 =	vadd.s32 s0, v28;
	s0 =	sadd.s32 $0xB, s29;
	[tilespmem:s28+$0xFFFFF600] =	vst v35;
	s28 =	sadd.s32 $0x1800, s28  }
0x188: {  	v35 =	vld.idx.msk [tilespmem:v38+s16+$0x0], $0xffff;
	v38 =	vadd.s32 s0, v28;
	s0 =	sadd.s32 $0xC, s29;
	[tilespmem:s28+$0x980] =	vst v40  }
0x189: {  	[tilespmem:s28+$0xFFFFF680] =	vst v34;
	v34 =	vld.idx.msk [tilespmem:v39+s16+$0x0], $0xffff;
	v39 =	vadd.s32 s0, v28;
	s0 =	sadd.s32 $0xD, s29  }
0x18a: {  	[tilespmem:s28+$0xFFFFF700] =	vst v33;
	v36 =	vld.idx.msk [tilespmem:v36+s16+$0x0], $0xffff;
	v33 =	vadd.s32 s0, v28;
	s0 =	sadd.s32 $0xE, s29  }
0x18b: {  	[tilespmem:s28+$0xFFFFF780] =	vst v30;
	v37 =	vld.idx.msk [tilespmem:v37+s16+$0x0], $0xffff;
	v30 =	vadd.s32 s0, v28;
	s0 =	sadd.s32 $0xF, s29  }
0x18c: {  	[tilespmem:s28+$0xFFFFF800] =	vst v29;
	v32 =	vld.idx.msk [tilespmem:v32+s16+$0x0], $0xffff;
	v29 =	vadd.s32 s0, v28;
	s0 =	sadd.s32 $0x10, s29  }
0x18d: {  	[tilespmem:s28+$0xFFFFF880] =	vst v31;
	v40 =	vld.idx.msk [tilespmem:v38+s16+$0x0], $0xffff;
	v31 =	vadd.s32 s0, v28;
	s0 =	sadd.s32 $0x11, s29  }
0x18e: {  	[tilespmem:s28+$0xFFFFF900] =	vst v35;
	v41 =	vld.idx.msk [tilespmem:v39+s16+$0x0], $0xffff;
	v35 =	vadd.s32 s0, v28;
	s0 =	sadd.s32 $0x12, s29  }
0x18f: {  	[tilespmem:s28+$0xFFFFF980] =	vst v34;
	v33 =	vld.idx.msk [tilespmem:v33+s16+$0x0], $0xffff;
	v34 =	vadd.s32 s0, v28;
	s0 =	sadd.s32 $0x13, s29  }
.Ltmp2:
0x190: {  	[tilespmem:s28+$0xFFFFFE00] =	vst v36;
	v30 =	vld.idx.msk [tilespmem:v30+s16+$0x0], $0xffff;
	v38 =	vadd.s32 s0, v28;
	s0 =	sadd.s32 $0x14, s29;
	(pc) =	sbr.rel @p0 .LBB2_7-.Ltmp2, $4  }
0x191: {  	[tilespmem:s28+$0xFFFFFE80] =	vst v37;
	v29 =	vld.idx.msk [tilespmem:v29+s16+$0x0], $0xffff;
	v39 =	vadd.s32 s0, v28;
	s0 =	sadd.s32 $0x15, s29  }
0x192: {  	[tilespmem:s28+$0xFFFFFF00] =	vst v32;
	v31 =	vld.idx.msk [tilespmem:v31+s16+$0x0], $0xffff;
	v36 =	vadd.s32 s0, v28;
	s0 =	sadd.s32 $0x16, s29  }
0x193: {  	[tilespmem:s28+$0xFFFFFF80] =	vst v40;
	v32 =	vld.idx.msk [tilespmem:v35+s16+$0x0], $0xffff;
	v37 =	vadd.s32 s0, v28  }
0x194: {  	s0 =	sadd.s32 $0x17, s30;
	v35 =	vadd.s32 s29, v28;
	s29 =	smov.u32 s30;
	s30 =	sadd.s32 $0x18, s30;
	[tilespmem:s28+$0x0] =	vst v41;
	v34 =	vld.idx.msk [tilespmem:v34+s16+$0x0], $0xffff  }
0x195: {  	_ =	sdelay $0x2  }
0x196: {  	[tilespmem:s28+$0x80] =	vst v33  }
0x197: {  	s1 =	sadd.s32 $0x1, s29;
	v50 =	vadd.s32 s0, v28;
	v38 =	vld.idx.msk [tilespmem:v38+s16+$0x0], $0xffff;
	[tilespmem:s28+$0x100] =	vst v30  }
0x198: {  	s6 =	sadd.s32 $0x2, s29;
	v39 =	vld.idx.msk [tilespmem:v39+s16+$0x0], $0xffff;
	v51 =	vadd.s32 s1, v28;
	[tilespmem:s28+$0x180] =	vst v29  }
0x199: {  	s7 =	sadd.s32 $0x3, s29;
	v36 =	vld.idx.msk [tilespmem:v36+s16+$0x0], $0xffff;
	v29 =	vadd.s32 s6, v28;
	[tilespmem:s28+$0x600] =	vst v31  }
0x19a: {  	s8 =	sadd.s32 $0x4, s29;
	v37 =	vld.idx.msk [tilespmem:v37+s16+$0x0], $0xffff;
	v52 =	vadd.s32 s7, v28;
	[tilespmem:s28+$0x680] =	vst v32  }
0x19b: {  	s9 =	sadd.s32 $0x5, s29;
	v35 =	vld.idx.msk [tilespmem:v35+s16+$0x0], $0xffff;
	v53 =	vadd.s32 s8, v28;
	[tilespmem:s28+$0x700] =	vst v34  }
0x19c: {  	s10 =	sadd.s32 $0x6, s29;
	v54 =	vadd.s32 s9, v28;
	v33 =	vld.idx.msk [tilespmem:v50+s16+$0x0], $0xffff;
	[tilespmem:s28+$0x780] =	vst v38  }
0x19d: {  	s11 =	sadd.s32 $0x7, s29;
	v55 =	vadd.s32 s10, v28;
	[tilespmem:s28+$0x800] =	vst v39;
	v30 =	vld.idx.msk [tilespmem:v51+s16+$0x0], $0xffff  }
0x19e: {  	s13 =	sadd.s32 $0x9, s29;
	v56 =	vadd.s32 s11, v28;
	[tilespmem:s28+$0x880] =	vst v36;
	v29 =	vld.idx.msk [tilespmem:v29+s16+$0x0], $0xffff  }
0x19f: {  	s14 =	sadd.s32 $0xA, s29;
	v58 =	vadd.s32 s13, v28;
	[tilespmem:s28+$0x900] =	vst v37;
	v31 =	vld.idx.msk [tilespmem:v52+s16+$0x0], $0xffff  }
0x1a0: {  	s15 =	sadd.s32 $0x1800, s28;
	s17 =	sadd.s32 $0xB, s29;
	v59 =	vadd.s32 s14, v28;
	[tilespmem:s28+$0xFFFFF600] =	vst v35;
	v32 =	vld.idx.msk [tilespmem:v53+s16+$0x0], $0xffff  }
0x1a1: {  	s18 =	sadd.s32 $0xC, s29;
	v61 =	vadd.s32 s17, v28;
	v34 =	vld.idx.msk [tilespmem:v54+s16+$0x0], $0xffff;
	[tilespmem:s15+$0x980] =	vst v33  }
0x1a2: {  	s19 =	sadd.s32 $0xD, s29;
	v63 =	vadd.s32 s18, v28;
	v60 =	vld.idx.msk [tilespmem:v55+s16+$0x0], $0xffff;
	[tilespmem:s15+$0xFFFFF680] =	vst v30  }
0x1a3: {  	s12 =	sadd.s32 $0x8, s29;
	v42 =	vadd.s32 s19, v28;
	v62 =	vld.idx.msk [tilespmem:v56+s16+$0x0], $0xffff;
	[tilespmem:s15+$0xFFFFF700] =	vst v29  }
0x1a4: {  	s21 =	sadd.s32 $0xF, s29;
	v57 =	vadd.s32 s12, v28;
	v43 =	vld.idx.msk [tilespmem:v58+s16+$0x0], $0xffff;
	[tilespmem:s15+$0xFFFFF780] =	vst v31  }
0x1a5: {  	s22 =	sadd.s32 $0x10, s29;
	v46 =	vadd.s32 s21, v28;
	v45 =	vld.idx.msk [tilespmem:v59+s16+$0x0], $0xffff;
	[tilespmem:s15+$0xFFFFF800] =	vst v32  }
0x1a6: {  	s23 =	sadd.s32 $0x11, s29;
	v48 =	vadd.s32 s22, v28;
	v47 =	vld.idx.msk [tilespmem:v61+s16+$0x0], $0xffff;
	[tilespmem:s15+$0xFFFFF880] =	vst v34  }
0x1a7: {  	s24 =	sadd.s32 $0x12, s29;
	v50 =	vadd.s32 s23, v28;
	v49 =	vld.idx.msk [tilespmem:v63+s16+$0x0], $0xffff;
	[tilespmem:s15+$0xFFFFF900] =	vst v60  }
0x1a8: {  	s20 =	sadd.s32 $0xE, s29;
	v51 =	vld.idx.msk [tilespmem:v42+s16+$0x0], $0xffff;
	v52 =	vadd.s32 s24, v28;
	[tilespmem:s15+$0xFFFFF980] =	vst v62  }
0x1a9: {  	s25 =	sadd.s32 $0x13, s29;
	v44 =	vadd.s32 s20, v28;
	v29 =	vld.idx.msk [tilespmem:v57+s16+$0x0], $0xffff;
	[tilespmem:s15+$0xFFFFFE80] =	vst v43  }
0x1aa: {  	s31 =	sadd.s32 $0x16, s29;
	v53 =	vadd.s32 s25, v28;
	v54 =	vld.idx.msk [tilespmem:v46+s16+$0x0], $0xffff;
	[tilespmem:s15+$0xFFFFFF00] =	vst v45  }
0x1ab: {  	s30 =	sadd.s32 $0x15, s29;
	v56 =	vld.idx.msk [tilespmem:v48+s16+$0x0], $0xffff;
	v59 =	vadd.s32 s31, v28;
	[tilespmem:s15+$0xFFFFFF80] =	vst v47  }
0x1ac: {  	s28 =	sadd.s32 $0x14, s29;
	v58 =	vld.idx.msk [tilespmem:v50+s16+$0x0], $0xffff;
	v57 =	vadd.s32 s30, v28;
	[tilespmem:s15+$0x0] =	vst v49  }
0x1ad: {  	v55 =	vadd.s32 s28, v28;
	v28 =	vadd.s32 s29, v28;
	v60 =	vld.idx.msk [tilespmem:v52+s16+$0x0], $0xffff;
	[tilespmem:s15+$0x80] =	vst v51  }
0x1ae: {  	[tilespmem:s15+$0xFFFFFE00] =	vst v29;
	v29 =	vld.idx.msk [tilespmem:v44+s16+$0x0], $0xffff  }
0x1af: {  	v61 =	vld.idx.msk [tilespmem:v53+s16+$0x0], $0xffff;
	[tilespmem:s15+$0x180] =	vst v54  }
0x1b0: {  	[tilespmem:s15+$0x600] =	vst v56;
	v63 =	vld.idx.msk [tilespmem:v59+s16+$0x0], $0xffff  }
0x1b1: {  	[tilespmem:s15+$0x680] =	vst v58;
	v62 =	vld.idx.msk [tilespmem:v57+s16+$0x0], $0xffff  }
0x1b2: {  	s26 =	sadd.s32 $0x1, s26;
	v28 =	vld.idx.msk [tilespmem:v28+s16+$0x0], $0xffff;
	[tilespmem:s15+$0x700] =	vst v60  }
0x1b3: {  	p0 =	sne.s32 s26, $0x10;
	[tilespmem:s15+$0x100] =	vst v29;
	v29 =	vld.idx.msk [tilespmem:v55+s16+$0x0], $0xffff  }
.Ltmp3:
0x1b4: {  	[tilespmem:s15+$0x780] =	vst v61;
	(pc) =	sbr.rel @p0 .LBB2_6-.Ltmp3, $4  }
0x1b5: {  	[tilespmem:s15+$0x900] =	vst v63  }
0x1b6: {  	[tilespmem:s15+$0x880] =	vst v62  }
0x1b7: {  	[tilespmem:s15+$0xFFFFF600] =	vst v28  }
0x1b8: {  	s4 =	sadd.s32 $0x80, s4;
	s3 =	sadd.s32 $0x1, s3;
	[tilespmem:s15+$0x800] =	vst v29  }
0x1b9: {  	s0 =	rddreg [dreg:$0x6];
	s1 =	simm.s32 $0x800  }
0x1ba: {  	s2 =	simm.s32 $0x80000;
	s3 =	simm.s32 $0xB210;
	s31 =	simm.s32 $0x1  }
0x1bb: {  	[hbm4b:s0+s1] =	stream.strided.scatter [tilespmem:s3], [sflag:$0x2], $0xA800, s2, s1, $0x38;
	[tilespmem:$0x15A10] =	vst v63  }
0x1bc: {  	_ =	swait.ge [sflag:s31], $0xA800  }
0x1bd: {  	s25 =	simm.s32 $0x0;
	[sflag:s31] =	ssyncset.done $0x0  }
0x1be: {  	s26 =	simm.s32 $0x0;
	s3 =	simm.s32 $0x0;
	[sflag:s31] =	ssyncadd.s32 $0xFFFF5800  }
.LBB2_10:
0x1bf: {  	s0 =	sshll.u32 s26, $0x4  }
0x1c0: {  	s0 =	sand.u32 $0x3FFFFFF0, s0  }
0x1c1: {  	v28 =	vld [tilespmem:s0+$0x200];
	_ =	sdelay $0x4  }
0x1c2: {  	(v2sf) =	vpush v28, $0xD;
	_ =	sdelay $0x1  }
0x1c3: {  	(v2sf) =	vpush v28, $0xC;
	_ =	sdelay $0x1  }
0x1c4: {  	(v2sf) =	vpush v28, $0xE;
	_ =	sdelay $0x1  }
0x1c5: {  	(v2sf) =	vpush v28, $0xF;
	_ =	sdelay $0x1  }
0x1c6: {  	(v2sf) =	vpush v28, $0x9;
	_ =	sdelay $0x1  }
0x1c7: {  	(v2sf) =	vpush v28, $0x8;
	_ =	sdelay $0x1  }
0x1c8: {  	(v2sf) =	vpush v28, $0xA;
	_ =	sdelay $0x1  }
0x1c9: {  	(v2sf) =	vpush v28, $0xB  }
0x1ca: {  	(v2sf) =	vpush v28, $0x0;
	s24 =	spop (v2sf)  }
0x1cb: {  	(v2sf) =	vpush v28, $0x1;
	s1 =	smulhi.u32 $0x30C30C31, s24;
	s0 =	sshra.s32 s24, $0x1F  }
0x1cc: {  	s2 =	spop (v2sf);
	s0 =	smul.u32 $0x30C30C31, s0  }
0x1cd: {  	s31 =	smulhi.u32 $0x30C30C31, s2;
	s2 =	sshra.s32 s2, $0x1F  }
0x1ce: {  	(v2sf) =	vpush v28, $0x2;
	s4 =	spop (v2sf);
	s2 =	smul.u32 $0x30C30C31, s2  }
0x1cf: {  	(v2sf) =	vpush v28, $0x3;
	s7 =	smulhi.u32 $0x30C30C31, s4;
	s4 =	sshra.s32 s4, $0x1F  }
0x1d0: {  	(v2sf) =	vpush v28, $0x4;
	s5 =	spop (v2sf);
	s4 =	smul.u32 $0x30C30C31, s4  }
0x1d1: {  	(v2sf) =	vpush v28, $0x5;
	s9 =	smulhi.u32 $0x30C30C31, s5;
	s5 =	sshra.s32 s5, $0x1F  }
0x1d2: {  	(v2sf) =	vpush v28, $0x6;
	s6 =	spop (v2sf);
	s5 =	smul.u32 $0x30C30C31, s5  }
0x1d3: {  	[dreg:$0x11] =	wrdreg s3;
	(v2sf) =	vpush v28, $0x7;
	s11 =	smulhi.u32 $0x30C30C31, s6;
	s6 =	sshra.s32 s6, $0x1F  }
0x1d4: {  	s8 =	spop (v2sf);
	s14 =	smul.u32 $0x30C30C31, s6  }
0x1d5: {  	s29 =	sadd.s32 s0, s1;
	s17 =	smulhi.u32 $0x30C30C31, s8;
	s22 =	sshra.s32 s8, $0x1F  }
0x1d6: {  	s31 =	sadd.s32 s2, s31;
	s10 =	spop (v2sf);
	s18 =	smul.u32 $0x30C30C31, s22  }
0x1d7: {  	s30 =	sadd.s32 s4, s7;
	s20 =	smulhi.u32 $0x30C30C31, s10;
	s23 =	sshra.s32 s10, $0x1F  }
0x1d8: {  	s12 =	spop (v2sf);
	s7 =	sshrl.u32 s30, $0x1F;
	s21 =	smul.u32 $0x30C30C31, s23  }
0x1d9: {  	s13 =	spop (v2sf);
	s23 =	smulhi.u32 $0x30C30C31, s12;
	s12 =	sshra.s32 s12, $0x1F  }
0x1da: {  	s28 =	sadd.s32 s5, s9;
	s15 =	spop (v2sf);
	s1 =	smul.u32 $0x30C30C31, s12  }
0x1db: {  	s2 =	smulhi.u32 $0x30C30C31, s13;
	s24 =	sshra.s32 s13, $0x1F;
	s12 =	sshrl.u32 s29, $0x1F  }
0x1dc: {  	s13 =	sshrl.u32 s31, $0x1F;
	s5 =	sadd.s32 s18, s17;
	s24 =	smul.u32 $0x30C30C31, s24  }
0x1dd: {  	s8 =	spop (v2sf);
	s4 =	smulhi.u32 $0x30C30C31, s15;
	s3 =	sshra.s32 s15, $0x1F  }
0x1de: {  	s19 =	spop (v2sf);
	s9 =	smul.u32 $0x30C30C31, s3;
	s3 =	sadd.s32 s14, s11  }
0x1df: {  	s11 =	smulhi.u32 $0x30C30C31, s8;
	s15 =	sshra.s32 s8, $0x1F;
	s10 =	spop (v2sf)  }
0x1e0: {  	s0 =	sadd.s32 s21, s20;
	s14 =	smul.u32 $0x30C30C31, s15;
	s22 =	spop (v2sf)  }
0x1e1: {  	s15 =	smulhi.u32 $0x30C30C31, s19;
	s20 =	sshra.s32 s19, $0x1F;
	s6 =	spop (v2sf)  }
0x1e2: {  	s8 =	sshrl.u32 s28, $0x1F;
	s17 =	smul.u32 $0x30C30C31, s20;
	s21 =	spop (v2sf)  }
0x1e3: {  	s1 =	sadd.s32 s1, s23;
	s23 =	smulhi.u32 $0x30C30C31, s21;
	s18 =	sshra.s32 s21, $0x1F  }
0x1e4: {  	s19 =	sadd.s32 s24, s2;
	s20 =	sshrl.u32 s3, $0x1F;
	s24 =	smul.u32 $0x30C30C31, s18  }
0x1e5: {  	s4 =	sadd.s32 s9, s4;
	s21 =	smulhi.u32 $0x30C30C31, s10;
	s10 =	sshra.s32 s10, $0x1F  }
0x1e6: {  	s9 =	sshrl.u32 s0, $0x1F;
	s10 =	smul.u32 $0x30C30C31, s10;
	s2 =	sadd.s32 s24, s23  }
0x1e7: {  	s3 =	sshra.s32 s3, $0x5;
	s0 =	sshra.s32 s0, $0x5;
	s23 =	sshra.s32 s2, $0x1F  }
0x1e8: {  	s10 =	sadd.s32 s10, s21;
	s24 =	sshra.s32 s19, $0x5;
	s21 =	sshrl.u32 s19, $0x1F;
	v29 =	vmov s23  }
0x1e9: {  	v30 =	vmov s13;
	s11 =	sadd.s32 s14, s11;
	s18 =	sshrl.u32 s5, $0x1F;
	s19 =	sshra.s32 s19, $0x1F;
	v31 =	vmov s21;
	v29 =	vsel vm5, s24, v29  }
0x1ea: {  	v30 =	vsel vm2, s12, v30;
	s5 =	sshra.s32 s5, $0x5;
	s21 =	sshra.s32 s4, $0x5;
	s23 =	sshrl.u32 s4, $0x1F;
	v31 =	vnsel vm5, $0x0, v31;
	v29 =	vsel vm11, s19, v29  }
0x1eb: {  	v30 =	vsel vm3, s7, v30;
	s4 =	sshra.s32 s4, $0x1F;
	s24 =	sshra.s32 s22, $0x1F;
	v31 =	vsel vm2, s23, v31;
	s23 =	smulhi.u32 $0x30C30C31, s6;
	v29 =	vsel vm2, s21, v29  }
0x1ec: {  	v30 =	vsel vm4, s8, v30;
	s6 =	sshra.s32 s6, $0x1F;
	s13 =	smul.u32 $0x30C30C31, s24;
	s24 =	sshra.s32 s11, $0x5;
	v29 =	vsel vm12, s4, v29  }
0x1ed: {  	s15 =	sadd.s32 s17, s15;
	v32 =	vmov s18;
	s18 =	sshra.s32 s11, $0x1F;
	v33 =	vmov s5;
	s6 =	smul.u32 $0x30C30C31, s6;
	v29 =	vsel vm3, s24, v29  }
0x1ee: {  	s14 =	sshrl.u32 s1, $0x1F;
	s12 =	smulhi.u32 $0x30C30C31, s22;
	v32 =	vsel vm2, s20, v32;
	v33 =	vsel vm2, s3, v33;
	s21 =	sshra.s32 s15, $0x5;
	v29 =	vsel vm13, s18, v29  }
0x1ef: {  	v32 =	vsel vm3, s9, v32;
	v33 =	vsel vm3, s0, v33;
	s22 =	sshrl.u32 s11, $0x1F;
	s6 =	sadd.s32 s6, s23;
	s23 =	sshra.s32 s15, $0x1F;
	v29 =	vsel vm4, s21, v29  }
0x1f0: {  	s17 =	sshrl.u32 s15, $0x1F;
	s9 =	sshra.s32 s31, $0x5;
	v32 =	vsel vm4, s14, v32;
	v31 =	vsel vm3, s22, v31;
	s24 =	sshra.s32 s10, $0x5;
	v29 =	vsel vm14, s23, v29  }
0x1f1: {  	s20 =	sshrl.u32 s10, $0x1F;
	v54 =	vmov s9;
	s11 =	sshra.s32 s10, $0x1F;
	v31 =	vsel vm4, s17, v31;
	s19 =	sadd.s32 s13, s12;
	v29 =	vsel vm6, s24, v29  }
0x1f2: {  	v30 =	vcombine.low v32, v30;
	v31 =	vsel vm6, s20, v31;
	s12 =	sshra.s32 s29, $0x5;
	s22 =	sshrl.u32 s19, $0x1F;
	s13 =	sshra.s32 s19, $0x5;
	v29 =	vsel vm15, s11, v29  }
0x1f3: {  	s14 =	sshra.s32 s30, $0x5;
	s8 =	sshrl.u32 s6, $0x1F;
	v32 =	vsel vm2, s12, v54;
	s15 =	sshra.s32 s19, $0x1F;
	v31 =	vsel vm7, s22, v31;
	v29 =	vsel vm7, s13, v29  }
0x1f4: {  	s17 =	sshra.s32 s28, $0x5;
	s19 =	sshra.s32 s6, $0x5;
	v32 =	vsel vm3, s14, v32;
	s18 =	sshra.s32 s1, $0x5;
	v31 =	vsel vm8, s8, v31;
	v29 =	vsel vm1, s15, v29  }
0x1f5: {  	s20 =	sshrl.u32 s2, $0x1F;
	v32 =	vsel vm4, s17, v32;
	v33 =	vsel vm4, s18, v33;
	s21 =	sshra.s32 s6, $0x1F;
	v29 =	vsel vm8, s19, v29  }
0x1f6: {  	s22 =	sshra.s32 s2, $0x5;
	v31 =	vsel vm9, s20, v31;
	v32 =	vcombine.low v33, v32;
	v29 =	vsel vm0, s21, v29  }
0x1f7: {  	v30 =	vperm.xlane v30, v26;
	v31 =	vperm.xlane v31, v27;
	v29 =	vsel vm9, s22, v29  }
0x1f8: {  	v32 =	vperm.xlane v32, v26;
	v29 =	vperm.xlane v29, v27;
	_ =	sdelay $0x1  }
0x1f9: {  	v30 =	vsel vm10, v31, v30;
	v29 =	vsel vm10, v29, v32  }
0x1fa: {  	v29 =	vadd.s32 v30, v29  }
0x1fb: {  	v29 =	vmul.u32 $0xA8, v29;
	_ =	sdelay $0x1  }
0x1fc: {  	s23 =	simm.s32 $0x17;
	v28 =	vsub.s32 v28, v29  }
0x1fd: {  	s24 =	simm.s32 $0x1;
	v29 =	vadd.s32 s23, v28  }
0x1fe: {  	s31 =	simm.s32 $0x2;
	v30 =	vadd.s32 s24, v28  }
0x1ff: {  	s1 =	simm.s32 $0x3;
	v31 =	vadd.s32 s31, v28  }
0x200: {  	s2 =	simm.s32 $0x4;
	v55 =	vadd.s32 s1, v28  }
0x201: {  	s4 =	simm.s32 $0x5;
	v56 =	vadd.s32 s2, v28  }
0x202: {  	s5 =	simm.s32 $0x6;
	s3 =	rddreg [dreg:$0x11];
	v34 =	vadd.s32 s4, v28;
	v29 =	vld.idx.msk [tilespmem:v29+s16+$0x0], $0xffff  }
0x203: {  	s7 =	sand.u32 $0x7, s3;
	s10 =	simm.s32 $0x9;
	s6 =	sshll.u32 s25, $0x2;
	v35 =	vadd.s32 s5, v28;
	v30 =	vld.idx.msk [tilespmem:v30+s16+$0x0], $0xffff  }
0x204: {  	s11 =	simm.s32 $0xA;
	s1 =	sand.u32 $0xFFFFF000, s6;
	s2 =	sshll.u32 s7, $0x6;
	v38 =	vadd.s32 s10, v28;
	v31 =	vld.idx.msk [tilespmem:v31+s16+$0x0], $0xffff  }
0x205: {  	s12 =	simm.s32 $0xB;
	v39 =	vadd.s32 s11, v28;
	s1 =	sor.u32 s2, s1;
	v32 =	vld.idx.msk [tilespmem:v55+s16+$0x0], $0xffff  }
0x206: {  	s8 =	simm.s32 $0x7;
	v40 =	vadd.s32 s12, v28;
	s1 =	sshrl.u32 s1, $0x2;
	v33 =	vld.idx.msk [tilespmem:v56+s16+$0x0], $0xffff  }
0x207: {  	s9 =	simm.s32 $0x8;
	v36 =	vadd.s32 s8, v28;
	s28 =	sadd.s32 $0x1410, s1;
	v34 =	vld.idx.msk [tilespmem:v34+s16+$0x0], $0xffff  }
0x208: {  	s14 =	simm.s32 $0xD;
	v37 =	vadd.s32 s9, v28;
	v35 =	vld.idx.msk [tilespmem:v35+s16+$0x0], $0xffff;
	[tilespmem:s28+$0x980] =	vst v29  }
0x209: {  	s13 =	simm.s32 $0xC;
	v57 =	vadd.s32 s14, v28;
	v58 =	vld.idx.msk [tilespmem:v38+s16+$0x0], $0xffff;
	[tilespmem:s28+$0xFFFFF680] =	vst v30  }
0x20a: {  	s19 =	simm.s32 $0x11;
	v39 =	vld.idx.msk [tilespmem:v39+s16+$0x0], $0xffff;
	v30 =	vadd.s32 s13, v28;
	[tilespmem:s28+$0xFFFFF700] =	vst v31  }
0x20b: {  	s15 =	simm.s32 $0xE;
	v63 =	vadd.s32 s19, v28;
	v61 =	vld.idx.msk [tilespmem:v40+s16+$0x0], $0xffff;
	[tilespmem:s28+$0xFFFFF780] =	vst v32  }
0x20c: {  	s17 =	simm.s32 $0xF;
	v59 =	vadd.s32 s15, v28;
	v29 =	vld.idx.msk [tilespmem:v36+s16+$0x0], $0xffff;
	[tilespmem:s28+$0xFFFFF800] =	vst v33  }
0x20d: {  	s18 =	simm.s32 $0x10;
	v60 =	vadd.s32 s17, v28;
	v31 =	vld.idx.msk [tilespmem:v37+s16+$0x0], $0xffff;
	[tilespmem:s28+$0xFFFFF880] =	vst v34  }
0x20e: {  	s20 =	simm.s32 $0x12;
	v62 =	vadd.s32 s18, v28;
	[tilespmem:s28+$0xFFFFF900] =	vst v35;
	v33 =	vld.idx.msk [tilespmem:v57+s16+$0x0], $0xffff  }
0x20f: {  	s21 =	simm.s32 $0x13;
	v42 =	vadd.s32 s20, v28;
	[tilespmem:s28+$0xFFFFFE80] =	vst v58;
	v41 =	vld.idx.msk [tilespmem:v30+s16+$0x0], $0xffff  }
0x210: {  	s22 =	simm.s32 $0x14;
	v38 =	vadd.s32 s21, v28;
	[tilespmem:s28+$0xFFFFFF00] =	vst v39;
	v32 =	vld.idx.msk [tilespmem:v63+s16+$0x0], $0xffff  }
0x211: {  	s23 =	simm.s32 $0x15;
	v39 =	vadd.s32 s22, v28;
	[tilespmem:s28+$0xFFFFFF80] =	vst v61;
	v30 =	vld.idx.msk [tilespmem:v59+s16+$0x0], $0xffff  }
0x212: {  	s24 =	simm.s32 $0x16;
	v36 =	vadd.s32 s23, v28;
	[tilespmem:s28+$0xFFFFF980] =	vst v29;
	v29 =	vld.idx.msk [tilespmem:v60+s16+$0x0], $0xffff  }
0x213: {  	s31 =	simm.s32 $0x0;
	v37 =	vadd.s32 s24, v28;
	[tilespmem:s28+$0xFFFFFE00] =	vst v31;
	v31 =	vld.idx.msk [tilespmem:v62+s16+$0x0], $0xffff  }
0x214: {  	s0 =	simm.s32 $0x2F;
	s30 =	simm.s32 $0x30;
	s29 =	simm.s32 $0x18;
	v35 =	vadd.s32 s31, v28;
	v34 =	vld.idx.msk [tilespmem:v42+s16+$0x0], $0xffff;
	[tilespmem:s28+$0x0] =	vst v41  }
.LBB2_11:
0x215: {  	p0 =	slt.u32 s30, $0x90;
	s1 =	sadd.s32 $0x1, s29;
	v40 =	vadd.s32 s0, v28;
	[tilespmem:s28+$0x80] =	vst v33;
	v33 =	vld.idx.msk [tilespmem:v38+s16+$0x0], $0xffff  }
0x216: {  	s0 =	sadd.s32 $0x2, s29;
	v38 =	vadd.s32 s1, v28;
	[tilespmem:s28+$0x100] =	vst v30;
	v30 =	vld.idx.msk [tilespmem:v39+s16+$0x0], $0xffff  }
0x217: {  	v39 =	vadd.s32 s0, v28;
	s0 =	sadd.s32 $0x3, s29;
	[tilespmem:s28+$0x180] =	vst v29;
	v29 =	vld.idx.msk [tilespmem:v36+s16+$0x0], $0xffff  }
0x218: {  	v36 =	vadd.s32 s0, v28;
	s0 =	sadd.s32 $0x4, s29;
	[tilespmem:s28+$0x600] =	vst v31;
	v31 =	vld.idx.msk [tilespmem:v37+s16+$0x0], $0xffff  }
0x219: {  	v37 =	vadd.s32 s0, v28;
	s0 =	sadd.s32 $0x5, s29;
	v35 =	vld.idx.msk [tilespmem:v35+s16+$0x0], $0xffff;
	[tilespmem:s28+$0x680] =	vst v32  }
0x21a: {  	v32 =	vadd.s32 s0, v28;
	s0 =	sadd.s32 $0x6, s29;
	v40 =	vld.idx.msk [tilespmem:v40+s16+$0x0], $0xffff;
	[tilespmem:s28+$0x700] =	vst v34  }
0x21b: {  	v34 =	vld.idx.msk [tilespmem:v38+s16+$0x0], $0xffff;
	v38 =	vadd.s32 s0, v28;
	s0 =	sadd.s32 $0x7, s29;
	[tilespmem:s28+$0x780] =	vst v33  }
0x21c: {  	v33 =	vld.idx.msk [tilespmem:v39+s16+$0x0], $0xffff;
	v39 =	vadd.s32 s0, v28;
	s0 =	sadd.s32 $0x8, s29;
	[tilespmem:s28+$0x800] =	vst v30  }
0x21d: {  	v30 =	vld.idx.msk [tilespmem:v36+s16+$0x0], $0xffff;
	v36 =	vadd.s32 s0, v28;
	s0 =	sadd.s32 $0x9, s29;
	[tilespmem:s28+$0x880] =	vst v29  }
0x21e: {  	v29 =	vld.idx.msk [tilespmem:v37+s16+$0x0], $0xffff;
	v37 =	vadd.s32 s0, v28;
	s0 =	sadd.s32 $0xA, s29;
	[tilespmem:s28+$0x900] =	vst v31  }
0x21f: {  	v31 =	vld.idx.msk [tilespmem:v32+s16+$0x0], $0xffff;
	v32 =	vadd.s32 s0, v28;
	s0 =	sadd.s32 $0xB, s29;
	[tilespmem:s28+$0xFFFFF600] =	vst v35;
	s28 =	sadd.s32 $0x1800, s28  }
0x220: {  	v35 =	vld.idx.msk [tilespmem:v38+s16+$0x0], $0xffff;
	v38 =	vadd.s32 s0, v28;
	s0 =	sadd.s32 $0xC, s29;
	[tilespmem:s28+$0x980] =	vst v40  }
0x221: {  	[tilespmem:s28+$0xFFFFF680] =	vst v34;
	v34 =	vld.idx.msk [tilespmem:v39+s16+$0x0], $0xffff;
	v39 =	vadd.s32 s0, v28;
	s0 =	sadd.s32 $0xD, s29  }
0x222: {  	[tilespmem:s28+$0xFFFFF700] =	vst v33;
	v36 =	vld.idx.msk [tilespmem:v36+s16+$0x0], $0xffff;
	v33 =	vadd.s32 s0, v28;
	s0 =	sadd.s32 $0xE, s29  }
0x223: {  	[tilespmem:s28+$0xFFFFF780] =	vst v30;
	v37 =	vld.idx.msk [tilespmem:v37+s16+$0x0], $0xffff;
	v30 =	vadd.s32 s0, v28;
	s0 =	sadd.s32 $0xF, s29  }
0x224: {  	[tilespmem:s28+$0xFFFFF800] =	vst v29;
	v32 =	vld.idx.msk [tilespmem:v32+s16+$0x0], $0xffff;
	v29 =	vadd.s32 s0, v28;
	s0 =	sadd.s32 $0x10, s29  }
0x225: {  	[tilespmem:s28+$0xFFFFF880] =	vst v31;
	v40 =	vld.idx.msk [tilespmem:v38+s16+$0x0], $0xffff;
	v31 =	vadd.s32 s0, v28;
	s0 =	sadd.s32 $0x11, s29  }
0x226: {  	[tilespmem:s28+$0xFFFFF900] =	vst v35;
	v41 =	vld.idx.msk [tilespmem:v39+s16+$0x0], $0xffff;
	v35 =	vadd.s32 s0, v28;
	s0 =	sadd.s32 $0x12, s29  }
0x227: {  	[tilespmem:s28+$0xFFFFF980] =	vst v34;
	v33 =	vld.idx.msk [tilespmem:v33+s16+$0x0], $0xffff;
	v34 =	vadd.s32 s0, v28;
	s0 =	sadd.s32 $0x13, s29  }
.Ltmp4:
0x228: {  	[tilespmem:s28+$0xFFFFFE00] =	vst v36;
	v30 =	vld.idx.msk [tilespmem:v30+s16+$0x0], $0xffff;
	v38 =	vadd.s32 s0, v28;
	s0 =	sadd.s32 $0x14, s29;
	(pc) =	sbr.rel @p0 .LBB2_11-.Ltmp4, $4  }
0x229: {  	[tilespmem:s28+$0xFFFFFE80] =	vst v37;
	v29 =	vld.idx.msk [tilespmem:v29+s16+$0x0], $0xffff;
	v39 =	vadd.s32 s0, v28;
	s0 =	sadd.s32 $0x15, s29  }
0x22a: {  	[tilespmem:s28+$0xFFFFFF00] =	vst v32;
	v31 =	vld.idx.msk [tilespmem:v31+s16+$0x0], $0xffff;
	v36 =	vadd.s32 s0, v28;
	s0 =	sadd.s32 $0x16, s29  }
0x22b: {  	[tilespmem:s28+$0xFFFFFF80] =	vst v40;
	v32 =	vld.idx.msk [tilespmem:v35+s16+$0x0], $0xffff;
	v37 =	vadd.s32 s0, v28  }
0x22c: {  	s0 =	sadd.s32 $0x17, s30;
	v35 =	vadd.s32 s29, v28;
	s29 =	smov.u32 s30;
	s30 =	sadd.s32 $0x18, s30;
	[tilespmem:s28+$0x0] =	vst v41;
	v34 =	vld.idx.msk [tilespmem:v34+s16+$0x0], $0xffff  }
0x22d: {  	_ =	sdelay $0x2  }
0x22e: {  	[tilespmem:s28+$0x80] =	vst v33  }
0x22f: {  	s1 =	sadd.s32 $0x1, s29;
	v50 =	vadd.s32 s0, v28;
	v38 =	vld.idx.msk [tilespmem:v38+s16+$0x0], $0xffff;
	[tilespmem:s28+$0x100] =	vst v30  }
0x230: {  	s5 =	sadd.s32 $0x2, s29;
	v39 =	vld.idx.msk [tilespmem:v39+s16+$0x0], $0xffff;
	v51 =	vadd.s32 s1, v28;
	[tilespmem:s28+$0x180] =	vst v29  }
0x231: {  	s6 =	sadd.s32 $0x3, s29;
	v36 =	vld.idx.msk [tilespmem:v36+s16+$0x0], $0xffff;
	v29 =	vadd.s32 s5, v28;
	[tilespmem:s28+$0x600] =	vst v31  }
0x232: {  	s7 =	sadd.s32 $0x4, s29;
	v37 =	vld.idx.msk [tilespmem:v37+s16+$0x0], $0xffff;
	v52 =	vadd.s32 s6, v28;
	[tilespmem:s28+$0x680] =	vst v32  }
0x233: {  	s8 =	sadd.s32 $0x5, s29;
	v35 =	vld.idx.msk [tilespmem:v35+s16+$0x0], $0xffff;
	v53 =	vadd.s32 s7, v28;
	[tilespmem:s28+$0x700] =	vst v34  }
0x234: {  	s9 =	sadd.s32 $0x6, s29;
	v54 =	vadd.s32 s8, v28;
	v33 =	vld.idx.msk [tilespmem:v50+s16+$0x0], $0xffff;
	[tilespmem:s28+$0x780] =	vst v38  }
0x235: {  	s10 =	sadd.s32 $0x7, s29;
	v55 =	vadd.s32 s9, v28;
	[tilespmem:s28+$0x800] =	vst v39;
	v30 =	vld.idx.msk [tilespmem:v51+s16+$0x0], $0xffff  }
0x236: {  	s12 =	sadd.s32 $0x9, s29;
	v56 =	vadd.s32 s10, v28;
	[tilespmem:s28+$0x880] =	vst v36;
	v29 =	vld.idx.msk [tilespmem:v29+s16+$0x0], $0xffff  }
0x237: {  	s13 =	sadd.s32 $0xA, s29;
	v58 =	vadd.s32 s12, v28;
	[tilespmem:s28+$0x900] =	vst v37;
	v31 =	vld.idx.msk [tilespmem:v52+s16+$0x0], $0xffff  }
0x238: {  	s14 =	sadd.s32 $0x1800, s28;
	s15 =	sadd.s32 $0xB, s29;
	v59 =	vadd.s32 s13, v28;
	[tilespmem:s28+$0xFFFFF600] =	vst v35;
	v32 =	vld.idx.msk [tilespmem:v53+s16+$0x0], $0xffff  }
0x239: {  	s17 =	sadd.s32 $0xC, s29;
	v61 =	vadd.s32 s15, v28;
	v34 =	vld.idx.msk [tilespmem:v54+s16+$0x0], $0xffff;
	[tilespmem:s14+$0x980] =	vst v33  }
0x23a: {  	s18 =	sadd.s32 $0xD, s29;
	v63 =	vadd.s32 s17, v28;
	v60 =	vld.idx.msk [tilespmem:v55+s16+$0x0], $0xffff;
	[tilespmem:s14+$0xFFFFF680] =	vst v30  }
0x23b: {  	s11 =	sadd.s32 $0x8, s29;
	v42 =	vadd.s32 s18, v28;
	v62 =	vld.idx.msk [tilespmem:v56+s16+$0x0], $0xffff;
	[tilespmem:s14+$0xFFFFF700] =	vst v29  }
0x23c: {  	s20 =	sadd.s32 $0xF, s29;
	v57 =	vadd.s32 s11, v28;
	v43 =	vld.idx.msk [tilespmem:v58+s16+$0x0], $0xffff;
	[tilespmem:s14+$0xFFFFF780] =	vst v31  }
0x23d: {  	s21 =	sadd.s32 $0x10, s29;
	v46 =	vadd.s32 s20, v28;
	v45 =	vld.idx.msk [tilespmem:v59+s16+$0x0], $0xffff;
	[tilespmem:s14+$0xFFFFF800] =	vst v32  }
0x23e: {  	s22 =	sadd.s32 $0x11, s29;
	v48 =	vadd.s32 s21, v28;
	v47 =	vld.idx.msk [tilespmem:v61+s16+$0x0], $0xffff;
	[tilespmem:s14+$0xFFFFF880] =	vst v34  }
0x23f: {  	s23 =	sadd.s32 $0x12, s29;
	v50 =	vadd.s32 s22, v28;
	v49 =	vld.idx.msk [tilespmem:v63+s16+$0x0], $0xffff;
	[tilespmem:s14+$0xFFFFF900] =	vst v60  }
0x240: {  	s19 =	sadd.s32 $0xE, s29;
	v51 =	vld.idx.msk [tilespmem:v42+s16+$0x0], $0xffff;
	v52 =	vadd.s32 s23, v28;
	[tilespmem:s14+$0xFFFFF980] =	vst v62  }
0x241: {  	s24 =	sadd.s32 $0x13, s29;
	v44 =	vadd.s32 s19, v28;
	v29 =	vld.idx.msk [tilespmem:v57+s16+$0x0], $0xffff;
	[tilespmem:s14+$0xFFFFFE80] =	vst v43  }
0x242: {  	s31 =	sadd.s32 $0x16, s29;
	v53 =	vadd.s32 s24, v28;
	v54 =	vld.idx.msk [tilespmem:v46+s16+$0x0], $0xffff;
	[tilespmem:s14+$0xFFFFFF00] =	vst v45  }
0x243: {  	s30 =	sadd.s32 $0x15, s29;
	v56 =	vld.idx.msk [tilespmem:v48+s16+$0x0], $0xffff;
	v59 =	vadd.s32 s31, v28;
	[tilespmem:s14+$0xFFFFFF80] =	vst v47  }
0x244: {  	s28 =	sadd.s32 $0x14, s29;
	v58 =	vld.idx.msk [tilespmem:v50+s16+$0x0], $0xffff;
	v57 =	vadd.s32 s30, v28;
	[tilespmem:s14+$0x0] =	vst v49  }
0x245: {  	v55 =	vadd.s32 s28, v28;
	v28 =	vadd.s32 s29, v28;
	v60 =	vld.idx.msk [tilespmem:v52+s16+$0x0], $0xffff;
	[tilespmem:s14+$0x80] =	vst v51  }
0x246: {  	[tilespmem:s14+$0xFFFFFE00] =	vst v29;
	v29 =	vld.idx.msk [tilespmem:v44+s16+$0x0], $0xffff  }
0x247: {  	v61 =	vld.idx.msk [tilespmem:v53+s16+$0x0], $0xffff;
	[tilespmem:s14+$0x180] =	vst v54  }
0x248: {  	[tilespmem:s14+$0x600] =	vst v56;
	v63 =	vld.idx.msk [tilespmem:v59+s16+$0x0], $0xffff  }
0x249: {  	[tilespmem:s14+$0x680] =	vst v58;
	v62 =	vld.idx.msk [tilespmem:v57+s16+$0x0], $0xffff  }
0x24a: {  	s26 =	sadd.s32 $0x1, s26;
	v28 =	vld.idx.msk [tilespmem:v28+s16+$0x0], $0xffff;
	[tilespmem:s14+$0x700] =	vst v60  }
0x24b: {  	p0 =	sne.s32 s26, $0x10;
	[tilespmem:s14+$0x100] =	vst v29;
	v29 =	vld.idx.msk [tilespmem:v55+s16+$0x0], $0xffff  }
.Ltmp5:
0x24c: {  	[tilespmem:s14+$0x780] =	vst v61;
	(pc) =	sbr.rel @p0 .LBB2_10-.Ltmp5, $4  }
0x24d: {  	[tilespmem:s14+$0x900] =	vst v63  }
0x24e: {  	[tilespmem:s14+$0x880] =	vst v62  }
0x24f: {  	[tilespmem:s14+$0xFFFFF600] =	vst v28  }
0x250: {  	s25 =	sadd.s32 $0x80, s25;
	s3 =	sadd.s32 $0x1, s3;
	[tilespmem:s14+$0x800] =	vst v29  }
0x251: {  	s0 =	rddreg [dreg:$0x7];
	s1 =	simm.s32 $0x800  }
0x252: {  	s2 =	simm.s32 $0x80000;
	s3 =	simm.s32 $0xA10;
	s31 =	simm.s32 $0x2  }
0x253: {  	[hbm4b:s0+s1] =	stream.strided.scatter [tilespmem:s3], [sflag:$0x1], $0xA800, s2, s1, $0x38;
	[tilespmem:$0x15A10] =	vst v63  }
0x254: {  	_ =	swait.ge [sflag:s31], $0xA800  }
0x255: {  	s25 =	simm.s32 $0x0;
	[sflag:s31] =	ssyncset.done $0x0  }
0x256: {  	s26 =	simm.s32 $0x0;
	s3 =	simm.s32 $0x0;
	[sflag:s31] =	ssyncadd.s32 $0xFFFF5800  }
.LBB2_14:
0x257: {  	s0 =	sshll.u32 s26, $0x4  }
0x258: {  	s0 =	sand.u32 $0x3FFFFFF0, s0  }
0x259: {  	v28 =	vld [tilespmem:s0+$0x300];
	_ =	sdelay $0x4  }
0x25a: {  	(v2sf) =	vpush v28, $0xD;
	_ =	sdelay $0x1  }
0x25b: {  	(v2sf) =	vpush v28, $0xC;
	_ =	sdelay $0x1  }
0x25c: {  	(v2sf) =	vpush v28, $0xE;
	_ =	sdelay $0x1  }
0x25d: {  	(v2sf) =	vpush v28, $0xF;
	_ =	sdelay $0x1  }
0x25e: {  	(v2sf) =	vpush v28, $0x9;
	_ =	sdelay $0x1  }
0x25f: {  	(v2sf) =	vpush v28, $0x8;
	_ =	sdelay $0x1  }
0x260: {  	(v2sf) =	vpush v28, $0xA;
	_ =	sdelay $0x1  }
0x261: {  	(v2sf) =	vpush v28, $0xB  }
0x262: {  	(v2sf) =	vpush v28, $0x0;
	s24 =	spop (v2sf)  }
0x263: {  	(v2sf) =	vpush v28, $0x1;
	s1 =	smulhi.u32 $0x30C30C31, s24;
	s0 =	sshra.s32 s24, $0x1F  }
0x264: {  	s2 =	spop (v2sf);
	s0 =	smul.u32 $0x30C30C31, s0  }
0x265: {  	s31 =	smulhi.u32 $0x30C30C31, s2;
	s2 =	sshra.s32 s2, $0x1F  }
0x266: {  	(v2sf) =	vpush v28, $0x2;
	s4 =	spop (v2sf);
	s2 =	smul.u32 $0x30C30C31, s2  }
0x267: {  	(v2sf) =	vpush v28, $0x3;
	s7 =	smulhi.u32 $0x30C30C31, s4;
	s4 =	sshra.s32 s4, $0x1F  }
0x268: {  	(v2sf) =	vpush v28, $0x4;
	s5 =	spop (v2sf);
	s4 =	smul.u32 $0x30C30C31, s4  }
0x269: {  	(v2sf) =	vpush v28, $0x5;
	s9 =	smulhi.u32 $0x30C30C31, s5;
	s5 =	sshra.s32 s5, $0x1F  }
0x26a: {  	(v2sf) =	vpush v28, $0x6;
	s6 =	spop (v2sf);
	s5 =	smul.u32 $0x30C30C31, s5  }
0x26b: {  	[dreg:$0x12] =	wrdreg s3;
	(v2sf) =	vpush v28, $0x7;
	s11 =	smulhi.u32 $0x30C30C31, s6;
	s6 =	sshra.s32 s6, $0x1F  }
0x26c: {  	s8 =	spop (v2sf);
	s14 =	smul.u32 $0x30C30C31, s6  }
0x26d: {  	s29 =	sadd.s32 s0, s1;
	s17 =	smulhi.u32 $0x30C30C31, s8;
	s22 =	sshra.s32 s8, $0x1F  }
0x26e: {  	s31 =	sadd.s32 s2, s31;
	s10 =	spop (v2sf);
	s18 =	smul.u32 $0x30C30C31, s22  }
0x26f: {  	s30 =	sadd.s32 s4, s7;
	s20 =	smulhi.u32 $0x30C30C31, s10;
	s23 =	sshra.s32 s10, $0x1F  }
0x270: {  	s12 =	spop (v2sf);
	s7 =	sshrl.u32 s30, $0x1F;
	s21 =	smul.u32 $0x30C30C31, s23  }
0x271: {  	s13 =	spop (v2sf);
	s23 =	smulhi.u32 $0x30C30C31, s12;
	s12 =	sshra.s32 s12, $0x1F  }
0x272: {  	s28 =	sadd.s32 s5, s9;
	s15 =	spop (v2sf);
	s1 =	smul.u32 $0x30C30C31, s12  }
0x273: {  	s2 =	smulhi.u32 $0x30C30C31, s13;
	s24 =	sshra.s32 s13, $0x1F;
	s12 =	sshrl.u32 s29, $0x1F  }
0x274: {  	s13 =	sshrl.u32 s31, $0x1F;
	s5 =	sadd.s32 s18, s17;
	s24 =	smul.u32 $0x30C30C31, s24  }
0x275: {  	s8 =	spop (v2sf);
	s4 =	smulhi.u32 $0x30C30C31, s15;
	s3 =	sshra.s32 s15, $0x1F  }
0x276: {  	s19 =	spop (v2sf);
	s9 =	smul.u32 $0x30C30C31, s3;
	s3 =	sadd.s32 s14, s11  }
0x277: {  	s11 =	smulhi.u32 $0x30C30C31, s8;
	s15 =	sshra.s32 s8, $0x1F;
	s10 =	spop (v2sf)  }
0x278: {  	s0 =	sadd.s32 s21, s20;
	s14 =	smul.u32 $0x30C30C31, s15;
	s22 =	spop (v2sf)  }
0x279: {  	s15 =	smulhi.u32 $0x30C30C31, s19;
	s20 =	sshra.s32 s19, $0x1F;
	s6 =	spop (v2sf)  }
0x27a: {  	s8 =	sshrl.u32 s28, $0x1F;
	s17 =	smul.u32 $0x30C30C31, s20;
	s21 =	spop (v2sf)  }
0x27b: {  	s1 =	sadd.s32 s1, s23;
	s23 =	smulhi.u32 $0x30C30C31, s21;
	s18 =	sshra.s32 s21, $0x1F  }
0x27c: {  	s19 =	sadd.s32 s24, s2;
	s20 =	sshrl.u32 s3, $0x1F;
	s24 =	smul.u32 $0x30C30C31, s18  }
0x27d: {  	s4 =	sadd.s32 s9, s4;
	s21 =	smulhi.u32 $0x30C30C31, s10;
	s10 =	sshra.s32 s10, $0x1F  }
0x27e: {  	s9 =	sshrl.u32 s0, $0x1F;
	s10 =	smul.u32 $0x30C30C31, s10;
	s2 =	sadd.s32 s24, s23  }
0x27f: {  	s3 =	sshra.s32 s3, $0x5;
	s0 =	sshra.s32 s0, $0x5;
	s23 =	sshra.s32 s2, $0x1F  }
0x280: {  	s10 =	sadd.s32 s10, s21;
	s24 =	sshra.s32 s19, $0x5;
	s21 =	sshrl.u32 s19, $0x1F;
	v29 =	vmov s23  }
0x281: {  	v30 =	vmov s13;
	s11 =	sadd.s32 s14, s11;
	s18 =	sshrl.u32 s5, $0x1F;
	s19 =	sshra.s32 s19, $0x1F;
	v31 =	vmov s21;
	v29 =	vsel vm5, s24, v29  }
0x282: {  	v30 =	vsel vm2, s12, v30;
	s5 =	sshra.s32 s5, $0x5;
	s21 =	sshra.s32 s4, $0x5;
	s23 =	sshrl.u32 s4, $0x1F;
	v31 =	vnsel vm5, $0x0, v31;
	v29 =	vsel vm11, s19, v29  }
0x283: {  	v30 =	vsel vm3, s7, v30;
	s4 =	sshra.s32 s4, $0x1F;
	s24 =	sshra.s32 s22, $0x1F;
	v31 =	vsel vm2, s23, v31;
	s23 =	smulhi.u32 $0x30C30C31, s6;
	v29 =	vsel vm2, s21, v29  }
0x284: {  	v30 =	vsel vm4, s8, v30;
	s6 =	sshra.s32 s6, $0x1F;
	s13 =	smul.u32 $0x30C30C31, s24;
	s24 =	sshra.s32 s11, $0x5;
	v29 =	vsel vm12, s4, v29  }
0x285: {  	s15 =	sadd.s32 s17, s15;
	v32 =	vmov s18;
	s18 =	sshra.s32 s11, $0x1F;
	v33 =	vmov s5;
	s6 =	smul.u32 $0x30C30C31, s6;
	v29 =	vsel vm3, s24, v29  }
0x286: {  	s14 =	sshrl.u32 s1, $0x1F;
	s12 =	smulhi.u32 $0x30C30C31, s22;
	v32 =	vsel vm2, s20, v32;
	v33 =	vsel vm2, s3, v33;
	s21 =	sshra.s32 s15, $0x5;
	v29 =	vsel vm13, s18, v29  }
0x287: {  	v32 =	vsel vm3, s9, v32;
	v33 =	vsel vm3, s0, v33;
	s22 =	sshrl.u32 s11, $0x1F;
	s6 =	sadd.s32 s6, s23;
	s23 =	sshra.s32 s15, $0x1F;
	v29 =	vsel vm4, s21, v29  }
0x288: {  	s17 =	sshrl.u32 s15, $0x1F;
	s9 =	sshra.s32 s31, $0x5;
	v32 =	vsel vm4, s14, v32;
	v31 =	vsel vm3, s22, v31;
	s24 =	sshra.s32 s10, $0x5;
	v29 =	vsel vm14, s23, v29  }
0x289: {  	s20 =	sshrl.u32 s10, $0x1F;
	v54 =	vmov s9;
	s11 =	sshra.s32 s10, $0x1F;
	v31 =	vsel vm4, s17, v31;
	s19 =	sadd.s32 s13, s12;
	v29 =	vsel vm6, s24, v29  }
0x28a: {  	v30 =	vcombine.low v32, v30;
	v31 =	vsel vm6, s20, v31;
	s12 =	sshra.s32 s29, $0x5;
	s22 =	sshrl.u32 s19, $0x1F;
	s13 =	sshra.s32 s19, $0x5;
	v29 =	vsel vm15, s11, v29  }
0x28b: {  	s14 =	sshra.s32 s30, $0x5;
	s8 =	sshrl.u32 s6, $0x1F;
	v32 =	vsel vm2, s12, v54;
	s15 =	sshra.s32 s19, $0x1F;
	v31 =	vsel vm7, s22, v31;
	v29 =	vsel vm7, s13, v29  }
0x28c: {  	s17 =	sshra.s32 s28, $0x5;
	s19 =	sshra.s32 s6, $0x5;
	v32 =	vsel vm3, s14, v32;
	s18 =	sshra.s32 s1, $0x5;
	v31 =	vsel vm8, s8, v31;
	v29 =	vsel vm1, s15, v29  }
0x28d: {  	s20 =	sshrl.u32 s2, $0x1F;
	v32 =	vsel vm4, s17, v32;
	v33 =	vsel vm4, s18, v33;
	s21 =	sshra.s32 s6, $0x1F;
	v29 =	vsel vm8, s19, v29  }
0x28e: {  	s22 =	sshra.s32 s2, $0x5;
	v31 =	vsel vm9, s20, v31;
	v32 =	vcombine.low v33, v32;
	v29 =	vsel vm0, s21, v29  }
0x28f: {  	v30 =	vperm.xlane v30, v26;
	v31 =	vperm.xlane v31, v27;
	v29 =	vsel vm9, s22, v29  }
0x290: {  	v32 =	vperm.xlane v32, v26;
	v29 =	vperm.xlane v29, v27;
	_ =	sdelay $0x1  }
0x291: {  	v30 =	vsel vm10, v31, v30;
	v29 =	vsel vm10, v29, v32  }
0x292: {  	v29 =	vadd.s32 v30, v29  }
0x293: {  	v29 =	vmul.u32 $0xA8, v29;
	_ =	sdelay $0x1  }
0x294: {  	s23 =	simm.s32 $0x17;
	v28 =	vsub.s32 v28, v29  }
0x295: {  	s24 =	simm.s32 $0x1;
	v29 =	vadd.s32 s23, v28  }
0x296: {  	s31 =	simm.s32 $0x2;
	v30 =	vadd.s32 s24, v28  }
0x297: {  	s1 =	simm.s32 $0x3;
	v31 =	vadd.s32 s31, v28  }
0x298: {  	s2 =	simm.s32 $0x4;
	v55 =	vadd.s32 s1, v28  }
0x299: {  	s4 =	simm.s32 $0x5;
	v56 =	vadd.s32 s2, v28  }
0x29a: {  	s5 =	simm.s32 $0x6;
	s3 =	rddreg [dreg:$0x12];
	v34 =	vadd.s32 s4, v28;
	v29 =	vld.idx.msk [tilespmem:v29+s16+$0x0], $0xffff  }
0x29b: {  	s7 =	sand.u32 $0x7, s3;
	s10 =	simm.s32 $0x9;
	s6 =	sshll.u32 s25, $0x2;
	v35 =	vadd.s32 s5, v28;
	v30 =	vld.idx.msk [tilespmem:v30+s16+$0x0], $0xffff  }
0x29c: {  	s11 =	simm.s32 $0xA;
	s1 =	sand.u32 $0xFFFFF000, s6;
	s2 =	sshll.u32 s7, $0x6;
	v38 =	vadd.s32 s10, v28;
	v31 =	vld.idx.msk [tilespmem:v31+s16+$0x0], $0xffff  }
0x29d: {  	s12 =	simm.s32 $0xB;
	v39 =	vadd.s32 s11, v28;
	s1 =	sor.u32 s2, s1;
	v32 =	vld.idx.msk [tilespmem:v55+s16+$0x0], $0xffff  }
0x29e: {  	s8 =	simm.s32 $0x7;
	v40 =	vadd.s32 s12, v28;
	s1 =	sshrl.u32 s1, $0x2;
	v33 =	vld.idx.msk [tilespmem:v56+s16+$0x0], $0xffff  }
0x29f: {  	s9 =	simm.s32 $0x8;
	v36 =	vadd.s32 s8, v28;
	s28 =	sadd.s32 $0xBC10, s1;
	v34 =	vld.idx.msk [tilespmem:v34+s16+$0x0], $0xffff  }
0x2a0: {  	s14 =	simm.s32 $0xD;
	v37 =	vadd.s32 s9, v28;
	v35 =	vld.idx.msk [tilespmem:v35+s16+$0x0], $0xffff;
	[tilespmem:s28+$0x980] =	vst v29  }
0x2a1: {  	s13 =	simm.s32 $0xC;
	v57 =	vadd.s32 s14, v28;
	v58 =	vld.idx.msk [tilespmem:v38+s16+$0x0], $0xffff;
	[tilespmem:s28+$0xFFFFF680] =	vst v30  }
0x2a2: {  	s19 =	simm.s32 $0x11;
	v39 =	vld.idx.msk [tilespmem:v39+s16+$0x0], $0xffff;
	v30 =	vadd.s32 s13, v28;
	[tilespmem:s28+$0xFFFFF700] =	vst v31  }
0x2a3: {  	s15 =	simm.s32 $0xE;
	v63 =	vadd.s32 s19, v28;
	v61 =	vld.idx.msk [tilespmem:v40+s16+$0x0], $0xffff;
	[tilespmem:s28+$0xFFFFF780] =	vst v32  }
0x2a4: {  	s17 =	simm.s32 $0xF;
	v59 =	vadd.s32 s15, v28;
	v29 =	vld.idx.msk [tilespmem:v36+s16+$0x0], $0xffff;
	[tilespmem:s28+$0xFFFFF800] =	vst v33  }
0x2a5: {  	s18 =	simm.s32 $0x10;
	v60 =	vadd.s32 s17, v28;
	v31 =	vld.idx.msk [tilespmem:v37+s16+$0x0], $0xffff;
	[tilespmem:s28+$0xFFFFF880] =	vst v34  }
0x2a6: {  	s20 =	simm.s32 $0x12;
	v62 =	vadd.s32 s18, v28;
	[tilespmem:s28+$0xFFFFF900] =	vst v35;
	v33 =	vld.idx.msk [tilespmem:v57+s16+$0x0], $0xffff  }
0x2a7: {  	s21 =	simm.s32 $0x13;
	v42 =	vadd.s32 s20, v28;
	[tilespmem:s28+$0xFFFFFE80] =	vst v58;
	v41 =	vld.idx.msk [tilespmem:v30+s16+$0x0], $0xffff  }
0x2a8: {  	s22 =	simm.s32 $0x14;
	v38 =	vadd.s32 s21, v28;
	[tilespmem:s28+$0xFFFFFF00] =	vst v39;
	v32 =	vld.idx.msk [tilespmem:v63+s16+$0x0], $0xffff  }
0x2a9: {  	s23 =	simm.s32 $0x15;
	v39 =	vadd.s32 s22, v28;
	[tilespmem:s28+$0xFFFFFF80] =	vst v61;
	v30 =	vld.idx.msk [tilespmem:v59+s16+$0x0], $0xffff  }
0x2aa: {  	s24 =	simm.s32 $0x16;
	v36 =	vadd.s32 s23, v28;
	[tilespmem:s28+$0xFFFFF980] =	vst v29;
	v29 =	vld.idx.msk [tilespmem:v60+s16+$0x0], $0xffff  }
0x2ab: {  	s31 =	simm.s32 $0x0;
	v37 =	vadd.s32 s24, v28;
	[tilespmem:s28+$0xFFFFFE00] =	vst v31;
	v31 =	vld.idx.msk [tilespmem:v62+s16+$0x0], $0xffff  }
0x2ac: {  	s0 =	simm.s32 $0x2F;
	s30 =	simm.s32 $0x30;
	s29 =	simm.s32 $0x18;
	v35 =	vadd.s32 s31, v28;
	v34 =	vld.idx.msk [tilespmem:v42+s16+$0x0], $0xffff;
	[tilespmem:s28+$0x0] =	vst v41  }
.LBB2_15:
0x2ad: {  	p0 =	slt.u32 s30, $0x90;
	s1 =	sadd.s32 $0x1, s29;
	v40 =	vadd.s32 s0, v28;
	[tilespmem:s28+$0x80] =	vst v33;
	v33 =	vld.idx.msk [tilespmem:v38+s16+$0x0], $0xffff  }
0x2ae: {  	s0 =	sadd.s32 $0x2, s29;
	v38 =	vadd.s32 s1, v28;
	[tilespmem:s28+$0x100] =	vst v30;
	v30 =	vld.idx.msk [tilespmem:v39+s16+$0x0], $0xffff  }
0x2af: {  	v39 =	vadd.s32 s0, v28;
	s0 =	sadd.s32 $0x3, s29;
	[tilespmem:s28+$0x180] =	vst v29;
	v29 =	vld.idx.msk [tilespmem:v36+s16+$0x0], $0xffff  }
0x2b0: {  	v36 =	vadd.s32 s0, v28;
	s0 =	sadd.s32 $0x4, s29;
	[tilespmem:s28+$0x600] =	vst v31;
	v31 =	vld.idx.msk [tilespmem:v37+s16+$0x0], $0xffff  }
0x2b1: {  	v37 =	vadd.s32 s0, v28;
	s0 =	sadd.s32 $0x5, s29;
	v35 =	vld.idx.msk [tilespmem:v35+s16+$0x0], $0xffff;
	[tilespmem:s28+$0x680] =	vst v32  }
0x2b2: {  	v32 =	vadd.s32 s0, v28;
	s0 =	sadd.s32 $0x6, s29;
	v40 =	vld.idx.msk [tilespmem:v40+s16+$0x0], $0xffff;
	[tilespmem:s28+$0x700] =	vst v34  }
0x2b3: {  	v34 =	vld.idx.msk [tilespmem:v38+s16+$0x0], $0xffff;
	v38 =	vadd.s32 s0, v28;
	s0 =	sadd.s32 $0x7, s29;
	[tilespmem:s28+$0x780] =	vst v33  }
0x2b4: {  	v33 =	vld.idx.msk [tilespmem:v39+s16+$0x0], $0xffff;
	v39 =	vadd.s32 s0, v28;
	s0 =	sadd.s32 $0x8, s29;
	[tilespmem:s28+$0x800] =	vst v30  }
0x2b5: {  	v30 =	vld.idx.msk [tilespmem:v36+s16+$0x0], $0xffff;
	v36 =	vadd.s32 s0, v28;
	s0 =	sadd.s32 $0x9, s29;
	[tilespmem:s28+$0x880] =	vst v29  }
0x2b6: {  	v29 =	vld.idx.msk [tilespmem:v37+s16+$0x0], $0xffff;
	v37 =	vadd.s32 s0, v28;
	s0 =	sadd.s32 $0xA, s29;
	[tilespmem:s28+$0x900] =	vst v31  }
0x2b7: {  	v31 =	vld.idx.msk [tilespmem:v32+s16+$0x0], $0xffff;
	v32 =	vadd.s32 s0, v28;
	s0 =	sadd.s32 $0xB, s29;
	[tilespmem:s28+$0xFFFFF600] =	vst v35;
	s28 =	sadd.s32 $0x1800, s28  }
0x2b8: {  	v35 =	vld.idx.msk [tilespmem:v38+s16+$0x0], $0xffff;
	v38 =	vadd.s32 s0, v28;
	s0 =	sadd.s32 $0xC, s29;
	[tilespmem:s28+$0x980] =	vst v40  }
0x2b9: {  	[tilespmem:s28+$0xFFFFF680] =	vst v34;
	v34 =	vld.idx.msk [tilespmem:v39+s16+$0x0], $0xffff;
	v39 =	vadd.s32 s0, v28;
	s0 =	sadd.s32 $0xD, s29  }
0x2ba: {  	[tilespmem:s28+$0xFFFFF700] =	vst v33;
	v36 =	vld.idx.msk [tilespmem:v36+s16+$0x0], $0xffff;
	v33 =	vadd.s32 s0, v28;
	s0 =	sadd.s32 $0xE, s29  }
0x2bb: {  	[tilespmem:s28+$0xFFFFF780] =	vst v30;
	v37 =	vld.idx.msk [tilespmem:v37+s16+$0x0], $0xffff;
	v30 =	vadd.s32 s0, v28;
	s0 =	sadd.s32 $0xF, s29  }
0x2bc: {  	[tilespmem:s28+$0xFFFFF800] =	vst v29;
	v32 =	vld.idx.msk [tilespmem:v32+s16+$0x0], $0xffff;
	v29 =	vadd.s32 s0, v28;
	s0 =	sadd.s32 $0x10, s29  }
0x2bd: {  	[tilespmem:s28+$0xFFFFF880] =	vst v31;
	v40 =	vld.idx.msk [tilespmem:v38+s16+$0x0], $0xffff;
	v31 =	vadd.s32 s0, v28;
	s0 =	sadd.s32 $0x11, s29  }
0x2be: {  	[tilespmem:s28+$0xFFFFF900] =	vst v35;
	v41 =	vld.idx.msk [tilespmem:v39+s16+$0x0], $0xffff;
	v35 =	vadd.s32 s0, v28;
	s0 =	sadd.s32 $0x12, s29  }
0x2bf: {  	[tilespmem:s28+$0xFFFFF980] =	vst v34;
	v33 =	vld.idx.msk [tilespmem:v33+s16+$0x0], $0xffff;
	v34 =	vadd.s32 s0, v28;
	s0 =	sadd.s32 $0x13, s29  }
.Ltmp6:
0x2c0: {  	[tilespmem:s28+$0xFFFFFE00] =	vst v36;
	v30 =	vld.idx.msk [tilespmem:v30+s16+$0x0], $0xffff;
	v38 =	vadd.s32 s0, v28;
	s0 =	sadd.s32 $0x14, s29;
	(pc) =	sbr.rel @p0 .LBB2_15-.Ltmp6, $4  }
0x2c1: {  	[tilespmem:s28+$0xFFFFFE80] =	vst v37;
	v29 =	vld.idx.msk [tilespmem:v29+s16+$0x0], $0xffff;
	v39 =	vadd.s32 s0, v28;
	s0 =	sadd.s32 $0x15, s29  }
0x2c2: {  	[tilespmem:s28+$0xFFFFFF00] =	vst v32;
	v31 =	vld.idx.msk [tilespmem:v31+s16+$0x0], $0xffff;
	v36 =	vadd.s32 s0, v28;
	s0 =	sadd.s32 $0x16, s29  }
0x2c3: {  	[tilespmem:s28+$0xFFFFFF80] =	vst v40;
	v32 =	vld.idx.msk [tilespmem:v35+s16+$0x0], $0xffff;
	v37 =	vadd.s32 s0, v28  }
0x2c4: {  	s0 =	sadd.s32 $0x17, s30;
	v35 =	vadd.s32 s29, v28;
	s29 =	smov.u32 s30;
	s30 =	sadd.s32 $0x18, s30;
	[tilespmem:s28+$0x0] =	vst v41;
	v34 =	vld.idx.msk [tilespmem:v34+s16+$0x0], $0xffff  }
0x2c5: {  	_ =	sdelay $0x2  }
0x2c6: {  	[tilespmem:s28+$0x80] =	vst v33  }
0x2c7: {  	s1 =	sadd.s32 $0x1, s29;
	v50 =	vadd.s32 s0, v28;
	v38 =	vld.idx.msk [tilespmem:v38+s16+$0x0], $0xffff;
	[tilespmem:s28+$0x100] =	vst v30  }
0x2c8: {  	s5 =	sadd.s32 $0x2, s29;
	v39 =	vld.idx.msk [tilespmem:v39+s16+$0x0], $0xffff;
	v51 =	vadd.s32 s1, v28;
	[tilespmem:s28+$0x180] =	vst v29  }
0x2c9: {  	s6 =	sadd.s32 $0x3, s29;
	v36 =	vld.idx.msk [tilespmem:v36+s16+$0x0], $0xffff;
	v29 =	vadd.s32 s5, v28;
	[tilespmem:s28+$0x600] =	vst v31  }
0x2ca: {  	s7 =	sadd.s32 $0x4, s29;
	v37 =	vld.idx.msk [tilespmem:v37+s16+$0x0], $0xffff;
	v52 =	vadd.s32 s6, v28;
	[tilespmem:s28+$0x680] =	vst v32  }
0x2cb: {  	s8 =	sadd.s32 $0x5, s29;
	v35 =	vld.idx.msk [tilespmem:v35+s16+$0x0], $0xffff;
	v53 =	vadd.s32 s7, v28;
	[tilespmem:s28+$0x700] =	vst v34  }
0x2cc: {  	s9 =	sadd.s32 $0x6, s29;
	v54 =	vadd.s32 s8, v28;
	v33 =	vld.idx.msk [tilespmem:v50+s16+$0x0], $0xffff;
	[tilespmem:s28+$0x780] =	vst v38  }
0x2cd: {  	s10 =	sadd.s32 $0x7, s29;
	v55 =	vadd.s32 s9, v28;
	[tilespmem:s28+$0x800] =	vst v39;
	v30 =	vld.idx.msk [tilespmem:v51+s16+$0x0], $0xffff  }
0x2ce: {  	s12 =	sadd.s32 $0x9, s29;
	v56 =	vadd.s32 s10, v28;
	[tilespmem:s28+$0x880] =	vst v36;
	v29 =	vld.idx.msk [tilespmem:v29+s16+$0x0], $0xffff  }
0x2cf: {  	s13 =	sadd.s32 $0xA, s29;
	v58 =	vadd.s32 s12, v28;
	[tilespmem:s28+$0x900] =	vst v37;
	v31 =	vld.idx.msk [tilespmem:v52+s16+$0x0], $0xffff  }
0x2d0: {  	s14 =	sadd.s32 $0x1800, s28;
	s15 =	sadd.s32 $0xB, s29;
	v59 =	vadd.s32 s13, v28;
	[tilespmem:s28+$0xFFFFF600] =	vst v35;
	v32 =	vld.idx.msk [tilespmem:v53+s16+$0x0], $0xffff  }
0x2d1: {  	s17 =	sadd.s32 $0xC, s29;
	v61 =	vadd.s32 s15, v28;
	v34 =	vld.idx.msk [tilespmem:v54+s16+$0x0], $0xffff;
	[tilespmem:s14+$0x980] =	vst v33  }
0x2d2: {  	s18 =	sadd.s32 $0xD, s29;
	v63 =	vadd.s32 s17, v28;
	v60 =	vld.idx.msk [tilespmem:v55+s16+$0x0], $0xffff;
	[tilespmem:s14+$0xFFFFF680] =	vst v30  }
0x2d3: {  	s11 =	sadd.s32 $0x8, s29;
	v42 =	vadd.s32 s18, v28;
	v62 =	vld.idx.msk [tilespmem:v56+s16+$0x0], $0xffff;
	[tilespmem:s14+$0xFFFFF700] =	vst v29  }
0x2d4: {  	s20 =	sadd.s32 $0xF, s29;
	v57 =	vadd.s32 s11, v28;
	v43 =	vld.idx.msk [tilespmem:v58+s16+$0x0], $0xffff;
	[tilespmem:s14+$0xFFFFF780] =	vst v31  }
0x2d5: {  	s21 =	sadd.s32 $0x10, s29;
	v46 =	vadd.s32 s20, v28;
	v45 =	vld.idx.msk [tilespmem:v59+s16+$0x0], $0xffff;
	[tilespmem:s14+$0xFFFFF800] =	vst v32  }
0x2d6: {  	s22 =	sadd.s32 $0x11, s29;
	v48 =	vadd.s32 s21, v28;
	v47 =	vld.idx.msk [tilespmem:v61+s16+$0x0], $0xffff;
	[tilespmem:s14+$0xFFFFF880] =	vst v34  }
0x2d7: {  	s23 =	sadd.s32 $0x12, s29;
	v50 =	vadd.s32 s22, v28;
	v49 =	vld.idx.msk [tilespmem:v63+s16+$0x0], $0xffff;
	[tilespmem:s14+$0xFFFFF900] =	vst v60  }
0x2d8: {  	s19 =	sadd.s32 $0xE, s29;
	v51 =	vld.idx.msk [tilespmem:v42+s16+$0x0], $0xffff;
	v52 =	vadd.s32 s23, v28;
	[tilespmem:s14+$0xFFFFF980] =	vst v62  }
0x2d9: {  	s24 =	sadd.s32 $0x13, s29;
	v44 =	vadd.s32 s19, v28;
	v29 =	vld.idx.msk [tilespmem:v57+s16+$0x0], $0xffff;
	[tilespmem:s14+$0xFFFFFE80] =	vst v43  }
0x2da: {  	s31 =	sadd.s32 $0x16, s29;
	v53 =	vadd.s32 s24, v28;
	v54 =	vld.idx.msk [tilespmem:v46+s16+$0x0], $0xffff;
	[tilespmem:s14+$0xFFFFFF00] =	vst v45  }
0x2db: {  	s30 =	sadd.s32 $0x15, s29;
	v56 =	vld.idx.msk [tilespmem:v48+s16+$0x0], $0xffff;
	v59 =	vadd.s32 s31, v28;
	[tilespmem:s14+$0xFFFFFF80] =	vst v47  }
0x2dc: {  	s28 =	sadd.s32 $0x14, s29;
	v58 =	vld.idx.msk [tilespmem:v50+s16+$0x0], $0xffff;
	v57 =	vadd.s32 s30, v28;
	[tilespmem:s14+$0x0] =	vst v49  }
0x2dd: {  	v55 =	vadd.s32 s28, v28;
	v28 =	vadd.s32 s29, v28;
	v60 =	vld.idx.msk [tilespmem:v52+s16+$0x0], $0xffff;
	[tilespmem:s14+$0x80] =	vst v51  }
0x2de: {  	[tilespmem:s14+$0xFFFFFE00] =	vst v29;
	v29 =	vld.idx.msk [tilespmem:v44+s16+$0x0], $0xffff  }
0x2df: {  	v61 =	vld.idx.msk [tilespmem:v53+s16+$0x0], $0xffff;
	[tilespmem:s14+$0x180] =	vst v54  }
0x2e0: {  	[tilespmem:s14+$0x600] =	vst v56;
	v63 =	vld.idx.msk [tilespmem:v59+s16+$0x0], $0xffff  }
0x2e1: {  	[tilespmem:s14+$0x680] =	vst v58;
	v62 =	vld.idx.msk [tilespmem:v57+s16+$0x0], $0xffff  }
0x2e2: {  	s26 =	sadd.s32 $0x1, s26;
	v28 =	vld.idx.msk [tilespmem:v28+s16+$0x0], $0xffff;
	[tilespmem:s14+$0x700] =	vst v60  }
0x2e3: {  	p0 =	sne.s32 s26, $0x10;
	[tilespmem:s14+$0x100] =	vst v29;
	v29 =	vld.idx.msk [tilespmem:v55+s16+$0x0], $0xffff  }
.Ltmp7:
0x2e4: {  	[tilespmem:s14+$0x780] =	vst v61;
	(pc) =	sbr.rel @p0 .LBB2_14-.Ltmp7, $4  }
0x2e5: {  	[tilespmem:s14+$0x900] =	vst v63  }
0x2e6: {  	[tilespmem:s14+$0x880] =	vst v62  }
0x2e7: {  	[tilespmem:s14+$0xFFFFF600] =	vst v28  }
0x2e8: {  	s25 =	sadd.s32 $0x80, s25;
	s3 =	sadd.s32 $0x1, s3;
	[tilespmem:s14+$0x800] =	vst v29  }
0x2e9: {  	s0 =	rddreg [dreg:$0x8];
	s1 =	simm.s32 $0x800  }
0x2ea: {  	s2 =	simm.s32 $0x80000;
	s3 =	simm.s32 $0xB210;
	s31 =	simm.s32 $0x1  }
0x2eb: {  	[hbm4b:s0+s1] =	stream.strided.scatter [tilespmem:s3], [sflag:$0x2], $0xA800, s2, s1, $0x38;
	[tilespmem:$0x15A10] =	vst v63  }
0x2ec: {  	_ =	swait.ge [sflag:s31], $0xA800  }
0x2ed: {  	s25 =	simm.s32 $0x0;
	[sflag:s31] =	ssyncset.done $0x0  }
0x2ee: {  	s26 =	simm.s32 $0x0;
	s3 =	simm.s32 $0x0;
	[sflag:s31] =	ssyncadd.s32 $0xFFFF5800  }
.LBB2_18:
0x2ef: {  	s0 =	sshll.u32 s26, $0x4  }
0x2f0: {  	s0 =	sand.u32 $0x3FFFFFF0, s0  }
0x2f1: {  	v28 =	vld [tilespmem:s0+$0x400];
	_ =	sdelay $0x4  }
0x2f2: {  	(v2sf) =	vpush v28, $0xD;
	_ =	sdelay $0x1  }
0x2f3: {  	(v2sf) =	vpush v28, $0xC;
	_ =	sdelay $0x1  }
0x2f4: {  	(v2sf) =	vpush v28, $0xE;
	_ =	sdelay $0x1  }
0x2f5: {  	(v2sf) =	vpush v28, $0xF;
	_ =	sdelay $0x1  }
0x2f6: {  	(v2sf) =	vpush v28, $0x9;
	_ =	sdelay $0x1  }
0x2f7: {  	(v2sf) =	vpush v28, $0x8;
	_ =	sdelay $0x1  }
0x2f8: {  	(v2sf) =	vpush v28, $0xA;
	_ =	sdelay $0x1  }
0x2f9: {  	(v2sf) =	vpush v28, $0xB  }
0x2fa: {  	(v2sf) =	vpush v28, $0x0;
	s24 =	spop (v2sf)  }
0x2fb: {  	(v2sf) =	vpush v28, $0x1;
	s1 =	smulhi.u32 $0x30C30C31, s24;
	s0 =	sshra.s32 s24, $0x1F  }
0x2fc: {  	s2 =	spop (v2sf);
	s0 =	smul.u32 $0x30C30C31, s0  }
0x2fd: {  	s31 =	smulhi.u32 $0x30C30C31, s2;
	s2 =	sshra.s32 s2, $0x1F  }
0x2fe: {  	(v2sf) =	vpush v28, $0x2;
	s4 =	spop (v2sf);
	s2 =	smul.u32 $0x30C30C31, s2  }
0x2ff: {  	(v2sf) =	vpush v28, $0x3;
	s7 =	smulhi.u32 $0x30C30C31, s4;
	s4 =	sshra.s32 s4, $0x1F  }
0x300: {  	(v2sf) =	vpush v28, $0x4;
	s5 =	spop (v2sf);
	s4 =	smul.u32 $0x30C30C31, s4  }
0x301: {  	(v2sf) =	vpush v28, $0x5;
	s9 =	smulhi.u32 $0x30C30C31, s5;
	s5 =	sshra.s32 s5, $0x1F  }
0x302: {  	(v2sf) =	vpush v28, $0x6;
	s6 =	spop (v2sf);
	s5 =	smul.u32 $0x30C30C31, s5  }
0x303: {  	[dreg:$0x13] =	wrdreg s3;
	(v2sf) =	vpush v28, $0x7;
	s11 =	smulhi.u32 $0x30C30C31, s6;
	s6 =	sshra.s32 s6, $0x1F  }
0x304: {  	s8 =	spop (v2sf);
	s14 =	smul.u32 $0x30C30C31, s6  }
0x305: {  	s29 =	sadd.s32 s0, s1;
	s17 =	smulhi.u32 $0x30C30C31, s8;
	s22 =	sshra.s32 s8, $0x1F  }
0x306: {  	s31 =	sadd.s32 s2, s31;
	s10 =	spop (v2sf);
	s18 =	smul.u32 $0x30C30C31, s22  }
0x307: {  	s30 =	sadd.s32 s4, s7;
	s20 =	smulhi.u32 $0x30C30C31, s10;
	s23 =	sshra.s32 s10, $0x1F  }
0x308: {  	s12 =	spop (v2sf);
	s7 =	sshrl.u32 s30, $0x1F;
	s21 =	smul.u32 $0x30C30C31, s23  }
0x309: {  	s13 =	spop (v2sf);
	s23 =	smulhi.u32 $0x30C30C31, s12;
	s12 =	sshra.s32 s12, $0x1F  }
0x30a: {  	s28 =	sadd.s32 s5, s9;
	s15 =	spop (v2sf);
	s1 =	smul.u32 $0x30C30C31, s12  }
0x30b: {  	s2 =	smulhi.u32 $0x30C30C31, s13;
	s24 =	sshra.s32 s13, $0x1F;
	s12 =	sshrl.u32 s29, $0x1F  }
0x30c: {  	s13 =	sshrl.u32 s31, $0x1F;
	s5 =	sadd.s32 s18, s17;
	s24 =	smul.u32 $0x30C30C31, s24  }
0x30d: {  	s8 =	spop (v2sf);
	s4 =	smulhi.u32 $0x30C30C31, s15;
	s3 =	sshra.s32 s15, $0x1F  }
0x30e: {  	s19 =	spop (v2sf);
	s9 =	smul.u32 $0x30C30C31, s3;
	s3 =	sadd.s32 s14, s11  }
0x30f: {  	s11 =	smulhi.u32 $0x30C30C31, s8;
	s15 =	sshra.s32 s8, $0x1F;
	s10 =	spop (v2sf)  }
0x310: {  	s0 =	sadd.s32 s21, s20;
	s14 =	smul.u32 $0x30C30C31, s15;
	s22 =	spop (v2sf)  }
0x311: {  	s15 =	smulhi.u32 $0x30C30C31, s19;
	s20 =	sshra.s32 s19, $0x1F;
	s6 =	spop (v2sf)  }
0x312: {  	s8 =	sshrl.u32 s28, $0x1F;
	s17 =	smul.u32 $0x30C30C31, s20;
	s21 =	spop (v2sf)  }
0x313: {  	s1 =	sadd.s32 s1, s23;
	s23 =	smulhi.u32 $0x30C30C31, s21;
	s18 =	sshra.s32 s21, $0x1F  }
0x314: {  	s19 =	sadd.s32 s24, s2;
	s20 =	sshrl.u32 s3, $0x1F;
	s24 =	smul.u32 $0x30C30C31, s18  }
0x315: {  	s4 =	sadd.s32 s9, s4;
	s21 =	smulhi.u32 $0x30C30C31, s10;
	s10 =	sshra.s32 s10, $0x1F  }
0x316: {  	s9 =	sshrl.u32 s0, $0x1F;
	s10 =	smul.u32 $0x30C30C31, s10;
	s2 =	sadd.s32 s24, s23  }
0x317: {  	s3 =	sshra.s32 s3, $0x5;
	s0 =	sshra.s32 s0, $0x5;
	s23 =	sshra.s32 s2, $0x1F  }
0x318: {  	s10 =	sadd.s32 s10, s21;
	s24 =	sshra.s32 s19, $0x5;
	s21 =	sshrl.u32 s19, $0x1F;
	v29 =	vmov s23  }
0x319: {  	v30 =	vmov s13;
	s11 =	sadd.s32 s14, s11;
	s18 =	sshrl.u32 s5, $0x1F;
	s19 =	sshra.s32 s19, $0x1F;
	v31 =	vmov s21;
	v29 =	vsel vm5, s24, v29  }
0x31a: {  	v30 =	vsel vm2, s12, v30;
	s5 =	sshra.s32 s5, $0x5;
	s21 =	sshra.s32 s4, $0x5;
	s23 =	sshrl.u32 s4, $0x1F;
	v31 =	vnsel vm5, $0x0, v31;
	v29 =	vsel vm11, s19, v29  }
0x31b: {  	v30 =	vsel vm3, s7, v30;
	s4 =	sshra.s32 s4, $0x1F;
	s24 =	sshra.s32 s22, $0x1F;
	v31 =	vsel vm2, s23, v31;
	s23 =	smulhi.u32 $0x30C30C31, s6;
	v29 =	vsel vm2, s21, v29  }
0x31c: {  	v30 =	vsel vm4, s8, v30;
	s6 =	sshra.s32 s6, $0x1F;
	s13 =	smul.u32 $0x30C30C31, s24;
	s24 =	sshra.s32 s11, $0x5;
	v29 =	vsel vm12, s4, v29  }
0x31d: {  	s15 =	sadd.s32 s17, s15;
	v32 =	vmov s18;
	s18 =	sshra.s32 s11, $0x1F;
	v33 =	vmov s5;
	s6 =	smul.u32 $0x30C30C31, s6;
	v29 =	vsel vm3, s24, v29  }
0x31e: {  	s14 =	sshrl.u32 s1, $0x1F;
	s12 =	smulhi.u32 $0x30C30C31, s22;
	v32 =	vsel vm2, s20, v32;
	v33 =	vsel vm2, s3, v33;
	s21 =	sshra.s32 s15, $0x5;
	v29 =	vsel vm13, s18, v29  }
0x31f: {  	v32 =	vsel vm3, s9, v32;
	v33 =	vsel vm3, s0, v33;
	s22 =	sshrl.u32 s11, $0x1F;
	s6 =	sadd.s32 s6, s23;
	s23 =	sshra.s32 s15, $0x1F;
	v29 =	vsel vm4, s21, v29  }
0x320: {  	s17 =	sshrl.u32 s15, $0x1F;
	s9 =	sshra.s32 s31, $0x5;
	v32 =	vsel vm4, s14, v32;
	v31 =	vsel vm3, s22, v31;
	s24 =	sshra.s32 s10, $0x5;
	v29 =	vsel vm14, s23, v29  }
0x321: {  	s20 =	sshrl.u32 s10, $0x1F;
	v54 =	vmov s9;
	s11 =	sshra.s32 s10, $0x1F;
	v31 =	vsel vm4, s17, v31;
	s19 =	sadd.s32 s13, s12;
	v29 =	vsel vm6, s24, v29  }
0x322: {  	v30 =	vcombine.low v32, v30;
	v31 =	vsel vm6, s20, v31;
	s12 =	sshra.s32 s29, $0x5;
	s22 =	sshrl.u32 s19, $0x1F;
	s13 =	sshra.s32 s19, $0x5;
	v29 =	vsel vm15, s11, v29  }
0x323: {  	s14 =	sshra.s32 s30, $0x5;
	s8 =	sshrl.u32 s6, $0x1F;
	v32 =	vsel vm2, s12, v54;
	s15 =	sshra.s32 s19, $0x1F;
	v31 =	vsel vm7, s22, v31;
	v29 =	vsel vm7, s13, v29  }
0x324: {  	s17 =	sshra.s32 s28, $0x5;
	s19 =	sshra.s32 s6, $0x5;
	v32 =	vsel vm3, s14, v32;
	s18 =	sshra.s32 s1, $0x5;
	v31 =	vsel vm8, s8, v31;
	v29 =	vsel vm1, s15, v29  }
0x325: {  	s20 =	sshrl.u32 s2, $0x1F;
	v32 =	vsel vm4, s17, v32;
	v33 =	vsel vm4, s18, v33;
	s21 =	sshra.s32 s6, $0x1F;
	v29 =	vsel vm8, s19, v29  }
0x326: {  	s22 =	sshra.s32 s2, $0x5;
	v31 =	vsel vm9, s20, v31;
	v32 =	vcombine.low v33, v32;
	v29 =	vsel vm0, s21, v29  }
0x327: {  	v30 =	vperm.xlane v30, v26;
	v31 =	vperm.xlane v31, v27;
	v29 =	vsel vm9, s22, v29  }
0x328: {  	v32 =	vperm.xlane v32, v26;
	v29 =	vperm.xlane v29, v27;
	_ =	sdelay $0x1  }
0x329: {  	v30 =	vsel vm10, v31, v30;
	v29 =	vsel vm10, v29, v32  }
0x32a: {  	v29 =	vadd.s32 v30, v29  }
0x32b: {  	v29 =	vmul.u32 $0xA8, v29;
	_ =	sdelay $0x1  }
0x32c: {  	s23 =	simm.s32 $0x17;
	v28 =	vsub.s32 v28, v29  }
0x32d: {  	s24 =	simm.s32 $0x1;
	v29 =	vadd.s32 s23, v28  }
0x32e: {  	s31 =	simm.s32 $0x2;
	v30 =	vadd.s32 s24, v28  }
0x32f: {  	s1 =	simm.s32 $0x3;
	v31 =	vadd.s32 s31, v28  }
0x330: {  	s2 =	simm.s32 $0x4;
	v55 =	vadd.s32 s1, v28  }
0x331: {  	s4 =	simm.s32 $0x5;
	v56 =	vadd.s32 s2, v28  }
0x332: {  	s5 =	simm.s32 $0x6;
	s3 =	rddreg [dreg:$0x13];
	v34 =	vadd.s32 s4, v28;
	v29 =	vld.idx.msk [tilespmem:v29+s16+$0x0], $0xffff  }
0x333: {  	s7 =	sand.u32 $0x7, s3;
	s10 =	simm.s32 $0x9;
	s6 =	sshll.u32 s25, $0x2;
	v35 =	vadd.s32 s5, v28;
	v30 =	vld.idx.msk [tilespmem:v30+s16+$0x0], $0xffff  }
0x334: {  	s11 =	simm.s32 $0xA;
	s1 =	sand.u32 $0xFFFFF000, s6;
	s2 =	sshll.u32 s7, $0x6;
	v38 =	vadd.s32 s10, v28;
	v31 =	vld.idx.msk [tilespmem:v31+s16+$0x0], $0xffff  }
0x335: {  	s12 =	simm.s32 $0xB;
	v39 =	vadd.s32 s11, v28;
	s1 =	sor.u32 s2, s1;
	v32 =	vld.idx.msk [tilespmem:v55+s16+$0x0], $0xffff  }
0x336: {  	s8 =	simm.s32 $0x7;
	v40 =	vadd.s32 s12, v28;
	s1 =	sshrl.u32 s1, $0x2;
	v33 =	vld.idx.msk [tilespmem:v56+s16+$0x0], $0xffff  }
0x337: {  	s9 =	simm.s32 $0x8;
	v36 =	vadd.s32 s8, v28;
	s28 =	sadd.s32 $0x1410, s1;
	v34 =	vld.idx.msk [tilespmem:v34+s16+$0x0], $0xffff  }
0x338: {  	s14 =	simm.s32 $0xD;
	v37 =	vadd.s32 s9, v28;
	v35 =	vld.idx.msk [tilespmem:v35+s16+$0x0], $0xffff;
	[tilespmem:s28+$0x980] =	vst v29  }
0x339: {  	s13 =	simm.s32 $0xC;
	v57 =	vadd.s32 s14, v28;
	v58 =	vld.idx.msk [tilespmem:v38+s16+$0x0], $0xffff;
	[tilespmem:s28+$0xFFFFF680] =	vst v30  }
0x33a: {  	s19 =	simm.s32 $0x11;
	v39 =	vld.idx.msk [tilespmem:v39+s16+$0x0], $0xffff;
	v30 =	vadd.s32 s13, v28;
	[tilespmem:s28+$0xFFFFF700] =	vst v31  }
0x33b: {  	s15 =	simm.s32 $0xE;
	v63 =	vadd.s32 s19, v28;
	v61 =	vld.idx.msk [tilespmem:v40+s16+$0x0], $0xffff;
	[tilespmem:s28+$0xFFFFF780] =	vst v32  }
0x33c: {  	s17 =	simm.s32 $0xF;
	v59 =	vadd.s32 s15, v28;
	v29 =	vld.idx.msk [tilespmem:v36+s16+$0x0], $0xffff;
	[tilespmem:s28+$0xFFFFF800] =	vst v33  }
0x33d: {  	s18 =	simm.s32 $0x10;
	v60 =	vadd.s32 s17, v28;
	v31 =	vld.idx.msk [tilespmem:v37+s16+$0x0], $0xffff;
	[tilespmem:s28+$0xFFFFF880] =	vst v34  }
0x33e: {  	s20 =	simm.s32 $0x12;
	v62 =	vadd.s32 s18, v28;
	[tilespmem:s28+$0xFFFFF900] =	vst v35;
	v33 =	vld.idx.msk [tilespmem:v57+s16+$0x0], $0xffff  }
0x33f: {  	s21 =	simm.s32 $0x13;
	v42 =	vadd.s32 s20, v28;
	[tilespmem:s28+$0xFFFFFE80] =	vst v58;
	v41 =	vld.idx.msk [tilespmem:v30+s16+$0x0], $0xffff  }
0x340: {  	s22 =	simm.s32 $0x14;
	v38 =	vadd.s32 s21, v28;
	[tilespmem:s28+$0xFFFFFF00] =	vst v39;
	v32 =	vld.idx.msk [tilespmem:v63+s16+$0x0], $0xffff  }
0x341: {  	s23 =	simm.s32 $0x15;
	v39 =	vadd.s32 s22, v28;
	[tilespmem:s28+$0xFFFFFF80] =	vst v61;
	v30 =	vld.idx.msk [tilespmem:v59+s16+$0x0], $0xffff  }
0x342: {  	s24 =	simm.s32 $0x16;
	v36 =	vadd.s32 s23, v28;
	[tilespmem:s28+$0xFFFFF980] =	vst v29;
	v29 =	vld.idx.msk [tilespmem:v60+s16+$0x0], $0xffff  }
0x343: {  	s31 =	simm.s32 $0x0;
	v37 =	vadd.s32 s24, v28;
	[tilespmem:s28+$0xFFFFFE00] =	vst v31;
	v31 =	vld.idx.msk [tilespmem:v62+s16+$0x0], $0xffff  }
0x344: {  	s0 =	simm.s32 $0x2F;
	s30 =	simm.s32 $0x30;
	s29 =	simm.s32 $0x18;
	v35 =	vadd.s32 s31, v28;
	v34 =	vld.idx.msk [tilespmem:v42+s16+$0x0], $0xffff;
	[tilespmem:s28+$0x0] =	vst v41  }
.LBB2_19:
0x345: {  	p0 =	slt.u32 s30, $0x90;
	s1 =	sadd.s32 $0x1, s29;
	v40 =	vadd.s32 s0, v28;
	[tilespmem:s28+$0x80] =	vst v33;
	v33 =	vld.idx.msk [tilespmem:v38+s16+$0x0], $0xffff  }
0x346: {  	s0 =	sadd.s32 $0x2, s29;
	v38 =	vadd.s32 s1, v28;
	[tilespmem:s28+$0x100] =	vst v30;
	v30 =	vld.idx.msk [tilespmem:v39+s16+$0x0], $0xffff  }
0x347: {  	v39 =	vadd.s32 s0, v28;
	s0 =	sadd.s32 $0x3, s29;
	[tilespmem:s28+$0x180] =	vst v29;
	v29 =	vld.idx.msk [tilespmem:v36+s16+$0x0], $0xffff  }
0x348: {  	v36 =	vadd.s32 s0, v28;
	s0 =	sadd.s32 $0x4, s29;
	[tilespmem:s28+$0x600] =	vst v31;
	v31 =	vld.idx.msk [tilespmem:v37+s16+$0x0], $0xffff  }
0x349: {  	v37 =	vadd.s32 s0, v28;
	s0 =	sadd.s32 $0x5, s29;
	v35 =	vld.idx.msk [tilespmem:v35+s16+$0x0], $0xffff;
	[tilespmem:s28+$0x680] =	vst v32  }
0x34a: {  	v32 =	vadd.s32 s0, v28;
	s0 =	sadd.s32 $0x6, s29;
	v40 =	vld.idx.msk [tilespmem:v40+s16+$0x0], $0xffff;
	[tilespmem:s28+$0x700] =	vst v34  }
0x34b: {  	v34 =	vld.idx.msk [tilespmem:v38+s16+$0x0], $0xffff;
	v38 =	vadd.s32 s0, v28;
	s0 =	sadd.s32 $0x7, s29;
	[tilespmem:s28+$0x780] =	vst v33  }
0x34c: {  	v33 =	vld.idx.msk [tilespmem:v39+s16+$0x0], $0xffff;
	v39 =	vadd.s32 s0, v28;
	s0 =	sadd.s32 $0x8, s29;
	[tilespmem:s28+$0x800] =	vst v30  }
0x34d: {  	v30 =	vld.idx.msk [tilespmem:v36+s16+$0x0], $0xffff;
	v36 =	vadd.s32 s0, v28;
	s0 =	sadd.s32 $0x9, s29;
	[tilespmem:s28+$0x880] =	vst v29  }
0x34e: {  	v29 =	vld.idx.msk [tilespmem:v37+s16+$0x0], $0xffff;
	v37 =	vadd.s32 s0, v28;
	s0 =	sadd.s32 $0xA, s29;
	[tilespmem:s28+$0x900] =	vst v31  }
0x34f: {  	v31 =	vld.idx.msk [tilespmem:v32+s16+$0x0], $0xffff;
	v32 =	vadd.s32 s0, v28;
	s0 =	sadd.s32 $0xB, s29;
	[tilespmem:s28+$0xFFFFF600] =	vst v35;
	s28 =	sadd.s32 $0x1800, s28  }
0x350: {  	v35 =	vld.idx.msk [tilespmem:v38+s16+$0x0], $0xffff;
	v38 =	vadd.s32 s0, v28;
	s0 =	sadd.s32 $0xC, s29;
	[tilespmem:s28+$0x980] =	vst v40  }
0x351: {  	[tilespmem:s28+$0xFFFFF680] =	vst v34;
	v34 =	vld.idx.msk [tilespmem:v39+s16+$0x0], $0xffff;
	v39 =	vadd.s32 s0, v28;
	s0 =	sadd.s32 $0xD, s29  }
0x352: {  	[tilespmem:s28+$0xFFFFF700] =	vst v33;
	v36 =	vld.idx.msk [tilespmem:v36+s16+$0x0], $0xffff;
	v33 =	vadd.s32 s0, v28;
	s0 =	sadd.s32 $0xE, s29  }
0x353: {  	[tilespmem:s28+$0xFFFFF780] =	vst v30;
	v37 =	vld.idx.msk [tilespmem:v37+s16+$0x0], $0xffff;
	v30 =	vadd.s32 s0, v28;
	s0 =	sadd.s32 $0xF, s29  }
0x354: {  	[tilespmem:s28+$0xFFFFF800] =	vst v29;
	v32 =	vld.idx.msk [tilespmem:v32+s16+$0x0], $0xffff;
	v29 =	vadd.s32 s0, v28;
	s0 =	sadd.s32 $0x10, s29  }
0x355: {  	[tilespmem:s28+$0xFFFFF880] =	vst v31;
	v40 =	vld.idx.msk [tilespmem:v38+s16+$0x0], $0xffff;
	v31 =	vadd.s32 s0, v28;
	s0 =	sadd.s32 $0x11, s29  }
0x356: {  	[tilespmem:s28+$0xFFFFF900] =	vst v35;
	v41 =	vld.idx.msk [tilespmem:v39+s16+$0x0], $0xffff;
	v35 =	vadd.s32 s0, v28;
	s0 =	sadd.s32 $0x12, s29  }
0x357: {  	[tilespmem:s28+$0xFFFFF980] =	vst v34;
	v33 =	vld.idx.msk [tilespmem:v33+s16+$0x0], $0xffff;
	v34 =	vadd.s32 s0, v28;
	s0 =	sadd.s32 $0x13, s29  }
.Ltmp8:
0x358: {  	[tilespmem:s28+$0xFFFFFE00] =	vst v36;
	v30 =	vld.idx.msk [tilespmem:v30+s16+$0x0], $0xffff;
	v38 =	vadd.s32 s0, v28;
	s0 =	sadd.s32 $0x14, s29;
	(pc) =	sbr.rel @p0 .LBB2_19-.Ltmp8, $4  }
0x359: {  	[tilespmem:s28+$0xFFFFFE80] =	vst v37;
	v29 =	vld.idx.msk [tilespmem:v29+s16+$0x0], $0xffff;
	v39 =	vadd.s32 s0, v28;
	s0 =	sadd.s32 $0x15, s29  }
0x35a: {  	[tilespmem:s28+$0xFFFFFF00] =	vst v32;
	v31 =	vld.idx.msk [tilespmem:v31+s16+$0x0], $0xffff;
	v36 =	vadd.s32 s0, v28;
	s0 =	sadd.s32 $0x16, s29  }
0x35b: {  	[tilespmem:s28+$0xFFFFFF80] =	vst v40;
	v32 =	vld.idx.msk [tilespmem:v35+s16+$0x0], $0xffff;
	v37 =	vadd.s32 s0, v28  }
0x35c: {  	s0 =	sadd.s32 $0x17, s30;
	v35 =	vadd.s32 s29, v28;
	s29 =	smov.u32 s30;
	s30 =	sadd.s32 $0x18, s30;
	[tilespmem:s28+$0x0] =	vst v41;
	v34 =	vld.idx.msk [tilespmem:v34+s16+$0x0], $0xffff  }
0x35d: {  	_ =	sdelay $0x2  }
0x35e: {  	[tilespmem:s28+$0x80] =	vst v33  }
0x35f: {  	s1 =	sadd.s32 $0x1, s29;
	v50 =	vadd.s32 s0, v28;
	v38 =	vld.idx.msk [tilespmem:v38+s16+$0x0], $0xffff;
	[tilespmem:s28+$0x100] =	vst v30  }
0x360: {  	s5 =	sadd.s32 $0x2, s29;
	v39 =	vld.idx.msk [tilespmem:v39+s16+$0x0], $0xffff;
	v51 =	vadd.s32 s1, v28;
	[tilespmem:s28+$0x180] =	vst v29  }
0x361: {  	s6 =	sadd.s32 $0x3, s29;
	v36 =	vld.idx.msk [tilespmem:v36+s16+$0x0], $0xffff;
	v29 =	vadd.s32 s5, v28;
	[tilespmem:s28+$0x600] =	vst v31  }
0x362: {  	s7 =	sadd.s32 $0x4, s29;
	v37 =	vld.idx.msk [tilespmem:v37+s16+$0x0], $0xffff;
	v52 =	vadd.s32 s6, v28;
	[tilespmem:s28+$0x680] =	vst v32  }
0x363: {  	s8 =	sadd.s32 $0x5, s29;
	v35 =	vld.idx.msk [tilespmem:v35+s16+$0x0], $0xffff;
	v53 =	vadd.s32 s7, v28;
	[tilespmem:s28+$0x700] =	vst v34  }
0x364: {  	s9 =	sadd.s32 $0x6, s29;
	v54 =	vadd.s32 s8, v28;
	v33 =	vld.idx.msk [tilespmem:v50+s16+$0x0], $0xffff;
	[tilespmem:s28+$0x780] =	vst v38  }
0x365: {  	s10 =	sadd.s32 $0x7, s29;
	v55 =	vadd.s32 s9, v28;
	[tilespmem:s28+$0x800] =	vst v39;
	v30 =	vld.idx.msk [tilespmem:v51+s16+$0x0], $0xffff  }
0x366: {  	s12 =	sadd.s32 $0x9, s29;
	v56 =	vadd.s32 s10, v28;
	[tilespmem:s28+$0x880] =	vst v36;
	v29 =	vld.idx.msk [tilespmem:v29+s16+$0x0], $0xffff  }
0x367: {  	s13 =	sadd.s32 $0xA, s29;
	v58 =	vadd.s32 s12, v28;
	[tilespmem:s28+$0x900] =	vst v37;
	v31 =	vld.idx.msk [tilespmem:v52+s16+$0x0], $0xffff  }
0x368: {  	s14 =	sadd.s32 $0x1800, s28;
	s15 =	sadd.s32 $0xB, s29;
	v59 =	vadd.s32 s13, v28;
	[tilespmem:s28+$0xFFFFF600] =	vst v35;
	v32 =	vld.idx.msk [tilespmem:v53+s16+$0x0], $0xffff  }
0x369: {  	s17 =	sadd.s32 $0xC, s29;
	v61 =	vadd.s32 s15, v28;
	v34 =	vld.idx.msk [tilespmem:v54+s16+$0x0], $0xffff;
	[tilespmem:s14+$0x980] =	vst v33  }
0x36a: {  	s18 =	sadd.s32 $0xD, s29;
	v63 =	vadd.s32 s17, v28;
	v60 =	vld.idx.msk [tilespmem:v55+s16+$0x0], $0xffff;
	[tilespmem:s14+$0xFFFFF680] =	vst v30  }
0x36b: {  	s11 =	sadd.s32 $0x8, s29;
	v42 =	vadd.s32 s18, v28;
	v62 =	vld.idx.msk [tilespmem:v56+s16+$0x0], $0xffff;
	[tilespmem:s14+$0xFFFFF700] =	vst v29  }
0x36c: {  	s20 =	sadd.s32 $0xF, s29;
	v57 =	vadd.s32 s11, v28;
	v43 =	vld.idx.msk [tilespmem:v58+s16+$0x0], $0xffff;
	[tilespmem:s14+$0xFFFFF780] =	vst v31  }
0x36d: {  	s21 =	sadd.s32 $0x10, s29;
	v46 =	vadd.s32 s20, v28;
	v45 =	vld.idx.msk [tilespmem:v59+s16+$0x0], $0xffff;
	[tilespmem:s14+$0xFFFFF800] =	vst v32  }
0x36e: {  	s22 =	sadd.s32 $0x11, s29;
	v48 =	vadd.s32 s21, v28;
	v47 =	vld.idx.msk [tilespmem:v61+s16+$0x0], $0xffff;
	[tilespmem:s14+$0xFFFFF880] =	vst v34  }
0x36f: {  	s23 =	sadd.s32 $0x12, s29;
	v50 =	vadd.s32 s22, v28;
	v49 =	vld.idx.msk [tilespmem:v63+s16+$0x0], $0xffff;
	[tilespmem:s14+$0xFFFFF900] =	vst v60  }
0x370: {  	s19 =	sadd.s32 $0xE, s29;
	v51 =	vld.idx.msk [tilespmem:v42+s16+$0x0], $0xffff;
	v52 =	vadd.s32 s23, v28;
	[tilespmem:s14+$0xFFFFF980] =	vst v62  }
0x371: {  	s24 =	sadd.s32 $0x13, s29;
	v44 =	vadd.s32 s19, v28;
	v29 =	vld.idx.msk [tilespmem:v57+s16+$0x0], $0xffff;
	[tilespmem:s14+$0xFFFFFE80] =	vst v43  }
0x372: {  	s31 =	sadd.s32 $0x16, s29;
	v53 =	vadd.s32 s24, v28;
	v54 =	vld.idx.msk [tilespmem:v46+s16+$0x0], $0xffff;
	[tilespmem:s14+$0xFFFFFF00] =	vst v45  }
0x373: {  	s30 =	sadd.s32 $0x15, s29;
	v56 =	vld.idx.msk [tilespmem:v48+s16+$0x0], $0xffff;
	v59 =	vadd.s32 s31, v28;
	[tilespmem:s14+$0xFFFFFF80] =	vst v47  }
0x374: {  	s28 =	sadd.s32 $0x14, s29;
	v58 =	vld.idx.msk [tilespmem:v50+s16+$0x0], $0xffff;
	v57 =	vadd.s32 s30, v28;
	[tilespmem:s14+$0x0] =	vst v49  }
0x375: {  	v55 =	vadd.s32 s28, v28;
	v28 =	vadd.s32 s29, v28;
	v60 =	vld.idx.msk [tilespmem:v52+s16+$0x0], $0xffff;
	[tilespmem:s14+$0x80] =	vst v51  }
0x376: {  	[tilespmem:s14+$0xFFFFFE00] =	vst v29;
	v29 =	vld.idx.msk [tilespmem:v44+s16+$0x0], $0xffff  }
0x377: {  	v61 =	vld.idx.msk [tilespmem:v53+s16+$0x0], $0xffff;
	[tilespmem:s14+$0x180] =	vst v54  }
0x378: {  	[tilespmem:s14+$0x600] =	vst v56;
	v63 =	vld.idx.msk [tilespmem:v59+s16+$0x0], $0xffff  }
0x379: {  	[tilespmem:s14+$0x680] =	vst v58;
	v62 =	vld.idx.msk [tilespmem:v57+s16+$0x0], $0xffff  }
0x37a: {  	s26 =	sadd.s32 $0x1, s26;
	v28 =	vld.idx.msk [tilespmem:v28+s16+$0x0], $0xffff;
	[tilespmem:s14+$0x700] =	vst v60  }
0x37b: {  	p0 =	sne.s32 s26, $0x10;
	[tilespmem:s14+$0x100] =	vst v29;
	v29 =	vld.idx.msk [tilespmem:v55+s16+$0x0], $0xffff  }
.Ltmp9:
0x37c: {  	[tilespmem:s14+$0x780] =	vst v61;
	(pc) =	sbr.rel @p0 .LBB2_18-.Ltmp9, $4  }
0x37d: {  	[tilespmem:s14+$0x900] =	vst v63  }
0x37e: {  	[tilespmem:s14+$0x880] =	vst v62  }
0x37f: {  	[tilespmem:s14+$0xFFFFF600] =	vst v28  }
0x380: {  	s25 =	sadd.s32 $0x80, s25;
	s3 =	sadd.s32 $0x1, s3;
	[tilespmem:s14+$0x800] =	vst v29  }
0x381: {  	s0 =	rddreg [dreg:$0x9];
	s1 =	simm.s32 $0x800  }
0x382: {  	s2 =	simm.s32 $0x80000;
	s3 =	simm.s32 $0xA10;
	s31 =	simm.s32 $0x2  }
0x383: {  	[hbm4b:s0+s1] =	stream.strided.scatter [tilespmem:s3], [sflag:$0x1], $0xA800, s2, s1, $0x38;
	[tilespmem:$0x15A10] =	vst v63  }
0x384: {  	_ =	swait.ge [sflag:s31], $0xA800  }
0x385: {  	s25 =	simm.s32 $0x0;
	[sflag:s31] =	ssyncset.done $0x0  }
0x386: {  	s26 =	simm.s32 $0x0;
	s3 =	simm.s32 $0x0;
	[sflag:s31] =	ssyncadd.s32 $0xFFFF5800  }
.LBB2_22:
0x387: {  	s0 =	sshll.u32 s26, $0x4  }
0x388: {  	s0 =	sand.u32 $0x3FFFFFF0, s0  }
0x389: {  	v28 =	vld [tilespmem:s0+$0x500];
	_ =	sdelay $0x4  }
0x38a: {  	(v2sf) =	vpush v28, $0xD;
	_ =	sdelay $0x1  }
0x38b: {  	(v2sf) =	vpush v28, $0xC;
	_ =	sdelay $0x1  }
0x38c: {  	(v2sf) =	vpush v28, $0xE;
	_ =	sdelay $0x1  }
0x38d: {  	(v2sf) =	vpush v28, $0xF;
	_ =	sdelay $0x1  }
0x38e: {  	(v2sf) =	vpush v28, $0x9;
	_ =	sdelay $0x1  }
0x38f: {  	(v2sf) =	vpush v28, $0x8;
	_ =	sdelay $0x1  }
0x390: {  	(v2sf) =	vpush v28, $0xA;
	_ =	sdelay $0x1  }
0x391: {  	(v2sf) =	vpush v28, $0xB  }
0x392: {  	(v2sf) =	vpush v28, $0x0;
	s24 =	spop (v2sf)  }
0x393: {  	(v2sf) =	vpush v28, $0x1;
	s1 =	smulhi.u32 $0x30C30C31, s24;
	s0 =	sshra.s32 s24, $0x1F  }
0x394: {  	s2 =	spop (v2sf);
	s0 =	smul.u32 $0x30C30C31, s0  }
0x395: {  	s31 =	smulhi.u32 $0x30C30C31, s2;
	s2 =	sshra.s32 s2, $0x1F  }
0x396: {  	(v2sf) =	vpush v28, $0x2;
	s4 =	spop (v2sf);
	s2 =	smul.u32 $0x30C30C31, s2  }
0x397: {  	(v2sf) =	vpush v28, $0x3;
	s7 =	smulhi.u32 $0x30C30C31, s4;
	s4 =	sshra.s32 s4, $0x1F  }
0x398: {  	(v2sf) =	vpush v28, $0x4;
	s5 =	spop (v2sf);
	s4 =	smul.u32 $0x30C30C31, s4  }
0x399: {  	(v2sf) =	vpush v28, $0x5;
	s9 =	smulhi.u32 $0x30C30C31, s5;
	s5 =	sshra.s32 s5, $0x1F  }
0x39a: {  	(v2sf) =	vpush v28, $0x6;
	s6 =	spop (v2sf);
	s5 =	smul.u32 $0x30C30C31, s5  }
0x39b: {  	[dreg:$0x14] =	wrdreg s3;
	(v2sf) =	vpush v28, $0x7;
	s11 =	smulhi.u32 $0x30C30C31, s6;
	s6 =	sshra.s32 s6, $0x1F  }
0x39c: {  	s8 =	spop (v2sf);
	s14 =	smul.u32 $0x30C30C31, s6  }
0x39d: {  	s29 =	sadd.s32 s0, s1;
	s17 =	smulhi.u32 $0x30C30C31, s8;
	s22 =	sshra.s32 s8, $0x1F  }
0x39e: {  	s31 =	sadd.s32 s2, s31;
	s10 =	spop (v2sf);
	s18 =	smul.u32 $0x30C30C31, s22  }
0x39f: {  	s30 =	sadd.s32 s4, s7;
	s20 =	smulhi.u32 $0x30C30C31, s10;
	s23 =	sshra.s32 s10, $0x1F  }
0x3a0: {  	s12 =	spop (v2sf);
	s7 =	sshrl.u32 s30, $0x1F;
	s21 =	smul.u32 $0x30C30C31, s23  }
0x3a1: {  	s13 =	spop (v2sf);
	s23 =	smulhi.u32 $0x30C30C31, s12;
	s12 =	sshra.s32 s12, $0x1F  }
0x3a2: {  	s28 =	sadd.s32 s5, s9;
	s15 =	spop (v2sf);
	s1 =	smul.u32 $0x30C30C31, s12  }
0x3a3: {  	s2 =	smulhi.u32 $0x30C30C31, s13;
	s24 =	sshra.s32 s13, $0x1F;
	s12 =	sshrl.u32 s29, $0x1F  }
0x3a4: {  	s13 =	sshrl.u32 s31, $0x1F;
	s5 =	sadd.s32 s18, s17;
	s24 =	smul.u32 $0x30C30C31, s24  }
0x3a5: {  	s8 =	spop (v2sf);
	s4 =	smulhi.u32 $0x30C30C31, s15;
	s3 =	sshra.s32 s15, $0x1F  }
0x3a6: {  	s19 =	spop (v2sf);
	s9 =	smul.u32 $0x30C30C31, s3;
	s3 =	sadd.s32 s14, s11  }
0x3a7: {  	s11 =	smulhi.u32 $0x30C30C31, s8;
	s15 =	sshra.s32 s8, $0x1F;
	s10 =	spop (v2sf)  }
0x3a8: {  	s0 =	sadd.s32 s21, s20;
	s14 =	smul.u32 $0x30C30C31, s15;
	s22 =	spop (v2sf)  }
0x3a9: {  	s15 =	smulhi.u32 $0x30C30C31, s19;
	s20 =	sshra.s32 s19, $0x1F;
	s6 =	spop (v2sf)  }
0x3aa: {  	s8 =	sshrl.u32 s28, $0x1F;
	s17 =	smul.u32 $0x30C30C31, s20;
	s21 =	spop (v2sf)  }
0x3ab: {  	s1 =	sadd.s32 s1, s23;
	s23 =	smulhi.u32 $0x30C30C31, s21;
	s18 =	sshra.s32 s21, $0x1F  }
0x3ac: {  	s19 =	sadd.s32 s24, s2;
	s20 =	sshrl.u32 s3, $0x1F;
	s24 =	smul.u32 $0x30C30C31, s18  }
0x3ad: {  	s4 =	sadd.s32 s9, s4;
	s21 =	smulhi.u32 $0x30C30C31, s10;
	s10 =	sshra.s32 s10, $0x1F  }
0x3ae: {  	s9 =	sshrl.u32 s0, $0x1F;
	s10 =	smul.u32 $0x30C30C31, s10;
	s2 =	sadd.s32 s24, s23  }
0x3af: {  	s3 =	sshra.s32 s3, $0x5;
	s0 =	sshra.s32 s0, $0x5;
	s23 =	sshra.s32 s2, $0x1F  }
0x3b0: {  	s10 =	sadd.s32 s10, s21;
	s24 =	sshra.s32 s19, $0x5;
	s21 =	sshrl.u32 s19, $0x1F;
	v29 =	vmov s23  }
0x3b1: {  	v30 =	vmov s13;
	s11 =	sadd.s32 s14, s11;
	s18 =	sshrl.u32 s5, $0x1F;
	s19 =	sshra.s32 s19, $0x1F;
	v31 =	vmov s21;
	v29 =	vsel vm5, s24, v29  }
0x3b2: {  	v30 =	vsel vm2, s12, v30;
	s5 =	sshra.s32 s5, $0x5;
	s21 =	sshra.s32 s4, $0x5;
	s23 =	sshrl.u32 s4, $0x1F;
	v31 =	vnsel vm5, $0x0, v31;
	v29 =	vsel vm11, s19, v29  }
0x3b3: {  	v30 =	vsel vm3, s7, v30;
	s4 =	sshra.s32 s4, $0x1F;
	s24 =	sshra.s32 s22, $0x1F;
	v31 =	vsel vm2, s23, v31;
	s23 =	smulhi.u32 $0x30C30C31, s6;
	v29 =	vsel vm2, s21, v29  }
0x3b4: {  	v30 =	vsel vm4, s8, v30;
	s6 =	sshra.s32 s6, $0x1F;
	s13 =	smul.u32 $0x30C30C31, s24;
	s24 =	sshra.s32 s11, $0x5;
	v29 =	vsel vm12, s4, v29  }
0x3b5: {  	s15 =	sadd.s32 s17, s15;
	v32 =	vmov s18;
	s18 =	sshra.s32 s11, $0x1F;
	v33 =	vmov s5;
	s6 =	smul.u32 $0x30C30C31, s6;
	v29 =	vsel vm3, s24, v29  }
0x3b6: {  	s14 =	sshrl.u32 s1, $0x1F;
	s12 =	smulhi.u32 $0x30C30C31, s22;
	v32 =	vsel vm2, s20, v32;
	v33 =	vsel vm2, s3, v33;
	s21 =	sshra.s32 s15, $0x5;
	v29 =	vsel vm13, s18, v29  }
0x3b7: {  	v32 =	vsel vm3, s9, v32;
	v33 =	vsel vm3, s0, v33;
	s22 =	sshrl.u32 s11, $0x1F;
	s6 =	sadd.s32 s6, s23;
	s23 =	sshra.s32 s15, $0x1F;
	v29 =	vsel vm4, s21, v29  }
0x3b8: {  	s17 =	sshrl.u32 s15, $0x1F;
	s9 =	sshra.s32 s31, $0x5;
	v32 =	vsel vm4, s14, v32;
	v31 =	vsel vm3, s22, v31;
	s24 =	sshra.s32 s10, $0x5;
	v29 =	vsel vm14, s23, v29  }
0x3b9: {  	s20 =	sshrl.u32 s10, $0x1F;
	v54 =	vmov s9;
	s11 =	sshra.s32 s10, $0x1F;
	v31 =	vsel vm4, s17, v31;
	s19 =	sadd.s32 s13, s12;
	v29 =	vsel vm6, s24, v29  }
0x3ba: {  	v30 =	vcombine.low v32, v30;
	v31 =	vsel vm6, s20, v31;
	s12 =	sshra.s32 s29, $0x5;
	s22 =	sshrl.u32 s19, $0x1F;
	s13 =	sshra.s32 s19, $0x5;
	v29 =	vsel vm15, s11, v29  }
0x3bb: {  	s14 =	sshra.s32 s30, $0x5;
	s8 =	sshrl.u32 s6, $0x1F;
	v32 =	vsel vm2, s12, v54;
	s15 =	sshra.s32 s19, $0x1F;
	v31 =	vsel vm7, s22, v31;
	v29 =	vsel vm7, s13, v29  }
0x3bc: {  	s17 =	sshra.s32 s28, $0x5;
	s19 =	sshra.s32 s6, $0x5;
	v32 =	vsel vm3, s14, v32;
	s18 =	sshra.s32 s1, $0x5;
	v31 =	vsel vm8, s8, v31;
	v29 =	vsel vm1, s15, v29  }
0x3bd: {  	s20 =	sshrl.u32 s2, $0x1F;
	v32 =	vsel vm4, s17, v32;
	v33 =	vsel vm4, s18, v33;
	s21 =	sshra.s32 s6, $0x1F;
	v29 =	vsel vm8, s19, v29  }
0x3be: {  	s22 =	sshra.s32 s2, $0x5;
	v31 =	vsel vm9, s20, v31;
	v32 =	vcombine.low v33, v32;
	v29 =	vsel vm0, s21, v29  }
0x3bf: {  	v30 =	vperm.xlane v30, v26;
	v31 =	vperm.xlane v31, v27;
	v29 =	vsel vm9, s22, v29  }
0x3c0: {  	v32 =	vperm.xlane v32, v26;
	v29 =	vperm.xlane v29, v27;
	_ =	sdelay $0x1  }
0x3c1: {  	v30 =	vsel vm10, v31, v30;
	v29 =	vsel vm10, v29, v32  }
0x3c2: {  	v29 =	vadd.s32 v30, v29  }
0x3c3: {  	v29 =	vmul.u32 $0xA8, v29;
	_ =	sdelay $0x1  }
0x3c4: {  	s23 =	simm.s32 $0x17;
	v28 =	vsub.s32 v28, v29  }
0x3c5: {  	s24 =	simm.s32 $0x1;
	v29 =	vadd.s32 s23, v28  }
0x3c6: {  	s31 =	simm.s32 $0x2;
	v30 =	vadd.s32 s24, v28  }
0x3c7: {  	s1 =	simm.s32 $0x3;
	v31 =	vadd.s32 s31, v28  }
0x3c8: {  	s2 =	simm.s32 $0x4;
	v55 =	vadd.s32 s1, v28  }
0x3c9: {  	s4 =	simm.s32 $0x5;
	v56 =	vadd.s32 s2, v28  }
0x3ca: {  	s5 =	simm.s32 $0x6;
	s3 =	rddreg [dreg:$0x14];
	v34 =	vadd.s32 s4, v28;
	v29 =	vld.idx.msk [tilespmem:v29+s16+$0x0], $0xffff  }
0x3cb: {  	s7 =	sand.u32 $0x7, s3;
	s10 =	simm.s32 $0x9;
	s6 =	sshll.u32 s25, $0x2;
	v35 =	vadd.s32 s5, v28;
	v30 =	vld.idx.msk [tilespmem:v30+s16+$0x0], $0xffff  }
0x3cc: {  	s11 =	simm.s32 $0xA;
	s1 =	sand.u32 $0xFFFFF000, s6;
	s2 =	sshll.u32 s7, $0x6;
	v38 =	vadd.s32 s10, v28;
	v31 =	vld.idx.msk [tilespmem:v31+s16+$0x0], $0xffff  }
0x3cd: {  	s12 =	simm.s32 $0xB;
	v39 =	vadd.s32 s11, v28;
	s1 =	sor.u32 s2, s1;
	v32 =	vld.idx.msk [tilespmem:v55+s16+$0x0], $0xffff  }
0x3ce: {  	s8 =	simm.s32 $0x7;
	v40 =	vadd.s32 s12, v28;
	s1 =	sshrl.u32 s1, $0x2;
	v33 =	vld.idx.msk [tilespmem:v56+s16+$0x0], $0xffff  }
0x3cf: {  	s9 =	simm.s32 $0x8;
	v36 =	vadd.s32 s8, v28;
	s28 =	sadd.s32 $0xBC10, s1;
	v34 =	vld.idx.msk [tilespmem:v34+s16+$0x0], $0xffff  }
0x3d0: {  	s14 =	simm.s32 $0xD;
	v37 =	vadd.s32 s9, v28;
	v35 =	vld.idx.msk [tilespmem:v35+s16+$0x0], $0xffff;
	[tilespmem:s28+$0x980] =	vst v29  }
0x3d1: {  	s13 =	simm.s32 $0xC;
	v57 =	vadd.s32 s14, v28;
	v58 =	vld.idx.msk [tilespmem:v38+s16+$0x0], $0xffff;
	[tilespmem:s28+$0xFFFFF680] =	vst v30  }
0x3d2: {  	s19 =	simm.s32 $0x11;
	v39 =	vld.idx.msk [tilespmem:v39+s16+$0x0], $0xffff;
	v30 =	vadd.s32 s13, v28;
	[tilespmem:s28+$0xFFFFF700] =	vst v31  }
0x3d3: {  	s15 =	simm.s32 $0xE;
	v63 =	vadd.s32 s19, v28;
	v61 =	vld.idx.msk [tilespmem:v40+s16+$0x0], $0xffff;
	[tilespmem:s28+$0xFFFFF780] =	vst v32  }
0x3d4: {  	s17 =	simm.s32 $0xF;
	v59 =	vadd.s32 s15, v28;
	v29 =	vld.idx.msk [tilespmem:v36+s16+$0x0], $0xffff;
	[tilespmem:s28+$0xFFFFF800] =	vst v33  }
0x3d5: {  	s18 =	simm.s32 $0x10;
	v60 =	vadd.s32 s17, v28;
	v31 =	vld.idx.msk [tilespmem:v37+s16+$0x0], $0xffff;
	[tilespmem:s28+$0xFFFFF880] =	vst v34  }
0x3d6: {  	s20 =	simm.s32 $0x12;
	v62 =	vadd.s32 s18, v28;
	[tilespmem:s28+$0xFFFFF900] =	vst v35;
	v33 =	vld.idx.msk [tilespmem:v57+s16+$0x0], $0xffff  }
0x3d7: {  	s21 =	simm.s32 $0x13;
	v42 =	vadd.s32 s20, v28;
	[tilespmem:s28+$0xFFFFFE80] =	vst v58;
	v41 =	vld.idx.msk [tilespmem:v30+s16+$0x0], $0xffff  }
0x3d8: {  	s22 =	simm.s32 $0x14;
	v38 =	vadd.s32 s21, v28;
	[tilespmem:s28+$0xFFFFFF00] =	vst v39;
	v32 =	vld.idx.msk [tilespmem:v63+s16+$0x0], $0xffff  }
0x3d9: {  	s23 =	simm.s32 $0x15;
	v39 =	vadd.s32 s22, v28;
	[tilespmem:s28+$0xFFFFFF80] =	vst v61;
	v30 =	vld.idx.msk [tilespmem:v59+s16+$0x0], $0xffff  }
0x3da: {  	s24 =	simm.s32 $0x16;
	v36 =	vadd.s32 s23, v28;
	[tilespmem:s28+$0xFFFFF980] =	vst v29;
	v29 =	vld.idx.msk [tilespmem:v60+s16+$0x0], $0xffff  }
0x3db: {  	s31 =	simm.s32 $0x0;
	v37 =	vadd.s32 s24, v28;
	[tilespmem:s28+$0xFFFFFE00] =	vst v31;
	v31 =	vld.idx.msk [tilespmem:v62+s16+$0x0], $0xffff  }
0x3dc: {  	s0 =	simm.s32 $0x2F;
	s30 =	simm.s32 $0x30;
	s29 =	simm.s32 $0x18;
	v35 =	vadd.s32 s31, v28;
	v34 =	vld.idx.msk [tilespmem:v42+s16+$0x0], $0xffff;
	[tilespmem:s28+$0x0] =	vst v41  }
.LBB2_23:
0x3dd: {  	p0 =	slt.u32 s30, $0x90;
	s1 =	sadd.s32 $0x1, s29;
	v40 =	vadd.s32 s0, v28;
	[tilespmem:s28+$0x80] =	vst v33;
	v33 =	vld.idx.msk [tilespmem:v38+s16+$0x0], $0xffff  }
0x3de: {  	s0 =	sadd.s32 $0x2, s29;
	v38 =	vadd.s32 s1, v28;
	[tilespmem:s28+$0x100] =	vst v30;
	v30 =	vld.idx.msk [tilespmem:v39+s16+$0x0], $0xffff  }
0x3df: {  	v39 =	vadd.s32 s0, v28;
	s0 =	sadd.s32 $0x3, s29;
	[tilespmem:s28+$0x180] =	vst v29;
	v29 =	vld.idx.msk [tilespmem:v36+s16+$0x0], $0xffff  }
0x3e0: {  	v36 =	vadd.s32 s0, v28;
	s0 =	sadd.s32 $0x4, s29;
	[tilespmem:s28+$0x600] =	vst v31;
	v31 =	vld.idx.msk [tilespmem:v37+s16+$0x0], $0xffff  }
0x3e1: {  	v37 =	vadd.s32 s0, v28;
	s0 =	sadd.s32 $0x5, s29;
	v35 =	vld.idx.msk [tilespmem:v35+s16+$0x0], $0xffff;
	[tilespmem:s28+$0x680] =	vst v32  }
0x3e2: {  	v32 =	vadd.s32 s0, v28;
	s0 =	sadd.s32 $0x6, s29;
	v40 =	vld.idx.msk [tilespmem:v40+s16+$0x0], $0xffff;
	[tilespmem:s28+$0x700] =	vst v34  }
0x3e3: {  	v34 =	vld.idx.msk [tilespmem:v38+s16+$0x0], $0xffff;
	v38 =	vadd.s32 s0, v28;
	s0 =	sadd.s32 $0x7, s29;
	[tilespmem:s28+$0x780] =	vst v33  }
0x3e4: {  	v33 =	vld.idx.msk [tilespmem:v39+s16+$0x0], $0xffff;
	v39 =	vadd.s32 s0, v28;
	s0 =	sadd.s32 $0x8, s29;
	[tilespmem:s28+$0x800] =	vst v30  }
0x3e5: {  	v30 =	vld.idx.msk [tilespmem:v36+s16+$0x0], $0xffff;
	v36 =	vadd.s32 s0, v28;
	s0 =	sadd.s32 $0x9, s29;
	[tilespmem:s28+$0x880] =	vst v29  }
0x3e6: {  	v29 =	vld.idx.msk [tilespmem:v37+s16+$0x0], $0xffff;
	v37 =	vadd.s32 s0, v28;
	s0 =	sadd.s32 $0xA, s29;
	[tilespmem:s28+$0x900] =	vst v31  }
0x3e7: {  	v31 =	vld.idx.msk [tilespmem:v32+s16+$0x0], $0xffff;
	v32 =	vadd.s32 s0, v28;
	s0 =	sadd.s32 $0xB, s29;
	[tilespmem:s28+$0xFFFFF600] =	vst v35;
	s28 =	sadd.s32 $0x1800, s28  }
0x3e8: {  	v35 =	vld.idx.msk [tilespmem:v38+s16+$0x0], $0xffff;
	v38 =	vadd.s32 s0, v28;
	s0 =	sadd.s32 $0xC, s29;
	[tilespmem:s28+$0x980] =	vst v40  }
0x3e9: {  	[tilespmem:s28+$0xFFFFF680] =	vst v34;
	v34 =	vld.idx.msk [tilespmem:v39+s16+$0x0], $0xffff;
	v39 =	vadd.s32 s0, v28;
	s0 =	sadd.s32 $0xD, s29  }
0x3ea: {  	[tilespmem:s28+$0xFFFFF700] =	vst v33;
	v36 =	vld.idx.msk [tilespmem:v36+s16+$0x0], $0xffff;
	v33 =	vadd.s32 s0, v28;
	s0 =	sadd.s32 $0xE, s29  }
0x3eb: {  	[tilespmem:s28+$0xFFFFF780] =	vst v30;
	v37 =	vld.idx.msk [tilespmem:v37+s16+$0x0], $0xffff;
	v30 =	vadd.s32 s0, v28;
	s0 =	sadd.s32 $0xF, s29  }
0x3ec: {  	[tilespmem:s28+$0xFFFFF800] =	vst v29;
	v32 =	vld.idx.msk [tilespmem:v32+s16+$0x0], $0xffff;
	v29 =	vadd.s32 s0, v28;
	s0 =	sadd.s32 $0x10, s29  }
0x3ed: {  	[tilespmem:s28+$0xFFFFF880] =	vst v31;
	v40 =	vld.idx.msk [tilespmem:v38+s16+$0x0], $0xffff;
	v31 =	vadd.s32 s0, v28;
	s0 =	sadd.s32 $0x11, s29  }
0x3ee: {  	[tilespmem:s28+$0xFFFFF900] =	vst v35;
	v41 =	vld.idx.msk [tilespmem:v39+s16+$0x0], $0xffff;
	v35 =	vadd.s32 s0, v28;
	s0 =	sadd.s32 $0x12, s29  }
0x3ef: {  	[tilespmem:s28+$0xFFFFF980] =	vst v34;
	v33 =	vld.idx.msk [tilespmem:v33+s16+$0x0], $0xffff;
	v34 =	vadd.s32 s0, v28;
	s0 =	sadd.s32 $0x13, s29  }
.Ltmp10:
0x3f0: {  	[tilespmem:s28+$0xFFFFFE00] =	vst v36;
	v30 =	vld.idx.msk [tilespmem:v30+s16+$0x0], $0xffff;
	v38 =	vadd.s32 s0, v28;
	s0 =	sadd.s32 $0x14, s29;
	(pc) =	sbr.rel @p0 .LBB2_23-.Ltmp10, $4  }
0x3f1: {  	[tilespmem:s28+$0xFFFFFE80] =	vst v37;
	v29 =	vld.idx.msk [tilespmem:v29+s16+$0x0], $0xffff;
	v39 =	vadd.s32 s0, v28;
	s0 =	sadd.s32 $0x15, s29  }
0x3f2: {  	[tilespmem:s28+$0xFFFFFF00] =	vst v32;
	v31 =	vld.idx.msk [tilespmem:v31+s16+$0x0], $0xffff;
	v36 =	vadd.s32 s0, v28;
	s0 =	sadd.s32 $0x16, s29  }
0x3f3: {  	[tilespmem:s28+$0xFFFFFF80] =	vst v40;
	v32 =	vld.idx.msk [tilespmem:v35+s16+$0x0], $0xffff;
	v37 =	vadd.s32 s0, v28  }
0x3f4: {  	s0 =	sadd.s32 $0x17, s30;
	v35 =	vadd.s32 s29, v28;
	s29 =	smov.u32 s30;
	s30 =	sadd.s32 $0x18, s30;
	[tilespmem:s28+$0x0] =	vst v41;
	v34 =	vld.idx.msk [tilespmem:v34+s16+$0x0], $0xffff  }
0x3f5: {  	_ =	sdelay $0x2  }
0x3f6: {  	[tilespmem:s28+$0x80] =	vst v33  }
0x3f7: {  	s1 =	sadd.s32 $0x1, s29;
	v50 =	vadd.s32 s0, v28;
	v38 =	vld.idx.msk [tilespmem:v38+s16+$0x0], $0xffff;
	[tilespmem:s28+$0x100] =	vst v30  }
0x3f8: {  	s5 =	sadd.s32 $0x2, s29;
	v39 =	vld.idx.msk [tilespmem:v39+s16+$0x0], $0xffff;
	v51 =	vadd.s32 s1, v28;
	[tilespmem:s28+$0x180] =	vst v29  }
0x3f9: {  	s6 =	sadd.s32 $0x3, s29;
	v36 =	vld.idx.msk [tilespmem:v36+s16+$0x0], $0xffff;
	v29 =	vadd.s32 s5, v28;
	[tilespmem:s28+$0x600] =	vst v31  }
0x3fa: {  	s7 =	sadd.s32 $0x4, s29;
	v37 =	vld.idx.msk [tilespmem:v37+s16+$0x0], $0xffff;
	v52 =	vadd.s32 s6, v28;
	[tilespmem:s28+$0x680] =	vst v32  }
0x3fb: {  	s8 =	sadd.s32 $0x5, s29;
	v35 =	vld.idx.msk [tilespmem:v35+s16+$0x0], $0xffff;
	v53 =	vadd.s32 s7, v28;
	[tilespmem:s28+$0x700] =	vst v34  }
0x3fc: {  	s9 =	sadd.s32 $0x6, s29;
	v54 =	vadd.s32 s8, v28;
	v33 =	vld.idx.msk [tilespmem:v50+s16+$0x0], $0xffff;
	[tilespmem:s28+$0x780] =	vst v38  }
0x3fd: {  	s10 =	sadd.s32 $0x7, s29;
	v55 =	vadd.s32 s9, v28;
	[tilespmem:s28+$0x800] =	vst v39;
	v30 =	vld.idx.msk [tilespmem:v51+s16+$0x0], $0xffff  }
0x3fe: {  	s12 =	sadd.s32 $0x9, s29;
	v56 =	vadd.s32 s10, v28;
	[tilespmem:s28+$0x880] =	vst v36;
	v29 =	vld.idx.msk [tilespmem:v29+s16+$0x0], $0xffff  }
0x3ff: {  	s13 =	sadd.s32 $0xA, s29;
	v58 =	vadd.s32 s12, v28;
	[tilespmem:s28+$0x900] =	vst v37;
	v31 =	vld.idx.msk [tilespmem:v52+s16+$0x0], $0xffff  }
0x400: {  	s14 =	sadd.s32 $0x1800, s28;
	s15 =	sadd.s32 $0xB, s29;
	v59 =	vadd.s32 s13, v28;
	[tilespmem:s28+$0xFFFFF600] =	vst v35;
	v32 =	vld.idx.msk [tilespmem:v53+s16+$0x0], $0xffff  }
0x401: {  	s17 =	sadd.s32 $0xC, s29;
	v61 =	vadd.s32 s15, v28;
	v34 =	vld.idx.msk [tilespmem:v54+s16+$0x0], $0xffff;
	[tilespmem:s14+$0x980] =	vst v33  }
0x402: {  	s18 =	sadd.s32 $0xD, s29;
	v63 =	vadd.s32 s17, v28;
	v60 =	vld.idx.msk [tilespmem:v55+s16+$0x0], $0xffff;
	[tilespmem:s14+$0xFFFFF680] =	vst v30  }
0x403: {  	s11 =	sadd.s32 $0x8, s29;
	v42 =	vadd.s32 s18, v28;
	v62 =	vld.idx.msk [tilespmem:v56+s16+$0x0], $0xffff;
	[tilespmem:s14+$0xFFFFF700] =	vst v29  }
0x404: {  	s20 =	sadd.s32 $0xF, s29;
	v57 =	vadd.s32 s11, v28;
	v43 =	vld.idx.msk [tilespmem:v58+s16+$0x0], $0xffff;
	[tilespmem:s14+$0xFFFFF780] =	vst v31  }
0x405: {  	s21 =	sadd.s32 $0x10, s29;
	v46 =	vadd.s32 s20, v28;
	v45 =	vld.idx.msk [tilespmem:v59+s16+$0x0], $0xffff;
	[tilespmem:s14+$0xFFFFF800] =	vst v32  }
0x406: {  	s22 =	sadd.s32 $0x11, s29;
	v48 =	vadd.s32 s21, v28;
	v47 =	vld.idx.msk [tilespmem:v61+s16+$0x0], $0xffff;
	[tilespmem:s14+$0xFFFFF880] =	vst v34  }
0x407: {  	s23 =	sadd.s32 $0x12, s29;
	v50 =	vadd.s32 s22, v28;
	v49 =	vld.idx.msk [tilespmem:v63+s16+$0x0], $0xffff;
	[tilespmem:s14+$0xFFFFF900] =	vst v60  }
0x408: {  	s19 =	sadd.s32 $0xE, s29;
	v51 =	vld.idx.msk [tilespmem:v42+s16+$0x0], $0xffff;
	v52 =	vadd.s32 s23, v28;
	[tilespmem:s14+$0xFFFFF980] =	vst v62  }
0x409: {  	s24 =	sadd.s32 $0x13, s29;
	v44 =	vadd.s32 s19, v28;
	v29 =	vld.idx.msk [tilespmem:v57+s16+$0x0], $0xffff;
	[tilespmem:s14+$0xFFFFFE80] =	vst v43  }
0x40a: {  	s31 =	sadd.s32 $0x16, s29;
	v53 =	vadd.s32 s24, v28;
	v54 =	vld.idx.msk [tilespmem:v46+s16+$0x0], $0xffff;
	[tilespmem:s14+$0xFFFFFF00] =	vst v45  }
0x40b: {  	s30 =	sadd.s32 $0x15, s29;
	v56 =	vld.idx.msk [tilespmem:v48+s16+$0x0], $0xffff;
	v59 =	vadd.s32 s31, v28;
	[tilespmem:s14+$0xFFFFFF80] =	vst v47  }
0x40c: {  	s28 =	sadd.s32 $0x14, s29;
	v58 =	vld.idx.msk [tilespmem:v50+s16+$0x0], $0xffff;
	v57 =	vadd.s32 s30, v28;
	[tilespmem:s14+$0x0] =	vst v49  }
0x40d: {  	v55 =	vadd.s32 s28, v28;
	v28 =	vadd.s32 s29, v28;
	v60 =	vld.idx.msk [tilespmem:v52+s16+$0x0], $0xffff;
	[tilespmem:s14+$0x80] =	vst v51  }
0x40e: {  	[tilespmem:s14+$0xFFFFFE00] =	vst v29;
	v29 =	vld.idx.msk [tilespmem:v44+s16+$0x0], $0xffff  }
0x40f: {  	v61 =	vld.idx.msk [tilespmem:v53+s16+$0x0], $0xffff;
	[tilespmem:s14+$0x180] =	vst v54  }
0x410: {  	[tilespmem:s14+$0x600] =	vst v56;
	v63 =	vld.idx.msk [tilespmem:v59+s16+$0x0], $0xffff  }
0x411: {  	[tilespmem:s14+$0x680] =	vst v58;
	v62 =	vld.idx.msk [tilespmem:v57+s16+$0x0], $0xffff  }
0x412: {  	s26 =	sadd.s32 $0x1, s26;
	v28 =	vld.idx.msk [tilespmem:v28+s16+$0x0], $0xffff;
	[tilespmem:s14+$0x700] =	vst v60  }
0x413: {  	p0 =	sne.s32 s26, $0x10;
	[tilespmem:s14+$0x100] =	vst v29;
	v29 =	vld.idx.msk [tilespmem:v55+s16+$0x0], $0xffff  }
.Ltmp11:
0x414: {  	[tilespmem:s14+$0x780] =	vst v61;
	(pc) =	sbr.rel @p0 .LBB2_22-.Ltmp11, $4  }
0x415: {  	[tilespmem:s14+$0x900] =	vst v63  }
0x416: {  	[tilespmem:s14+$0x880] =	vst v62  }
0x417: {  	[tilespmem:s14+$0xFFFFF600] =	vst v28  }
0x418: {  	s25 =	sadd.s32 $0x80, s25;
	s3 =	sadd.s32 $0x1, s3;
	[tilespmem:s14+$0x800] =	vst v29  }
0x419: {  	s0 =	rddreg [dreg:$0xa];
	s1 =	simm.s32 $0x800  }
0x41a: {  	s2 =	simm.s32 $0x80000;
	s3 =	simm.s32 $0xB210;
	s31 =	simm.s32 $0x1  }
0x41b: {  	[hbm4b:s0+s1] =	stream.strided.scatter [tilespmem:s3], [sflag:$0x2], $0xA800, s2, s1, $0x38;
	[tilespmem:$0x15A10] =	vst v63  }
0x41c: {  	_ =	swait.ge [sflag:s31], $0xA800  }
0x41d: {  	s25 =	simm.s32 $0x0;
	[sflag:s31] =	ssyncset.done $0x0  }
0x41e: {  	s26 =	simm.s32 $0x0;
	s3 =	simm.s32 $0x0;
	[sflag:s31] =	ssyncadd.s32 $0xFFFF5800  }
.LBB2_26:
0x41f: {  	s0 =	sshll.u32 s26, $0x4  }
0x420: {  	s0 =	sand.u32 $0x3FFFFFF0, s0  }
0x421: {  	v28 =	vld [tilespmem:s0+$0x600];
	_ =	sdelay $0x4  }
0x422: {  	(v2sf) =	vpush v28, $0xD;
	_ =	sdelay $0x1  }
0x423: {  	(v2sf) =	vpush v28, $0xC;
	_ =	sdelay $0x1  }
0x424: {  	(v2sf) =	vpush v28, $0xE;
	_ =	sdelay $0x1  }
0x425: {  	(v2sf) =	vpush v28, $0xF;
	_ =	sdelay $0x1  }
0x426: {  	(v2sf) =	vpush v28, $0x9;
	_ =	sdelay $0x1  }
0x427: {  	(v2sf) =	vpush v28, $0x8;
	_ =	sdelay $0x1  }
0x428: {  	(v2sf) =	vpush v28, $0xA;
	_ =	sdelay $0x1  }
0x429: {  	(v2sf) =	vpush v28, $0xB  }
0x42a: {  	(v2sf) =	vpush v28, $0x0;
	s24 =	spop (v2sf)  }
0x42b: {  	(v2sf) =	vpush v28, $0x1;
	s1 =	smulhi.u32 $0x30C30C31, s24;
	s0 =	sshra.s32 s24, $0x1F  }
0x42c: {  	s2 =	spop (v2sf);
	s0 =	smul.u32 $0x30C30C31, s0  }
0x42d: {  	s31 =	smulhi.u32 $0x30C30C31, s2;
	s2 =	sshra.s32 s2, $0x1F  }
0x42e: {  	(v2sf) =	vpush v28, $0x2;
	s4 =	spop (v2sf);
	s2 =	smul.u32 $0x30C30C31, s2  }
0x42f: {  	(v2sf) =	vpush v28, $0x3;
	s7 =	smulhi.u32 $0x30C30C31, s4;
	s4 =	sshra.s32 s4, $0x1F  }
0x430: {  	(v2sf) =	vpush v28, $0x4;
	s5 =	spop (v2sf);
	s4 =	smul.u32 $0x30C30C31, s4  }
0x431: {  	(v2sf) =	vpush v28, $0x5;
	s9 =	smulhi.u32 $0x30C30C31, s5;
	s5 =	sshra.s32 s5, $0x1F  }
0x432: {  	(v2sf) =	vpush v28, $0x6;
	s6 =	spop (v2sf);
	s5 =	smul.u32 $0x30C30C31, s5  }
0x433: {  	[dreg:$0x15] =	wrdreg s3;
	(v2sf) =	vpush v28, $0x7;
	s11 =	smulhi.u32 $0x30C30C31, s6;
	s6 =	sshra.s32 s6, $0x1F  }
0x434: {  	s8 =	spop (v2sf);
	s14 =	smul.u32 $0x30C30C31, s6  }
0x435: {  	s29 =	sadd.s32 s0, s1;
	s17 =	smulhi.u32 $0x30C30C31, s8;
	s22 =	sshra.s32 s8, $0x1F  }
0x436: {  	s31 =	sadd.s32 s2, s31;
	s10 =	spop (v2sf);
	s18 =	smul.u32 $0x30C30C31, s22  }
0x437: {  	s30 =	sadd.s32 s4, s7;
	s20 =	smulhi.u32 $0x30C30C31, s10;
	s23 =	sshra.s32 s10, $0x1F  }
0x438: {  	s12 =	spop (v2sf);
	s7 =	sshrl.u32 s30, $0x1F;
	s21 =	smul.u32 $0x30C30C31, s23  }
0x439: {  	s13 =	spop (v2sf);
	s23 =	smulhi.u32 $0x30C30C31, s12;
	s12 =	sshra.s32 s12, $0x1F  }
0x43a: {  	s28 =	sadd.s32 s5, s9;
	s15 =	spop (v2sf);
	s1 =	smul.u32 $0x30C30C31, s12  }
0x43b: {  	s2 =	smulhi.u32 $0x30C30C31, s13;
	s24 =	sshra.s32 s13, $0x1F;
	s12 =	sshrl.u32 s29, $0x1F  }
0x43c: {  	s13 =	sshrl.u32 s31, $0x1F;
	s5 =	sadd.s32 s18, s17;
	s24 =	smul.u32 $0x30C30C31, s24  }
0x43d: {  	s8 =	spop (v2sf);
	s4 =	smulhi.u32 $0x30C30C31, s15;
	s3 =	sshra.s32 s15, $0x1F  }
0x43e: {  	s19 =	spop (v2sf);
	s9 =	smul.u32 $0x30C30C31, s3;
	s3 =	sadd.s32 s14, s11  }
0x43f: {  	s11 =	smulhi.u32 $0x30C30C31, s8;
	s15 =	sshra.s32 s8, $0x1F;
	s10 =	spop (v2sf)  }
0x440: {  	s0 =	sadd.s32 s21, s20;
	s14 =	smul.u32 $0x30C30C31, s15;
	s22 =	spop (v2sf)  }
0x441: {  	s15 =	smulhi.u32 $0x30C30C31, s19;
	s20 =	sshra.s32 s19, $0x1F;
	s6 =	spop (v2sf)  }
0x442: {  	s8 =	sshrl.u32 s28, $0x1F;
	s17 =	smul.u32 $0x30C30C31, s20;
	s21 =	spop (v2sf)  }
0x443: {  	s1 =	sadd.s32 s1, s23;
	s23 =	smulhi.u32 $0x30C30C31, s21;
	s18 =	sshra.s32 s21, $0x1F  }
0x444: {  	s19 =	sadd.s32 s24, s2;
	s20 =	sshrl.u32 s3, $0x1F;
	s24 =	smul.u32 $0x30C30C31, s18  }
0x445: {  	s4 =	sadd.s32 s9, s4;
	s21 =	smulhi.u32 $0x30C30C31, s10;
	s10 =	sshra.s32 s10, $0x1F  }
0x446: {  	s9 =	sshrl.u32 s0, $0x1F;
	s10 =	smul.u32 $0x30C30C31, s10;
	s2 =	sadd.s32 s24, s23  }
0x447: {  	s3 =	sshra.s32 s3, $0x5;
	s0 =	sshra.s32 s0, $0x5;
	s23 =	sshra.s32 s2, $0x1F  }
0x448: {  	s10 =	sadd.s32 s10, s21;
	s24 =	sshra.s32 s19, $0x5;
	s21 =	sshrl.u32 s19, $0x1F;
	v29 =	vmov s23  }
0x449: {  	v30 =	vmov s13;
	s11 =	sadd.s32 s14, s11;
	s18 =	sshrl.u32 s5, $0x1F;
	s19 =	sshra.s32 s19, $0x1F;
	v31 =	vmov s21;
	v29 =	vsel vm5, s24, v29  }
0x44a: {  	v30 =	vsel vm2, s12, v30;
	s5 =	sshra.s32 s5, $0x5;
	s21 =	sshra.s32 s4, $0x5;
	s23 =	sshrl.u32 s4, $0x1F;
	v31 =	vnsel vm5, $0x0, v31;
	v29 =	vsel vm11, s19, v29  }
0x44b: {  	v30 =	vsel vm3, s7, v30;
	s4 =	sshra.s32 s4, $0x1F;
	s24 =	sshra.s32 s22, $0x1F;
	v31 =	vsel vm2, s23, v31;
	s23 =	smulhi.u32 $0x30C30C31, s6;
	v29 =	vsel vm2, s21, v29  }
0x44c: {  	v30 =	vsel vm4, s8, v30;
	s6 =	sshra.s32 s6, $0x1F;
	s13 =	smul.u32 $0x30C30C31, s24;
	s24 =	sshra.s32 s11, $0x5;
	v29 =	vsel vm12, s4, v29  }
0x44d: {  	s15 =	sadd.s32 s17, s15;
	v32 =	vmov s18;
	s18 =	sshra.s32 s11, $0x1F;
	v33 =	vmov s5;
	s6 =	smul.u32 $0x30C30C31, s6;
	v29 =	vsel vm3, s24, v29  }
0x44e: {  	s14 =	sshrl.u32 s1, $0x1F;
	s12 =	smulhi.u32 $0x30C30C31, s22;
	v32 =	vsel vm2, s20, v32;
	v33 =	vsel vm2, s3, v33;
	s21 =	sshra.s32 s15, $0x5;
	v29 =	vsel vm13, s18, v29  }
0x44f: {  	v32 =	vsel vm3, s9, v32;
	v33 =	vsel vm3, s0, v33;
	s22 =	sshrl.u32 s11, $0x1F;
	s6 =	sadd.s32 s6, s23;
	s23 =	sshra.s32 s15, $0x1F;
	v29 =	vsel vm4, s21, v29  }
0x450: {  	s17 =	sshrl.u32 s15, $0x1F;
	s9 =	sshra.s32 s31, $0x5;
	v32 =	vsel vm4, s14, v32;
	v31 =	vsel vm3, s22, v31;
	s24 =	sshra.s32 s10, $0x5;
	v29 =	vsel vm14, s23, v29  }
0x451: {  	s20 =	sshrl.u32 s10, $0x1F;
	v54 =	vmov s9;
	s11 =	sshra.s32 s10, $0x1F;
	v31 =	vsel vm4, s17, v31;
	s19 =	sadd.s32 s13, s12;
	v29 =	vsel vm6, s24, v29  }
0x452: {  	v30 =	vcombine.low v32, v30;
	v31 =	vsel vm6, s20, v31;
	s12 =	sshra.s32 s29, $0x5;
	s22 =	sshrl.u32 s19, $0x1F;
	s13 =	sshra.s32 s19, $0x5;
	v29 =	vsel vm15, s11, v29  }
0x453: {  	s14 =	sshra.s32 s30, $0x5;
	s8 =	sshrl.u32 s6, $0x1F;
	v32 =	vsel vm2, s12, v54;
	s15 =	sshra.s32 s19, $0x1F;
	v31 =	vsel vm7, s22, v31;
	v29 =	vsel vm7, s13, v29  }
0x454: {  	s17 =	sshra.s32 s28, $0x5;
	s19 =	sshra.s32 s6, $0x5;
	v32 =	vsel vm3, s14, v32;
	s18 =	sshra.s32 s1, $0x5;
	v31 =	vsel vm8, s8, v31;
	v29 =	vsel vm1, s15, v29  }
0x455: {  	s20 =	sshrl.u32 s2, $0x1F;
	v32 =	vsel vm4, s17, v32;
	v33 =	vsel vm4, s18, v33;
	s21 =	sshra.s32 s6, $0x1F;
	v29 =	vsel vm8, s19, v29  }
0x456: {  	s22 =	sshra.s32 s2, $0x5;
	v31 =	vsel vm9, s20, v31;
	v32 =	vcombine.low v33, v32;
	v29 =	vsel vm0, s21, v29  }
0x457: {  	v30 =	vperm.xlane v30, v26;
	v31 =	vperm.xlane v31, v27;
	v29 =	vsel vm9, s22, v29  }
0x458: {  	v32 =	vperm.xlane v32, v26;
	v29 =	vperm.xlane v29, v27;
	_ =	sdelay $0x1  }
0x459: {  	v30 =	vsel vm10, v31, v30;
	v29 =	vsel vm10, v29, v32  }
0x45a: {  	v29 =	vadd.s32 v30, v29  }
0x45b: {  	v29 =	vmul.u32 $0xA8, v29;
	_ =	sdelay $0x1  }
0x45c: {  	s23 =	simm.s32 $0x17;
	v28 =	vsub.s32 v28, v29  }
0x45d: {  	s24 =	simm.s32 $0x1;
	v29 =	vadd.s32 s23, v28  }
0x45e: {  	s31 =	simm.s32 $0x2;
	v30 =	vadd.s32 s24, v28  }
0x45f: {  	s1 =	simm.s32 $0x3;
	v31 =	vadd.s32 s31, v28  }
0x460: {  	s2 =	simm.s32 $0x4;
	v55 =	vadd.s32 s1, v28  }
0x461: {  	s4 =	simm.s32 $0x5;
	v56 =	vadd.s32 s2, v28  }
0x462: {  	s5 =	simm.s32 $0x6;
	s3 =	rddreg [dreg:$0x15];
	v34 =	vadd.s32 s4, v28;
	v29 =	vld.idx.msk [tilespmem:v29+s16+$0x0], $0xffff  }
0x463: {  	s7 =	sand.u32 $0x7, s3;
	s10 =	simm.s32 $0x9;
	s6 =	sshll.u32 s25, $0x2;
	v35 =	vadd.s32 s5, v28;
	v30 =	vld.idx.msk [tilespmem:v30+s16+$0x0], $0xffff  }
0x464: {  	s11 =	simm.s32 $0xA;
	s1 =	sand.u32 $0xFFFFF000, s6;
	s2 =	sshll.u32 s7, $0x6;
	v38 =	vadd.s32 s10, v28;
	v31 =	vld.idx.msk [tilespmem:v31+s16+$0x0], $0xffff  }
0x465: {  	s12 =	simm.s32 $0xB;
	v39 =	vadd.s32 s11, v28;
	s1 =	sor.u32 s2, s1;
	v32 =	vld.idx.msk [tilespmem:v55+s16+$0x0], $0xffff  }
0x466: {  	s8 =	simm.s32 $0x7;
	v40 =	vadd.s32 s12, v28;
	s1 =	sshrl.u32 s1, $0x2;
	v33 =	vld.idx.msk [tilespmem:v56+s16+$0x0], $0xffff  }
0x467: {  	s9 =	simm.s32 $0x8;
	v36 =	vadd.s32 s8, v28;
	s28 =	sadd.s32 $0x1410, s1;
	v34 =	vld.idx.msk [tilespmem:v34+s16+$0x0], $0xffff  }
0x468: {  	s14 =	simm.s32 $0xD;
	v37 =	vadd.s32 s9, v28;
	v35 =	vld.idx.msk [tilespmem:v35+s16+$0x0], $0xffff;
	[tilespmem:s28+$0x980] =	vst v29  }
0x469: {  	s13 =	simm.s32 $0xC;
	v57 =	vadd.s32 s14, v28;
	v58 =	vld.idx.msk [tilespmem:v38+s16+$0x0], $0xffff;
	[tilespmem:s28+$0xFFFFF680] =	vst v30  }
0x46a: {  	s19 =	simm.s32 $0x11;
	v39 =	vld.idx.msk [tilespmem:v39+s16+$0x0], $0xffff;
	v30 =	vadd.s32 s13, v28;
	[tilespmem:s28+$0xFFFFF700] =	vst v31  }
0x46b: {  	s15 =	simm.s32 $0xE;
	v63 =	vadd.s32 s19, v28;
	v61 =	vld.idx.msk [tilespmem:v40+s16+$0x0], $0xffff;
	[tilespmem:s28+$0xFFFFF780] =	vst v32  }
0x46c: {  	s17 =	simm.s32 $0xF;
	v59 =	vadd.s32 s15, v28;
	v29 =	vld.idx.msk [tilespmem:v36+s16+$0x0], $0xffff;
	[tilespmem:s28+$0xFFFFF800] =	vst v33  }
0x46d: {  	s18 =	simm.s32 $0x10;
	v60 =	vadd.s32 s17, v28;
	v31 =	vld.idx.msk [tilespmem:v37+s16+$0x0], $0xffff;
	[tilespmem:s28+$0xFFFFF880] =	vst v34  }
0x46e: {  	s20 =	simm.s32 $0x12;
	v62 =	vadd.s32 s18, v28;
	[tilespmem:s28+$0xFFFFF900] =	vst v35;
	v33 =	vld.idx.msk [tilespmem:v57+s16+$0x0], $0xffff  }
0x46f: {  	s21 =	simm.s32 $0x13;
	v42 =	vadd.s32 s20, v28;
	[tilespmem:s28+$0xFFFFFE80] =	vst v58;
	v41 =	vld.idx.msk [tilespmem:v30+s16+$0x0], $0xffff  }
0x470: {  	s22 =	simm.s32 $0x14;
	v38 =	vadd.s32 s21, v28;
	[tilespmem:s28+$0xFFFFFF00] =	vst v39;
	v32 =	vld.idx.msk [tilespmem:v63+s16+$0x0], $0xffff  }
0x471: {  	s23 =	simm.s32 $0x15;
	v39 =	vadd.s32 s22, v28;
	[tilespmem:s28+$0xFFFFFF80] =	vst v61;
	v30 =	vld.idx.msk [tilespmem:v59+s16+$0x0], $0xffff  }
0x472: {  	s24 =	simm.s32 $0x16;
	v36 =	vadd.s32 s23, v28;
	[tilespmem:s28+$0xFFFFF980] =	vst v29;
	v29 =	vld.idx.msk [tilespmem:v60+s16+$0x0], $0xffff  }
0x473: {  	s31 =	simm.s32 $0x0;
	v37 =	vadd.s32 s24, v28;
	[tilespmem:s28+$0xFFFFFE00] =	vst v31;
	v31 =	vld.idx.msk [tilespmem:v62+s16+$0x0], $0xffff  }
0x474: {  	s0 =	simm.s32 $0x2F;
	s30 =	simm.s32 $0x30;
	s29 =	simm.s32 $0x18;
	v35 =	vadd.s32 s31, v28;
	v34 =	vld.idx.msk [tilespmem:v42+s16+$0x0], $0xffff;
	[tilespmem:s28+$0x0] =	vst v41  }
.LBB2_27:
0x475: {  	p0 =	slt.u32 s30, $0x90;
	s1 =	sadd.s32 $0x1, s29;
	v40 =	vadd.s32 s0, v28;
	[tilespmem:s28+$0x80] =	vst v33;
	v33 =	vld.idx.msk [tilespmem:v38+s16+$0x0], $0xffff  }
0x476: {  	s0 =	sadd.s32 $0x2, s29;
	v38 =	vadd.s32 s1, v28;
	[tilespmem:s28+$0x100] =	vst v30;
	v30 =	vld.idx.msk [tilespmem:v39+s16+$0x0], $0xffff  }
0x477: {  	v39 =	vadd.s32 s0, v28;
	s0 =	sadd.s32 $0x3, s29;
	[tilespmem:s28+$0x180] =	vst v29;
	v29 =	vld.idx.msk [tilespmem:v36+s16+$0x0], $0xffff  }
0x478: {  	v36 =	vadd.s32 s0, v28;
	s0 =	sadd.s32 $0x4, s29;
	[tilespmem:s28+$0x600] =	vst v31;
	v31 =	vld.idx.msk [tilespmem:v37+s16+$0x0], $0xffff  }
0x479: {  	v37 =	vadd.s32 s0, v28;
	s0 =	sadd.s32 $0x5, s29;
	v35 =	vld.idx.msk [tilespmem:v35+s16+$0x0], $0xffff;
	[tilespmem:s28+$0x680] =	vst v32  }
0x47a: {  	v32 =	vadd.s32 s0, v28;
	s0 =	sadd.s32 $0x6, s29;
	v40 =	vld.idx.msk [tilespmem:v40+s16+$0x0], $0xffff;
	[tilespmem:s28+$0x700] =	vst v34  }
0x47b: {  	v34 =	vld.idx.msk [tilespmem:v38+s16+$0x0], $0xffff;
	v38 =	vadd.s32 s0, v28;
	s0 =	sadd.s32 $0x7, s29;
	[tilespmem:s28+$0x780] =	vst v33  }
0x47c: {  	v33 =	vld.idx.msk [tilespmem:v39+s16+$0x0], $0xffff;
	v39 =	vadd.s32 s0, v28;
	s0 =	sadd.s32 $0x8, s29;
	[tilespmem:s28+$0x800] =	vst v30  }
0x47d: {  	v30 =	vld.idx.msk [tilespmem:v36+s16+$0x0], $0xffff;
	v36 =	vadd.s32 s0, v28;
	s0 =	sadd.s32 $0x9, s29;
	[tilespmem:s28+$0x880] =	vst v29  }
0x47e: {  	v29 =	vld.idx.msk [tilespmem:v37+s16+$0x0], $0xffff;
	v37 =	vadd.s32 s0, v28;
	s0 =	sadd.s32 $0xA, s29;
	[tilespmem:s28+$0x900] =	vst v31  }
0x47f: {  	v31 =	vld.idx.msk [tilespmem:v32+s16+$0x0], $0xffff;
	v32 =	vadd.s32 s0, v28;
	s0 =	sadd.s32 $0xB, s29;
	[tilespmem:s28+$0xFFFFF600] =	vst v35;
	s28 =	sadd.s32 $0x1800, s28  }
0x480: {  	v35 =	vld.idx.msk [tilespmem:v38+s16+$0x0], $0xffff;
	v38 =	vadd.s32 s0, v28;
	s0 =	sadd.s32 $0xC, s29;
	[tilespmem:s28+$0x980] =	vst v40  }
0x481: {  	[tilespmem:s28+$0xFFFFF680] =	vst v34;
	v34 =	vld.idx.msk [tilespmem:v39+s16+$0x0], $0xffff;
	v39 =	vadd.s32 s0, v28;
	s0 =	sadd.s32 $0xD, s29  }
0x482: {  	[tilespmem:s28+$0xFFFFF700] =	vst v33;
	v36 =	vld.idx.msk [tilespmem:v36+s16+$0x0], $0xffff;
	v33 =	vadd.s32 s0, v28;
	s0 =	sadd.s32 $0xE, s29  }
0x483: {  	[tilespmem:s28+$0xFFFFF780] =	vst v30;
	v37 =	vld.idx.msk [tilespmem:v37+s16+$0x0], $0xffff;
	v30 =	vadd.s32 s0, v28;
	s0 =	sadd.s32 $0xF, s29  }
0x484: {  	[tilespmem:s28+$0xFFFFF800] =	vst v29;
	v32 =	vld.idx.msk [tilespmem:v32+s16+$0x0], $0xffff;
	v29 =	vadd.s32 s0, v28;
	s0 =	sadd.s32 $0x10, s29  }
0x485: {  	[tilespmem:s28+$0xFFFFF880] =	vst v31;
	v40 =	vld.idx.msk [tilespmem:v38+s16+$0x0], $0xffff;
	v31 =	vadd.s32 s0, v28;
	s0 =	sadd.s32 $0x11, s29  }
0x486: {  	[tilespmem:s28+$0xFFFFF900] =	vst v35;
	v41 =	vld.idx.msk [tilespmem:v39+s16+$0x0], $0xffff;
	v35 =	vadd.s32 s0, v28;
	s0 =	sadd.s32 $0x12, s29  }
0x487: {  	[tilespmem:s28+$0xFFFFF980] =	vst v34;
	v33 =	vld.idx.msk [tilespmem:v33+s16+$0x0], $0xffff;
	v34 =	vadd.s32 s0, v28;
	s0 =	sadd.s32 $0x13, s29  }
.Ltmp12:
0x488: {  	[tilespmem:s28+$0xFFFFFE00] =	vst v36;
	v30 =	vld.idx.msk [tilespmem:v30+s16+$0x0], $0xffff;
	v38 =	vadd.s32 s0, v28;
	s0 =	sadd.s32 $0x14, s29;
	(pc) =	sbr.rel @p0 .LBB2_27-.Ltmp12, $4  }
0x489: {  	[tilespmem:s28+$0xFFFFFE80] =	vst v37;
	v29 =	vld.idx.msk [tilespmem:v29+s16+$0x0], $0xffff;
	v39 =	vadd.s32 s0, v28;
	s0 =	sadd.s32 $0x15, s29  }
0x48a: {  	[tilespmem:s28+$0xFFFFFF00] =	vst v32;
	v31 =	vld.idx.msk [tilespmem:v31+s16+$0x0], $0xffff;
	v36 =	vadd.s32 s0, v28;
	s0 =	sadd.s32 $0x16, s29  }
0x48b: {  	[tilespmem:s28+$0xFFFFFF80] =	vst v40;
	v32 =	vld.idx.msk [tilespmem:v35+s16+$0x0], $0xffff;
	v37 =	vadd.s32 s0, v28  }
0x48c: {  	s0 =	sadd.s32 $0x17, s30;
	v35 =	vadd.s32 s29, v28;
	s29 =	smov.u32 s30;
	s30 =	sadd.s32 $0x18, s30;
	[tilespmem:s28+$0x0] =	vst v41;
	v34 =	vld.idx.msk [tilespmem:v34+s16+$0x0], $0xffff  }
0x48d: {  	_ =	sdelay $0x2  }
0x48e: {  	[tilespmem:s28+$0x80] =	vst v33  }
0x48f: {  	s1 =	sadd.s32 $0x1, s29;
	v50 =	vadd.s32 s0, v28;
	v38 =	vld.idx.msk [tilespmem:v38+s16+$0x0], $0xffff;
	[tilespmem:s28+$0x100] =	vst v30  }
0x490: {  	s5 =	sadd.s32 $0x2, s29;
	v39 =	vld.idx.msk [tilespmem:v39+s16+$0x0], $0xffff;
	v51 =	vadd.s32 s1, v28;
	[tilespmem:s28+$0x180] =	vst v29  }
0x491: {  	s6 =	sadd.s32 $0x3, s29;
	v36 =	vld.idx.msk [tilespmem:v36+s16+$0x0], $0xffff;
	v29 =	vadd.s32 s5, v28;
	[tilespmem:s28+$0x600] =	vst v31  }
0x492: {  	s7 =	sadd.s32 $0x4, s29;
	v37 =	vld.idx.msk [tilespmem:v37+s16+$0x0], $0xffff;
	v52 =	vadd.s32 s6, v28;
	[tilespmem:s28+$0x680] =	vst v32  }
0x493: {  	s8 =	sadd.s32 $0x5, s29;
	v35 =	vld.idx.msk [tilespmem:v35+s16+$0x0], $0xffff;
	v53 =	vadd.s32 s7, v28;
	[tilespmem:s28+$0x700] =	vst v34  }
0x494: {  	s9 =	sadd.s32 $0x6, s29;
	v54 =	vadd.s32 s8, v28;
	v33 =	vld.idx.msk [tilespmem:v50+s16+$0x0], $0xffff;
	[tilespmem:s28+$0x780] =	vst v38  }
0x495: {  	s10 =	sadd.s32 $0x7, s29;
	v55 =	vadd.s32 s9, v28;
	[tilespmem:s28+$0x800] =	vst v39;
	v30 =	vld.idx.msk [tilespmem:v51+s16+$0x0], $0xffff  }
0x496: {  	s12 =	sadd.s32 $0x9, s29;
	v56 =	vadd.s32 s10, v28;
	[tilespmem:s28+$0x880] =	vst v36;
	v29 =	vld.idx.msk [tilespmem:v29+s16+$0x0], $0xffff  }
0x497: {  	s13 =	sadd.s32 $0xA, s29;
	v58 =	vadd.s32 s12, v28;
	[tilespmem:s28+$0x900] =	vst v37;
	v31 =	vld.idx.msk [tilespmem:v52+s16+$0x0], $0xffff  }
0x498: {  	s14 =	sadd.s32 $0x1800, s28;
	s15 =	sadd.s32 $0xB, s29;
	v59 =	vadd.s32 s13, v28;
	[tilespmem:s28+$0xFFFFF600] =	vst v35;
	v32 =	vld.idx.msk [tilespmem:v53+s16+$0x0], $0xffff  }
0x499: {  	s17 =	sadd.s32 $0xC, s29;
	v61 =	vadd.s32 s15, v28;
	v34 =	vld.idx.msk [tilespmem:v54+s16+$0x0], $0xffff;
	[tilespmem:s14+$0x980] =	vst v33  }
0x49a: {  	s18 =	sadd.s32 $0xD, s29;
	v63 =	vadd.s32 s17, v28;
	v60 =	vld.idx.msk [tilespmem:v55+s16+$0x0], $0xffff;
	[tilespmem:s14+$0xFFFFF680] =	vst v30  }
0x49b: {  	s11 =	sadd.s32 $0x8, s29;
	v42 =	vadd.s32 s18, v28;
	v62 =	vld.idx.msk [tilespmem:v56+s16+$0x0], $0xffff;
	[tilespmem:s14+$0xFFFFF700] =	vst v29  }
0x49c: {  	s20 =	sadd.s32 $0xF, s29;
	v57 =	vadd.s32 s11, v28;
	v43 =	vld.idx.msk [tilespmem:v58+s16+$0x0], $0xffff;
	[tilespmem:s14+$0xFFFFF780] =	vst v31  }
0x49d: {  	s21 =	sadd.s32 $0x10, s29;
	v46 =	vadd.s32 s20, v28;
	v45 =	vld.idx.msk [tilespmem:v59+s16+$0x0], $0xffff;
	[tilespmem:s14+$0xFFFFF800] =	vst v32  }
0x49e: {  	s22 =	sadd.s32 $0x11, s29;
	v48 =	vadd.s32 s21, v28;
	v47 =	vld.idx.msk [tilespmem:v61+s16+$0x0], $0xffff;
	[tilespmem:s14+$0xFFFFF880] =	vst v34  }
0x49f: {  	s23 =	sadd.s32 $0x12, s29;
	v50 =	vadd.s32 s22, v28;
	v49 =	vld.idx.msk [tilespmem:v63+s16+$0x0], $0xffff;
	[tilespmem:s14+$0xFFFFF900] =	vst v60  }
0x4a0: {  	s19 =	sadd.s32 $0xE, s29;
	v51 =	vld.idx.msk [tilespmem:v42+s16+$0x0], $0xffff;
	v52 =	vadd.s32 s23, v28;
	[tilespmem:s14+$0xFFFFF980] =	vst v62  }
0x4a1: {  	s24 =	sadd.s32 $0x13, s29;
	v44 =	vadd.s32 s19, v28;
	v29 =	vld.idx.msk [tilespmem:v57+s16+$0x0], $0xffff;
	[tilespmem:s14+$0xFFFFFE80] =	vst v43  }
0x4a2: {  	s31 =	sadd.s32 $0x16, s29;
	v53 =	vadd.s32 s24, v28;
	v54 =	vld.idx.msk [tilespmem:v46+s16+$0x0], $0xffff;
	[tilespmem:s14+$0xFFFFFF00] =	vst v45  }
0x4a3: {  	s30 =	sadd.s32 $0x15, s29;
	v56 =	vld.idx.msk [tilespmem:v48+s16+$0x0], $0xffff;
	v59 =	vadd.s32 s31, v28;
	[tilespmem:s14+$0xFFFFFF80] =	vst v47  }
0x4a4: {  	s28 =	sadd.s32 $0x14, s29;
	v58 =	vld.idx.msk [tilespmem:v50+s16+$0x0], $0xffff;
	v57 =	vadd.s32 s30, v28;
	[tilespmem:s14+$0x0] =	vst v49  }
0x4a5: {  	v55 =	vadd.s32 s28, v28;
	v28 =	vadd.s32 s29, v28;
	v60 =	vld.idx.msk [tilespmem:v52+s16+$0x0], $0xffff;
	[tilespmem:s14+$0x80] =	vst v51  }
0x4a6: {  	[tilespmem:s14+$0xFFFFFE00] =	vst v29;
	v29 =	vld.idx.msk [tilespmem:v44+s16+$0x0], $0xffff  }
0x4a7: {  	v61 =	vld.idx.msk [tilespmem:v53+s16+$0x0], $0xffff;
	[tilespmem:s14+$0x180] =	vst v54  }
0x4a8: {  	[tilespmem:s14+$0x600] =	vst v56;
	v63 =	vld.idx.msk [tilespmem:v59+s16+$0x0], $0xffff  }
0x4a9: {  	[tilespmem:s14+$0x680] =	vst v58;
	v62 =	vld.idx.msk [tilespmem:v57+s16+$0x0], $0xffff  }
0x4aa: {  	s26 =	sadd.s32 $0x1, s26;
	v28 =	vld.idx.msk [tilespmem:v28+s16+$0x0], $0xffff;
	[tilespmem:s14+$0x700] =	vst v60  }
0x4ab: {  	p0 =	sne.s32 s26, $0x10;
	[tilespmem:s14+$0x100] =	vst v29;
	v29 =	vld.idx.msk [tilespmem:v55+s16+$0x0], $0xffff  }
.Ltmp13:
0x4ac: {  	[tilespmem:s14+$0x780] =	vst v61;
	(pc) =	sbr.rel @p0 .LBB2_26-.Ltmp13, $4  }
0x4ad: {  	[tilespmem:s14+$0x900] =	vst v63  }
0x4ae: {  	[tilespmem:s14+$0x880] =	vst v62  }
0x4af: {  	[tilespmem:s14+$0xFFFFF600] =	vst v28  }
0x4b0: {  	s25 =	sadd.s32 $0x80, s25;
	s3 =	sadd.s32 $0x1, s3;
	[tilespmem:s14+$0x800] =	vst v29  }
0x4b1: {  	s0 =	rddreg [dreg:$0xb];
	s1 =	simm.s32 $0x800  }
0x4b2: {  	s2 =	simm.s32 $0x80000;
	s3 =	simm.s32 $0xA10;
	s31 =	simm.s32 $0x2  }
0x4b3: {  	[hbm4b:s0+s1] =	stream.strided.scatter [tilespmem:s3], [sflag:$0x1], $0xA800, s2, s1, $0x38;
	[tilespmem:$0x15A10] =	vst v63  }
0x4b4: {  	_ =	swait.ge [sflag:s31], $0xA800  }
0x4b5: {  	s25 =	simm.s32 $0x0;
	[sflag:s31] =	ssyncset.done $0x0  }
0x4b6: {  	s26 =	simm.s32 $0x0;
	s3 =	simm.s32 $0x0;
	[sflag:s31] =	ssyncadd.s32 $0xFFFF5800  }
.LBB2_30:
0x4b7: {  	s0 =	sshll.u32 s26, $0x4  }
0x4b8: {  	s0 =	sand.u32 $0x3FFFFFF0, s0  }
0x4b9: {  	v28 =	vld [tilespmem:s0+$0x700];
	_ =	sdelay $0x4  }
0x4ba: {  	(v2sf) =	vpush v28, $0xD;
	_ =	sdelay $0x1  }
0x4bb: {  	(v2sf) =	vpush v28, $0xC;
	_ =	sdelay $0x1  }
0x4bc: {  	(v2sf) =	vpush v28, $0xE;
	_ =	sdelay $0x1  }
0x4bd: {  	(v2sf) =	vpush v28, $0xF;
	_ =	sdelay $0x1  }
0x4be: {  	(v2sf) =	vpush v28, $0x9;
	_ =	sdelay $0x1  }
0x4bf: {  	(v2sf) =	vpush v28, $0x8;
	_ =	sdelay $0x1  }
0x4c0: {  	(v2sf) =	vpush v28, $0xA;
	_ =	sdelay $0x1  }
0x4c1: {  	(v2sf) =	vpush v28, $0xB  }
0x4c2: {  	(v2sf) =	vpush v28, $0x0;
	s24 =	spop (v2sf)  }
0x4c3: {  	(v2sf) =	vpush v28, $0x1;
	s1 =	smulhi.u32 $0x30C30C31, s24;
	s0 =	sshra.s32 s24, $0x1F  }
0x4c4: {  	s2 =	spop (v2sf);
	s0 =	smul.u32 $0x30C30C31, s0  }
0x4c5: {  	s31 =	smulhi.u32 $0x30C30C31, s2;
	s2 =	sshra.s32 s2, $0x1F  }
0x4c6: {  	(v2sf) =	vpush v28, $0x2;
	s4 =	spop (v2sf);
	s2 =	smul.u32 $0x30C30C31, s2  }
0x4c7: {  	(v2sf) =	vpush v28, $0x3;
	s7 =	smulhi.u32 $0x30C30C31, s4;
	s4 =	sshra.s32 s4, $0x1F  }
0x4c8: {  	(v2sf) =	vpush v28, $0x4;
	s5 =	spop (v2sf);
	s4 =	smul.u32 $0x30C30C31, s4  }
0x4c9: {  	(v2sf) =	vpush v28, $0x5;
	s9 =	smulhi.u32 $0x30C30C31, s5;
	s5 =	sshra.s32 s5, $0x1F  }
0x4ca: {  	(v2sf) =	vpush v28, $0x6;
	s6 =	spop (v2sf);
	s5 =	smul.u32 $0x30C30C31, s5  }
0x4cb: {  	[dreg:$0x16] =	wrdreg s3;
	(v2sf) =	vpush v28, $0x7;
	s11 =	smulhi.u32 $0x30C30C31, s6;
	s6 =	sshra.s32 s6, $0x1F  }
0x4cc: {  	s8 =	spop (v2sf);
	s14 =	smul.u32 $0x30C30C31, s6  }
0x4cd: {  	s29 =	sadd.s32 s0, s1;
	s17 =	smulhi.u32 $0x30C30C31, s8;
	s22 =	sshra.s32 s8, $0x1F  }
0x4ce: {  	s31 =	sadd.s32 s2, s31;
	s10 =	spop (v2sf);
	s18 =	smul.u32 $0x30C30C31, s22  }
0x4cf: {  	s30 =	sadd.s32 s4, s7;
	s20 =	smulhi.u32 $0x30C30C31, s10;
	s23 =	sshra.s32 s10, $0x1F  }
0x4d0: {  	s12 =	spop (v2sf);
	s7 =	sshrl.u32 s30, $0x1F;
	s21 =	smul.u32 $0x30C30C31, s23  }
0x4d1: {  	s13 =	spop (v2sf);
	s23 =	smulhi.u32 $0x30C30C31, s12;
	s12 =	sshra.s32 s12, $0x1F  }
0x4d2: {  	s28 =	sadd.s32 s5, s9;
	s15 =	spop (v2sf);
	s1 =	smul.u32 $0x30C30C31, s12  }
0x4d3: {  	s2 =	smulhi.u32 $0x30C30C31, s13;
	s24 =	sshra.s32 s13, $0x1F;
	s12 =	sshrl.u32 s29, $0x1F  }
0x4d4: {  	s13 =	sshrl.u32 s31, $0x1F;
	s5 =	sadd.s32 s18, s17;
	s24 =	smul.u32 $0x30C30C31, s24  }
0x4d5: {  	s8 =	spop (v2sf);
	s4 =	smulhi.u32 $0x30C30C31, s15;
	s3 =	sshra.s32 s15, $0x1F  }
0x4d6: {  	s19 =	spop (v2sf);
	s9 =	smul.u32 $0x30C30C31, s3;
	s3 =	sadd.s32 s14, s11  }
0x4d7: {  	s11 =	smulhi.u32 $0x30C30C31, s8;
	s15 =	sshra.s32 s8, $0x1F;
	s10 =	spop (v2sf)  }
0x4d8: {  	s0 =	sadd.s32 s21, s20;
	s14 =	smul.u32 $0x30C30C31, s15;
	s22 =	spop (v2sf)  }
0x4d9: {  	s15 =	smulhi.u32 $0x30C30C31, s19;
	s20 =	sshra.s32 s19, $0x1F;
	s6 =	spop (v2sf)  }
0x4da: {  	s8 =	sshrl.u32 s28, $0x1F;
	s17 =	smul.u32 $0x30C30C31, s20;
	s21 =	spop (v2sf)  }
0x4db: {  	s1 =	sadd.s32 s1, s23;
	s23 =	smulhi.u32 $0x30C30C31, s21;
	s18 =	sshra.s32 s21, $0x1F  }
0x4dc: {  	s19 =	sadd.s32 s24, s2;
	s20 =	sshrl.u32 s3, $0x1F;
	s24 =	smul.u32 $0x30C30C31, s18  }
0x4dd: {  	s4 =	sadd.s32 s9, s4;
	s21 =	smulhi.u32 $0x30C30C31, s10;
	s10 =	sshra.s32 s10, $0x1F  }
0x4de: {  	s9 =	sshrl.u32 s0, $0x1F;
	s10 =	smul.u32 $0x30C30C31, s10;
	s2 =	sadd.s32 s24, s23  }
0x4df: {  	s3 =	sshra.s32 s3, $0x5;
	s0 =	sshra.s32 s0, $0x5;
	s23 =	sshra.s32 s2, $0x1F  }
0x4e0: {  	s10 =	sadd.s32 s10, s21;
	s24 =	sshra.s32 s19, $0x5;
	s21 =	sshrl.u32 s19, $0x1F;
	v29 =	vmov s23  }
0x4e1: {  	v30 =	vmov s13;
	s11 =	sadd.s32 s14, s11;
	s18 =	sshrl.u32 s5, $0x1F;
	s19 =	sshra.s32 s19, $0x1F;
	v31 =	vmov s21;
	v29 =	vsel vm5, s24, v29  }
0x4e2: {  	v30 =	vsel vm2, s12, v30;
	s5 =	sshra.s32 s5, $0x5;
	s21 =	sshra.s32 s4, $0x5;
	s23 =	sshrl.u32 s4, $0x1F;
	v31 =	vnsel vm5, $0x0, v31;
	v29 =	vsel vm11, s19, v29  }
0x4e3: {  	v30 =	vsel vm3, s7, v30;
	s4 =	sshra.s32 s4, $0x1F;
	s24 =	sshra.s32 s22, $0x1F;
	v31 =	vsel vm2, s23, v31;
	s23 =	smulhi.u32 $0x30C30C31, s6;
	v29 =	vsel vm2, s21, v29  }
0x4e4: {  	v30 =	vsel vm4, s8, v30;
	s6 =	sshra.s32 s6, $0x1F;
	s13 =	smul.u32 $0x30C30C31, s24;
	s24 =	sshra.s32 s11, $0x5;
	v29 =	vsel vm12, s4, v29  }
0x4e5: {  	s15 =	sadd.s32 s17, s15;
	v32 =	vmov s18;
	s18 =	sshra.s32 s11, $0x1F;
	v33 =	vmov s5;
	s6 =	smul.u32 $0x30C30C31, s6;
	v29 =	vsel vm3, s24, v29  }
0x4e6: {  	s14 =	sshrl.u32 s1, $0x1F;
	s12 =	smulhi.u32 $0x30C30C31, s22;
	v32 =	vsel vm2, s20, v32;
	v33 =	vsel vm2, s3, v33;
	s21 =	sshra.s32 s15, $0x5;
	v29 =	vsel vm13, s18, v29  }
0x4e7: {  	v32 =	vsel vm3, s9, v32;
	v33 =	vsel vm3, s0, v33;
	s22 =	sshrl.u32 s11, $0x1F;
	s6 =	sadd.s32 s6, s23;
	s23 =	sshra.s32 s15, $0x1F;
	v29 =	vsel vm4, s21, v29  }
0x4e8: {  	s17 =	sshrl.u32 s15, $0x1F;
	s9 =	sshra.s32 s31, $0x5;
	v32 =	vsel vm4, s14, v32;
	v31 =	vsel vm3, s22, v31;
	s24 =	sshra.s32 s10, $0x5;
	v29 =	vsel vm14, s23, v29  }
0x4e9: {  	s20 =	sshrl.u32 s10, $0x1F;
	v54 =	vmov s9;
	s11 =	sshra.s32 s10, $0x1F;
	v31 =	vsel vm4, s17, v31;
	s19 =	sadd.s32 s13, s12;
	v29 =	vsel vm6, s24, v29  }
0x4ea: {  	v30 =	vcombine.low v32, v30;
	v31 =	vsel vm6, s20, v31;
	s12 =	sshra.s32 s29, $0x5;
	s22 =	sshrl.u32 s19, $0x1F;
	s13 =	sshra.s32 s19, $0x5;
	v29 =	vsel vm15, s11, v29  }
0x4eb: {  	s14 =	sshra.s32 s30, $0x5;
	s8 =	sshrl.u32 s6, $0x1F;
	v32 =	vsel vm2, s12, v54;
	s15 =	sshra.s32 s19, $0x1F;
	v31 =	vsel vm7, s22, v31;
	v29 =	vsel vm7, s13, v29  }
0x4ec: {  	s17 =	sshra.s32 s28, $0x5;
	s19 =	sshra.s32 s6, $0x5;
	v32 =	vsel vm3, s14, v32;
	s18 =	sshra.s32 s1, $0x5;
	v31 =	vsel vm8, s8, v31;
	v29 =	vsel vm1, s15, v29  }
0x4ed: {  	s20 =	sshrl.u32 s2, $0x1F;
	v32 =	vsel vm4, s17, v32;
	v33 =	vsel vm4, s18, v33;
	s21 =	sshra.s32 s6, $0x1F;
	v29 =	vsel vm8, s19, v29  }
0x4ee: {  	s22 =	sshra.s32 s2, $0x5;
	v31 =	vsel vm9, s20, v31;
	v32 =	vcombine.low v33, v32;
	v29 =	vsel vm0, s21, v29  }
0x4ef: {  	v30 =	vperm.xlane v30, v26;
	v31 =	vperm.xlane v31, v27;
	v29 =	vsel vm9, s22, v29  }
0x4f0: {  	v32 =	vperm.xlane v32, v26;
	v29 =	vperm.xlane v29, v27;
	_ =	sdelay $0x1  }
0x4f1: {  	v30 =	vsel vm10, v31, v30;
	v29 =	vsel vm10, v29, v32  }
0x4f2: {  	v29 =	vadd.s32 v30, v29  }
0x4f3: {  	v29 =	vmul.u32 $0xA8, v29;
	_ =	sdelay $0x1  }
0x4f4: {  	s23 =	simm.s32 $0x17;
	v28 =	vsub.s32 v28, v29  }
0x4f5: {  	s24 =	simm.s32 $0x1;
	v29 =	vadd.s32 s23, v28  }
0x4f6: {  	s31 =	simm.s32 $0x2;
	v30 =	vadd.s32 s24, v28  }
0x4f7: {  	s1 =	simm.s32 $0x3;
	v31 =	vadd.s32 s31, v28  }
0x4f8: {  	s2 =	simm.s32 $0x4;
	v55 =	vadd.s32 s1, v28  }
0x4f9: {  	s4 =	simm.s32 $0x5;
	v56 =	vadd.s32 s2, v28  }
0x4fa: {  	s5 =	simm.s32 $0x6;
	s3 =	rddreg [dreg:$0x16];
	v34 =	vadd.s32 s4, v28;
	v29 =	vld.idx.msk [tilespmem:v29+s16+$0x0], $0xffff  }
0x4fb: {  	s7 =	sand.u32 $0x7, s3;
	s10 =	simm.s32 $0x9;
	s6 =	sshll.u32 s25, $0x2;
	v35 =	vadd.s32 s5, v28;
	v30 =	vld.idx.msk [tilespmem:v30+s16+$0x0], $0xffff  }
0x4fc: {  	s11 =	simm.s32 $0xA;
	s1 =	sand.u32 $0xFFFFF000, s6;
	s2 =	sshll.u32 s7, $0x6;
	v38 =	vadd.s32 s10, v28;
	v31 =	vld.idx.msk [tilespmem:v31+s16+$0x0], $0xffff  }
0x4fd: {  	s12 =	simm.s32 $0xB;
	v39 =	vadd.s32 s11, v28;
	s1 =	sor.u32 s2, s1;
	v32 =	vld.idx.msk [tilespmem:v55+s16+$0x0], $0xffff  }
0x4fe: {  	s8 =	simm.s32 $0x7;
	v40 =	vadd.s32 s12, v28;
	s1 =	sshrl.u32 s1, $0x2;
	v33 =	vld.idx.msk [tilespmem:v56+s16+$0x0], $0xffff  }
0x4ff: {  	s9 =	simm.s32 $0x8;
	v36 =	vadd.s32 s8, v28;
	s28 =	sadd.s32 $0xBC10, s1;
	v34 =	vld.idx.msk [tilespmem:v34+s16+$0x0], $0xffff  }
0x500: {  	s14 =	simm.s32 $0xD;
	v37 =	vadd.s32 s9, v28;
	v35 =	vld.idx.msk [tilespmem:v35+s16+$0x0], $0xffff;
	[tilespmem:s28+$0x980] =	vst v29  }
0x501: {  	s13 =	simm.s32 $0xC;
	v57 =	vadd.s32 s14, v28;
	v58 =	vld.idx.msk [tilespmem:v38+s16+$0x0], $0xffff;
	[tilespmem:s28+$0xFFFFF680] =	vst v30  }
0x502: {  	s19 =	simm.s32 $0x11;
	v39 =	vld.idx.msk [tilespmem:v39+s16+$0x0], $0xffff;
	v30 =	vadd.s32 s13, v28;
	[tilespmem:s28+$0xFFFFF700] =	vst v31  }
0x503: {  	s15 =	simm.s32 $0xE;
	v63 =	vadd.s32 s19, v28;
	v61 =	vld.idx.msk [tilespmem:v40+s16+$0x0], $0xffff;
	[tilespmem:s28+$0xFFFFF780] =	vst v32  }
0x504: {  	s17 =	simm.s32 $0xF;
	v59 =	vadd.s32 s15, v28;
	v29 =	vld.idx.msk [tilespmem:v36+s16+$0x0], $0xffff;
	[tilespmem:s28+$0xFFFFF800] =	vst v33  }
0x505: {  	s18 =	simm.s32 $0x10;
	v60 =	vadd.s32 s17, v28;
	v31 =	vld.idx.msk [tilespmem:v37+s16+$0x0], $0xffff;
	[tilespmem:s28+$0xFFFFF880] =	vst v34  }
0x506: {  	s20 =	simm.s32 $0x12;
	v62 =	vadd.s32 s18, v28;
	[tilespmem:s28+$0xFFFFF900] =	vst v35;
	v33 =	vld.idx.msk [tilespmem:v57+s16+$0x0], $0xffff  }
0x507: {  	s21 =	simm.s32 $0x13;
	v42 =	vadd.s32 s20, v28;
	[tilespmem:s28+$0xFFFFFE80] =	vst v58;
	v41 =	vld.idx.msk [tilespmem:v30+s16+$0x0], $0xffff  }
0x508: {  	s22 =	simm.s32 $0x14;
	v38 =	vadd.s32 s21, v28;
	[tilespmem:s28+$0xFFFFFF00] =	vst v39;
	v32 =	vld.idx.msk [tilespmem:v63+s16+$0x0], $0xffff  }
0x509: {  	s23 =	simm.s32 $0x15;
	v39 =	vadd.s32 s22, v28;
	[tilespmem:s28+$0xFFFFFF80] =	vst v61;
	v30 =	vld.idx.msk [tilespmem:v59+s16+$0x0], $0xffff  }
0x50a: {  	s24 =	simm.s32 $0x16;
	v36 =	vadd.s32 s23, v28;
	[tilespmem:s28+$0xFFFFF980] =	vst v29;
	v29 =	vld.idx.msk [tilespmem:v60+s16+$0x0], $0xffff  }
0x50b: {  	s31 =	simm.s32 $0x0;
	v37 =	vadd.s32 s24, v28;
	[tilespmem:s28+$0xFFFFFE00] =	vst v31;
	v31 =	vld.idx.msk [tilespmem:v62+s16+$0x0], $0xffff  }
0x50c: {  	s0 =	simm.s32 $0x2F;
	s30 =	simm.s32 $0x30;
	s29 =	simm.s32 $0x18;
	v35 =	vadd.s32 s31, v28;
	v34 =	vld.idx.msk [tilespmem:v42+s16+$0x0], $0xffff;
	[tilespmem:s28+$0x0] =	vst v41  }
.LBB2_31:
0x50d: {  	p0 =	slt.u32 s30, $0x90;
	s1 =	sadd.s32 $0x1, s29;
	v40 =	vadd.s32 s0, v28;
	[tilespmem:s28+$0x80] =	vst v33;
	v33 =	vld.idx.msk [tilespmem:v38+s16+$0x0], $0xffff  }
0x50e: {  	s0 =	sadd.s32 $0x2, s29;
	v38 =	vadd.s32 s1, v28;
	[tilespmem:s28+$0x100] =	vst v30;
	v30 =	vld.idx.msk [tilespmem:v39+s16+$0x0], $0xffff  }
0x50f: {  	v39 =	vadd.s32 s0, v28;
	s0 =	sadd.s32 $0x3, s29;
	[tilespmem:s28+$0x180] =	vst v29;
	v29 =	vld.idx.msk [tilespmem:v36+s16+$0x0], $0xffff  }
0x510: {  	v36 =	vadd.s32 s0, v28;
	s0 =	sadd.s32 $0x4, s29;
	[tilespmem:s28+$0x600] =	vst v31;
	v31 =	vld.idx.msk [tilespmem:v37+s16+$0x0], $0xffff  }
0x511: {  	v37 =	vadd.s32 s0, v28;
	s0 =	sadd.s32 $0x5, s29;
	v35 =	vld.idx.msk [tilespmem:v35+s16+$0x0], $0xffff;
	[tilespmem:s28+$0x680] =	vst v32  }
0x512: {  	v32 =	vadd.s32 s0, v28;
	s0 =	sadd.s32 $0x6, s29;
	v40 =	vld.idx.msk [tilespmem:v40+s16+$0x0], $0xffff;
	[tilespmem:s28+$0x700] =	vst v34  }
0x513: {  	v34 =	vld.idx.msk [tilespmem:v38+s16+$0x0], $0xffff;
	v38 =	vadd.s32 s0, v28;
	s0 =	sadd.s32 $0x7, s29;
	[tilespmem:s28+$0x780] =	vst v33  }
0x514: {  	v33 =	vld.idx.msk [tilespmem:v39+s16+$0x0], $0xffff;
	v39 =	vadd.s32 s0, v28;
	s0 =	sadd.s32 $0x8, s29;
	[tilespmem:s28+$0x800] =	vst v30  }
0x515: {  	v30 =	vld.idx.msk [tilespmem:v36+s16+$0x0], $0xffff;
	v36 =	vadd.s32 s0, v28;
	s0 =	sadd.s32 $0x9, s29;
	[tilespmem:s28+$0x880] =	vst v29  }
0x516: {  	v29 =	vld.idx.msk [tilespmem:v37+s16+$0x0], $0xffff;
	v37 =	vadd.s32 s0, v28;
	s0 =	sadd.s32 $0xA, s29;
	[tilespmem:s28+$0x900] =	vst v31  }
0x517: {  	v31 =	vld.idx.msk [tilespmem:v32+s16+$0x0], $0xffff;
	v32 =	vadd.s32 s0, v28;
	s0 =	sadd.s32 $0xB, s29;
	[tilespmem:s28+$0xFFFFF600] =	vst v35;
	s28 =	sadd.s32 $0x1800, s28  }
0x518: {  	v35 =	vld.idx.msk [tilespmem:v38+s16+$0x0], $0xffff;
	v38 =	vadd.s32 s0, v28;
	s0 =	sadd.s32 $0xC, s29;
	[tilespmem:s28+$0x980] =	vst v40  }
0x519: {  	[tilespmem:s28+$0xFFFFF680] =	vst v34;
	v34 =	vld.idx.msk [tilespmem:v39+s16+$0x0], $0xffff;
	v39 =	vadd.s32 s0, v28;
	s0 =	sadd.s32 $0xD, s29  }
0x51a: {  	[tilespmem:s28+$0xFFFFF700] =	vst v33;
	v36 =	vld.idx.msk [tilespmem:v36+s16+$0x0], $0xffff;
	v33 =	vadd.s32 s0, v28;
	s0 =	sadd.s32 $0xE, s29  }
0x51b: {  	[tilespmem:s28+$0xFFFFF780] =	vst v30;
	v37 =	vld.idx.msk [tilespmem:v37+s16+$0x0], $0xffff;
	v30 =	vadd.s32 s0, v28;
	s0 =	sadd.s32 $0xF, s29  }
0x51c: {  	[tilespmem:s28+$0xFFFFF800] =	vst v29;
	v32 =	vld.idx.msk [tilespmem:v32+s16+$0x0], $0xffff;
	v29 =	vadd.s32 s0, v28;
	s0 =	sadd.s32 $0x10, s29  }
0x51d: {  	[tilespmem:s28+$0xFFFFF880] =	vst v31;
	v40 =	vld.idx.msk [tilespmem:v38+s16+$0x0], $0xffff;
	v31 =	vadd.s32 s0, v28;
	s0 =	sadd.s32 $0x11, s29  }
0x51e: {  	[tilespmem:s28+$0xFFFFF900] =	vst v35;
	v41 =	vld.idx.msk [tilespmem:v39+s16+$0x0], $0xffff;
	v35 =	vadd.s32 s0, v28;
	s0 =	sadd.s32 $0x12, s29  }
0x51f: {  	[tilespmem:s28+$0xFFFFF980] =	vst v34;
	v33 =	vld.idx.msk [tilespmem:v33+s16+$0x0], $0xffff;
	v34 =	vadd.s32 s0, v28;
	s0 =	sadd.s32 $0x13, s29  }
.Ltmp14:
0x520: {  	[tilespmem:s28+$0xFFFFFE00] =	vst v36;
	v30 =	vld.idx.msk [tilespmem:v30+s16+$0x0], $0xffff;
	v38 =	vadd.s32 s0, v28;
	s0 =	sadd.s32 $0x14, s29;
	(pc) =	sbr.rel @p0 .LBB2_31-.Ltmp14, $4  }
0x521: {  	[tilespmem:s28+$0xFFFFFE80] =	vst v37;
	v29 =	vld.idx.msk [tilespmem:v29+s16+$0x0], $0xffff;
	v39 =	vadd.s32 s0, v28;
	s0 =	sadd.s32 $0x15, s29  }
0x522: {  	[tilespmem:s28+$0xFFFFFF00] =	vst v32;
	v31 =	vld.idx.msk [tilespmem:v31+s16+$0x0], $0xffff;
	v36 =	vadd.s32 s0, v28;
	s0 =	sadd.s32 $0x16, s29  }
0x523: {  	[tilespmem:s28+$0xFFFFFF80] =	vst v40;
	v32 =	vld.idx.msk [tilespmem:v35+s16+$0x0], $0xffff;
	v37 =	vadd.s32 s0, v28  }
0x524: {  	s0 =	sadd.s32 $0x17, s30;
	v35 =	vadd.s32 s29, v28;
	s29 =	smov.u32 s30;
	s30 =	sadd.s32 $0x18, s30;
	[tilespmem:s28+$0x0] =	vst v41;
	v34 =	vld.idx.msk [tilespmem:v34+s16+$0x0], $0xffff  }
0x525: {  	_ =	sdelay $0x2  }
0x526: {  	[tilespmem:s28+$0x80] =	vst v33  }
0x527: {  	s1 =	sadd.s32 $0x1, s29;
	v50 =	vadd.s32 s0, v28;
	v38 =	vld.idx.msk [tilespmem:v38+s16+$0x0], $0xffff;
	[tilespmem:s28+$0x100] =	vst v30  }
0x528: {  	s5 =	sadd.s32 $0x2, s29;
	v39 =	vld.idx.msk [tilespmem:v39+s16+$0x0], $0xffff;
	v51 =	vadd.s32 s1, v28;
	[tilespmem:s28+$0x180] =	vst v29  }
0x529: {  	s6 =	sadd.s32 $0x3, s29;
	v36 =	vld.idx.msk [tilespmem:v36+s16+$0x0], $0xffff;
	v29 =	vadd.s32 s5, v28;
	[tilespmem:s28+$0x600] =	vst v31  }
0x52a: {  	s7 =	sadd.s32 $0x4, s29;
	v37 =	vld.idx.msk [tilespmem:v37+s16+$0x0], $0xffff;
	v52 =	vadd.s32 s6, v28;
	[tilespmem:s28+$0x680] =	vst v32  }
0x52b: {  	s8 =	sadd.s32 $0x5, s29;
	v35 =	vld.idx.msk [tilespmem:v35+s16+$0x0], $0xffff;
	v53 =	vadd.s32 s7, v28;
	[tilespmem:s28+$0x700] =	vst v34  }
0x52c: {  	s9 =	sadd.s32 $0x6, s29;
	v54 =	vadd.s32 s8, v28;
	v33 =	vld.idx.msk [tilespmem:v50+s16+$0x0], $0xffff;
	[tilespmem:s28+$0x780] =	vst v38  }
0x52d: {  	s10 =	sadd.s32 $0x7, s29;
	v55 =	vadd.s32 s9, v28;
	[tilespmem:s28+$0x800] =	vst v39;
	v30 =	vld.idx.msk [tilespmem:v51+s16+$0x0], $0xffff  }
0x52e: {  	s12 =	sadd.s32 $0x9, s29;
	v56 =	vadd.s32 s10, v28;
	[tilespmem:s28+$0x880] =	vst v36;
	v29 =	vld.idx.msk [tilespmem:v29+s16+$0x0], $0xffff  }
0x52f: {  	s13 =	sadd.s32 $0xA, s29;
	v58 =	vadd.s32 s12, v28;
	[tilespmem:s28+$0x900] =	vst v37;
	v31 =	vld.idx.msk [tilespmem:v52+s16+$0x0], $0xffff  }
0x530: {  	s14 =	sadd.s32 $0x1800, s28;
	s15 =	sadd.s32 $0xB, s29;
	v59 =	vadd.s32 s13, v28;
	[tilespmem:s28+$0xFFFFF600] =	vst v35;
	v32 =	vld.idx.msk [tilespmem:v53+s16+$0x0], $0xffff  }
0x531: {  	s17 =	sadd.s32 $0xC, s29;
	v61 =	vadd.s32 s15, v28;
	v34 =	vld.idx.msk [tilespmem:v54+s16+$0x0], $0xffff;
	[tilespmem:s14+$0x980] =	vst v33  }
0x532: {  	s18 =	sadd.s32 $0xD, s29;
	v63 =	vadd.s32 s17, v28;
	v60 =	vld.idx.msk [tilespmem:v55+s16+$0x0], $0xffff;
	[tilespmem:s14+$0xFFFFF680] =	vst v30  }
0x533: {  	s11 =	sadd.s32 $0x8, s29;
	v42 =	vadd.s32 s18, v28;
	v62 =	vld.idx.msk [tilespmem:v56+s16+$0x0], $0xffff;
	[tilespmem:s14+$0xFFFFF700] =	vst v29  }
0x534: {  	s20 =	sadd.s32 $0xF, s29;
	v57 =	vadd.s32 s11, v28;
	v43 =	vld.idx.msk [tilespmem:v58+s16+$0x0], $0xffff;
	[tilespmem:s14+$0xFFFFF780] =	vst v31  }
0x535: {  	s21 =	sadd.s32 $0x10, s29;
	v46 =	vadd.s32 s20, v28;
	v45 =	vld.idx.msk [tilespmem:v59+s16+$0x0], $0xffff;
	[tilespmem:s14+$0xFFFFF800] =	vst v32  }
0x536: {  	s22 =	sadd.s32 $0x11, s29;
	v48 =	vadd.s32 s21, v28;
	v47 =	vld.idx.msk [tilespmem:v61+s16+$0x0], $0xffff;
	[tilespmem:s14+$0xFFFFF880] =	vst v34  }
0x537: {  	s23 =	sadd.s32 $0x12, s29;
	v50 =	vadd.s32 s22, v28;
	v49 =	vld.idx.msk [tilespmem:v63+s16+$0x0], $0xffff;
	[tilespmem:s14+$0xFFFFF900] =	vst v60  }
0x538: {  	s19 =	sadd.s32 $0xE, s29;
	v51 =	vld.idx.msk [tilespmem:v42+s16+$0x0], $0xffff;
	v52 =	vadd.s32 s23, v28;
	[tilespmem:s14+$0xFFFFF980] =	vst v62  }
0x539: {  	s24 =	sadd.s32 $0x13, s29;
	v44 =	vadd.s32 s19, v28;
	v29 =	vld.idx.msk [tilespmem:v57+s16+$0x0], $0xffff;
	[tilespmem:s14+$0xFFFFFE80] =	vst v43  }
0x53a: {  	s31 =	sadd.s32 $0x16, s29;
	v53 =	vadd.s32 s24, v28;
	v54 =	vld.idx.msk [tilespmem:v46+s16+$0x0], $0xffff;
	[tilespmem:s14+$0xFFFFFF00] =	vst v45  }
0x53b: {  	s30 =	sadd.s32 $0x15, s29;
	v56 =	vld.idx.msk [tilespmem:v48+s16+$0x0], $0xffff;
	v59 =	vadd.s32 s31, v28;
	[tilespmem:s14+$0xFFFFFF80] =	vst v47  }
0x53c: {  	s28 =	sadd.s32 $0x14, s29;
	v58 =	vld.idx.msk [tilespmem:v50+s16+$0x0], $0xffff;
	v57 =	vadd.s32 s30, v28;
	[tilespmem:s14+$0x0] =	vst v49  }
0x53d: {  	v55 =	vadd.s32 s28, v28;
	v28 =	vadd.s32 s29, v28;
	v60 =	vld.idx.msk [tilespmem:v52+s16+$0x0], $0xffff;
	[tilespmem:s14+$0x80] =	vst v51  }
0x53e: {  	[tilespmem:s14+$0xFFFFFE00] =	vst v29;
	v29 =	vld.idx.msk [tilespmem:v44+s16+$0x0], $0xffff  }
0x53f: {  	v61 =	vld.idx.msk [tilespmem:v53+s16+$0x0], $0xffff;
	[tilespmem:s14+$0x180] =	vst v54  }
0x540: {  	[tilespmem:s14+$0x600] =	vst v56;
	v63 =	vld.idx.msk [tilespmem:v59+s16+$0x0], $0xffff  }
0x541: {  	[tilespmem:s14+$0x680] =	vst v58;
	v62 =	vld.idx.msk [tilespmem:v57+s16+$0x0], $0xffff  }
0x542: {  	s26 =	sadd.s32 $0x1, s26;
	v28 =	vld.idx.msk [tilespmem:v28+s16+$0x0], $0xffff;
	[tilespmem:s14+$0x700] =	vst v60  }
0x543: {  	p0 =	sne.s32 s26, $0x10;
	[tilespmem:s14+$0x100] =	vst v29;
	v29 =	vld.idx.msk [tilespmem:v55+s16+$0x0], $0xffff  }
.Ltmp15:
0x544: {  	[tilespmem:s14+$0x780] =	vst v61;
	(pc) =	sbr.rel @p0 .LBB2_30-.Ltmp15, $4  }
0x545: {  	[tilespmem:s14+$0x900] =	vst v63  }
0x546: {  	[tilespmem:s14+$0x880] =	vst v62  }
0x547: {  	[tilespmem:s14+$0xFFFFF600] =	vst v28  }
0x548: {  	s25 =	sadd.s32 $0x80, s25;
	s3 =	sadd.s32 $0x1, s3;
	[tilespmem:s14+$0x800] =	vst v29  }
0x549: {  	s0 =	rddreg [dreg:$0xc];
	s3 =	simm.s32 $0x800  }
0x54a: {  	s1 =	simm.s32 $0x80000;
	s2 =	simm.s32 $0xB210;
	s28 =	simm.s32 $0x1  }
0x54b: {  	[hbm4b:s0+s3] =	stream.strided.scatter [tilespmem:s2], [sflag:$0x2], $0xA800, s1, s3, $0x38;
	[tilespmem:$0x15A10] =	vst v63  }
0x54c: {  	_ =	swait.ge [sflag:s28], $0xA800  }
0x54d: {  	[sflag:s28] =	ssyncset.done $0x0  }
0x54e: {  	s29 =	simm.s32 $0x2;
	[sflag:s28] =	ssyncadd.s32 $0xFFFF5800  }
0x54f: {  	_ =	swait.ge [sflag:s29], $0xA800  }
0x550: {  	s30 =	rddreg [dreg:$0xe]  }
0x551: {  	s31 =	rddreg [dreg:$0xd];
	s2 =	sadd.s32 $0x1, s30  }
0x552: {  	p0 =	sne.s32 s2, s31  }
.Ltmp16:
0x553: {  	_ = 	snop;
	(pc) =	sbr.rel @p0 .LBB2_1-.Ltmp16, $3  }
0x554: {  	_ =	sdelay $0x1  }
0x555: {  	[sflag:s29] =	ssyncset.done $0x0  }
0x556: {  	[sflag:s29] =	ssyncadd.s32 $0xFFFF5800  }
0x557: {  	_ =	sfence.sel $0x180000  }
0x558: {  	[bflag:$0x0] =	sbarrier.arrive $0xFFFF  }
0x559: {  	_ =	strace $0x90000047  }
0x55a: {  	s0 =	stileid.u32;
	[bflag:$0x2] =	sbarrier.arrive $0xFFFF  }
0x55b: {  	p0 =	sne.s32 s0, $0x0;
	s0 =	rddreg [dreg:$0x3]  }
0x55c: {  	s0 =	sadd.s32 @!p0 $0x100000, s0  }
0x55d: {  	[sflag:s0] =	ssyncadd.tile.s32 @!p0 $0x1;
	_ =	shalt  }
.Lfunc_end2:
_tile_overlayer_lowered:
.L_overlay_start_2:
0x55e: {  	(tag) =	ssettag $0x2  }
0x55f: {  	s0 =	rddreg [dreg:$0x0];
	s2 =	stileid.u32  }
0x560: {  	s1 =	rddreg [dreg:$0x1];
	p0 =	sne.s32 s2, $0x0  }
0x561: {  	s3 =	rddreg [dreg:$0x2];
	[bflag:$0x3] =	sbarrier.arrive $0xFFFF;
	s2 =	simm.s32 @!p0 $0x1C03  }
0x562: {  	[timem:s3], [sflag:s2] =	dma.local @!p0 [hbm:s0], s1  }
0x563: {  	s0 =	simm.s32 @!p0 $0x3  }
0x564: {  	_ =	swait.ge @!p0 [sflag:s0], s1  }
0x565: {  	s1 =	ssub.s32 @!p0 $0x0, s1;
	[sflag:s0] =	ssyncset.done @!p0 $0x0  }
0x566: {  	[sflag:s0] =	ssyncadd.s32 @!p0 s1  }
0x567: {  	[bflag:$0x3] =	sbarrier.arrive $0xFFFF  }
0x568: {  	_ =	shalt  }

</sc_bundles>
